<compile_context>
chip_gen: v7x
topology: tpu7x:2x2x1
jax: 0.10.2.dev20260603
libtpu: 0.0.44.dev20260713+nightly
codegen_flags: <defaults>
</compile_context>

<pallas_src>
import dataclasses
import functools

import jax
import jax.numpy as jnp
from jax import lax
from jax.experimental import pallas as pl
from jax.experimental.pallas import tpu as pltpu
from jax.experimental.pallas import tpu_sc as plsc

_VOCAB = 1000000
_EMBED = 16
_BATCH = 16384
_HIST = 200

_NC, _NS, _L = 2, 16, 16
_NW = _NC * _NS
_WPT = _BATCH // _NW
_JC = 2
_NJ = _HIST // _JC


_CV = 32768
_TG = (_VOCAB + _CV - 1) // _CV
_VPAD = _TG * _CV


def _tv_body(tT_ref, w_ref, b_ref, o_ref):
    m = tT_ref[...] * w_ref[...]
    s = jnp.sum(m, axis=0) + b_ref[0, 0]
    o_ref[...] = s.reshape(_CV // 128, 128)


def _compute_tv(tableT, wT, b):
    tv2 = pl.pallas_call(
        _tv_body,
        grid=(_TG,),
        in_specs=[
            pl.BlockSpec((_EMBED, _CV), lambda i: (0, i)),
            pl.BlockSpec((_EMBED, 1), lambda i: (0, 0)),
            pl.BlockSpec(memory_space=pltpu.SMEM),
        ],
        out_specs=pl.BlockSpec((_CV // 128, 128), lambda i: (i, 0)),
        out_shape=jax.ShapeDtypeStruct((_VPAD // 128, 128), jnp.float32),
    )(tableT, wT, b.reshape(1, 1))
    return tv2.reshape(_VPAD)




def _sc_pool(xT_hbm, tv_hbm, o_hbm, idx_v, val_v, acc_v, tvs_v, semg, semi):
    wid = lax.axis_index("s") * _NC + lax.axis_index("c")
    base = wid * _WPT
    seg = _VPAD // _NS
    sid = lax.axis_index("s")

    def idx_copy(ch, p):
        return pltpu.make_async_copy(
            xT_hbm.at[pl.ds(ch * _JC, _JC), pl.ds(base, _WPT)],
            idx_v.at[p], semi,
        )

    def gathers(p):
        for j in range(_JC):
            for c in range(_WPT // 128):
                yield pltpu.make_async_copy(
                    tvs_v.at[idx_v.at[p, j, pl.ds(c * 128, 128)]],
                    val_v.at[p, j, pl.ds(c * 128, 128)], semg,
                )

    idx_copy(0, 0).start()
    pltpu.sync_copy(
        tv_hbm.at[pl.ds(sid * seg, seg)], tvs_v.at[pl.ds(sid * seg, seg)]
    )
    plsc.subcore_barrier()

    zero = jnp.zeros((_L,), jnp.float32)
    for k in range(_WPT // _L):
        acc_v[pl.ds(k * _L, _L)] = zero

    idx_copy(0, 0).wait()
    for cp in gathers(0):
        cp.start()
    idx_copy(1, 1).start()

    def accum(p):
        for k in range(_WPT // _L):
            sl = pl.ds(k * _L, _L)
            s = acc_v[sl]
            for j in range(_JC):
                s = s + val_v[p, j, sl]
            acc_v[sl] = s

    def phase(ch, p, q, prefetch):
        for cp in gathers(p):
            cp.wait()
        idx_copy(ch + 1, q).wait()
        for cp in gathers(q):
            cp.start()
        if prefetch:
            idx_copy(ch + 2, p).start()
        accum(p)

    @pl.loop(0, _NJ // 2 - 1)
    def _(i):
        ch = i * 2
        phase(ch, 0, 1, prefetch=True)
        phase(ch + 1, 1, 0, prefetch=True)

    phase(_NJ - 2, 0, 1, prefetch=False)
    for cp in gathers(1):
        cp.wait()
    accum(1)

    inv = jnp.float32(1.0 / _HIST)
    one = jnp.float32(1.0)
    for k in range(_WPT // _L):
        sl = pl.ds(k * _L, _L)
        z = acc_v[sl] * inv
        acc_v[sl] = one / (one + jnp.exp(-z))
    pltpu.sync_copy(acc_v, o_hbm.at[wid])


def _sc_compiler_params():
    cp = pltpu.CompilerParams()
    if "needs_layout_passes" in pltpu.CompilerParams.__dataclass_fields__:
        cp = dataclasses.replace(cp, needs_layout_passes=False)
    return cp


def _pooled_probs(xT, tv):
    sc = pl.kernel(
        _sc_pool,
        out_type=jax.ShapeDtypeStruct((_NW, _WPT), jnp.float32),
        mesh=plsc.VectorSubcoreMesh(core_axis_name="c", subcore_axis_name="s"),
        compiler_params=_sc_compiler_params(),
        scratch_types=[
            pltpu.VMEM((2, _JC, _WPT), jnp.int32),
            pltpu.VMEM((2, _JC, _WPT), jnp.float32),
            pltpu.VMEM((_WPT,), jnp.float32),
            pltpu.VMEM_SHARED((_VPAD,), jnp.float32),
            pltpu.SemaphoreType.DMA,
            pltpu.SemaphoreType.DMA,
        ],
    )
    return sc(xT, tv)


def kernel(x, table, W, b):
    tv = _compute_tv(table.T, W.reshape(_EMBED, 1), b)
    probs = _pooled_probs(x.T, tv)
    return probs.reshape(_BATCH, 1)

# --- scband reference (transcript-rebuilt; emitter-appended) ---
"""Pipeline reference for scband-solution-81441169866884 (READ-ONLY COPY).

The authoritative reference and input builder live on the scoring server;
editing this copy changes nothing except your own understanding.
"""

import jax, jax.numpy as jnp
import numpy as np

VOCAB = 1000000
EMBED_DIM = 16
BATCH = 16384
HIST = 200

def setup_inputs(seed: int = 0) -> dict:
    key = jax.random.key(seed)
    k1, k2, k3, k4 = jax.random.split(key, 4)
    x = jax.random.randint(k1, (BATCH, HIST), 0, VOCAB, dtype=jnp.int64 if jax.config.jax_enable_x64 else jnp.int32)
    table = jax.random.normal(k2, (VOCAB, EMBED_DIM), dtype=jnp.float32)
    W = jax.random.normal(k3, (1, EMBED_DIM), dtype=jnp.float32) * (1.0 / np.sqrt(EMBED_DIM))
    b = jax.random.normal(k4, (1,), dtype=jnp.float32) * 0.01
    return {"x": x, "table": table, "W": W, "b": b}

def reference(x, table, W, b):
    # embedding lookup (gather)
    embeds = jnp.take(table, x, axis=0)            # [B, L, D]
    avg_embeds = jnp.mean(embeds, axis=1)          # [B, D]
    logits = avg_embeds @ W.T + b                  # [B, 1]
    probs = jax.nn.sigmoid(logits)
    return probs

if __name__ == "__main__":
    import jax
    _d = setup_inputs()
    print(jax.jit(kernel)(*tuple(_d.values())))

</pallas_src>

<mosaic_0001>
#map = affine_map<(d0, d1) -> (0, 0)>
#map1 = affine_map<(d0, d1) -> (0)>
module attributes {stable_mosaic.version = 14 : i64} {
  func.func @_sc_pool(%arg0: i32, %arg1: i32, %arg2: memref<200x16384xi32, #tpu.memory_space<hbm>>, %arg3: memref<1015808xf32, #tpu.memory_space<hbm>>, %arg4: memref<32x512xf32, #tpu.memory_space<hbm>>, %arg5: memref<2x2x512xi32, #tpu.memory_space<vmem>>, %arg6: memref<2x2x512xf32, #tpu.memory_space<vmem>>, %arg7: memref<512xf32, #tpu.memory_space<vmem>>, %arg8: memref<1015808xf32, #tpu.memory_space<vmem_shared>>, %arg9: memref<!tpu.dma_semaphore, #tpu.memory_space<semaphore_mem>>, %arg10: memref<!tpu.dma_semaphore, #tpu.memory_space<semaphore_mem>>) attributes {dimension_semantics = [#tpu.dimension_semantics<core_parallel>, #tpu.dimension_semantics<subcore_parallel>], iteration_bounds = array<i64: 2, 16>, scalar_prefetch = 0 : i64, scratch_operands = 6 : i64, tpu.core_type = #tpu.core_type<sc_vector_subcore>, window_params = [{transform_indices = #map}, {transform_indices = #map1}, {transform_indices = #map}]} {
    %mul3A = arith.constant 2 : i32
    %mul3A_0 = arith.muli %arg1, %mul3A : i32
    %add3A = arith.addi %mul3A_0, %arg0 : i32
    %mul3A_1 = arith.constant 512 : i32
    %mul3A_2 = arith.muli %add3A, %mul3A_1 : i32
    %dma_start3A = arith.constant 0 : i32
    %dma_start3A_3 = arith.constant 0 : i32
    %dma_start3A_4 = arith.constant 0 : i32
    %dma_start3A_5 = tpu.memref_slice %arg5[%dma_start3A, %dma_start3A_3, %dma_start3A_4] : memref<2x2x512xi32, #tpu.memory_space<vmem>> -> memref<1x2x512xi32, #tpu.memory_space<vmem>>
    %dma_start3A_6 = tpu.memref_squeeze %dma_start3A_5 : memref<1x2x512xi32, #tpu.memory_space<vmem>> -> memref<2x512xi32, #tpu.memory_space<vmem>>
    %dma_start3A_7 = arith.constant 0 : i32
    %dma_start3A_8 = tpu.memref_slice %arg2[%dma_start3A_7, %mul3A_2] : memref<200x16384xi32, #tpu.memory_space<hbm>> -> memref<2x512xi32, #tpu.memory_space<hbm>>
    %dma_start3A_9 = arith.constant 0 : i32
    %dma_start3A_10 = arith.constant 0 : i32
    %dma_start3A_11 = tpu.memref_slice %arg5[%dma_start3A, %dma_start3A_9, %dma_start3A_10] : memref<2x2x512xi32, #tpu.memory_space<vmem>> -> memref<1x2x512xi32, #tpu.memory_space<vmem>>
    %dma_start3A_12 = tpu.memref_squeeze %dma_start3A_11 : memref<1x2x512xi32, #tpu.memory_space<vmem>> -> memref<2x512xi32, #tpu.memory_space<vmem>>
    %dma_start3A_13 = arith.constant 0 : i32
    %dma_start3A_14 = tpu.memref_slice %arg2[%dma_start3A_13, %mul3A_2] : memref<200x16384xi32, #tpu.memory_space<hbm>> -> memref<2x512xi32, #tpu.memory_space<hbm>>
    tpu.enqueue_dma source(%dma_start3A_14 : memref<2x512xi32, #tpu.memory_space<hbm>>) target(%dma_start3A_12 : memref<2x512xi32, #tpu.memory_space<vmem>>) target_semaphore(%arg10 : memref<!tpu.dma_semaphore, #tpu.memory_space<semaphore_mem>>)
    %mul3A_15 = arith.constant 63488 : i32
    %mul3A_16 = arith.muli %arg1, %mul3A_15 : i32
    %mul3A_17 = arith.constant 63488 : i32
    %mul3A_18 = arith.muli %arg1, %mul3A_17 : i32
    "tpu.region"() ({
      %run_scoped3A = tpu.sem_alloc : memref<!tpu.dma_semaphore, #tpu.memory_space<semaphore_mem>>
      %dma_start3A_2201 = tpu.memref_slice %arg8[%mul3A_18] : memref<1015808xf32, #tpu.memory_space<vmem_shared>> -> memref<63488xf32, #tpu.memory_space<vmem_shared>>
      %dma_start3A_2202 = tpu.memref_slice %arg3[%mul3A_16] : memref<1015808xf32, #tpu.memory_space<hbm>> -> memref<63488xf32, #tpu.memory_space<hbm>>
      tpu.enqueue_dma source(%dma_start3A_2202 : memref<63488xf32, #tpu.memory_space<hbm>>) target(%dma_start3A_2201 : memref<63488xf32, #tpu.memory_space<vmem_shared>>) target_semaphore(%run_scoped3A : memref<!tpu.dma_semaphore, #tpu.memory_space<semaphore_mem>>)
      %dma_wait3A_2203 = tpu.memref_slice %arg8[%mul3A_18] : memref<1015808xf32, #tpu.memory_space<vmem_shared>> -> memref<63488xf32, #tpu.memory_space<vmem_shared>>
      %dma_wait3A_2204 = tpu.memref_slice %arg3[%mul3A_16] : memref<1015808xf32, #tpu.memory_space<hbm>> -> memref<63488xf32, #tpu.memory_space<hbm>>
      tpu.wait_dma2 semaphore(%run_scoped3A : memref<!tpu.dma_semaphore, #tpu.memory_space<semaphore_mem>>) src(%dma_wait3A_2204 : memref<63488xf32, #tpu.memory_space<hbm>>) dst(%dma_wait3A_2203 : memref<63488xf32, #tpu.memory_space<vmem_shared>>)
      tpu.yield
    }) : () -> ()
    %barrier3A = arith.constant 0 : index
    tpu.barrier barrier_id(%barrier3A)
    %broadcast_in_dim3A = arith.constant 0.000000e+00 : f32
    %broadcast_in_dim3A_19 = vector.broadcast %broadcast_in_dim3A : f32 to vector<16xf32>
    %swap3A = arith.constant 0 : index
    %swap3A_20 = tpu.vector_load %arg7[%swap3A] {strides = array<i32>} : memref<512xf32, #tpu.memory_space<vmem>>, vector<16xf32>,
    tpu.vector_store %arg7[%swap3A], %broadcast_in_dim3A_19 {strides = array<i32>} : memref<512xf32, #tpu.memory_space<vmem>>, vector<16xf32>,
    %swap3A_21 = arith.constant 16 : index
    %swap3A_22 = tpu.vector_load %arg7[%swap3A_21] {strides = array<i32>} : memref<512xf32, #tpu.memory_space<vmem>>, vector<16xf32>,
    tpu.vector_store %arg7[%swap3A_21], %broadcast_in_dim3A_19 {strides = array<i32>} : memref<512xf32, #tpu.memory_space<vmem>>, vector<16xf32>,
    %swap3A_23 = arith.constant 32 : index
    %swap3A_24 = tpu.vector_load %arg7[%swap3A_23] {strides = array<i32>} : memref<512xf32, #tpu.memory_space<vmem>>, vector<16xf32>,
    tpu.vector_store %arg7[%swap3A_23], %broadcast_in_dim3A_19 {strides = array<i32>} : memref<512xf32, #tpu.memory_space<vmem>>, vector<16xf32>,
    %swap3A_25 = arith.constant 48 : index
    %swap3A_26 = tpu.vector_load %arg7[%swap3A_25] {strides = array<i32>} : memref<512xf32, #tpu.memory_space<vmem>>, vector<16xf32>,
    tpu.vector_store %arg7[%swap3A_25], %broadcast_in_dim3A_19 {strides = array<i32>} : memref<512xf32, #tpu.memory_space<vmem>>, vector<16xf32>,
    %swap3A_27 = arith.constant 64 : index
    %swap3A_28 = tpu.vector_load %arg7[%swap3A_27] {strides = array<i32>} : memref<512xf32, #tpu.memory_space<vmem>>, vector<16xf32>,
    tpu.vector_store %arg7[%swap3A_27], %broadcast_in_dim3A_19 {strides = array<i32>} : memref<512xf32, #tpu.memory_space<vmem>>, vector<16xf32>,
    %swap3A_29 = arith.constant 80 : index
    %swap3A_30 = tpu.vector_load %arg7[%swap3A_29] {strides = array<i32>} : memref<512xf32, #tpu.memory_space<vmem>>, vector<16xf32>,
    tpu.vector_store %arg7[%swap3A_29], %broadcast_in_dim3A_19 {strides = array<i32>} : memref<512xf32, #tpu.memory_space<vmem>>, vector<16xf32>,
    %swap3A_31 = arith.constant 96 : index
    %swap3A_32 = tpu.vector_load %arg7[%swap3A_31] {strides = array<i32>} : memref<512xf32, #tpu.memory_space<vmem>>, vector<16xf32>,
    tpu.vector_store %arg7[%swap3A_31], %broadcast_in_dim3A_19 {strides = array<i32>} : memref<512xf32, #tpu.memory_space<vmem>>, vector<16xf32>,
    %swap3A_33 = arith.constant 112 : index
    %swap3A_34 = tpu.vector_load %arg7[%swap3A_33] {strides = array<i32>} : memref<512xf32, #tpu.memory_space<vmem>>, vector<16xf32>,
    tpu.vector_store %arg7[%swap3A_33], %broadcast_in_dim3A_19 {strides = array<i32>} : memref<512xf32, #tpu.memory_space<vmem>>, vector<16xf32>,
    %swap3A_35 = arith.constant 128 : index
    %swap3A_36 = tpu.vector_load %arg7[%swap3A_35] {strides = array<i32>} : memref<512xf32, #tpu.memory_space<vmem>>, vector<16xf32>,
    tpu.vector_store %arg7[%swap3A_35], %broadcast_in_dim3A_19 {strides = array<i32>} : memref<512xf32, #tpu.memory_space<vmem>>, vector<16xf32>,
    %swap3A_37 = arith.constant 144 : index
    %swap3A_38 = tpu.vector_load %arg7[%swap3A_37] {strides = array<i32>} : memref<512xf32, #tpu.memory_space<vmem>>, vector<16xf32>,
    tpu.vector_store %arg7[%swap3A_37], %broadcast_in_dim3A_19 {strides = array<i32>} : memref<512xf32, #tpu.memory_space<vmem>>, vector<16xf32>,
    %swap3A_39 = arith.constant 160 : index
    %swap3A_40 = tpu.vector_load %arg7[%swap3A_39] {strides = array<i32>} : memref<512xf32, #tpu.memory_space<vmem>>, vector<16xf32>,
    tpu.vector_store %arg7[%swap3A_39], %broadcast_in_dim3A_19 {strides = array<i32>} : memref<512xf32, #tpu.memory_space<vmem>>, vector<16xf32>,
    %swap3A_41 = arith.constant 176 : index
    %swap3A_42 = tpu.vector_load %arg7[%swap3A_41] {strides = array<i32>} : memref<512xf32, #tpu.memory_space<vmem>>, vector<16xf32>,
    tpu.vector_store %arg7[%swap3A_41], %broadcast_in_dim3A_19 {strides = array<i32>} : memref<512xf32, #tpu.memory_space<vmem>>, vector<16xf32>,
    %swap3A_43 = arith.constant 192 : index
    %swap3A_44 = tpu.vector_load %arg7[%swap3A_43] {strides = array<i32>} : memref<512xf32, #tpu.memory_space<vmem>>, vector<16xf32>,
    tpu.vector_store %arg7[%swap3A_43], %broadcast_in_dim3A_19 {strides = array<i32>} : memref<512xf32, #tpu.memory_space<vmem>>, vector<16xf32>,
    %swap3A_45 = arith.constant 208 : index
    %swap3A_46 = tpu.vector_load %arg7[%swap3A_45] {strides = array<i32>} : memref<512xf32, #tpu.memory_space<vmem>>, vector<16xf32>,
    tpu.vector_store %arg7[%swap3A_45], %broadcast_in_dim3A_19 {strides = array<i32>} : memref<512xf32, #tpu.memory_space<vmem>>, vector<16xf32>,
    %swap3A_47 = arith.constant 224 : index
    %swap3A_48 = tpu.vector_load %arg7[%swap3A_47] {strides = array<i32>} : memref<512xf32, #tpu.memory_space<vmem>>, vector<16xf32>,
    tpu.vector_store %arg7[%swap3A_47], %broadcast_in_dim3A_19 {strides = array<i32>} : memref<512xf32, #tpu.memory_space<vmem>>, vector<16xf32>,
    %swap3A_49 = arith.constant 240 : index
    %swap3A_50 = tpu.vector_load %arg7[%swap3A_49] {strides = array<i32>} : memref<512xf32, #tpu.memory_space<vmem>>, vector<16xf32>,
    tpu.vector_store %arg7[%swap3A_49], %broadcast_in_dim3A_19 {strides = array<i32>} : memref<512xf32, #tpu.memory_space<vmem>>, vector<16xf32>,
    %swap3A_51 = arith.constant 256 : index
    %swap3A_52 = tpu.vector_load %arg7[%swap3A_51] {strides = array<i32>} : memref<512xf32, #tpu.memory_space<vmem>>, vector<16xf32>,
    tpu.vector_store %arg7[%swap3A_51], %broadcast_in_dim3A_19 {strides = array<i32>} : memref<512xf32, #tpu.memory_space<vmem>>, vector<16xf32>,
    %swap3A_53 = arith.constant 272 : index
    %swap3A_54 = tpu.vector_load %arg7[%swap3A_53] {strides = array<i32>} : memref<512xf32, #tpu.memory_space<vmem>>, vector<16xf32>,
    tpu.vector_store %arg7[%swap3A_53], %broadcast_in_dim3A_19 {strides = array<i32>} : memref<512xf32, #tpu.memory_space<vmem>>, vector<16xf32>,
    %swap3A_55 = arith.constant 288 : index
    %swap3A_56 = tpu.vector_load %arg7[%swap3A_55] {strides = array<i32>} : memref<512xf32, #tpu.memory_space<vmem>>, vector<16xf32>,
    tpu.vector_store %arg7[%swap3A_55], %broadcast_in_dim3A_19 {strides = array<i32>} : memref<512xf32, #tpu.memory_space<vmem>>, vector<16xf32>,
    %swap3A_57 = arith.constant 304 : index
    %swap3A_58 = tpu.vector_load %arg7[%swap3A_57] {strides = array<i32>} : memref<512xf32, #tpu.memory_space<vmem>>, vector<16xf32>,
    tpu.vector_store %arg7[%swap3A_57], %broadcast_in_dim3A_19 {strides = array<i32>} : memref<512xf32, #tpu.memory_space<vmem>>, vector<16xf32>,
    %swap3A_59 = arith.constant 320 : index
    %swap3A_60 = tpu.vector_load %arg7[%swap3A_59] {strides = array<i32>} : memref<512xf32, #tpu.memory_space<vmem>>, vector<16xf32>,
    tpu.vector_store %arg7[%swap3A_59], %broadcast_in_dim3A_19 {strides = array<i32>} : memref<512xf32, #tpu.memory_space<vmem>>, vector<16xf32>,
    %swap3A_61 = arith.constant 336 : index
    %swap3A_62 = tpu.vector_load %arg7[%swap3A_61] {strides = array<i32>} : memref<512xf32, #tpu.memory_space<vmem>>, vector<16xf32>,
    tpu.vector_store %arg7[%swap3A_61], %broadcast_in_dim3A_19 {strides = array<i32>} : memref<512xf32, #tpu.memory_space<vmem>>, vector<16xf32>,
    %swap3A_63 = arith.constant 352 : index
    %swap3A_64 = tpu.vector_load %arg7[%swap3A_63] {strides = array<i32>} : memref<512xf32, #tpu.memory_space<vmem>>, vector<16xf32>,
    tpu.vector_store %arg7[%swap3A_63], %broadcast_in_dim3A_19 {strides = array<i32>} : memref<512xf32, #tpu.memory_space<vmem>>, vector<16xf32>,
    %swap3A_65 = arith.constant 368 : index
    %swap3A_66 = tpu.vector_load %arg7[%swap3A_65] {strides = array<i32>} : memref<512xf32, #tpu.memory_space<vmem>>, vector<16xf32>,
    tpu.vector_store %arg7[%swap3A_65], %broadcast_in_dim3A_19 {strides = array<i32>} : memref<512xf32, #tpu.memory_space<vmem>>, vector<16xf32>,
    %swap3A_67 = arith.constant 384 : index
    %swap3A_68 = tpu.vector_load %arg7[%swap3A_67] {strides = array<i32>} : memref<512xf32, #tpu.memory_space<vmem>>, vector<16xf32>,
    tpu.vector_store %arg7[%swap3A_67], %broadcast_in_dim3A_19 {strides = array<i32>} : memref<512xf32, #tpu.memory_space<vmem>>, vector<16xf32>,
    %swap3A_69 = arith.constant 400 : index
    %swap3A_70 = tpu.vector_load %arg7[%swap3A_69] {strides = array<i32>} : memref<512xf32, #tpu.memory_space<vmem>>, vector<16xf32>,
    tpu.vector_store %arg7[%swap3A_69], %broadcast_in_dim3A_19 {strides = array<i32>} : memref<512xf32, #tpu.memory_space<vmem>>, vector<16xf32>,
    %swap3A_71 = arith.constant 416 : index
    %swap3A_72 = tpu.vector_load %arg7[%swap3A_71] {strides = array<i32>} : memref<512xf32, #tpu.memory_space<vmem>>, vector<16xf32>,
    tpu.vector_store %arg7[%swap3A_71], %broadcast_in_dim3A_19 {strides = array<i32>} : memref<512xf32, #tpu.memory_space<vmem>>, vector<16xf32>,
    %swap3A_73 = arith.constant 432 : index
    %swap3A_74 = tpu.vector_load %arg7[%swap3A_73] {strides = array<i32>} : memref<512xf32, #tpu.memory_space<vmem>>, vector<16xf32>,
    tpu.vector_store %arg7[%swap3A_73], %broadcast_in_dim3A_19 {strides = array<i32>} : memref<512xf32, #tpu.memory_space<vmem>>, vector<16xf32>,
    %swap3A_75 = arith.constant 448 : index
    %swap3A_76 = tpu.vector_load %arg7[%swap3A_75] {strides = array<i32>} : memref<512xf32, #tpu.memory_space<vmem>>, vector<16xf32>,
    tpu.vector_store %arg7[%swap3A_75], %broadcast_in_dim3A_19 {strides = array<i32>} : memref<512xf32, #tpu.memory_space<vmem>>, vector<16xf32>,
    %swap3A_77 = arith.constant 464 : index
    %swap3A_78 = tpu.vector_load %arg7[%swap3A_77] {strides = array<i32>} : memref<512xf32, #tpu.memory_space<vmem>>, vector<16xf32>,
    tpu.vector_store %arg7[%swap3A_77], %broadcast_in_dim3A_19 {strides = array<i32>} : memref<512xf32, #tpu.memory_space<vmem>>, vector<16xf32>,
    %swap3A_79 = arith.constant 480 : index
    %swap3A_80 = tpu.vector_load %arg7[%swap3A_79] {strides = array<i32>} : memref<512xf32, #tpu.memory_space<vmem>>, vector<16xf32>,
    tpu.vector_store %arg7[%swap3A_79], %broadcast_in_dim3A_19 {strides = array<i32>} : memref<512xf32, #tpu.memory_space<vmem>>, vector<16xf32>,
    %swap3A_81 = arith.constant 496 : index
    %swap3A_82 = tpu.vector_load %arg7[%swap3A_81] {strides = array<i32>} : memref<512xf32, #tpu.memory_space<vmem>>, vector<16xf32>,
    tpu.vector_store %arg7[%swap3A_81], %broadcast_in_dim3A_19 {strides = array<i32>} : memref<512xf32, #tpu.memory_space<vmem>>, vector<16xf32>,
    %dma_wait3A = arith.constant 0 : i32
    %dma_wait3A_83 = arith.constant 0 : i32
    %dma_wait3A_84 = arith.constant 0 : i32
    %dma_wait3A_85 = tpu.memref_slice %arg5[%dma_wait3A, %dma_wait3A_83, %dma_wait3A_84] : memref<2x2x512xi32, #tpu.memory_space<vmem>> -> memref<1x2x512xi32, #tpu.memory_space<vmem>>
    %dma_wait3A_86 = tpu.memref_squeeze %dma_wait3A_85 : memref<1x2x512xi32, #tpu.memory_space<vmem>> -> memref<2x512xi32, #tpu.memory_space<vmem>>
    %dma_wait3A_87 = arith.constant 0 : i32
    %dma_wait3A_88 = tpu.memref_slice %arg2[%dma_wait3A_87, %mul3A_2] : memref<200x16384xi32, #tpu.memory_space<hbm>> -> memref<2x512xi32, #tpu.memory_space<hbm>>
    %dma_wait3A_89 = arith.constant 0 : i32
    %dma_wait3A_90 = arith.constant 0 : i32
    %dma_wait3A_91 = tpu.memref_slice %arg5[%dma_wait3A, %dma_wait3A_89, %dma_wait3A_90] : memref<2x2x512xi32, #tpu.memory_space<vmem>> -> memref<1x2x512xi32, #tpu.memory_space<vmem>>
    %dma_wait3A_92 = tpu.memref_squeeze %dma_wait3A_91 : memref<1x2x512xi32, #tpu.memory_space<vmem>> -> memref<2x512xi32, #tpu.memory_space<vmem>>
    %dma_wait3A_93 = arith.constant 0 : i32
    %dma_wait3A_94 = tpu.memref_slice %arg2[%dma_wait3A_93, %mul3A_2] : memref<200x16384xi32, #tpu.memory_space<hbm>> -> memref<2x512xi32, #tpu.memory_space<hbm>>
    tpu.wait_dma2 semaphore(%arg10 : memref<!tpu.dma_semaphore, #tpu.memory_space<semaphore_mem>>) src(%dma_wait3A_94 : memref<2x512xi32, #tpu.memory_space<hbm>>) dst(%dma_wait3A_92 : memref<2x512xi32, #tpu.memory_space<vmem>>)
    %dma_start3A_95 = arith.constant 0 : i32
    %dma_start3A_96 = arith.constant 0 : i32
    %dma_start3A_97 = arith.constant 0 : i32
    %dma_start3A_98 = arith.constant 0 : i32
    %dma_start3A_99 = arith.constant 0 : i32
    %dma_start3A_100 = tpu.memref_slice %arg6[%dma_start3A_97, %dma_start3A_98, %dma_start3A_99] : memref<2x2x512xf32, #tpu.memory_space<vmem>> -> memref<1x1x128xf32, #tpu.memory_space<vmem>>
    %dma_start3A_101 = tpu.memref_squeeze %dma_start3A_100 : memref<1x1x128xf32, #tpu.memory_space<vmem>> -> memref<128xf32, #tpu.memory_space<vmem>>
    %dma_start3A_102 = arith.constant 0 : i32
    %dma_start3A_103 = tpu.memref_slice %arg5[%dma_start3A_95, %dma_start3A_96, %dma_start3A_102] : memref<2x2x512xi32, #tpu.memory_space<vmem>> -> memref<1x1x128xi32, #tpu.memory_space<vmem>>
    %dma_start3A_104 = tpu.memref_squeeze %dma_start3A_103 : memref<1x1x128xi32, #tpu.memory_space<vmem>> -> memref<128xi32, #tpu.memory_space<vmem>>
    %dma_start3A_105 = arith.constant 0 : i32
    %dma_start3A_106 = tpu.memref_slice %arg8[%dma_start3A_105] : memref<1015808xf32, #tpu.memory_space<vmem_shared>> -> memref<1015808xf32, #tpu.memory_space<vmem_shared>>
    tpu.enqueue_indirect_dma source(%dma_start3A_106 : memref<1015808xf32, #tpu.memory_space<vmem_shared>>) target(%dma_start3A_101 : memref<128xf32, #tpu.memory_space<vmem>>) offsets(%dma_start3A_104 : memref<128xi32, #tpu.memory_space<vmem>>) semaphore(%arg9 : memref<!tpu.dma_semaphore, #tpu.memory_space<semaphore_mem>>)
    %dma_start3A_107 = arith.constant 0 : i32
    %dma_start3A_108 = arith.constant 0 : i32
    %dma_start3A_109 = arith.constant 0 : i32
    %dma_start3A_110 = arith.constant 0 : i32
    %dma_start3A_111 = arith.constant 128 : i32
    %dma_start3A_112 = tpu.memref_slice %arg6[%dma_start3A_109, %dma_start3A_110, %dma_start3A_111] : memref<2x2x512xf32, #tpu.memory_space<vmem>> -> memref<1x1x128xf32, #tpu.memory_space<vmem>>
    %dma_start3A_113 = tpu.memref_squeeze %dma_start3A_112 : memref<1x1x128xf32, #tpu.memory_space<vmem>> -> memref<128xf32, #tpu.memory_space<vmem>>
    %dma_start3A_114 = arith.constant 128 : i32
    %dma_start3A_115 = tpu.memref_slice %arg5[%dma_start3A_107, %dma_start3A_108, %dma_start3A_114] : memref<2x2x512xi32, #tpu.memory_space<vmem>> -> memref<1x1x128xi32, #tpu.memory_space<vmem>>
    %dma_start3A_116 = tpu.memref_squeeze %dma_start3A_115 : memref<1x1x128xi32, #tpu.memory_space<vmem>> -> memref<128xi32, #tpu.memory_space<vmem>>
    %dma_start3A_117 = arith.constant 0 : i32
    %dma_start3A_118 = tpu.memref_slice %arg8[%dma_start3A_117] : memref<1015808xf32, #tpu.memory_space<vmem_shared>> -> memref<1015808xf32, #tpu.memory_space<vmem_shared>>
    tpu.enqueue_indirect_dma source(%dma_start3A_118 : memref<1015808xf32, #tpu.memory_space<vmem_shared>>) target(%dma_start3A_113 : memref<128xf32, #tpu.memory_space<vmem>>) offsets(%dma_start3A_116 : memref<128xi32, #tpu.memory_space<vmem>>) semaphore(%arg9 : memref<!tpu.dma_semaphore, #tpu.memory_space<semaphore_mem>>)
    %dma_start3A_119 = arith.constant 0 : i32
    %dma_start3A_120 = arith.constant 0 : i32
    %dma_start3A_121 = arith.constant 0 : i32
    %dma_start3A_122 = arith.constant 0 : i32
    %dma_start3A_123 = arith.constant 256 : i32
    %dma_start3A_124 = tpu.memref_slice %arg6[%dma_start3A_121, %dma_start3A_122, %dma_start3A_123] : memref<2x2x512xf32, #tpu.memory_space<vmem>> -> memref<1x1x128xf32, #tpu.memory_space<vmem>>
    %dma_start3A_125 = tpu.memref_squeeze %dma_start3A_124 : memref<1x1x128xf32, #tpu.memory_space<vmem>> -> memref<128xf32, #tpu.memory_space<vmem>>
    %dma_start3A_126 = arith.constant 256 : i32
    %dma_start3A_127 = tpu.memref_slice %arg5[%dma_start3A_119, %dma_start3A_120, %dma_start3A_126] : memref<2x2x512xi32, #tpu.memory_space<vmem>> -> memref<1x1x128xi32, #tpu.memory_space<vmem>>
    %dma_start3A_128 = tpu.memref_squeeze %dma_start3A_127 : memref<1x1x128xi32, #tpu.memory_space<vmem>> -> memref<128xi32, #tpu.memory_space<vmem>>
    %dma_start3A_129 = arith.constant 0 : i32
    %dma_start3A_130 = tpu.memref_slice %arg8[%dma_start3A_129] : memref<1015808xf32, #tpu.memory_space<vmem_shared>> -> memref<1015808xf32, #tpu.memory_space<vmem_shared>>
    tpu.enqueue_indirect_dma source(%dma_start3A_130 : memref<1015808xf32, #tpu.memory_space<vmem_shared>>) target(%dma_start3A_125 : memref<128xf32, #tpu.memory_space<vmem>>) offsets(%dma_start3A_128 : memref<128xi32, #tpu.memory_space<vmem>>) semaphore(%arg9 : memref<!tpu.dma_semaphore, #tpu.memory_space<semaphore_mem>>)
    %dma_start3A_131 = arith.constant 0 : i32
    %dma_start3A_132 = arith.constant 0 : i32
    %dma_start3A_133 = arith.constant 0 : i32
    %dma_start3A_134 = arith.constant 0 : i32
    %dma_start3A_135 = arith.constant 384 : i32
    %dma_start3A_136 = tpu.memref_slice %arg6[%dma_start3A_133, %dma_start3A_134, %dma_start3A_135] : memref<2x2x512xf32, #tpu.memory_space<vmem>> -> memref<1x1x128xf32, #tpu.memory_space<vmem>>
    %dma_start3A_137 = tpu.memref_squeeze %dma_start3A_136 : memref<1x1x128xf32, #tpu.memory_space<vmem>> -> memref<128xf32, #tpu.memory_space<vmem>>
    %dma_start3A_138 = arith.constant 384 : i32
    %dma_start3A_139 = tpu.memref_slice %arg5[%dma_start3A_131, %dma_start3A_132, %dma_start3A_138] : memref<2x2x512xi32, #tpu.memory_space<vmem>> -> memref<1x1x128xi32, #tpu.memory_space<vmem>>
    %dma_start3A_140 = tpu.memref_squeeze %dma_start3A_139 : memref<1x1x128xi32, #tpu.memory_space<vmem>> -> memref<128xi32, #tpu.memory_space<vmem>>
    %dma_start3A_141 = arith.constant 0 : i32
    %dma_start3A_142 = tpu.memref_slice %arg8[%dma_start3A_141] : memref<1015808xf32, #tpu.memory_space<vmem_shared>> -> memref<1015808xf32, #tpu.memory_space<vmem_shared>>
    tpu.enqueue_indirect_dma source(%dma_start3A_142 : memref<1015808xf32, #tpu.memory_space<vmem_shared>>) target(%dma_start3A_137 : memref<128xf32, #tpu.memory_space<vmem>>) offsets(%dma_start3A_140 : memref<128xi32, #tpu.memory_space<vmem>>) semaphore(%arg9 : memref<!tpu.dma_semaphore, #tpu.memory_space<semaphore_mem>>)
    %dma_start3A_143 = arith.constant 0 : i32
    %dma_start3A_144 = arith.constant 1 : i32
    %dma_start3A_145 = arith.constant 0 : i32
    %dma_start3A_146 = arith.constant 1 : i32
    %dma_start3A_147 = arith.constant 0 : i32
    %dma_start3A_148 = tpu.memref_slice %arg6[%dma_start3A_145, %dma_start3A_146, %dma_start3A_147] : memref<2x2x512xf32, #tpu.memory_space<vmem>> -> memref<1x1x128xf32, #tpu.memory_space<vmem>>
    %dma_start3A_149 = tpu.memref_squeeze %dma_start3A_148 : memref<1x1x128xf32, #tpu.memory_space<vmem>> -> memref<128xf32, #tpu.memory_space<vmem>>
    %dma_start3A_150 = arith.constant 0 : i32
    %dma_start3A_151 = tpu.memref_slice %arg5[%dma_start3A_143, %dma_start3A_144, %dma_start3A_150] : memref<2x2x512xi32, #tpu.memory_space<vmem>> -> memref<1x1x128xi32, #tpu.memory_space<vmem>>
    %dma_start3A_152 = tpu.memref_squeeze %dma_start3A_151 : memref<1x1x128xi32, #tpu.memory_space<vmem>> -> memref<128xi32, #tpu.memory_space<vmem>>
    %dma_start3A_153 = arith.constant 0 : i32
    %dma_start3A_154 = tpu.memref_slice %arg8[%dma_start3A_153] : memref<1015808xf32, #tpu.memory_space<vmem_shared>> -> memref<1015808xf32, #tpu.memory_space<vmem_shared>>
    tpu.enqueue_indirect_dma source(%dma_start3A_154 : memref<1015808xf32, #tpu.memory_space<vmem_shared>>) target(%dma_start3A_149 : memref<128xf32, #tpu.memory_space<vmem>>) offsets(%dma_start3A_152 : memref<128xi32, #tpu.memory_space<vmem>>) semaphore(%arg9 : memref<!tpu.dma_semaphore, #tpu.memory_space<semaphore_mem>>)
    %dma_start3A_155 = arith.constant 0 : i32
    %dma_start3A_156 = arith.constant 1 : i32
    %dma_start3A_157 = arith.constant 0 : i32
    %dma_start3A_158 = arith.constant 1 : i32
    %dma_start3A_159 = arith.constant 128 : i32
    %dma_start3A_160 = tpu.memref_slice %arg6[%dma_start3A_157, %dma_start3A_158, %dma_start3A_159] : memref<2x2x512xf32, #tpu.memory_space<vmem>> -> memref<1x1x128xf32, #tpu.memory_space<vmem>>
    %dma_start3A_161 = tpu.memref_squeeze %dma_start3A_160 : memref<1x1x128xf32, #tpu.memory_space<vmem>> -> memref<128xf32, #tpu.memory_space<vmem>>
    %dma_start3A_162 = arith.constant 128 : i32
    %dma_start3A_163 = tpu.memref_slice %arg5[%dma_start3A_155, %dma_start3A_156, %dma_start3A_162] : memref<2x2x512xi32, #tpu.memory_space<vmem>> -> memref<1x1x128xi32, #tpu.memory_space<vmem>>
    %dma_start3A_164 = tpu.memref_squeeze %dma_start3A_163 : memref<1x1x128xi32, #tpu.memory_space<vmem>> -> memref<128xi32, #tpu.memory_space<vmem>>
    %dma_start3A_165 = arith.constant 0 : i32
    %dma_start3A_166 = tpu.memref_slice %arg8[%dma_start3A_165] : memref<1015808xf32, #tpu.memory_space<vmem_shared>> -> memref<1015808xf32, #tpu.memory_space<vmem_shared>>
    tpu.enqueue_indirect_dma source(%dma_start3A_166 : memref<1015808xf32, #tpu.memory_space<vmem_shared>>) target(%dma_start3A_161 : memref<128xf32, #tpu.memory_space<vmem>>) offsets(%dma_start3A_164 : memref<128xi32, #tpu.memory_space<vmem>>) semaphore(%arg9 : memref<!tpu.dma_semaphore, #tpu.memory_space<semaphore_mem>>)
    %dma_start3A_167 = arith.constant 0 : i32
    %dma_start3A_168 = arith.constant 1 : i32
    %dma_start3A_169 = arith.constant 0 : i32
    %dma_start3A_170 = arith.constant 1 : i32
    %dma_start3A_171 = arith.constant 256 : i32
    %dma_start3A_172 = tpu.memref_slice %arg6[%dma_start3A_169, %dma_start3A_170, %dma_start3A_171] : memref<2x2x512xf32, #tpu.memory_space<vmem>> -> memref<1x1x128xf32, #tpu.memory_space<vmem>>
    %dma_start3A_173 = tpu.memref_squeeze %dma_start3A_172 : memref<1x1x128xf32, #tpu.memory_space<vmem>> -> memref<128xf32, #tpu.memory_space<vmem>>
    %dma_start3A_174 = arith.constant 256 : i32
    %dma_start3A_175 = tpu.memref_slice %arg5[%dma_start3A_167, %dma_start3A_168, %dma_start3A_174] : memref<2x2x512xi32, #tpu.memory_space<vmem>> -> memref<1x1x128xi32, #tpu.memory_space<vmem>>
    %dma_start3A_176 = tpu.memref_squeeze %dma_start3A_175 : memref<1x1x128xi32, #tpu.memory_space<vmem>> -> memref<128xi32, #tpu.memory_space<vmem>>
    %dma_start3A_177 = arith.constant 0 : i32
    %dma_start3A_178 = tpu.memref_slice %arg8[%dma_start3A_177] : memref<1015808xf32, #tpu.memory_space<vmem_shared>> -> memref<1015808xf32, #tpu.memory_space<vmem_shared>>
    tpu.enqueue_indirect_dma source(%dma_start3A_178 : memref<1015808xf32, #tpu.memory_space<vmem_shared>>) target(%dma_start3A_173 : memref<128xf32, #tpu.memory_space<vmem>>) offsets(%dma_start3A_176 : memref<128xi32, #tpu.memory_space<vmem>>) semaphore(%arg9 : memref<!tpu.dma_semaphore, #tpu.memory_space<semaphore_mem>>)
    %dma_start3A_179 = arith.constant 0 : i32
    %dma_start3A_180 = arith.constant 1 : i32
    %dma_start3A_181 = arith.constant 0 : i32
    %dma_start3A_182 = arith.constant 1 : i32
    %dma_start3A_183 = arith.constant 384 : i32
    %dma_start3A_184 = tpu.memref_slice %arg6[%dma_start3A_181, %dma_start3A_182, %dma_start3A_183] : memref<2x2x512xf32, #tpu.memory_space<vmem>> -> memref<1x1x128xf32, #tpu.memory_space<vmem>>
    %dma_start3A_185 = tpu.memref_squeeze %dma_start3A_184 : memref<1x1x128xf32, #tpu.memory_space<vmem>> -> memref<128xf32, #tpu.memory_space<vmem>>
    %dma_start3A_186 = arith.constant 384 : i32
    %dma_start3A_187 = tpu.memref_slice %arg5[%dma_start3A_179, %dma_start3A_180, %dma_start3A_186] : memref<2x2x512xi32, #tpu.memory_space<vmem>> -> memref<1x1x128xi32, #tpu.memory_space<vmem>>
    %dma_start3A_188 = tpu.memref_squeeze %dma_start3A_187 : memref<1x1x128xi32, #tpu.memory_space<vmem>> -> memref<128xi32, #tpu.memory_space<vmem>>
    %dma_start3A_189 = arith.constant 0 : i32
    %dma_start3A_190 = tpu.memref_slice %arg8[%dma_start3A_189] : memref<1015808xf32, #tpu.memory_space<vmem_shared>> -> memref<1015808xf32, #tpu.memory_space<vmem_shared>>
    tpu.enqueue_indirect_dma source(%dma_start3A_190 : memref<1015808xf32, #tpu.memory_space<vmem_shared>>) target(%dma_start3A_185 : memref<128xf32, #tpu.memory_space<vmem>>) offsets(%dma_start3A_188 : memref<128xi32, #tpu.memory_space<vmem>>) semaphore(%arg9 : memref<!tpu.dma_semaphore, #tpu.memory_space<semaphore_mem>>)
    %dma_start3A_191 = arith.constant 1 : i32
    %dma_start3A_192 = arith.constant 0 : i32
    %dma_start3A_193 = arith.constant 0 : i32
    %dma_start3A_194 = tpu.memref_slice %arg5[%dma_start3A_191, %dma_start3A_192, %dma_start3A_193] : memref<2x2x512xi32, #tpu.memory_space<vmem>> -> memref<1x2x512xi32, #tpu.memory_space<vmem>>
    %dma_start3A_195 = tpu.memref_squeeze %dma_start3A_194 : memref<1x2x512xi32, #tpu.memory_space<vmem>> -> memref<2x512xi32, #tpu.memory_space<vmem>>
    %dma_start3A_196 = arith.constant 2 : i32
    %dma_start3A_197 = tpu.memref_slice %arg2[%dma_start3A_196, %mul3A_2] : memref<200x16384xi32, #tpu.memory_space<hbm>> -> memref<2x512xi32, #tpu.memory_space<hbm>>
    %dma_start3A_198 = arith.constant 0 : i32
    %dma_start3A_199 = arith.constant 0 : i32
    %dma_start3A_200 = tpu.memref_slice %arg5[%dma_start3A_191, %dma_start3A_198, %dma_start3A_199] : memref<2x2x512xi32, #tpu.memory_space<vmem>> -> memref<1x2x512xi32, #tpu.memory_space<vmem>>
    %dma_start3A_201 = tpu.memref_squeeze %dma_start3A_200 : memref<1x2x512xi32, #tpu.memory_space<vmem>> -> memref<2x512xi32, #tpu.memory_space<vmem>>
    %dma_start3A_202 = arith.constant 2 : i32
    %dma_start3A_203 = tpu.memref_slice %arg2[%dma_start3A_202, %mul3A_2] : memref<200x16384xi32, #tpu.memory_space<hbm>> -> memref<2x512xi32, #tpu.memory_space<hbm>>
    tpu.enqueue_dma source(%dma_start3A_203 : memref<2x512xi32, #tpu.memory_space<hbm>>) target(%dma_start3A_201 : memref<2x512xi32, #tpu.memory_space<vmem>>) target_semaphore(%arg10 : memref<!tpu.dma_semaphore, #tpu.memory_space<semaphore_mem>>)
    %scan3A = arith.constant 0 : i32
    %scan3A_204 = arith.constant 49 : i32
    %scan3A_205 = arith.addi %scan3A, %scan3A_204 : i32
    %scan3A_206 = arith.constant 1 : i32
    scf.for %scan3A_2201 = %scan3A to %scan3A_205 step %scan3A_206  : i32 {
      %mul3A_2202 = arith.constant 1 : i32
      %mul3A_2203 = arith.muli %scan3A_2201, %mul3A_2202 : i32
      %add3A_2204 = arith.constant 0 : i32
      %add3A_2205 = arith.addi %add3A_2204, %mul3A_2203 : i32
      %mul3A_2206 = arith.constant 2 : i32
      %mul3A_2207 = arith.muli %add3A_2205, %mul3A_2206 : i32
      %dma_wait3A_2208 = arith.constant 0 : i32
      %dma_wait3A_2209 = arith.constant 0 : i32
      %dma_wait3A_2210 = arith.constant 0 : i32
      %dma_wait3A_2211 = arith.constant 0 : i32
      %dma_wait3A_2212 = arith.constant 0 : i32
      %dma_wait3A_2213 = tpu.memref_slice %arg6[%dma_wait3A_2210, %dma_wait3A_2211, %dma_wait3A_2212] : memref<2x2x512xf32, #tpu.memory_space<vmem>> -> memref<1x1x128xf32, #tpu.memory_space<vmem>>
      %dma_wait3A_2214 = tpu.memref_squeeze %dma_wait3A_2213 : memref<1x1x128xf32, #tpu.memory_space<vmem>> -> memref<128xf32, #tpu.memory_space<vmem>>
      %dma_wait3A_2215 = arith.constant 0 : i32
      %dma_wait3A_2216 = tpu.memref_slice %arg5[%dma_wait3A_2208, %dma_wait3A_2209, %dma_wait3A_2215] : memref<2x2x512xi32, #tpu.memory_space<vmem>> -> memref<1x1x128xi32, #tpu.memory_space<vmem>>
      %dma_wait3A_2217 = tpu.memref_squeeze %dma_wait3A_2216 : memref<1x1x128xi32, #tpu.memory_space<vmem>> -> memref<128xi32, #tpu.memory_space<vmem>>
      %dma_wait3A_2218 = arith.constant 0 : i32
      %dma_wait3A_2219 = tpu.memref_slice %arg8[%dma_wait3A_2218] : memref<1015808xf32, #tpu.memory_space<vmem_shared>> -> memref<1015808xf32, #tpu.memory_space<vmem_shared>>
      tpu.wait_indirect_dma semaphore(%arg9 : memref<!tpu.dma_semaphore, #tpu.memory_space<semaphore_mem>>) src(%dma_wait3A_2219 : memref<1015808xf32, #tpu.memory_space<vmem_shared>>) dst(%dma_wait3A_2214 : memref<128xf32, #tpu.memory_space<vmem>>)
      %dma_wait3A_2220 = arith.constant 0 : i32
      %dma_wait3A_2221 = arith.constant 0 : i32
      %dma_wait3A_2222 = arith.constant 0 : i32
      %dma_wait3A_2223 = arith.constant 0 : i32
      %dma_wait3A_2224 = arith.constant 128 : i32
      %dma_wait3A_2225 = tpu.memref_slice %arg6[%dma_wait3A_2222, %dma_wait3A_2223, %dma_wait3A_2224] : memref<2x2x512xf32, #tpu.memory_space<vmem>> -> memref<1x1x128xf32, #tpu.memory_space<vmem>>
      %dma_wait3A_2226 = tpu.memref_squeeze %dma_wait3A_2225 : memref<1x1x128xf32, #tpu.memory_space<vmem>> -> memref<128xf32, #tpu.memory_space<vmem>>
      %dma_wait3A_2227 = arith.constant 128 : i32
      %dma_wait3A_2228 = tpu.memref_slice %arg5[%dma_wait3A_2220, %dma_wait3A_2221, %dma_wait3A_2227] : memref<2x2x512xi32, #tpu.memory_space<vmem>> -> memref<1x1x128xi32, #tpu.memory_space<vmem>>
      %dma_wait3A_2229 = tpu.memref_squeeze %dma_wait3A_2228 : memref<1x1x128xi32, #tpu.memory_space<vmem>> -> memref<128xi32, #tpu.memory_space<vmem>>
      %dma_wait3A_2230 = arith.constant 0 : i32
      %dma_wait3A_2231 = tpu.memref_slice %arg8[%dma_wait3A_2230] : memref<1015808xf32, #tpu.memory_space<vmem_shared>> -> memref<1015808xf32, #tpu.memory_space<vmem_shared>>
      tpu.wait_indirect_dma semaphore(%arg9 : memref<!tpu.dma_semaphore, #tpu.memory_space<semaphore_mem>>) src(%dma_wait3A_2231 : memref<1015808xf32, #tpu.memory_space<vmem_shared>>) dst(%dma_wait3A_2226 : memref<128xf32, #tpu.memory_space<vmem>>)
      %dma_wait3A_2232 = arith.constant 0 : i32
      %dma_wait3A_2233 = arith.constant 0 : i32
      %dma_wait3A_2234 = arith.constant 0 : i32
      %dma_wait3A_2235 = arith.constant 0 : i32
      %dma_wait3A_2236 = arith.constant 256 : i32
      %dma_wait3A_2237 = tpu.memref_slice %arg6[%dma_wait3A_2234, %dma_wait3A_2235, %dma_wait3A_2236] : memref<2x2x512xf32, #tpu.memory_space<vmem>> -> memref<1x1x128xf32, #tpu.memory_space<vmem>>
      %dma_wait3A_2238 = tpu.memref_squeeze %dma_wait3A_2237 : memref<1x1x128xf32, #tpu.memory_space<vmem>> -> memref<128xf32, #tpu.memory_space<vmem>>
      %dma_wait3A_2239 = arith.constant 256 : i32
      %dma_wait3A_2240 = tpu.memref_slice %arg5[%dma_wait3A_2232, %dma_wait3A_2233, %dma_wait3A_2239] : memref<2x2x512xi32, #tpu.memory_space<vmem>> -> memref<1x1x128xi32, #tpu.memory_space<vmem>>
      %dma_wait3A_2241 = tpu.memref_squeeze %dma_wait3A_2240 : memref<1x1x128xi32, #tpu.memory_space<vmem>> -> memref<128xi32, #tpu.memory_space<vmem>>
      %dma_wait3A_2242 = arith.constant 0 : i32
      %dma_wait3A_2243 = tpu.memref_slice %arg8[%dma_wait3A_2242] : memref<1015808xf32, #tpu.memory_space<vmem_shared>> -> memref<1015808xf32, #tpu.memory_space<vmem_shared>>
      tpu.wait_indirect_dma semaphore(%arg9 : memref<!tpu.dma_semaphore, #tpu.memory_space<semaphore_mem>>) src(%dma_wait3A_2243 : memref<1015808xf32, #tpu.memory_space<vmem_shared>>) dst(%dma_wait3A_2238 : memref<128xf32, #tpu.memory_space<vmem>>)
      %dma_wait3A_2244 = arith.constant 0 : i32
      %dma_wait3A_2245 = arith.constant 0 : i32
      %dma_wait3A_2246 = arith.constant 0 : i32
      %dma_wait3A_2247 = arith.constant 0 : i32
      %dma_wait3A_2248 = arith.constant 384 : i32
      %dma_wait3A_2249 = tpu.memref_slice %arg6[%dma_wait3A_2246, %dma_wait3A_2247, %dma_wait3A_2248] : memref<2x2x512xf32, #tpu.memory_space<vmem>> -> memref<1x1x128xf32, #tpu.memory_space<vmem>>
      %dma_wait3A_2250 = tpu.memref_squeeze %dma_wait3A_2249 : memref<1x1x128xf32, #tpu.memory_space<vmem>> -> memref<128xf32, #tpu.memory_space<vmem>>
      %dma_wait3A_2251 = arith.constant 384 : i32
      %dma_wait3A_2252 = tpu.memref_slice %arg5[%dma_wait3A_2244, %dma_wait3A_2245, %dma_wait3A_2251] : memref<2x2x512xi32, #tpu.memory_space<vmem>> -> memref<1x1x128xi32, #tpu.memory_space<vmem>>
      %dma_wait3A_2253 = tpu.memref_squeeze %dma_wait3A_2252 : memref<1x1x128xi32, #tpu.memory_space<vmem>> -> memref<128xi32, #tpu.memory_space<vmem>>
      %dma_wait3A_2254 = arith.constant 0 : i32
      %dma_wait3A_2255 = tpu.memref_slice %arg8[%dma_wait3A_2254] : memref<1015808xf32, #tpu.memory_space<vmem_shared>> -> memref<1015808xf32, #tpu.memory_space<vmem_shared>>
      tpu.wait_indirect_dma semaphore(%arg9 : memref<!tpu.dma_semaphore, #tpu.memory_space<semaphore_mem>>) src(%dma_wait3A_2255 : memref<1015808xf32, #tpu.memory_space<vmem_shared>>) dst(%dma_wait3A_2250 : memref<128xf32, #tpu.memory_space<vmem>>)
      %dma_wait3A_2256 = arith.constant 0 : i32
      %dma_wait3A_2257 = arith.constant 1 : i32
      %dma_wait3A_2258 = arith.constant 0 : i32
      %dma_wait3A_2259 = arith.constant 1 : i32
      %dma_wait3A_2260 = arith.constant 0 : i32
      %dma_wait3A_2261 = tpu.memref_slice %arg6[%dma_wait3A_2258, %dma_wait3A_2259, %dma_wait3A_2260] : memref<2x2x512xf32, #tpu.memory_space<vmem>> -> memref<1x1x128xf32, #tpu.memory_space<vmem>>
      %dma_wait3A_2262 = tpu.memref_squeeze %dma_wait3A_2261 : memref<1x1x128xf32, #tpu.memory_space<vmem>> -> memref<128xf32, #tpu.memory_space<vmem>>
      %dma_wait3A_2263 = arith.constant 0 : i32
      %dma_wait3A_2264 = tpu.memref_slice %arg5[%dma_wait3A_2256, %dma_wait3A_2257, %dma_wait3A_2263] : memref<2x2x512xi32, #tpu.memory_space<vmem>> -> memref<1x1x128xi32, #tpu.memory_space<vmem>>
      %dma_wait3A_2265 = tpu.memref_squeeze %dma_wait3A_2264 : memref<1x1x128xi32, #tpu.memory_space<vmem>> -> memref<128xi32, #tpu.memory_space<vmem>>
      %dma_wait3A_2266 = arith.constant 0 : i32
      %dma_wait3A_2267 = tpu.memref_slice %arg8[%dma_wait3A_2266] : memref<1015808xf32, #tpu.memory_space<vmem_shared>> -> memref<1015808xf32, #tpu.memory_space<vmem_shared>>
      tpu.wait_indirect_dma semaphore(%arg9 : memref<!tpu.dma_semaphore, #tpu.memory_space<semaphore_mem>>) src(%dma_wait3A_2267 : memref<1015808xf32, #tpu.memory_space<vmem_shared>>) dst(%dma_wait3A_2262 : memref<128xf32, #tpu.memory_space<vmem>>)
      %dma_wait3A_2268 = arith.constant 0 : i32
      %dma_wait3A_2269 = arith.constant 1 : i32
      %dma_wait3A_2270 = arith.constant 0 : i32
      %dma_wait3A_2271 = arith.constant 1 : i32
      %dma_wait3A_2272 = arith.constant 128 : i32
      %dma_wait3A_2273 = tpu.memref_slice %arg6[%dma_wait3A_2270, %dma_wait3A_2271, %dma_wait3A_2272] : memref<2x2x512xf32, #tpu.memory_space<vmem>> -> memref<1x1x128xf32, #tpu.memory_space<vmem>>
      %dma_wait3A_2274 = tpu.memref_squeeze %dma_wait3A_2273 : memref<1x1x128xf32, #tpu.memory_space<vmem>> -> memref<128xf32, #tpu.memory_space<vmem>>
      %dma_wait3A_2275 = arith.constant 128 : i32
      %dma_wait3A_2276 = tpu.memref_slice %arg5[%dma_wait3A_2268, %dma_wait3A_2269, %dma_wait3A_2275] : memref<2x2x512xi32, #tpu.memory_space<vmem>> -> memref<1x1x128xi32, #tpu.memory_space<vmem>>
      %dma_wait3A_2277 = tpu.memref_squeeze %dma_wait3A_2276 : memref<1x1x128xi32, #tpu.memory_space<vmem>> -> memref<128xi32, #tpu.memory_space<vmem>>
      %dma_wait3A_2278 = arith.constant 0 : i32
      %dma_wait3A_2279 = tpu.memref_slice %arg8[%dma_wait3A_2278] : memref<1015808xf32, #tpu.memory_space<vmem_shared>> -> memref<1015808xf32, #tpu.memory_space<vmem_shared>>
      tpu.wait_indirect_dma semaphore(%arg9 : memref<!tpu.dma_semaphore, #tpu.memory_space<semaphore_mem>>) src(%dma_wait3A_2279 : memref<1015808xf32, #tpu.memory_space<vmem_shared>>) dst(%dma_wait3A_2274 : memref<128xf32, #tpu.memory_space<vmem>>)
      %dma_wait3A_2280 = arith.constant 0 : i32
      %dma_wait3A_2281 = arith.constant 1 : i32
      %dma_wait3A_2282 = arith.constant 0 : i32
      %dma_wait3A_2283 = arith.constant 1 : i32
      %dma_wait3A_2284 = arith.constant 256 : i32
      %dma_wait3A_2285 = tpu.memref_slice %arg6[%dma_wait3A_2282, %dma_wait3A_2283, %dma_wait3A_2284] : memref<2x2x512xf32, #tpu.memory_space<vmem>> -> memref<1x1x128xf32, #tpu.memory_space<vmem>>
      %dma_wait3A_2286 = tpu.memref_squeeze %dma_wait3A_2285 : memref<1x1x128xf32, #tpu.memory_space<vmem>> -> memref<128xf32, #tpu.memory_space<vmem>>
      %dma_wait3A_2287 = arith.constant 256 : i32
      %dma_wait3A_2288 = tpu.memref_slice %arg5[%dma_wait3A_2280, %dma_wait3A_2281, %dma_wait3A_2287] : memref<2x2x512xi32, #tpu.memory_space<vmem>> -> memref<1x1x128xi32, #tpu.memory_space<vmem>>
      %dma_wait3A_2289 = tpu.memref_squeeze %dma_wait3A_2288 : memref<1x1x128xi32, #tpu.memory_space<vmem>> -> memref<128xi32, #tpu.memory_space<vmem>>
      %dma_wait3A_2290 = arith.constant 0 : i32
      %dma_wait3A_2291 = tpu.memref_slice %arg8[%dma_wait3A_2290] : memref<1015808xf32, #tpu.memory_space<vmem_shared>> -> memref<1015808xf32, #tpu.memory_space<vmem_shared>>
      tpu.wait_indirect_dma semaphore(%arg9 : memref<!tpu.dma_semaphore, #tpu.memory_space<semaphore_mem>>) src(%dma_wait3A_2291 : memref<1015808xf32, #tpu.memory_space<vmem_shared>>) dst(%dma_wait3A_2286 : memref<128xf32, #tpu.memory_space<vmem>>)
      %dma_wait3A_2292 = arith.constant 0 : i32
      %dma_wait3A_2293 = arith.constant 1 : i32
      %dma_wait3A_2294 = arith.constant 0 : i32
      %dma_wait3A_2295 = arith.constant 1 : i32
      %dma_wait3A_2296 = arith.constant 384 : i32
      %dma_wait3A_2297 = tpu.memref_slice %arg6[%dma_wait3A_2294, %dma_wait3A_2295, %dma_wait3A_2296] : memref<2x2x512xf32, #tpu.memory_space<vmem>> -> memref<1x1x128xf32, #tpu.memory_space<vmem>>
      %dma_wait3A_2298 = tpu.memref_squeeze %dma_wait3A_2297 : memref<1x1x128xf32, #tpu.memory_space<vmem>> -> memref<128xf32, #tpu.memory_space<vmem>>
      %dma_wait3A_2299 = arith.constant 384 : i32
      %dma_wait3A_2300 = tpu.memref_slice %arg5[%dma_wait3A_2292, %dma_wait3A_2293, %dma_wait3A_2299] : memref<2x2x512xi32, #tpu.memory_space<vmem>> -> memref<1x1x128xi32, #tpu.memory_space<vmem>>
      %dma_wait3A_2301 = tpu.memref_squeeze %dma_wait3A_2300 : memref<1x1x128xi32, #tpu.memory_space<vmem>> -> memref<128xi32, #tpu.memory_space<vmem>>
      %dma_wait3A_2302 = arith.constant 0 : i32
      %dma_wait3A_2303 = tpu.memref_slice %arg8[%dma_wait3A_2302] : memref<1015808xf32, #tpu.memory_space<vmem_shared>> -> memref<1015808xf32, #tpu.memory_space<vmem_shared>>
      tpu.wait_indirect_dma semaphore(%arg9 : memref<!tpu.dma_semaphore, #tpu.memory_space<semaphore_mem>>) src(%dma_wait3A_2303 : memref<1015808xf32, #tpu.memory_space<vmem_shared>>) dst(%dma_wait3A_2298 : memref<128xf32, #tpu.memory_space<vmem>>)
      %add3A_2304 = arith.constant 1 : i32
      %add3A_2305 = arith.addi %mul3A_2207, %add3A_2304 : i32
      %mul3A_2306 = arith.constant 2 : i32
      %mul3A_2307 = arith.muli %add3A_2305, %mul3A_2306 : i32
      %dma_wait3A_2308 = arith.constant 1 : i32
      %dma_wait3A_2309 = arith.constant 0 : i32
      %dma_wait3A_2310 = arith.constant 0 : i32
      %dma_wait3A_2311 = tpu.memref_slice %arg5[%dma_wait3A_2308, %dma_wait3A_2309, %dma_wait3A_2310] : memref<2x2x512xi32, #tpu.memory_space<vmem>> -> memref<1x2x512xi32, #tpu.memory_space<vmem>>
      %dma_wait3A_2312 = tpu.memref_squeeze %dma_wait3A_2311 : memref<1x2x512xi32, #tpu.memory_space<vmem>> -> memref<2x512xi32, #tpu.memory_space<vmem>>
      %dma_wait3A_2313 = tpu.memref_slice %arg2[%mul3A_2307, %mul3A_2] : memref<200x16384xi32, #tpu.memory_space<hbm>> -> memref<2x512xi32, #tpu.memory_space<hbm>>
      %dma_wait3A_2314 = arith.constant 0 : i32
      %dma_wait3A_2315 = arith.constant 0 : i32
      %dma_wait3A_2316 = tpu.memref_slice %arg5[%dma_wait3A_2308, %dma_wait3A_2314, %dma_wait3A_2315] : memref<2x2x512xi32, #tpu.memory_space<vmem>> -> memref<1x2x512xi32, #tpu.memory_space<vmem>>
      %dma_wait3A_2317 = tpu.memref_squeeze %dma_wait3A_2316 : memref<1x2x512xi32, #tpu.memory_space<vmem>> -> memref<2x512xi32, #tpu.memory_space<vmem>>
      %dma_wait3A_2318 = tpu.memref_slice %arg2[%mul3A_2307, %mul3A_2] : memref<200x16384xi32, #tpu.memory_space<hbm>> -> memref<2x512xi32, #tpu.memory_space<hbm>>
      tpu.wait_dma2 semaphore(%arg10 : memref<!tpu.dma_semaphore, #tpu.memory_space<semaphore_mem>>) src(%dma_wait3A_2318 : memref<2x512xi32, #tpu.memory_space<hbm>>) dst(%dma_wait3A_2317 : memref<2x512xi32, #tpu.memory_space<vmem>>)
      %dma_start3A_2319 = arith.constant 1 : i32
      %dma_start3A_2320 = arith.constant 0 : i32
      %dma_start3A_2321 = arith.constant 1 : i32
      %dma_start3A_2322 = arith.constant 0 : i32
      %dma_start3A_2323 = arith.constant 0 : i32
      %dma_start3A_2324 = tpu.memref_slice %arg6[%dma_start3A_2321, %dma_start3A_2322, %dma_start3A_2323] : memref<2x2x512xf32, #tpu.memory_space<vmem>> -> memref<1x1x128xf32, #tpu.memory_space<vmem>>
      %dma_start3A_2325 = tpu.memref_squeeze %dma_start3A_2324 : memref<1x1x128xf32, #tpu.memory_space<vmem>> -> memref<128xf32, #tpu.memory_space<vmem>>
      %dma_start3A_2326 = arith.constant 0 : i32
      %dma_start3A_2327 = tpu.memref_slice %arg5[%dma_start3A_2319, %dma_start3A_2320, %dma_start3A_2326] : memref<2x2x512xi32, #tpu.memory_space<vmem>> -> memref<1x1x128xi32, #tpu.memory_space<vmem>>
      %dma_start3A_2328 = tpu.memref_squeeze %dma_start3A_2327 : memref<1x1x128xi32, #tpu.memory_space<vmem>> -> memref<128xi32, #tpu.memory_space<vmem>>
      %dma_start3A_2329 = arith.constant 0 : i32
      %dma_start3A_2330 = tpu.memref_slice %arg8[%dma_start3A_2329] : memref<1015808xf32, #tpu.memory_space<vmem_shared>> -> memref<1015808xf32, #tpu.memory_space<vmem_shared>>
      tpu.enqueue_indirect_dma source(%dma_start3A_2330 : memref<1015808xf32, #tpu.memory_space<vmem_shared>>) target(%dma_start3A_2325 : memref<128xf32, #tpu.memory_space<vmem>>) offsets(%dma_start3A_2328 : memref<128xi32, #tpu.memory_space<vmem>>) semaphore(%arg9 : memref<!tpu.dma_semaphore, #tpu.memory_space<semaphore_mem>>)
      %dma_start3A_2331 = arith.constant 1 : i32
      %dma_start3A_2332 = arith.constant 0 : i32
      %dma_start3A_2333 = arith.constant 1 : i32
      %dma_start3A_2334 = arith.constant 0 : i32
      %dma_start3A_2335 = arith.constant 128 : i32
      %dma_start3A_2336 = tpu.memref_slice %arg6[%dma_start3A_2333, %dma_start3A_2334, %dma_start3A_2335] : memref<2x2x512xf32, #tpu.memory_space<vmem>> -> memref<1x1x128xf32, #tpu.memory_space<vmem>>
      %dma_start3A_2337 = tpu.memref_squeeze %dma_start3A_2336 : memref<1x1x128xf32, #tpu.memory_space<vmem>> -> memref<128xf32, #tpu.memory_space<vmem>>
      %dma_start3A_2338 = arith.constant 128 : i32
      %dma_start3A_2339 = tpu.memref_slice %arg5[%dma_start3A_2331, %dma_start3A_2332, %dma_start3A_2338] : memref<2x2x512xi32, #tpu.memory_space<vmem>> -> memref<1x1x128xi32, #tpu.memory_space<vmem>>
      %dma_start3A_2340 = tpu.memref_squeeze %dma_start3A_2339 : memref<1x1x128xi32, #tpu.memory_space<vmem>> -> memref<128xi32, #tpu.memory_space<vmem>>
      %dma_start3A_2341 = arith.constant 0 : i32
      %dma_start3A_2342 = tpu.memref_slice %arg8[%dma_start3A_2341] : memref<1015808xf32, #tpu.memory_space<vmem_shared>> -> memref<1015808xf32, #tpu.memory_space<vmem_shared>>
      tpu.enqueue_indirect_dma source(%dma_start3A_2342 : memref<1015808xf32, #tpu.memory_space<vmem_shared>>) target(%dma_start3A_2337 : memref<128xf32, #tpu.memory_space<vmem>>) offsets(%dma_start3A_2340 : memref<128xi32, #tpu.memory_space<vmem>>) semaphore(%arg9 : memref<!tpu.dma_semaphore, #tpu.memory_space<semaphore_mem>>)
      %dma_start3A_2343 = arith.constant 1 : i32
      %dma_start3A_2344 = arith.constant 0 : i32
      %dma_start3A_2345 = arith.constant 1 : i32
      %dma_start3A_2346 = arith.constant 0 : i32
      %dma_start3A_2347 = arith.constant 256 : i32
      %dma_start3A_2348 = tpu.memref_slice %arg6[%dma_start3A_2345, %dma_start3A_2346, %dma_start3A_2347] : memref<2x2x512xf32, #tpu.memory_space<vmem>> -> memref<1x1x128xf32, #tpu.memory_space<vmem>>
      %dma_start3A_2349 = tpu.memref_squeeze %dma_start3A_2348 : memref<1x1x128xf32, #tpu.memory_space<vmem>> -> memref<128xf32, #tpu.memory_space<vmem>>
      %dma_start3A_2350 = arith.constant 256 : i32
      %dma_start3A_2351 = tpu.memref_slice %arg5[%dma_start3A_2343, %dma_start3A_2344, %dma_start3A_2350] : memref<2x2x512xi32, #tpu.memory_space<vmem>> -> memref<1x1x128xi32, #tpu.memory_space<vmem>>
      %dma_start3A_2352 = tpu.memref_squeeze %dma_start3A_2351 : memref<1x1x128xi32, #tpu.memory_space<vmem>> -> memref<128xi32, #tpu.memory_space<vmem>>
      %dma_start3A_2353 = arith.constant 0 : i32
      %dma_start3A_2354 = tpu.memref_slice %arg8[%dma_start3A_2353] : memref<1015808xf32, #tpu.memory_space<vmem_shared>> -> memref<1015808xf32, #tpu.memory_space<vmem_shared>>
      tpu.enqueue_indirect_dma source(%dma_start3A_2354 : memref<1015808xf32, #tpu.memory_space<vmem_shared>>) target(%dma_start3A_2349 : memref<128xf32, #tpu.memory_space<vmem>>) offsets(%dma_start3A_2352 : memref<128xi32, #tpu.memory_space<vmem>>) semaphore(%arg9 : memref<!tpu.dma_semaphore, #tpu.memory_space<semaphore_mem>>)
      %dma_start3A_2355 = arith.constant 1 : i32
      %dma_start3A_2356 = arith.constant 0 : i32
      %dma_start3A_2357 = arith.constant 1 : i32
      %dma_start3A_2358 = arith.constant 0 : i32
      %dma_start3A_2359 = arith.constant 384 : i32
      %dma_start3A_2360 = tpu.memref_slice %arg6[%dma_start3A_2357, %dma_start3A_2358, %dma_start3A_2359] : memref<2x2x512xf32, #tpu.memory_space<vmem>> -> memref<1x1x128xf32, #tpu.memory_space<vmem>>
      %dma_start3A_2361 = tpu.memref_squeeze %dma_start3A_2360 : memref<1x1x128xf32, #tpu.memory_space<vmem>> -> memref<128xf32, #tpu.memory_space<vmem>>
      %dma_start3A_2362 = arith.constant 384 : i32
      %dma_start3A_2363 = tpu.memref_slice %arg5[%dma_start3A_2355, %dma_start3A_2356, %dma_start3A_2362] : memref<2x2x512xi32, #tpu.memory_space<vmem>> -> memref<1x1x128xi32, #tpu.memory_space<vmem>>
      %dma_start3A_2364 = tpu.memref_squeeze %dma_start3A_2363 : memref<1x1x128xi32, #tpu.memory_space<vmem>> -> memref<128xi32, #tpu.memory_space<vmem>>
      %dma_start3A_2365 = arith.constant 0 : i32
      %dma_start3A_2366 = tpu.memref_slice %arg8[%dma_start3A_2365] : memref<1015808xf32, #tpu.memory_space<vmem_shared>> -> memref<1015808xf32, #tpu.memory_space<vmem_shared>>
      tpu.enqueue_indirect_dma source(%dma_start3A_2366 : memref<1015808xf32, #tpu.memory_space<vmem_shared>>) target(%dma_start3A_2361 : memref<128xf32, #tpu.memory_space<vmem>>) offsets(%dma_start3A_2364 : memref<128xi32, #tpu.memory_space<vmem>>) semaphore(%arg9 : memref<!tpu.dma_semaphore, #tpu.memory_space<semaphore_mem>>)
      %dma_start3A_2367 = arith.constant 1 : i32
      %dma_start3A_2368 = arith.constant 1 : i32
      %dma_start3A_2369 = arith.constant 1 : i32
      %dma_start3A_2370 = arith.constant 1 : i32
      %dma_start3A_2371 = arith.constant 0 : i32
      %dma_start3A_2372 = tpu.memref_slice %arg6[%dma_start3A_2369, %dma_start3A_2370, %dma_start3A_2371] : memref<2x2x512xf32, #tpu.memory_space<vmem>> -> memref<1x1x128xf32, #tpu.memory_space<vmem>>
      %dma_start3A_2373 = tpu.memref_squeeze %dma_start3A_2372 : memref<1x1x128xf32, #tpu.memory_space<vmem>> -> memref<128xf32, #tpu.memory_space<vmem>>
      %dma_start3A_2374 = arith.constant 0 : i32
      %dma_start3A_2375 = tpu.memref_slice %arg5[%dma_start3A_2367, %dma_start3A_2368, %dma_start3A_2374] : memref<2x2x512xi32, #tpu.memory_space<vmem>> -> memref<1x1x128xi32, #tpu.memory_space<vmem>>
      %dma_start3A_2376 = tpu.memref_squeeze %dma_start3A_2375 : memref<1x1x128xi32, #tpu.memory_space<vmem>> -> memref<128xi32, #tpu.memory_space<vmem>>
      %dma_start3A_2377 = arith.constant 0 : i32
      %dma_start3A_2378 = tpu.memref_slice %arg8[%dma_start3A_2377] : memref<1015808xf32, #tpu.memory_space<vmem_shared>> -> memref<1015808xf32, #tpu.memory_space<vmem_shared>>
      tpu.enqueue_indirect_dma source(%dma_start3A_2378 : memref<1015808xf32, #tpu.memory_space<vmem_shared>>) target(%dma_start3A_2373 : memref<128xf32, #tpu.memory_space<vmem>>) offsets(%dma_start3A_2376 : memref<128xi32, #tpu.memory_space<vmem>>) semaphore(%arg9 : memref<!tpu.dma_semaphore, #tpu.memory_space<semaphore_mem>>)
      %dma_start3A_2379 = arith.constant 1 : i32
      %dma_start3A_2380 = arith.constant 1 : i32
      %dma_start3A_2381 = arith.constant 1 : i32
      %dma_start3A_2382 = arith.constant 1 : i32
      %dma_start3A_2383 = arith.constant 128 : i32
      %dma_start3A_2384 = tpu.memref_slice %arg6[%dma_start3A_2381, %dma_start3A_2382, %dma_start3A_2383] : memref<2x2x512xf32, #tpu.memory_space<vmem>> -> memref<1x1x128xf32, #tpu.memory_space<vmem>>
      %dma_start3A_2385 = tpu.memref_squeeze %dma_start3A_2384 : memref<1x1x128xf32, #tpu.memory_space<vmem>> -> memref<128xf32, #tpu.memory_space<vmem>>
      %dma_start3A_2386 = arith.constant 128 : i32
      %dma_start3A_2387 = tpu.memref_slice %arg5[%dma_start3A_2379, %dma_start3A_2380, %dma_start3A_2386] : memref<2x2x512xi32, #tpu.memory_space<vmem>> -> memref<1x1x128xi32, #tpu.memory_space<vmem>>
      %dma_start3A_2388 = tpu.memref_squeeze %dma_start3A_2387 : memref<1x1x128xi32, #tpu.memory_space<vmem>> -> memref<128xi32, #tpu.memory_space<vmem>>
      %dma_start3A_2389 = arith.constant 0 : i32
      %dma_start3A_2390 = tpu.memref_slice %arg8[%dma_start3A_2389] : memref<1015808xf32, #tpu.memory_space<vmem_shared>> -> memref<1015808xf32, #tpu.memory_space<vmem_shared>>
      tpu.enqueue_indirect_dma source(%dma_start3A_2390 : memref<1015808xf32, #tpu.memory_space<vmem_shared>>) target(%dma_start3A_2385 : memref<128xf32, #tpu.memory_space<vmem>>) offsets(%dma_start3A_2388 : memref<128xi32, #tpu.memory_space<vmem>>) semaphore(%arg9 : memref<!tpu.dma_semaphore, #tpu.memory_space<semaphore_mem>>)
      %dma_start3A_2391 = arith.constant 1 : i32
      %dma_start3A_2392 = arith.constant 1 : i32
      %dma_start3A_2393 = arith.constant 1 : i32
      %dma_start3A_2394 = arith.constant 1 : i32
      %dma_start3A_2395 = arith.constant 256 : i32
      %dma_start3A_2396 = tpu.memref_slice %arg6[%dma_start3A_2393, %dma_start3A_2394, %dma_start3A_2395] : memref<2x2x512xf32, #tpu.memory_space<vmem>> -> memref<1x1x128xf32, #tpu.memory_space<vmem>>
      %dma_start3A_2397 = tpu.memref_squeeze %dma_start3A_2396 : memref<1x1x128xf32, #tpu.memory_space<vmem>> -> memref<128xf32, #tpu.memory_space<vmem>>
      %dma_start3A_2398 = arith.constant 256 : i32
      %dma_start3A_2399 = tpu.memref_slice %arg5[%dma_start3A_2391, %dma_start3A_2392, %dma_start3A_2398] : memref<2x2x512xi32, #tpu.memory_space<vmem>> -> memref<1x1x128xi32, #tpu.memory_space<vmem>>
      %dma_start3A_2400 = tpu.memref_squeeze %dma_start3A_2399 : memref<1x1x128xi32, #tpu.memory_space<vmem>> -> memref<128xi32, #tpu.memory_space<vmem>>
      %dma_start3A_2401 = arith.constant 0 : i32
      %dma_start3A_2402 = tpu.memref_slice %arg8[%dma_start3A_2401] : memref<1015808xf32, #tpu.memory_space<vmem_shared>> -> memref<1015808xf32, #tpu.memory_space<vmem_shared>>
      tpu.enqueue_indirect_dma source(%dma_start3A_2402 : memref<1015808xf32, #tpu.memory_space<vmem_shared>>) target(%dma_start3A_2397 : memref<128xf32, #tpu.memory_space<vmem>>) offsets(%dma_start3A_2400 : memref<128xi32, #tpu.memory_space<vmem>>) semaphore(%arg9 : memref<!tpu.dma_semaphore, #tpu.memory_space<semaphore_mem>>)
      %dma_start3A_2403 = arith.constant 1 : i32
      %dma_start3A_2404 = arith.constant 1 : i32
      %dma_start3A_2405 = arith.constant 1 : i32
      %dma_start3A_2406 = arith.constant 1 : i32
      %dma_start3A_2407 = arith.constant 384 : i32
      %dma_start3A_2408 = tpu.memref_slice %arg6[%dma_start3A_2405, %dma_start3A_2406, %dma_start3A_2407] : memref<2x2x512xf32, #tpu.memory_space<vmem>> -> memref<1x1x128xf32, #tpu.memory_space<vmem>>
      %dma_start3A_2409 = tpu.memref_squeeze %dma_start3A_2408 : memref<1x1x128xf32, #tpu.memory_space<vmem>> -> memref<128xf32, #tpu.memory_space<vmem>>
      %dma_start3A_2410 = arith.constant 384 : i32
      %dma_start3A_2411 = tpu.memref_slice %arg5[%dma_start3A_2403, %dma_start3A_2404, %dma_start3A_2410] : memref<2x2x512xi32, #tpu.memory_space<vmem>> -> memref<1x1x128xi32, #tpu.memory_space<vmem>>
      %dma_start3A_2412 = tpu.memref_squeeze %dma_start3A_2411 : memref<1x1x128xi32, #tpu.memory_space<vmem>> -> memref<128xi32, #tpu.memory_space<vmem>>
      %dma_start3A_2413 = arith.constant 0 : i32
      %dma_start3A_2414 = tpu.memref_slice %arg8[%dma_start3A_2413] : memref<1015808xf32, #tpu.memory_space<vmem_shared>> -> memref<1015808xf32, #tpu.memory_space<vmem_shared>>
      tpu.enqueue_indirect_dma source(%dma_start3A_2414 : memref<1015808xf32, #tpu.memory_space<vmem_shared>>) target(%dma_start3A_2409 : memref<128xf32, #tpu.memory_space<vmem>>) offsets(%dma_start3A_2412 : memref<128xi32, #tpu.memory_space<vmem>>) semaphore(%arg9 : memref<!tpu.dma_semaphore, #tpu.memory_space<semaphore_mem>>)
      %add3A_2415 = arith.constant 2 : i32
      %add3A_2416 = arith.addi %mul3A_2207, %add3A_2415 : i32
      %mul3A_2417 = arith.constant 2 : i32
      %mul3A_2418 = arith.muli %add3A_2416, %mul3A_2417 : i32
      %dma_start3A_2419 = arith.constant 0 : i32
      %dma_start3A_2420 = arith.constant 0 : i32
      %dma_start3A_2421 = arith.constant 0 : i32
      %dma_start3A_2422 = tpu.memref_slice %arg5[%dma_start3A_2419, %dma_start3A_2420, %dma_start3A_2421] : memref<2x2x512xi32, #tpu.memory_space<vmem>> -> memref<1x2x512xi32, #tpu.memory_space<vmem>>
      %dma_start3A_2423 = tpu.memref_squeeze %dma_start3A_2422 : memref<1x2x512xi32, #tpu.memory_space<vmem>> -> memref<2x512xi32, #tpu.memory_space<vmem>>
      %dma_start3A_2424 = tpu.memref_slice %arg2[%mul3A_2418, %mul3A_2] : memref<200x16384xi32, #tpu.memory_space<hbm>> -> memref<2x512xi32, #tpu.memory_space<hbm>>
      %dma_start3A_2425 = arith.constant 0 : i32
      %dma_start3A_2426 = arith.constant 0 : i32
      %dma_start3A_2427 = tpu.memref_slice %arg5[%dma_start3A_2419, %dma_start3A_2425, %dma_start3A_2426] : memref<2x2x512xi32, #tpu.memory_space<vmem>> -> memref<1x2x512xi32, #tpu.memory_space<vmem>>
      %dma_start3A_2428 = tpu.memref_squeeze %dma_start3A_2427 : memref<1x2x512xi32, #tpu.memory_space<vmem>> -> memref<2x512xi32, #tpu.memory_space<vmem>>
      %dma_start3A_2429 = tpu.memref_slice %arg2[%mul3A_2418, %mul3A_2] : memref<200x16384xi32, #tpu.memory_space<hbm>> -> memref<2x512xi32, #tpu.memory_space<hbm>>
      tpu.enqueue_dma source(%dma_start3A_2429 : memref<2x512xi32, #tpu.memory_space<hbm>>) target(%dma_start3A_2428 : memref<2x512xi32, #tpu.memory_space<vmem>>) target_semaphore(%arg10 : memref<!tpu.dma_semaphore, #tpu.memory_space<semaphore_mem>>)
      %get3A_2430 = arith.constant 0 : index
      %get3A_2431 = tpu.vector_load %arg7[%get3A_2430] {strides = array<i32>} : memref<512xf32, #tpu.memory_space<vmem>>, vector<16xf32>,
      %get3A_2432 = arith.constant 0 : i32
      %get3A_2433 = arith.constant 0 : i32
      %get3A_2434 = arith.index_cast %get3A_2432 : i32 to index
      %get3A_2435 = arith.index_cast %get3A_2433 : i32 to index
      %get3A_2436 = arith.constant 0 : index
      %get3A_2437 = tpu.vector_load %arg6[%get3A_2434, %get3A_2435, %get3A_2436] {strides = array<i32>} : memref<2x2x512xf32, #tpu.memory_space<vmem>>, vector<16xf32>,
      %add3A_2438 = arith.addf %get3A_2431, %get3A_2437 : vector<16xf32>
      %get3A_2439 = arith.constant 0 : i32
      %get3A_2440 = arith.constant 1 : i32
      %get3A_2441 = arith.index_cast %get3A_2439 : i32 to index
      %get3A_2442 = arith.index_cast %get3A_2440 : i32 to index
      %get3A_2443 = arith.constant 0 : index
      %get3A_2444 = tpu.vector_load %arg6[%get3A_2441, %get3A_2442, %get3A_2443] {strides = array<i32>} : memref<2x2x512xf32, #tpu.memory_space<vmem>>, vector<16xf32>,
      %add3A_2445 = arith.addf %add3A_2438, %get3A_2444 : vector<16xf32>
      %swap3A_2446 = arith.constant 0 : index
      %swap3A_2447 = tpu.vector_load %arg7[%swap3A_2446] {strides = array<i32>} : memref<512xf32, #tpu.memory_space<vmem>>, vector<16xf32>,
      tpu.vector_store %arg7[%swap3A_2446], %add3A_2445 {strides = array<i32>} : memref<512xf32, #tpu.memory_space<vmem>>, vector<16xf32>,
      %get3A_2448 = arith.constant 16 : index
      %get3A_2449 = tpu.vector_load %arg7[%get3A_2448] {strides = array<i32>} : memref<512xf32, #tpu.memory_space<vmem>>, vector<16xf32>,
      %get3A_2450 = arith.constant 0 : i32
      %get3A_2451 = arith.constant 0 : i32
      %get3A_2452 = arith.index_cast %get3A_2450 : i32 to index
      %get3A_2453 = arith.index_cast %get3A_2451 : i32 to index
      %get3A_2454 = arith.constant 16 : index
      %get3A_2455 = tpu.vector_load %arg6[%get3A_2452, %get3A_2453, %get3A_2454] {strides = array<i32>} : memref<2x2x512xf32, #tpu.memory_space<vmem>>, vector<16xf32>,
      %add3A_2456 = arith.addf %get3A_2449, %get3A_2455 : vector<16xf32>
      %get3A_2457 = arith.constant 0 : i32
      %get3A_2458 = arith.constant 1 : i32
      %get3A_2459 = arith.index_cast %get3A_2457 : i32 to index
      %get3A_2460 = arith.index_cast %get3A_2458 : i32 to index
      %get3A_2461 = arith.constant 16 : index
      %get3A_2462 = tpu.vector_load %arg6[%get3A_2459, %get3A_2460, %get3A_2461] {strides = array<i32>} : memref<2x2x512xf32, #tpu.memory_space<vmem>>, vector<16xf32>,
      %add3A_2463 = arith.addf %add3A_2456, %get3A_2462 : vector<16xf32>
      %swap3A_2464 = arith.constant 16 : index
      %swap3A_2465 = tpu.vector_load %arg7[%swap3A_2464] {strides = array<i32>} : memref<512xf32, #tpu.memory_space<vmem>>, vector<16xf32>,
      tpu.vector_store %arg7[%swap3A_2464], %add3A_2463 {strides = array<i32>} : memref<512xf32, #tpu.memory_space<vmem>>, vector<16xf32>,
      %get3A_2466 = arith.constant 32 : index
      %get3A_2467 = tpu.vector_load %arg7[%get3A_2466] {strides = array<i32>} : memref<512xf32, #tpu.memory_space<vmem>>, vector<16xf32>,
      %get3A_2468 = arith.constant 0 : i32
      %get3A_2469 = arith.constant 0 : i32
      %get3A_2470 = arith.index_cast %get3A_2468 : i32 to index
      %get3A_2471 = arith.index_cast %get3A_2469 : i32 to index
      %get3A_2472 = arith.constant 32 : index
      %get3A_2473 = tpu.vector_load %arg6[%get3A_2470, %get3A_2471, %get3A_2472] {strides = array<i32>} : memref<2x2x512xf32, #tpu.memory_space<vmem>>, vector<16xf32>,
      %add3A_2474 = arith.addf %get3A_2467, %get3A_2473 : vector<16xf32>
      %get3A_2475 = arith.constant 0 : i32
      %get3A_2476 = arith.constant 1 : i32
      %get3A_2477 = arith.index_cast %get3A_2475 : i32 to index
      %get3A_2478 = arith.index_cast %get3A_2476 : i32 to index
      %get3A_2479 = arith.constant 32 : index
      %get3A_2480 = tpu.vector_load %arg6[%get3A_2477, %get3A_2478, %get3A_2479] {strides = array<i32>} : memref<2x2x512xf32, #tpu.memory_space<vmem>>, vector<16xf32>,
      %add3A_2481 = arith.addf %add3A_2474, %get3A_2480 : vector<16xf32>
      %swap3A_2482 = arith.constant 32 : index
      %swap3A_2483 = tpu.vector_load %arg7[%swap3A_2482] {strides = array<i32>} : memref<512xf32, #tpu.memory_space<vmem>>, vector<16xf32>,
      tpu.vector_store %arg7[%swap3A_2482], %add3A_2481 {strides = array<i32>} : memref<512xf32, #tpu.memory_space<vmem>>, vector<16xf32>,
      %get3A_2484 = arith.constant 48 : index
      %get3A_2485 = tpu.vector_load %arg7[%get3A_2484] {strides = array<i32>} : memref<512xf32, #tpu.memory_space<vmem>>, vector<16xf32>,
      %get3A_2486 = arith.constant 0 : i32
      %get3A_2487 = arith.constant 0 : i32
      %get3A_2488 = arith.index_cast %get3A_2486 : i32 to index
      %get3A_2489 = arith.index_cast %get3A_2487 : i32 to index
      %get3A_2490 = arith.constant 48 : index
      %get3A_2491 = tpu.vector_load %arg6[%get3A_2488, %get3A_2489, %get3A_2490] {strides = array<i32>} : memref<2x2x512xf32, #tpu.memory_space<vmem>>, vector<16xf32>,
      %add3A_2492 = arith.addf %get3A_2485, %get3A_2491 : vector<16xf32>
      %get3A_2493 = arith.constant 0 : i32
      %get3A_2494 = arith.constant 1 : i32
      %get3A_2495 = arith.index_cast %get3A_2493 : i32 to index
      %get3A_2496 = arith.index_cast %get3A_2494 : i32 to index
      %get3A_2497 = arith.constant 48 : index
      %get3A_2498 = tpu.vector_load %arg6[%get3A_2495, %get3A_2496, %get3A_2497] {strides = array<i32>} : memref<2x2x512xf32, #tpu.memory_space<vmem>>, vector<16xf32>,
      %add3A_2499 = arith.addf %add3A_2492, %get3A_2498 : vector<16xf32>
      %swap3A_2500 = arith.constant 48 : index
      %swap3A_2501 = tpu.vector_load %arg7[%swap3A_2500] {strides = array<i32>} : memref<512xf32, #tpu.memory_space<vmem>>, vector<16xf32>,
      tpu.vector_store %arg7[%swap3A_2500], %add3A_2499 {strides = array<i32>} : memref<512xf32, #tpu.memory_space<vmem>>, vector<16xf32>,
      %get3A_2502 = arith.constant 64 : index
      %get3A_2503 = tpu.vector_load %arg7[%get3A_2502] {strides = array<i32>} : memref<512xf32, #tpu.memory_space<vmem>>, vector<16xf32>,
      %get3A_2504 = arith.constant 0 : i32
      %get3A_2505 = arith.constant 0 : i32
      %get3A_2506 = arith.index_cast %get3A_2504 : i32 to index
      %get3A_2507 = arith.index_cast %get3A_2505 : i32 to index
      %get3A_2508 = arith.constant 64 : index
      %get3A_2509 = tpu.vector_load %arg6[%get3A_2506, %get3A_2507, %get3A_2508] {strides = array<i32>} : memref<2x2x512xf32, #tpu.memory_space<vmem>>, vector<16xf32>,
      %add3A_2510 = arith.addf %get3A_2503, %get3A_2509 : vector<16xf32>
      %get3A_2511 = arith.constant 0 : i32
      %get3A_2512 = arith.constant 1 : i32
      %get3A_2513 = arith.index_cast %get3A_2511 : i32 to index
      %get3A_2514 = arith.index_cast %get3A_2512 : i32 to index
      %get3A_2515 = arith.constant 64 : index
      %get3A_2516 = tpu.vector_load %arg6[%get3A_2513, %get3A_2514, %get3A_2515] {strides = array<i32>} : memref<2x2x512xf32, #tpu.memory_space<vmem>>, vector<16xf32>,
      %add3A_2517 = arith.addf %add3A_2510, %get3A_2516 : vector<16xf32>
      %swap3A_2518 = arith.constant 64 : index
      %swap3A_2519 = tpu.vector_load %arg7[%swap3A_2518] {strides = array<i32>} : memref<512xf32, #tpu.memory_space<vmem>>, vector<16xf32>,
      tpu.vector_store %arg7[%swap3A_2518], %add3A_2517 {strides = array<i32>} : memref<512xf32, #tpu.memory_space<vmem>>, vector<16xf32>,
      %get3A_2520 = arith.constant 80 : index
      %get3A_2521 = tpu.vector_load %arg7[%get3A_2520] {strides = array<i32>} : memref<512xf32, #tpu.memory_space<vmem>>, vector<16xf32>,
      %get3A_2522 = arith.constant 0 : i32
      %get3A_2523 = arith.constant 0 : i32
      %get3A_2524 = arith.index_cast %get3A_2522 : i32 to index
      %get3A_2525 = arith.index_cast %get3A_2523 : i32 to index
      %get3A_2526 = arith.constant 80 : index
      %get3A_2527 = tpu.vector_load %arg6[%get3A_2524, %get3A_2525, %get3A_2526] {strides = array<i32>} : memref<2x2x512xf32, #tpu.memory_space<vmem>>, vector<16xf32>,
      %add3A_2528 = arith.addf %get3A_2521, %get3A_2527 : vector<16xf32>
      %get3A_2529 = arith.constant 0 : i32
      %get3A_2530 = arith.constant 1 : i32
      %get3A_2531 = arith.index_cast %get3A_2529 : i32 to index
      %get3A_2532 = arith.index_cast %get3A_2530 : i32 to index
      %get3A_2533 = arith.constant 80 : index
      %get3A_2534 = tpu.vector_load %arg6[%get3A_2531, %get3A_2532, %get3A_2533] {strides = array<i32>} : memref<2x2x512xf32, #tpu.memory_space<vmem>>, vector<16xf32>,
      %add3A_2535 = arith.addf %add3A_2528, %get3A_2534 : vector<16xf32>
      %swap3A_2536 = arith.constant 80 : index
      %swap3A_2537 = tpu.vector_load %arg7[%swap3A_2536] {strides = array<i32>} : memref<512xf32, #tpu.memory_space<vmem>>, vector<16xf32>,
      tpu.vector_store %arg7[%swap3A_2536], %add3A_2535 {strides = array<i32>} : memref<512xf32, #tpu.memory_space<vmem>>, vector<16xf32>,
      %get3A_2538 = arith.constant 96 : index
      %get3A_2539 = tpu.vector_load %arg7[%get3A_2538] {strides = array<i32>} : memref<512xf32, #tpu.memory_space<vmem>>, vector<16xf32>,
      %get3A_2540 = arith.constant 0 : i32
      %get3A_2541 = arith.constant 0 : i32
      %get3A_2542 = arith.index_cast %get3A_2540 : i32 to index
      %get3A_2543 = arith.index_cast %get3A_2541 : i32 to index
      %get3A_2544 = arith.constant 96 : index
      %get3A_2545 = tpu.vector_load %arg6[%get3A_2542, %get3A_2543, %get3A_2544] {strides = array<i32>} : memref<2x2x512xf32, #tpu.memory_space<vmem>>, vector<16xf32>,
      %add3A_2546 = arith.addf %get3A_2539, %get3A_2545 : vector<16xf32>
      %get3A_2547 = arith.constant 0 : i32
      %get3A_2548 = arith.constant 1 : i32
      %get3A_2549 = arith.index_cast %get3A_2547 : i32 to index
      %get3A_2550 = arith.index_cast %get3A_2548 : i32 to index
      %get3A_2551 = arith.constant 96 : index
      %get3A_2552 = tpu.vector_load %arg6[%get3A_2549, %get3A_2550, %get3A_2551] {strides = array<i32>} : memref<2x2x512xf32, #tpu.memory_space<vmem>>, vector<16xf32>,
      %add3A_2553 = arith.addf %add3A_2546, %get3A_2552 : vector<16xf32>
      %swap3A_2554 = arith.constant 96 : index
      %swap3A_2555 = tpu.vector_load %arg7[%swap3A_2554] {strides = array<i32>} : memref<512xf32, #tpu.memory_space<vmem>>, vector<16xf32>,
      tpu.vector_store %arg7[%swap3A_2554], %add3A_2553 {strides = array<i32>} : memref<512xf32, #tpu.memory_space<vmem>>, vector<16xf32>,
      %get3A_2556 = arith.constant 112 : index
      %get3A_2557 = tpu.vector_load %arg7[%get3A_2556] {strides = array<i32>} : memref<512xf32, #tpu.memory_space<vmem>>, vector<16xf32>,
      %get3A_2558 = arith.constant 0 : i32
      %get3A_2559 = arith.constant 0 : i32
      %get3A_2560 = arith.index_cast %get3A_2558 : i32 to index
      %get3A_2561 = arith.index_cast %get3A_2559 : i32 to index
      %get3A_2562 = arith.constant 112 : index
      %get3A_2563 = tpu.vector_load %arg6[%get3A_2560, %get3A_2561, %get3A_2562] {strides = array<i32>} : memref<2x2x512xf32, #tpu.memory_space<vmem>>, vector<16xf32>,
      %add3A_2564 = arith.addf %get3A_2557, %get3A_2563 : vector<16xf32>
      %get3A_2565 = arith.constant 0 : i32
      %get3A_2566 = arith.constant 1 : i32
      %get3A_2567 = arith.index_cast %get3A_2565 : i32 to index
      %get3A_2568 = arith.index_cast %get3A_2566 : i32 to index
      %get3A_2569 = arith.constant 112 : index
      %get3A_2570 = tpu.vector_load %arg6[%get3A_2567, %get3A_2568, %get3A_2569] {strides = array<i32>} : memref<2x2x512xf32, #tpu.memory_space<vmem>>, vector<16xf32>,
      %add3A_2571 = arith.addf %add3A_2564, %get3A_2570 : vector<16xf32>
      %swap3A_2572 = arith.constant 112 : index
      %swap3A_2573 = tpu.vector_load %arg7[%swap3A_2572] {strides = array<i32>} : memref<512xf32, #tpu.memory_space<vmem>>, vector<16xf32>,
      tpu.vector_store %arg7[%swap3A_2572], %add3A_2571 {strides = array<i32>} : memref<512xf32, #tpu.memory_space<vmem>>, vector<16xf32>,
      %get3A_2574 = arith.constant 128 : index
      %get3A_2575 = tpu.vector_load %arg7[%get3A_2574] {strides = array<i32>} : memref<512xf32, #tpu.memory_space<vmem>>, vector<16xf32>,
      %get3A_2576 = arith.constant 0 : i32
      %get3A_2577 = arith.constant 0 : i32
      %get3A_2578 = arith.index_cast %get3A_2576 : i32 to index
      %get3A_2579 = arith.index_cast %get3A_2577 : i32 to index
      %get3A_2580 = arith.constant 128 : index
      %get3A_2581 = tpu.vector_load %arg6[%get3A_2578, %get3A_2579, %get3A_2580] {strides = array<i32>} : memref<2x2x512xf32, #tpu.memory_space<vmem>>, vector<16xf32>,
      %add3A_2582 = arith.addf %get3A_2575, %get3A_2581 : vector<16xf32>
      %get3A_2583 = arith.constant 0 : i32
      %get3A_2584 = arith.constant 1 : i32
      %get3A_2585 = arith.index_cast %get3A_2583 : i32 to index
      %get3A_2586 = arith.index_cast %get3A_2584 : i32 to index
      %get3A_2587 = arith.constant 128 : index
      %get3A_2588 = tpu.vector_load %arg6[%get3A_2585, %get3A_2586, %get3A_2587] {strides = array<i32>} : memref<2x2x512xf32, #tpu.memory_space<vmem>>, vector<16xf32>,
      %add3A_2589 = arith.addf %add3A_2582, %get3A_2588 : vector<16xf32>
      %swap3A_2590 = arith.constant 128 : index
      %swap3A_2591 = tpu.vector_load %arg7[%swap3A_2590] {strides = array<i32>} : memref<512xf32, #tpu.memory_space<vmem>>, vector<16xf32>,
      tpu.vector_store %arg7[%swap3A_2590], %add3A_2589 {strides = array<i32>} : memref<512xf32, #tpu.memory_space<vmem>>, vector<16xf32>,
      %get3A_2592 = arith.constant 144 : index
      %get3A_2593 = tpu.vector_load %arg7[%get3A_2592] {strides = array<i32>} : memref<512xf32, #tpu.memory_space<vmem>>, vector<16xf32>,
      %get3A_2594 = arith.constant 0 : i32
      %get3A_2595 = arith.constant 0 : i32
      %get3A_2596 = arith.index_cast %get3A_2594 : i32 to index
      %get3A_2597 = arith.index_cast %get3A_2595 : i32 to index
      %get3A_2598 = arith.constant 144 : index
      %get3A_2599 = tpu.vector_load %arg6[%get3A_2596, %get3A_2597, %get3A_2598] {strides = array<i32>} : memref<2x2x512xf32, #tpu.memory_space<vmem>>, vector<16xf32>,
      %add3A_2600 = arith.addf %get3A_2593, %get3A_2599 : vector<16xf32>
      %get3A_2601 = arith.constant 0 : i32
      %get3A_2602 = arith.constant 1 : i32
      %get3A_2603 = arith.index_cast %get3A_2601 : i32 to index
      %get3A_2604 = arith.index_cast %get3A_2602 : i32 to index
      %get3A_2605 = arith.constant 144 : index
      %get3A_2606 = tpu.vector_load %arg6[%get3A_2603, %get3A_2604, %get3A_2605] {strides = array<i32>} : memref<2x2x512xf32, #tpu.memory_space<vmem>>, vector<16xf32>,
      %add3A_2607 = arith.addf %add3A_2600, %get3A_2606 : vector<16xf32>
      %swap3A_2608 = arith.constant 144 : index
      %swap3A_2609 = tpu.vector_load %arg7[%swap3A_2608] {strides = array<i32>} : memref<512xf32, #tpu.memory_space<vmem>>, vector<16xf32>,
      tpu.vector_store %arg7[%swap3A_2608], %add3A_2607 {strides = array<i32>} : memref<512xf32, #tpu.memory_space<vmem>>, vector<16xf32>,
      %get3A_2610 = arith.constant 160 : index
      %get3A_2611 = tpu.vector_load %arg7[%get3A_2610] {strides = array<i32>} : memref<512xf32, #tpu.memory_space<vmem>>, vector<16xf32>,
      %get3A_2612 = arith.constant 0 : i32
      %get3A_2613 = arith.constant 0 : i32
      %get3A_2614 = arith.index_cast %get3A_2612 : i32 to index
      %get3A_2615 = arith.index_cast %get3A_2613 : i32 to index
      %get3A_2616 = arith.constant 160 : index
      %get3A_2617 = tpu.vector_load %arg6[%get3A_2614, %get3A_2615, %get3A_2616] {strides = array<i32>} : memref<2x2x512xf32, #tpu.memory_space<vmem>>, vector<16xf32>,
      %add3A_2618 = arith.addf %get3A_2611, %get3A_2617 : vector<16xf32>
      %get3A_2619 = arith.constant 0 : i32
      %get3A_2620 = arith.constant 1 : i32
      %get3A_2621 = arith.index_cast %get3A_2619 : i32 to index
      %get3A_2622 = arith.index_cast %get3A_2620 : i32 to index
      %get3A_2623 = arith.constant 160 : index
      %get3A_2624 = tpu.vector_load %arg6[%get3A_2621, %get3A_2622, %get3A_2623] {strides = array<i32>} : memref<2x2x512xf32, #tpu.memory_space<vmem>>, vector<16xf32>,
      %add3A_2625 = arith.addf %add3A_2618, %get3A_2624 : vector<16xf32>
      %swap3A_2626 = arith.constant 160 : index
      %swap3A_2627 = tpu.vector_load %arg7[%swap3A_2626] {strides = array<i32>} : memref<512xf32, #tpu.memory_space<vmem>>, vector<16xf32>,
      tpu.vector_store %arg7[%swap3A_2626], %add3A_2625 {strides = array<i32>} : memref<512xf32, #tpu.memory_space<vmem>>, vector<16xf32>,
      %get3A_2628 = arith.constant 176 : index
      %get3A_2629 = tpu.vector_load %arg7[%get3A_2628] {strides = array<i32>} : memref<512xf32, #tpu.memory_space<vmem>>, vector<16xf32>,
      %get3A_2630 = arith.constant 0 : i32
      %get3A_2631 = arith.constant 0 : i32
      %get3A_2632 = arith.index_cast %get3A_2630 : i32 to index
      %get3A_2633 = arith.index_cast %get3A_2631 : i32 to index
      %get3A_2634 = arith.constant 176 : index
      %get3A_2635 = tpu.vector_load %arg6[%get3A_2632, %get3A_2633, %get3A_2634] {strides = array<i32>} : memref<2x2x512xf32, #tpu.memory_space<vmem>>, vector<16xf32>,
      %add3A_2636 = arith.addf %get3A_2629, %get3A_2635 : vector<16xf32>
      %get3A_2637 = arith.constant 0 : i32
      %get3A_2638 = arith.constant 1 : i32
      %get3A_2639 = arith.index_cast %get3A_2637 : i32 to index
      %get3A_2640 = arith.index_cast %get3A_2638 : i32 to index
      %get3A_2641 = arith.constant 176 : index
      %get3A_2642 = tpu.vector_load %arg6[%get3A_2639, %get3A_2640, %get3A_2641] {strides = array<i32>} : memref<2x2x512xf32, #tpu.memory_space<vmem>>, vector<16xf32>,
      %add3A_2643 = arith.addf %add3A_2636, %get3A_2642 : vector<16xf32>
      %swap3A_2644 = arith.constant 176 : index
      %swap3A_2645 = tpu.vector_load %arg7[%swap3A_2644] {strides = array<i32>} : memref<512xf32, #tpu.memory_space<vmem>>, vector<16xf32>,
      tpu.vector_store %arg7[%swap3A_2644], %add3A_2643 {strides = array<i32>} : memref<512xf32, #tpu.memory_space<vmem>>, vector<16xf32>,
      %get3A_2646 = arith.constant 192 : index
      %get3A_2647 = tpu.vector_load %arg7[%get3A_2646] {strides = array<i32>} : memref<512xf32, #tpu.memory_space<vmem>>, vector<16xf32>,
      %get3A_2648 = arith.constant 0 : i32
      %get3A_2649 = arith.constant 0 : i32
      %get3A_2650 = arith.index_cast %get3A_2648 : i32 to index
      %get3A_2651 = arith.index_cast %get3A_2649 : i32 to index
      %get3A_2652 = arith.constant 192 : index
      %get3A_2653 = tpu.vector_load %arg6[%get3A_2650, %get3A_2651, %get3A_2652] {strides = array<i32>} : memref<2x2x512xf32, #tpu.memory_space<vmem>>, vector<16xf32>,
      %add3A_2654 = arith.addf %get3A_2647, %get3A_2653 : vector<16xf32>
      %get3A_2655 = arith.constant 0 : i32
      %get3A_2656 = arith.constant 1 : i32
      %get3A_2657 = arith.index_cast %get3A_2655 : i32 to index
      %get3A_2658 = arith.index_cast %get3A_2656 : i32 to index
      %get3A_2659 = arith.constant 192 : index
      %get3A_2660 = tpu.vector_load %arg6[%get3A_2657, %get3A_2658, %get3A_2659] {strides = array<i32>} : memref<2x2x512xf32, #tpu.memory_space<vmem>>, vector<16xf32>,
      %add3A_2661 = arith.addf %add3A_2654, %get3A_2660 : vector<16xf32>
      %swap3A_2662 = arith.constant 192 : index
      %swap3A_2663 = tpu.vector_load %arg7[%swap3A_2662] {strides = array<i32>} : memref<512xf32, #tpu.memory_space<vmem>>, vector<16xf32>,
      tpu.vector_store %arg7[%swap3A_2662], %add3A_2661 {strides = array<i32>} : memref<512xf32, #tpu.memory_space<vmem>>, vector<16xf32>,
      %get3A_2664 = arith.constant 208 : index
      %get3A_2665 = tpu.vector_load %arg7[%get3A_2664] {strides = array<i32>} : memref<512xf32, #tpu.memory_space<vmem>>, vector<16xf32>,
      %get3A_2666 = arith.constant 0 : i32
      %get3A_2667 = arith.constant 0 : i32
      %get3A_2668 = arith.index_cast %get3A_2666 : i32 to index
      %get3A_2669 = arith.index_cast %get3A_2667 : i32 to index
      %get3A_2670 = arith.constant 208 : index
      %get3A_2671 = tpu.vector_load %arg6[%get3A_2668, %get3A_2669, %get3A_2670] {strides = array<i32>} : memref<2x2x512xf32, #tpu.memory_space<vmem>>, vector<16xf32>,
      %add3A_2672 = arith.addf %get3A_2665, %get3A_2671 : vector<16xf32>
      %get3A_2673 = arith.constant 0 : i32
      %get3A_2674 = arith.constant 1 : i32
      %get3A_2675 = arith.index_cast %get3A_2673 : i32 to index
      %get3A_2676 = arith.index_cast %get3A_2674 : i32 to index
      %get3A_2677 = arith.constant 208 : index
      %get3A_2678 = tpu.vector_load %arg6[%get3A_2675, %get3A_2676, %get3A_2677] {strides = array<i32>} : memref<2x2x512xf32, #tpu.memory_space<vmem>>, vector<16xf32>,
      %add3A_2679 = arith.addf %add3A_2672, %get3A_2678 : vector<16xf32>
      %swap3A_2680 = arith.constant 208 : index
      %swap3A_2681 = tpu.vector_load %arg7[%swap3A_2680] {strides = array<i32>} : memref<512xf32, #tpu.memory_space<vmem>>, vector<16xf32>,
      tpu.vector_store %arg7[%swap3A_2680], %add3A_2679 {strides = array<i32>} : memref<512xf32, #tpu.memory_space<vmem>>, vector<16xf32>,
      %get3A_2682 = arith.constant 224 : index
      %get3A_2683 = tpu.vector_load %arg7[%get3A_2682] {strides = array<i32>} : memref<512xf32, #tpu.memory_space<vmem>>, vector<16xf32>,
      %get3A_2684 = arith.constant 0 : i32
      %get3A_2685 = arith.constant 0 : i32
      %get3A_2686 = arith.index_cast %get3A_2684 : i32 to index
      %get3A_2687 = arith.index_cast %get3A_2685 : i32 to index
      %get3A_2688 = arith.constant 224 : index
      %get3A_2689 = tpu.vector_load %arg6[%get3A_2686, %get3A_2687, %get3A_2688] {strides = array<i32>} : memref<2x2x512xf32, #tpu.memory_space<vmem>>, vector<16xf32>,
      %add3A_2690 = arith.addf %get3A_2683, %get3A_2689 : vector<16xf32>
      %get3A_2691 = arith.constant 0 : i32
      %get3A_2692 = arith.constant 1 : i32
      %get3A_2693 = arith.index_cast %get3A_2691 : i32 to index
      %get3A_2694 = arith.index_cast %get3A_2692 : i32 to index
      %get3A_2695 = arith.constant 224 : index
      %get3A_2696 = tpu.vector_load %arg6[%get3A_2693, %get3A_2694, %get3A_2695] {strides = array<i32>} : memref<2x2x512xf32, #tpu.memory_space<vmem>>, vector<16xf32>,
      %add3A_2697 = arith.addf %add3A_2690, %get3A_2696 : vector<16xf32>
      %swap3A_2698 = arith.constant 224 : index
      %swap3A_2699 = tpu.vector_load %arg7[%swap3A_2698] {strides = array<i32>} : memref<512xf32, #tpu.memory_space<vmem>>, vector<16xf32>,
      tpu.vector_store %arg7[%swap3A_2698], %add3A_2697 {strides = array<i32>} : memref<512xf32, #tpu.memory_space<vmem>>, vector<16xf32>,
      %get3A_2700 = arith.constant 240 : index
      %get3A_2701 = tpu.vector_load %arg7[%get3A_2700] {strides = array<i32>} : memref<512xf32, #tpu.memory_space<vmem>>, vector<16xf32>,
      %get3A_2702 = arith.constant 0 : i32
      %get3A_2703 = arith.constant 0 : i32
      %get3A_2704 = arith.index_cast %get3A_2702 : i32 to index
      %get3A_2705 = arith.index_cast %get3A_2703 : i32 to index
      %get3A_2706 = arith.constant 240 : index
      %get3A_2707 = tpu.vector_load %arg6[%get3A_2704, %get3A_2705, %get3A_2706] {strides = array<i32>} : memref<2x2x512xf32, #tpu.memory_space<vmem>>, vector<16xf32>,
      %add3A_2708 = arith.addf %get3A_2701, %get3A_2707 : vector<16xf32>
      %get3A_2709 = arith.constant 0 : i32
      %get3A_2710 = arith.constant 1 : i32
      %get3A_2711 = arith.index_cast %get3A_2709 : i32 to index
      %get3A_2712 = arith.index_cast %get3A_2710 : i32 to index
      %get3A_2713 = arith.constant 240 : index
      %get3A_2714 = tpu.vector_load %arg6[%get3A_2711, %get3A_2712, %get3A_2713] {strides = array<i32>} : memref<2x2x512xf32, #tpu.memory_space<vmem>>, vector<16xf32>,
      %add3A_2715 = arith.addf %add3A_2708, %get3A_2714 : vector<16xf32>
      %swap3A_2716 = arith.constant 240 : index
      %swap3A_2717 = tpu.vector_load %arg7[%swap3A_2716] {strides = array<i32>} : memref<512xf32, #tpu.memory_space<vmem>>, vector<16xf32>,
      tpu.vector_store %arg7[%swap3A_2716], %add3A_2715 {strides = array<i32>} : memref<512xf32, #tpu.memory_space<vmem>>, vector<16xf32>,
      %get3A_2718 = arith.constant 256 : index
      %get3A_2719 = tpu.vector_load %arg7[%get3A_2718] {strides = array<i32>} : memref<512xf32, #tpu.memory_space<vmem>>, vector<16xf32>,
      %get3A_2720 = arith.constant 0 : i32
      %get3A_2721 = arith.constant 0 : i32
      %get3A_2722 = arith.index_cast %get3A_2720 : i32 to index
      %get3A_2723 = arith.index_cast %get3A_2721 : i32 to index
      %get3A_2724 = arith.constant 256 : index
      %get3A_2725 = tpu.vector_load %arg6[%get3A_2722, %get3A_2723, %get3A_2724] {strides = array<i32>} : memref<2x2x512xf32, #tpu.memory_space<vmem>>, vector<16xf32>,
      %add3A_2726 = arith.addf %get3A_2719, %get3A_2725 : vector<16xf32>
      %get3A_2727 = arith.constant 0 : i32
      %get3A_2728 = arith.constant 1 : i32
      %get3A_2729 = arith.index_cast %get3A_2727 : i32 to index
      %get3A_2730 = arith.index_cast %get3A_2728 : i32 to index
      %get3A_2731 = arith.constant 256 : index
      %get3A_2732 = tpu.vector_load %arg6[%get3A_2729, %get3A_2730, %get3A_2731] {strides = array<i32>} : memref<2x2x512xf32, #tpu.memory_space<vmem>>, vector<16xf32>,
      %add3A_2733 = arith.addf %add3A_2726, %get3A_2732 : vector<16xf32>
      %swap3A_2734 = arith.constant 256 : index
      %swap3A_2735 = tpu.vector_load %arg7[%swap3A_2734] {strides = array<i32>} : memref<512xf32, #tpu.memory_space<vmem>>, vector<16xf32>,
      tpu.vector_store %arg7[%swap3A_2734], %add3A_2733 {strides = array<i32>} : memref<512xf32, #tpu.memory_space<vmem>>, vector<16xf32>,
      %get3A_2736 = arith.constant 272 : index
      %get3A_2737 = tpu.vector_load %arg7[%get3A_2736] {strides = array<i32>} : memref<512xf32, #tpu.memory_space<vmem>>, vector<16xf32>,
      %get3A_2738 = arith.constant 0 : i32
      %get3A_2739 = arith.constant 0 : i32
      %get3A_2740 = arith.index_cast %get3A_2738 : i32 to index
      %get3A_2741 = arith.index_cast %get3A_2739 : i32 to index
      %get3A_2742 = arith.constant 272 : index
      %get3A_2743 = tpu.vector_load %arg6[%get3A_2740, %get3A_2741, %get3A_2742] {strides = array<i32>} : memref<2x2x512xf32, #tpu.memory_space<vmem>>, vector<16xf32>,
      %add3A_2744 = arith.addf %get3A_2737, %get3A_2743 : vector<16xf32>
      %get3A_2745 = arith.constant 0 : i32
      %get3A_2746 = arith.constant 1 : i32
      %get3A_2747 = arith.index_cast %get3A_2745 : i32 to index
      %get3A_2748 = arith.index_cast %get3A_2746 : i32 to index
      %get3A_2749 = arith.constant 272 : index
      %get3A_2750 = tpu.vector_load %arg6[%get3A_2747, %get3A_2748, %get3A_2749] {strides = array<i32>} : memref<2x2x512xf32, #tpu.memory_space<vmem>>, vector<16xf32>,
      %add3A_2751 = arith.addf %add3A_2744, %get3A_2750 : vector<16xf32>
      %swap3A_2752 = arith.constant 272 : index
      %swap3A_2753 = tpu.vector_load %arg7[%swap3A_2752] {strides = array<i32>} : memref<512xf32, #tpu.memory_space<vmem>>, vector<16xf32>,
      tpu.vector_store %arg7[%swap3A_2752], %add3A_2751 {strides = array<i32>} : memref<512xf32, #tpu.memory_space<vmem>>, vector<16xf32>,
      %get3A_2754 = arith.constant 288 : index
      %get3A_2755 = tpu.vector_load %arg7[%get3A_2754] {strides = array<i32>} : memref<512xf32, #tpu.memory_space<vmem>>, vector<16xf32>,
      %get3A_2756 = arith.constant 0 : i32
      %get3A_2757 = arith.constant 0 : i32
      %get3A_2758 = arith.index_cast %get3A_2756 : i32 to index
      %get3A_2759 = arith.index_cast %get3A_2757 : i32 to index
      %get3A_2760 = arith.constant 288 : index
      %get3A_2761 = tpu.vector_load %arg6[%get3A_2758, %get3A_2759, %get3A_2760] {strides = array<i32>} : memref<2x2x512xf32, #tpu.memory_space<vmem>>, vector<16xf32>,
      %add3A_2762 = arith.addf %get3A_2755, %get3A_2761 : vector<16xf32>
      %get3A_2763 = arith.constant 0 : i32
      %get3A_2764 = arith.constant 1 : i32
      %get3A_2765 = arith.index_cast %get3A_2763 : i32 to index
      %get3A_2766 = arith.index_cast %get3A_2764 : i32 to index
      %get3A_2767 = arith.constant 288 : index
      %get3A_2768 = tpu.vector_load %arg6[%get3A_2765, %get3A_2766, %get3A_2767] {strides = array<i32>} : memref<2x2x512xf32, #tpu.memory_space<vmem>>, vector<16xf32>,
      %add3A_2769 = arith.addf %add3A_2762, %get3A_2768 : vector<16xf32>
      %swap3A_2770 = arith.constant 288 : index
      %swap3A_2771 = tpu.vector_load %arg7[%swap3A_2770] {strides = array<i32>} : memref<512xf32, #tpu.memory_space<vmem>>, vector<16xf32>,
      tpu.vector_store %arg7[%swap3A_2770], %add3A_2769 {strides = array<i32>} : memref<512xf32, #tpu.memory_space<vmem>>, vector<16xf32>,
      %get3A_2772 = arith.constant 304 : index
      %get3A_2773 = tpu.vector_load %arg7[%get3A_2772] {strides = array<i32>} : memref<512xf32, #tpu.memory_space<vmem>>, vector<16xf32>,
      %get3A_2774 = arith.constant 0 : i32
      %get3A_2775 = arith.constant 0 : i32
      %get3A_2776 = arith.index_cast %get3A_2774 : i32 to index
      %get3A_2777 = arith.index_cast %get3A_2775 : i32 to index
      %get3A_2778 = arith.constant 304 : index
      %get3A_2779 = tpu.vector_load %arg6[%get3A_2776, %get3A_2777, %get3A_2778] {strides = array<i32>} : memref<2x2x512xf32, #tpu.memory_space<vmem>>, vector<16xf32>,
      %add3A_2780 = arith.addf %get3A_2773, %get3A_2779 : vector<16xf32>
      %get3A_2781 = arith.constant 0 : i32
      %get3A_2782 = arith.constant 1 : i32
      %get3A_2783 = arith.index_cast %get3A_2781 : i32 to index
      %get3A_2784 = arith.index_cast %get3A_2782 : i32 to index
      %get3A_2785 = arith.constant 304 : index
      %get3A_2786 = tpu.vector_load %arg6[%get3A_2783, %get3A_2784, %get3A_2785] {strides = array<i32>} : memref<2x2x512xf32, #tpu.memory_space<vmem>>, vector<16xf32>,
      %add3A_2787 = arith.addf %add3A_2780, %get3A_2786 : vector<16xf32>
      %swap3A_2788 = arith.constant 304 : index
      %swap3A_2789 = tpu.vector_load %arg7[%swap3A_2788] {strides = array<i32>} : memref<512xf32, #tpu.memory_space<vmem>>, vector<16xf32>,
      tpu.vector_store %arg7[%swap3A_2788], %add3A_2787 {strides = array<i32>} : memref<512xf32, #tpu.memory_space<vmem>>, vector<16xf32>,
      %get3A_2790 = arith.constant 320 : index
      %get3A_2791 = tpu.vector_load %arg7[%get3A_2790] {strides = array<i32>} : memref<512xf32, #tpu.memory_space<vmem>>, vector<16xf32>,
      %get3A_2792 = arith.constant 0 : i32
      %get3A_2793 = arith.constant 0 : i32
      %get3A_2794 = arith.index_cast %get3A_2792 : i32 to index
      %get3A_2795 = arith.index_cast %get3A_2793 : i32 to index
      %get3A_2796 = arith.constant 320 : index
      %get3A_2797 = tpu.vector_load %arg6[%get3A_2794, %get3A_2795, %get3A_2796] {strides = array<i32>} : memref<2x2x512xf32, #tpu.memory_space<vmem>>, vector<16xf32>,
      %add3A_2798 = arith.addf %get3A_2791, %get3A_2797 : vector<16xf32>
      %get3A_2799 = arith.constant 0 : i32
      %get3A_2800 = arith.constant 1 : i32
      %get3A_2801 = arith.index_cast %get3A_2799 : i32 to index
      %get3A_2802 = arith.index_cast %get3A_2800 : i32 to index
      %get3A_2803 = arith.constant 320 : index
      %get3A_2804 = tpu.vector_load %arg6[%get3A_2801, %get3A_2802, %get3A_2803] {strides = array<i32>} : memref<2x2x512xf32, #tpu.memory_space<vmem>>, vector<16xf32>,
      %add3A_2805 = arith.addf %add3A_2798, %get3A_2804 : vector<16xf32>
      %swap3A_2806 = arith.constant 320 : index
      %swap3A_2807 = tpu.vector_load %arg7[%swap3A_2806] {strides = array<i32>} : memref<512xf32, #tpu.memory_space<vmem>>, vector<16xf32>,
      tpu.vector_store %arg7[%swap3A_2806], %add3A_2805 {strides = array<i32>} : memref<512xf32, #tpu.memory_space<vmem>>, vector<16xf32>,
      %get3A_2808 = arith.constant 336 : index
      %get3A_2809 = tpu.vector_load %arg7[%get3A_2808] {strides = array<i32>} : memref<512xf32, #tpu.memory_space<vmem>>, vector<16xf32>,
      %get3A_2810 = arith.constant 0 : i32
      %get3A_2811 = arith.constant 0 : i32
      %get3A_2812 = arith.index_cast %get3A_2810 : i32 to index
      %get3A_2813 = arith.index_cast %get3A_2811 : i32 to index
      %get3A_2814 = arith.constant 336 : index
      %get3A_2815 = tpu.vector_load %arg6[%get3A_2812, %get3A_2813, %get3A_2814] {strides = array<i32>} : memref<2x2x512xf32, #tpu.memory_space<vmem>>, vector<16xf32>,
      %add3A_2816 = arith.addf %get3A_2809, %get3A_2815 : vector<16xf32>
      %get3A_2817 = arith.constant 0 : i32
      %get3A_2818 = arith.constant 1 : i32
      %get3A_2819 = arith.index_cast %get3A_2817 : i32 to index
      %get3A_2820 = arith.index_cast %get3A_2818 : i32 to index
      %get3A_2821 = arith.constant 336 : index
      %get3A_2822 = tpu.vector_load %arg6[%get3A_2819, %get3A_2820, %get3A_2821] {strides = array<i32>} : memref<2x2x512xf32, #tpu.memory_space<vmem>>, vector<16xf32>,
      %add3A_2823 = arith.addf %add3A_2816, %get3A_2822 : vector<16xf32>
      %swap3A_2824 = arith.constant 336 : index
      %swap3A_2825 = tpu.vector_load %arg7[%swap3A_2824] {strides = array<i32>} : memref<512xf32, #tpu.memory_space<vmem>>, vector<16xf32>,
      tpu.vector_store %arg7[%swap3A_2824], %add3A_2823 {strides = array<i32>} : memref<512xf32, #tpu.memory_space<vmem>>, vector<16xf32>,
      %get3A_2826 = arith.constant 352 : index
      %get3A_2827 = tpu.vector_load %arg7[%get3A_2826] {strides = array<i32>} : memref<512xf32, #tpu.memory_space<vmem>>, vector<16xf32>,
      %get3A_2828 = arith.constant 0 : i32
      %get3A_2829 = arith.constant 0 : i32
      %get3A_2830 = arith.index_cast %get3A_2828 : i32 to index
      %get3A_2831 = arith.index_cast %get3A_2829 : i32 to index
      %get3A_2832 = arith.constant 352 : index
      %get3A_2833 = tpu.vector_load %arg6[%get3A_2830, %get3A_2831, %get3A_2832] {strides = array<i32>} : memref<2x2x512xf32, #tpu.memory_space<vmem>>, vector<16xf32>,
      %add3A_2834 = arith.addf %get3A_2827, %get3A_2833 : vector<16xf32>
      %get3A_2835 = arith.constant 0 : i32
      %get3A_2836 = arith.constant 1 : i32
      %get3A_2837 = arith.index_cast %get3A_2835 : i32 to index
      %get3A_2838 = arith.index_cast %get3A_2836 : i32 to index
      %get3A_2839 = arith.constant 352 : index
      %get3A_2840 = tpu.vector_load %arg6[%get3A_2837, %get3A_2838, %get3A_2839] {strides = array<i32>} : memref<2x2x512xf32, #tpu.memory_space<vmem>>, vector<16xf32>,
      %add3A_2841 = arith.addf %add3A_2834, %get3A_2840 : vector<16xf32>
      %swap3A_2842 = arith.constant 352 : index
      %swap3A_2843 = tpu.vector_load %arg7[%swap3A_2842] {strides = array<i32>} : memref<512xf32, #tpu.memory_space<vmem>>, vector<16xf32>,
      tpu.vector_store %arg7[%swap3A_2842], %add3A_2841 {strides = array<i32>} : memref<512xf32, #tpu.memory_space<vmem>>, vector<16xf32>,
      %get3A_2844 = arith.constant 368 : index
      %get3A_2845 = tpu.vector_load %arg7[%get3A_2844] {strides = array<i32>} : memref<512xf32, #tpu.memory_space<vmem>>, vector<16xf32>,
      %get3A_2846 = arith.constant 0 : i32
      %get3A_2847 = arith.constant 0 : i32
      %get3A_2848 = arith.index_cast %get3A_2846 : i32 to index
      %get3A_2849 = arith.index_cast %get3A_2847 : i32 to index
      %get3A_2850 = arith.constant 368 : index
      %get3A_2851 = tpu.vector_load %arg6[%get3A_2848, %get3A_2849, %get3A_2850] {strides = array<i32>} : memref<2x2x512xf32, #tpu.memory_space<vmem>>, vector<16xf32>,
      %add3A_2852 = arith.addf %get3A_2845, %get3A_2851 : vector<16xf32>
      %get3A_2853 = arith.constant 0 : i32
      %get3A_2854 = arith.constant 1 : i32
      %get3A_2855 = arith.index_cast %get3A_2853 : i32 to index
      %get3A_2856 = arith.index_cast %get3A_2854 : i32 to index
      %get3A_2857 = arith.constant 368 : index
      %get3A_2858 = tpu.vector_load %arg6[%get3A_2855, %get3A_2856, %get3A_2857] {strides = array<i32>} : memref<2x2x512xf32, #tpu.memory_space<vmem>>, vector<16xf32>,
      %add3A_2859 = arith.addf %add3A_2852, %get3A_2858 : vector<16xf32>
      %swap3A_2860 = arith.constant 368 : index
      %swap3A_2861 = tpu.vector_load %arg7[%swap3A_2860] {strides = array<i32>} : memref<512xf32, #tpu.memory_space<vmem>>, vector<16xf32>,
      tpu.vector_store %arg7[%swap3A_2860], %add3A_2859 {strides = array<i32>} : memref<512xf32, #tpu.memory_space<vmem>>, vector<16xf32>,
      %get3A_2862 = arith.constant 384 : index
      %get3A_2863 = tpu.vector_load %arg7[%get3A_2862] {strides = array<i32>} : memref<512xf32, #tpu.memory_space<vmem>>, vector<16xf32>,
      %get3A_2864 = arith.constant 0 : i32
      %get3A_2865 = arith.constant 0 : i32
      %get3A_2866 = arith.index_cast %get3A_2864 : i32 to index
      %get3A_2867 = arith.index_cast %get3A_2865 : i32 to index
      %get3A_2868 = arith.constant 384 : index
      %get3A_2869 = tpu.vector_load %arg6[%get3A_2866, %get3A_2867, %get3A_2868] {strides = array<i32>} : memref<2x2x512xf32, #tpu.memory_space<vmem>>, vector<16xf32>,
      %add3A_2870 = arith.addf %get3A_2863, %get3A_2869 : vector<16xf32>
      %get3A_2871 = arith.constant 0 : i32
      %get3A_2872 = arith.constant 1 : i32
      %get3A_2873 = arith.index_cast %get3A_2871 : i32 to index
      %get3A_2874 = arith.index_cast %get3A_2872 : i32 to index
      %get3A_2875 = arith.constant 384 : index
      %get3A_2876 = tpu.vector_load %arg6[%get3A_2873, %get3A_2874, %get3A_2875] {strides = array<i32>} : memref<2x2x512xf32, #tpu.memory_space<vmem>>, vector<16xf32>,
      %add3A_2877 = arith.addf %add3A_2870, %get3A_2876 : vector<16xf32>
      %swap3A_2878 = arith.constant 384 : index
      %swap3A_2879 = tpu.vector_load %arg7[%swap3A_2878] {strides = array<i32>} : memref<512xf32, #tpu.memory_space<vmem>>, vector<16xf32>,
      tpu.vector_store %arg7[%swap3A_2878], %add3A_2877 {strides = array<i32>} : memref<512xf32, #tpu.memory_space<vmem>>, vector<16xf32>,
      %get3A_2880 = arith.constant 400 : index
      %get3A_2881 = tpu.vector_load %arg7[%get3A_2880] {strides = array<i32>} : memref<512xf32, #tpu.memory_space<vmem>>, vector<16xf32>,
      %get3A_2882 = arith.constant 0 : i32
      %get3A_2883 = arith.constant 0 : i32
      %get3A_2884 = arith.index_cast %get3A_2882 : i32 to index
      %get3A_2885 = arith.index_cast %get3A_2883 : i32 to index
      %get3A_2886 = arith.constant 400 : index
      %get3A_2887 = tpu.vector_load %arg6[%get3A_2884, %get3A_2885, %get3A_2886] {strides = array<i32>} : memref<2x2x512xf32, #tpu.memory_space<vmem>>, vector<16xf32>,
      %add3A_2888 = arith.addf %get3A_2881, %get3A_2887 : vector<16xf32>
      %get3A_2889 = arith.constant 0 : i32
      %get3A_2890 = arith.constant 1 : i32
      %get3A_2891 = arith.index_cast %get3A_2889 : i32 to index
      %get3A_2892 = arith.index_cast %get3A_2890 : i32 to index
      %get3A_2893 = arith.constant 400 : index
      %get3A_2894 = tpu.vector_load %arg6[%get3A_2891, %get3A_2892, %get3A_2893] {strides = array<i32>} : memref<2x2x512xf32, #tpu.memory_space<vmem>>, vector<16xf32>,
      %add3A_2895 = arith.addf %add3A_2888, %get3A_2894 : vector<16xf32>
      %swap3A_2896 = arith.constant 400 : index
      %swap3A_2897 = tpu.vector_load %arg7[%swap3A_2896] {strides = array<i32>} : memref<512xf32, #tpu.memory_space<vmem>>, vector<16xf32>,
      tpu.vector_store %arg7[%swap3A_2896], %add3A_2895 {strides = array<i32>} : memref<512xf32, #tpu.memory_space<vmem>>, vector<16xf32>,
      %get3A_2898 = arith.constant 416 : index
      %get3A_2899 = tpu.vector_load %arg7[%get3A_2898] {strides = array<i32>} : memref<512xf32, #tpu.memory_space<vmem>>, vector<16xf32>,
      %get3A_2900 = arith.constant 0 : i32
      %get3A_2901 = arith.constant 0 : i32
      %get3A_2902 = arith.index_cast %get3A_2900 : i32 to index
      %get3A_2903 = arith.index_cast %get3A_2901 : i32 to index
      %get3A_2904 = arith.constant 416 : index
      %get3A_2905 = tpu.vector_load %arg6[%get3A_2902, %get3A_2903, %get3A_2904] {strides = array<i32>} : memref<2x2x512xf32, #tpu.memory_space<vmem>>, vector<16xf32>,
      %add3A_2906 = arith.addf %get3A_2899, %get3A_2905 : vector<16xf32>
      %get3A_2907 = arith.constant 0 : i32
      %get3A_2908 = arith.constant 1 : i32
      %get3A_2909 = arith.index_cast %get3A_2907 : i32 to index
      %get3A_2910 = arith.index_cast %get3A_2908 : i32 to index
      %get3A_2911 = arith.constant 416 : index
      %get3A_2912 = tpu.vector_load %arg6[%get3A_2909, %get3A_2910, %get3A_2911] {strides = array<i32>} : memref<2x2x512xf32, #tpu.memory_space<vmem>>, vector<16xf32>,
      %add3A_2913 = arith.addf %add3A_2906, %get3A_2912 : vector<16xf32>
      %swap3A_2914 = arith.constant 416 : index
      %swap3A_2915 = tpu.vector_load %arg7[%swap3A_2914] {strides = array<i32>} : memref<512xf32, #tpu.memory_space<vmem>>, vector<16xf32>,
      tpu.vector_store %arg7[%swap3A_2914], %add3A_2913 {strides = array<i32>} : memref<512xf32, #tpu.memory_space<vmem>>, vector<16xf32>,
      %get3A_2916 = arith.constant 432 : index
      %get3A_2917 = tpu.vector_load %arg7[%get3A_2916] {strides = array<i32>} : memref<512xf32, #tpu.memory_space<vmem>>, vector<16xf32>,
      %get3A_2918 = arith.constant 0 : i32
      %get3A_2919 = arith.constant 0 : i32
      %get3A_2920 = arith.index_cast %get3A_2918 : i32 to index
      %get3A_2921 = arith.index_cast %get3A_2919 : i32 to index
      %get3A_2922 = arith.constant 432 : index
      %get3A_2923 = tpu.vector_load %arg6[%get3A_2920, %get3A_2921, %get3A_2922] {strides = array<i32>} : memref<2x2x512xf32, #tpu.memory_space<vmem>>, vector<16xf32>,
      %add3A_2924 = arith.addf %get3A_2917, %get3A_2923 : vector<16xf32>
      %get3A_2925 = arith.constant 0 : i32
      %get3A_2926 = arith.constant 1 : i32
      %get3A_2927 = arith.index_cast %get3A_2925 : i32 to index
      %get3A_2928 = arith.index_cast %get3A_2926 : i32 to index
      %get3A_2929 = arith.constant 432 : index
      %get3A_2930 = tpu.vector_load %arg6[%get3A_2927, %get3A_2928, %get3A_2929] {strides = array<i32>} : memref<2x2x512xf32, #tpu.memory_space<vmem>>, vector<16xf32>,
      %add3A_2931 = arith.addf %add3A_2924, %get3A_2930 : vector<16xf32>
      %swap3A_2932 = arith.constant 432 : index
      %swap3A_2933 = tpu.vector_load %arg7[%swap3A_2932] {strides = array<i32>} : memref<512xf32, #tpu.memory_space<vmem>>, vector<16xf32>,
      tpu.vector_store %arg7[%swap3A_2932], %add3A_2931 {strides = array<i32>} : memref<512xf32, #tpu.memory_space<vmem>>, vector<16xf32>,
      %get3A_2934 = arith.constant 448 : index
      %get3A_2935 = tpu.vector_load %arg7[%get3A_2934] {strides = array<i32>} : memref<512xf32, #tpu.memory_space<vmem>>, vector<16xf32>,
      %get3A_2936 = arith.constant 0 : i32
      %get3A_2937 = arith.constant 0 : i32
      %get3A_2938 = arith.index_cast %get3A_2936 : i32 to index
      %get3A_2939 = arith.index_cast %get3A_2937 : i32 to index
      %get3A_2940 = arith.constant 448 : index
      %get3A_2941 = tpu.vector_load %arg6[%get3A_2938, %get3A_2939, %get3A_2940] {strides = array<i32>} : memref<2x2x512xf32, #tpu.memory_space<vmem>>, vector<16xf32>,
      %add3A_2942 = arith.addf %get3A_2935, %get3A_2941 : vector<16xf32>
      %get3A_2943 = arith.constant 0 : i32
      %get3A_2944 = arith.constant 1 : i32
      %get3A_2945 = arith.index_cast %get3A_2943 : i32 to index
      %get3A_2946 = arith.index_cast %get3A_2944 : i32 to index
      %get3A_2947 = arith.constant 448 : index
      %get3A_2948 = tpu.vector_load %arg6[%get3A_2945, %get3A_2946, %get3A_2947] {strides = array<i32>} : memref<2x2x512xf32, #tpu.memory_space<vmem>>, vector<16xf32>,
      %add3A_2949 = arith.addf %add3A_2942, %get3A_2948 : vector<16xf32>
      %swap3A_2950 = arith.constant 448 : index
      %swap3A_2951 = tpu.vector_load %arg7[%swap3A_2950] {strides = array<i32>} : memref<512xf32, #tpu.memory_space<vmem>>, vector<16xf32>,
      tpu.vector_store %arg7[%swap3A_2950], %add3A_2949 {strides = array<i32>} : memref<512xf32, #tpu.memory_space<vmem>>, vector<16xf32>,
      %get3A_2952 = arith.constant 464 : index
      %get3A_2953 = tpu.vector_load %arg7[%get3A_2952] {strides = array<i32>} : memref<512xf32, #tpu.memory_space<vmem>>, vector<16xf32>,
      %get3A_2954 = arith.constant 0 : i32
      %get3A_2955 = arith.constant 0 : i32
      %get3A_2956 = arith.index_cast %get3A_2954 : i32 to index
      %get3A_2957 = arith.index_cast %get3A_2955 : i32 to index
      %get3A_2958 = arith.constant 464 : index
      %get3A_2959 = tpu.vector_load %arg6[%get3A_2956, %get3A_2957, %get3A_2958] {strides = array<i32>} : memref<2x2x512xf32, #tpu.memory_space<vmem>>, vector<16xf32>,
      %add3A_2960 = arith.addf %get3A_2953, %get3A_2959 : vector<16xf32>
      %get3A_2961 = arith.constant 0 : i32
      %get3A_2962 = arith.constant 1 : i32
      %get3A_2963 = arith.index_cast %get3A_2961 : i32 to index
      %get3A_2964 = arith.index_cast %get3A_2962 : i32 to index
      %get3A_2965 = arith.constant 464 : index
      %get3A_2966 = tpu.vector_load %arg6[%get3A_2963, %get3A_2964, %get3A_2965] {strides = array<i32>} : memref<2x2x512xf32, #tpu.memory_space<vmem>>, vector<16xf32>,
      %add3A_2967 = arith.addf %add3A_2960, %get3A_2966 : vector<16xf32>
      %swap3A_2968 = arith.constant 464 : index
      %swap3A_2969 = tpu.vector_load %arg7[%swap3A_2968] {strides = array<i32>} : memref<512xf32, #tpu.memory_space<vmem>>, vector<16xf32>,
      tpu.vector_store %arg7[%swap3A_2968], %add3A_2967 {strides = array<i32>} : memref<512xf32, #tpu.memory_space<vmem>>, vector<16xf32>,
      %get3A_2970 = arith.constant 480 : index
      %get3A_2971 = tpu.vector_load %arg7[%get3A_2970] {strides = array<i32>} : memref<512xf32, #tpu.memory_space<vmem>>, vector<16xf32>,
      %get3A_2972 = arith.constant 0 : i32
      %get3A_2973 = arith.constant 0 : i32
      %get3A_2974 = arith.index_cast %get3A_2972 : i32 to index
      %get3A_2975 = arith.index_cast %get3A_2973 : i32 to index
      %get3A_2976 = arith.constant 480 : index
      %get3A_2977 = tpu.vector_load %arg6[%get3A_2974, %get3A_2975, %get3A_2976] {strides = array<i32>} : memref<2x2x512xf32, #tpu.memory_space<vmem>>, vector<16xf32>,
      %add3A_2978 = arith.addf %get3A_2971, %get3A_2977 : vector<16xf32>
      %get3A_2979 = arith.constant 0 : i32
      %get3A_2980 = arith.constant 1 : i32
      %get3A_2981 = arith.index_cast %get3A_2979 : i32 to index
      %get3A_2982 = arith.index_cast %get3A_2980 : i32 to index
      %get3A_2983 = arith.constant 480 : index
      %get3A_2984 = tpu.vector_load %arg6[%get3A_2981, %get3A_2982, %get3A_2983] {strides = array<i32>} : memref<2x2x512xf32, #tpu.memory_space<vmem>>, vector<16xf32>,
      %add3A_2985 = arith.addf %add3A_2978, %get3A_2984 : vector<16xf32>
      %swap3A_2986 = arith.constant 480 : index
      %swap3A_2987 = tpu.vector_load %arg7[%swap3A_2986] {strides = array<i32>} : memref<512xf32, #tpu.memory_space<vmem>>, vector<16xf32>,
      tpu.vector_store %arg7[%swap3A_2986], %add3A_2985 {strides = array<i32>} : memref<512xf32, #tpu.memory_space<vmem>>, vector<16xf32>,
      %get3A_2988 = arith.constant 496 : index
      %get3A_2989 = tpu.vector_load %arg7[%get3A_2988] {strides = array<i32>} : memref<512xf32, #tpu.memory_space<vmem>>, vector<16xf32>,
      %get3A_2990 = arith.constant 0 : i32
      %get3A_2991 = arith.constant 0 : i32
      %get3A_2992 = arith.index_cast %get3A_2990 : i32 to index
      %get3A_2993 = arith.index_cast %get3A_2991 : i32 to index
      %get3A_2994 = arith.constant 496 : index
      %get3A_2995 = tpu.vector_load %arg6[%get3A_2992, %get3A_2993, %get3A_2994] {strides = array<i32>} : memref<2x2x512xf32, #tpu.memory_space<vmem>>, vector<16xf32>,
      %add3A_2996 = arith.addf %get3A_2989, %get3A_2995 : vector<16xf32>
      %get3A_2997 = arith.constant 0 : i32
      %get3A_2998 = arith.constant 1 : i32
      %get3A_2999 = arith.index_cast %get3A_2997 : i32 to index
      %get3A_3000 = arith.index_cast %get3A_2998 : i32 to index
      %get3A_3001 = arith.constant 496 : index
      %get3A_3002 = tpu.vector_load %arg6[%get3A_2999, %get3A_3000, %get3A_3001] {strides = array<i32>} : memref<2x2x512xf32, #tpu.memory_space<vmem>>, vector<16xf32>,
      %add3A_3003 = arith.addf %add3A_2996, %get3A_3002 : vector<16xf32>
      %swap3A_3004 = arith.constant 496 : index
      %swap3A_3005 = tpu.vector_load %arg7[%swap3A_3004] {strides = array<i32>} : memref<512xf32, #tpu.memory_space<vmem>>, vector<16xf32>,
      tpu.vector_store %arg7[%swap3A_3004], %add3A_3003 {strides = array<i32>} : memref<512xf32, #tpu.memory_space<vmem>>, vector<16xf32>,
      %add3A_3006 = arith.constant 1 : i32
      %add3A_3007 = arith.addi %mul3A_2207, %add3A_3006 : i32
      %dma_wait3A_3008 = arith.constant 1 : i32
      %dma_wait3A_3009 = arith.constant 0 : i32
      %dma_wait3A_3010 = arith.constant 1 : i32
      %dma_wait3A_3011 = arith.constant 0 : i32
      %dma_wait3A_3012 = arith.constant 0 : i32
      %dma_wait3A_3013 = tpu.memref_slice %arg6[%dma_wait3A_3010, %dma_wait3A_3011, %dma_wait3A_3012] : memref<2x2x512xf32, #tpu.memory_space<vmem>> -> memref<1x1x128xf32, #tpu.memory_space<vmem>>
      %dma_wait3A_3014 = tpu.memref_squeeze %dma_wait3A_3013 : memref<1x1x128xf32, #tpu.memory_space<vmem>> -> memref<128xf32, #tpu.memory_space<vmem>>
      %dma_wait3A_3015 = arith.constant 0 : i32
      %dma_wait3A_3016 = tpu.memref_slice %arg5[%dma_wait3A_3008, %dma_wait3A_3009, %dma_wait3A_3015] : memref<2x2x512xi32, #tpu.memory_space<vmem>> -> memref<1x1x128xi32, #tpu.memory_space<vmem>>
      %dma_wait3A_3017 = tpu.memref_squeeze %dma_wait3A_3016 : memref<1x1x128xi32, #tpu.memory_space<vmem>> -> memref<128xi32, #tpu.memory_space<vmem>>
      %dma_wait3A_3018 = arith.constant 0 : i32
      %dma_wait3A_3019 = tpu.memref_slice %arg8[%dma_wait3A_3018] : memref<1015808xf32, #tpu.memory_space<vmem_shared>> -> memref<1015808xf32, #tpu.memory_space<vmem_shared>>
      tpu.wait_indirect_dma semaphore(%arg9 : memref<!tpu.dma_semaphore, #tpu.memory_space<semaphore_mem>>) src(%dma_wait3A_3019 : memref<1015808xf32, #tpu.memory_space<vmem_shared>>) dst(%dma_wait3A_3014 : memref<128xf32, #tpu.memory_space<vmem>>)
      %dma_wait3A_3020 = arith.constant 1 : i32
      %dma_wait3A_3021 = arith.constant 0 : i32
      %dma_wait3A_3022 = arith.constant 1 : i32
      %dma_wait3A_3023 = arith.constant 0 : i32
      %dma_wait3A_3024 = arith.constant 128 : i32
      %dma_wait3A_3025 = tpu.memref_slice %arg6[%dma_wait3A_3022, %dma_wait3A_3023, %dma_wait3A_3024] : memref<2x2x512xf32, #tpu.memory_space<vmem>> -> memref<1x1x128xf32, #tpu.memory_space<vmem>>
      %dma_wait3A_3026 = tpu.memref_squeeze %dma_wait3A_3025 : memref<1x1x128xf32, #tpu.memory_space<vmem>> -> memref<128xf32, #tpu.memory_space<vmem>>
      %dma_wait3A_3027 = arith.constant 128 : i32
      %dma_wait3A_3028 = tpu.memref_slice %arg5[%dma_wait3A_3020, %dma_wait3A_3021, %dma_wait3A_3027] : memref<2x2x512xi32, #tpu.memory_space<vmem>> -> memref<1x1x128xi32, #tpu.memory_space<vmem>>
      %dma_wait3A_3029 = tpu.memref_squeeze %dma_wait3A_3028 : memref<1x1x128xi32, #tpu.memory_space<vmem>> -> memref<128xi32, #tpu.memory_space<vmem>>
      %dma_wait3A_3030 = arith.constant 0 : i32
      %dma_wait3A_3031 = tpu.memref_slice %arg8[%dma_wait3A_3030] : memref<1015808xf32, #tpu.memory_space<vmem_shared>> -> memref<1015808xf32, #tpu.memory_space<vmem_shared>>
      tpu.wait_indirect_dma semaphore(%arg9 : memref<!tpu.dma_semaphore, #tpu.memory_space<semaphore_mem>>) src(%dma_wait3A_3031 : memref<1015808xf32, #tpu.memory_space<vmem_shared>>) dst(%dma_wait3A_3026 : memref<128xf32, #tpu.memory_space<vmem>>)
      %dma_wait3A_3032 = arith.constant 1 : i32
      %dma_wait3A_3033 = arith.constant 0 : i32
      %dma_wait3A_3034 = arith.constant 1 : i32
      %dma_wait3A_3035 = arith.constant 0 : i32
      %dma_wait3A_3036 = arith.constant 256 : i32
      %dma_wait3A_3037 = tpu.memref_slice %arg6[%dma_wait3A_3034, %dma_wait3A_3035, %dma_wait3A_3036] : memref<2x2x512xf32, #tpu.memory_space<vmem>> -> memref<1x1x128xf32, #tpu.memory_space<vmem>>
      %dma_wait3A_3038 = tpu.memref_squeeze %dma_wait3A_3037 : memref<1x1x128xf32, #tpu.memory_space<vmem>> -> memref<128xf32, #tpu.memory_space<vmem>>
      %dma_wait3A_3039 = arith.constant 256 : i32
      %dma_wait3A_3040 = tpu.memref_slice %arg5[%dma_wait3A_3032, %dma_wait3A_3033, %dma_wait3A_3039] : memref<2x2x512xi32, #tpu.memory_space<vmem>> -> memref<1x1x128xi32, #tpu.memory_space<vmem>>
      %dma_wait3A_3041 = tpu.memref_squeeze %dma_wait3A_3040 : memref<1x1x128xi32, #tpu.memory_space<vmem>> -> memref<128xi32, #tpu.memory_space<vmem>>
      %dma_wait3A_3042 = arith.constant 0 : i32
      %dma_wait3A_3043 = tpu.memref_slice %arg8[%dma_wait3A_3042] : memref<1015808xf32, #tpu.memory_space<vmem_shared>> -> memref<1015808xf32, #tpu.memory_space<vmem_shared>>
      tpu.wait_indirect_dma semaphore(%arg9 : memref<!tpu.dma_semaphore, #tpu.memory_space<semaphore_mem>>) src(%dma_wait3A_3043 : memref<1015808xf32, #tpu.memory_space<vmem_shared>>) dst(%dma_wait3A_3038 : memref<128xf32, #tpu.memory_space<vmem>>)
      %dma_wait3A_3044 = arith.constant 1 : i32
      %dma_wait3A_3045 = arith.constant 0 : i32
      %dma_wait3A_3046 = arith.constant 1 : i32
      %dma_wait3A_3047 = arith.constant 0 : i32
      %dma_wait3A_3048 = arith.constant 384 : i32
      %dma_wait3A_3049 = tpu.memref_slice %arg6[%dma_wait3A_3046, %dma_wait3A_3047, %dma_wait3A_3048] : memref<2x2x512xf32, #tpu.memory_space<vmem>> -> memref<1x1x128xf32, #tpu.memory_space<vmem>>
      %dma_wait3A_3050 = tpu.memref_squeeze %dma_wait3A_3049 : memref<1x1x128xf32, #tpu.memory_space<vmem>> -> memref<128xf32, #tpu.memory_space<vmem>>
      %dma_wait3A_3051 = arith.constant 384 : i32
      %dma_wait3A_3052 = tpu.memref_slice %arg5[%dma_wait3A_3044, %dma_wait3A_3045, %dma_wait3A_3051] : memref<2x2x512xi32, #tpu.memory_space<vmem>> -> memref<1x1x128xi32, #tpu.memory_space<vmem>>
      %dma_wait3A_3053 = tpu.memref_squeeze %dma_wait3A_3052 : memref<1x1x128xi32, #tpu.memory_space<vmem>> -> memref<128xi32, #tpu.memory_space<vmem>>
      %dma_wait3A_3054 = arith.constant 0 : i32
      %dma_wait3A_3055 = tpu.memref_slice %arg8[%dma_wait3A_3054] : memref<1015808xf32, #tpu.memory_space<vmem_shared>> -> memref<1015808xf32, #tpu.memory_space<vmem_shared>>
      tpu.wait_indirect_dma semaphore(%arg9 : memref<!tpu.dma_semaphore, #tpu.memory_space<semaphore_mem>>) src(%dma_wait3A_3055 : memref<1015808xf32, #tpu.memory_space<vmem_shared>>) dst(%dma_wait3A_3050 : memref<128xf32, #tpu.memory_space<vmem>>)
      %dma_wait3A_3056 = arith.constant 1 : i32
      %dma_wait3A_3057 = arith.constant 1 : i32
      %dma_wait3A_3058 = arith.constant 1 : i32
      %dma_wait3A_3059 = arith.constant 1 : i32
      %dma_wait3A_3060 = arith.constant 0 : i32
      %dma_wait3A_3061 = tpu.memref_slice %arg6[%dma_wait3A_3058, %dma_wait3A_3059, %dma_wait3A_3060] : memref<2x2x512xf32, #tpu.memory_space<vmem>> -> memref<1x1x128xf32, #tpu.memory_space<vmem>>
      %dma_wait3A_3062 = tpu.memref_squeeze %dma_wait3A_3061 : memref<1x1x128xf32, #tpu.memory_space<vmem>> -> memref<128xf32, #tpu.memory_space<vmem>>
      %dma_wait3A_3063 = arith.constant 0 : i32
      %dma_wait3A_3064 = tpu.memref_slice %arg5[%dma_wait3A_3056, %dma_wait3A_3057, %dma_wait3A_3063] : memref<2x2x512xi32, #tpu.memory_space<vmem>> -> memref<1x1x128xi32, #tpu.memory_space<vmem>>
      %dma_wait3A_3065 = tpu.memref_squeeze %dma_wait3A_3064 : memref<1x1x128xi32, #tpu.memory_space<vmem>> -> memref<128xi32, #tpu.memory_space<vmem>>
      %dma_wait3A_3066 = arith.constant 0 : i32
      %dma_wait3A_3067 = tpu.memref_slice %arg8[%dma_wait3A_3066] : memref<1015808xf32, #tpu.memory_space<vmem_shared>> -> memref<1015808xf32, #tpu.memory_space<vmem_shared>>
      tpu.wait_indirect_dma semaphore(%arg9 : memref<!tpu.dma_semaphore, #tpu.memory_space<semaphore_mem>>) src(%dma_wait3A_3067 : memref<1015808xf32, #tpu.memory_space<vmem_shared>>) dst(%dma_wait3A_3062 : memref<128xf32, #tpu.memory_space<vmem>>)
      %dma_wait3A_3068 = arith.constant 1 : i32
      %dma_wait3A_3069 = arith.constant 1 : i32
      %dma_wait3A_3070 = arith.constant 1 : i32
      %dma_wait3A_3071 = arith.constant 1 : i32
      %dma_wait3A_3072 = arith.constant 128 : i32
      %dma_wait3A_3073 = tpu.memref_slice %arg6[%dma_wait3A_3070, %dma_wait3A_3071, %dma_wait3A_3072] : memref<2x2x512xf32, #tpu.memory_space<vmem>> -> memref<1x1x128xf32, #tpu.memory_space<vmem>>
      %dma_wait3A_3074 = tpu.memref_squeeze %dma_wait3A_3073 : memref<1x1x128xf32, #tpu.memory_space<vmem>> -> memref<128xf32, #tpu.memory_space<vmem>>
      %dma_wait3A_3075 = arith.constant 128 : i32
      %dma_wait3A_3076 = tpu.memref_slice %arg5[%dma_wait3A_3068, %dma_wait3A_3069, %dma_wait3A_3075] : memref<2x2x512xi32, #tpu.memory_space<vmem>> -> memref<1x1x128xi32, #tpu.memory_space<vmem>>
      %dma_wait3A_3077 = tpu.memref_squeeze %dma_wait3A_3076 : memref<1x1x128xi32, #tpu.memory_space<vmem>> -> memref<128xi32, #tpu.memory_space<vmem>>
      %dma_wait3A_3078 = arith.constant 0 : i32
      %dma_wait3A_3079 = tpu.memref_slice %arg8[%dma_wait3A_3078] : memref<1015808xf32, #tpu.memory_space<vmem_shared>> -> memref<1015808xf32, #tpu.memory_space<vmem_shared>>
      tpu.wait_indirect_dma semaphore(%arg9 : memref<!tpu.dma_semaphore, #tpu.memory_space<semaphore_mem>>) src(%dma_wait3A_3079 : memref<1015808xf32, #tpu.memory_space<vmem_shared>>) dst(%dma_wait3A_3074 : memref<128xf32, #tpu.memory_space<vmem>>)
      %dma_wait3A_3080 = arith.constant 1 : i32
      %dma_wait3A_3081 = arith.constant 1 : i32
      %dma_wait3A_3082 = arith.constant 1 : i32
      %dma_wait3A_3083 = arith.constant 1 : i32
      %dma_wait3A_3084 = arith.constant 256 : i32
      %dma_wait3A_3085 = tpu.memref_slice %arg6[%dma_wait3A_3082, %dma_wait3A_3083, %dma_wait3A_3084] : memref<2x2x512xf32, #tpu.memory_space<vmem>> -> memref<1x1x128xf32, #tpu.memory_space<vmem>>
      %dma_wait3A_3086 = tpu.memref_squeeze %dma_wait3A_3085 : memref<1x1x128xf32, #tpu.memory_space<vmem>> -> memref<128xf32, #tpu.memory_space<vmem>>
      %dma_wait3A_3087 = arith.constant 256 : i32
      %dma_wait3A_3088 = tpu.memref_slice %arg5[%dma_wait3A_3080, %dma_wait3A_3081, %dma_wait3A_3087] : memref<2x2x512xi32, #tpu.memory_space<vmem>> -> memref<1x1x128xi32, #tpu.memory_space<vmem>>
      %dma_wait3A_3089 = tpu.memref_squeeze %dma_wait3A_3088 : memref<1x1x128xi32, #tpu.memory_space<vmem>> -> memref<128xi32, #tpu.memory_space<vmem>>
      %dma_wait3A_3090 = arith.constant 0 : i32
      %dma_wait3A_3091 = tpu.memref_slice %arg8[%dma_wait3A_3090] : memref<1015808xf32, #tpu.memory_space<vmem_shared>> -> memref<1015808xf32, #tpu.memory_space<vmem_shared>>
      tpu.wait_indirect_dma semaphore(%arg9 : memref<!tpu.dma_semaphore, #tpu.memory_space<semaphore_mem>>) src(%dma_wait3A_3091 : memref<1015808xf32, #tpu.memory_space<vmem_shared>>) dst(%dma_wait3A_3086 : memref<128xf32, #tpu.memory_space<vmem>>)
      %dma_wait3A_3092 = arith.constant 1 : i32
      %dma_wait3A_3093 = arith.constant 1 : i32
      %dma_wait3A_3094 = arith.constant 1 : i32
      %dma_wait3A_3095 = arith.constant 1 : i32
      %dma_wait3A_3096 = arith.constant 384 : i32
      %dma_wait3A_3097 = tpu.memref_slice %arg6[%dma_wait3A_3094, %dma_wait3A_3095, %dma_wait3A_3096] : memref<2x2x512xf32, #tpu.memory_space<vmem>> -> memref<1x1x128xf32, #tpu.memory_space<vmem>>
      %dma_wait3A_3098 = tpu.memref_squeeze %dma_wait3A_3097 : memref<1x1x128xf32, #tpu.memory_space<vmem>> -> memref<128xf32, #tpu.memory_space<vmem>>
      %dma_wait3A_3099 = arith.constant 384 : i32
      %dma_wait3A_3100 = tpu.memref_slice %arg5[%dma_wait3A_3092, %dma_wait3A_3093, %dma_wait3A_3099] : memref<2x2x512xi32, #tpu.memory_space<vmem>> -> memref<1x1x128xi32, #tpu.memory_space<vmem>>
      %dma_wait3A_3101 = tpu.memref_squeeze %dma_wait3A_3100 : memref<1x1x128xi32, #tpu.memory_space<vmem>> -> memref<128xi32, #tpu.memory_space<vmem>>
      %dma_wait3A_3102 = arith.constant 0 : i32
      %dma_wait3A_3103 = tpu.memref_slice %arg8[%dma_wait3A_3102] : memref<1015808xf32, #tpu.memory_space<vmem_shared>> -> memref<1015808xf32, #tpu.memory_space<vmem_shared>>
      tpu.wait_indirect_dma semaphore(%arg9 : memref<!tpu.dma_semaphore, #tpu.memory_space<semaphore_mem>>) src(%dma_wait3A_3103 : memref<1015808xf32, #tpu.memory_space<vmem_shared>>) dst(%dma_wait3A_3098 : memref<128xf32, #tpu.memory_space<vmem>>)
      %add3A_3104 = arith.constant 1 : i32
      %add3A_3105 = arith.addi %add3A_3007, %add3A_3104 : i32
      %mul3A_3106 = arith.constant 2 : i32
      %mul3A_3107 = arith.muli %add3A_3105, %mul3A_3106 : i32
      %dma_wait3A_3108 = arith.constant 0 : i32
      %dma_wait3A_3109 = arith.constant 0 : i32
      %dma_wait3A_3110 = arith.constant 0 : i32
      %dma_wait3A_3111 = tpu.memref_slice %arg5[%dma_wait3A_3108, %dma_wait3A_3109, %dma_wait3A_3110] : memref<2x2x512xi32, #tpu.memory_space<vmem>> -> memref<1x2x512xi32, #tpu.memory_space<vmem>>
      %dma_wait3A_3112 = tpu.memref_squeeze %dma_wait3A_3111 : memref<1x2x512xi32, #tpu.memory_space<vmem>> -> memref<2x512xi32, #tpu.memory_space<vmem>>
      %dma_wait3A_3113 = tpu.memref_slice %arg2[%mul3A_3107, %mul3A_2] : memref<200x16384xi32, #tpu.memory_space<hbm>> -> memref<2x512xi32, #tpu.memory_space<hbm>>
      %dma_wait3A_3114 = arith.constant 0 : i32
      %dma_wait3A_3115 = arith.constant 0 : i32
      %dma_wait3A_3116 = tpu.memref_slice %arg5[%dma_wait3A_3108, %dma_wait3A_3114, %dma_wait3A_3115] : memref<2x2x512xi32, #tpu.memory_space<vmem>> -> memref<1x2x512xi32, #tpu.memory_space<vmem>>
      %dma_wait3A_3117 = tpu.memref_squeeze %dma_wait3A_3116 : memref<1x2x512xi32, #tpu.memory_space<vmem>> -> memref<2x512xi32, #tpu.memory_space<vmem>>
      %dma_wait3A_3118 = tpu.memref_slice %arg2[%mul3A_3107, %mul3A_2] : memref<200x16384xi32, #tpu.memory_space<hbm>> -> memref<2x512xi32, #tpu.memory_space<hbm>>
      tpu.wait_dma2 semaphore(%arg10 : memref<!tpu.dma_semaphore, #tpu.memory_space<semaphore_mem>>) src(%dma_wait3A_3118 : memref<2x512xi32, #tpu.memory_space<hbm>>) dst(%dma_wait3A_3117 : memref<2x512xi32, #tpu.memory_space<vmem>>)
      %dma_start3A_3119 = arith.constant 0 : i32
      %dma_start3A_3120 = arith.constant 0 : i32
      %dma_start3A_3121 = arith.constant 0 : i32
      %dma_start3A_3122 = arith.constant 0 : i32
      %dma_start3A_3123 = arith.constant 0 : i32
      %dma_start3A_3124 = tpu.memref_slice %arg6[%dma_start3A_3121, %dma_start3A_3122, %dma_start3A_3123] : memref<2x2x512xf32, #tpu.memory_space<vmem>> -> memref<1x1x128xf32, #tpu.memory_space<vmem>>
      %dma_start3A_3125 = tpu.memref_squeeze %dma_start3A_3124 : memref<1x1x128xf32, #tpu.memory_space<vmem>> -> memref<128xf32, #tpu.memory_space<vmem>>
      %dma_start3A_3126 = arith.constant 0 : i32
      %dma_start3A_3127 = tpu.memref_slice %arg5[%dma_start3A_3119, %dma_start3A_3120, %dma_start3A_3126] : memref<2x2x512xi32, #tpu.memory_space<vmem>> -> memref<1x1x128xi32, #tpu.memory_space<vmem>>
      %dma_start3A_3128 = tpu.memref_squeeze %dma_start3A_3127 : memref<1x1x128xi32, #tpu.memory_space<vmem>> -> memref<128xi32, #tpu.memory_space<vmem>>
      %dma_start3A_3129 = arith.constant 0 : i32
      %dma_start3A_3130 = tpu.memref_slice %arg8[%dma_start3A_3129] : memref<1015808xf32, #tpu.memory_space<vmem_shared>> -> memref<1015808xf32, #tpu.memory_space<vmem_shared>>
      tpu.enqueue_indirect_dma source(%dma_start3A_3130 : memref<1015808xf32, #tpu.memory_space<vmem_shared>>) target(%dma_start3A_3125 : memref<128xf32, #tpu.memory_space<vmem>>) offsets(%dma_start3A_3128 : memref<128xi32, #tpu.memory_space<vmem>>) semaphore(%arg9 : memref<!tpu.dma_semaphore, #tpu.memory_space<semaphore_mem>>)
      %dma_start3A_3131 = arith.constant 0 : i32
      %dma_start3A_3132 = arith.constant 0 : i32
      %dma_start3A_3133 = arith.constant 0 : i32
      %dma_start3A_3134 = arith.constant 0 : i32
      %dma_start3A_3135 = arith.constant 128 : i32
      %dma_start3A_3136 = tpu.memref_slice %arg6[%dma_start3A_3133, %dma_start3A_3134, %dma_start3A_3135] : memref<2x2x512xf32, #tpu.memory_space<vmem>> -> memref<1x1x128xf32, #tpu.memory_space<vmem>>
      %dma_start3A_3137 = tpu.memref_squeeze %dma_start3A_3136 : memref<1x1x128xf32, #tpu.memory_space<vmem>> -> memref<128xf32, #tpu.memory_space<vmem>>
      %dma_start3A_3138 = arith.constant 128 : i32
      %dma_start3A_3139 = tpu.memref_slice %arg5[%dma_start3A_3131, %dma_start3A_3132, %dma_start3A_3138] : memref<2x2x512xi32, #tpu.memory_space<vmem>> -> memref<1x1x128xi32, #tpu.memory_space<vmem>>
      %dma_start3A_3140 = tpu.memref_squeeze %dma_start3A_3139 : memref<1x1x128xi32, #tpu.memory_space<vmem>> -> memref<128xi32, #tpu.memory_space<vmem>>
      %dma_start3A_3141 = arith.constant 0 : i32
      %dma_start3A_3142 = tpu.memref_slice %arg8[%dma_start3A_3141] : memref<1015808xf32, #tpu.memory_space<vmem_shared>> -> memref<1015808xf32, #tpu.memory_space<vmem_shared>>
      tpu.enqueue_indirect_dma source(%dma_start3A_3142 : memref<1015808xf32, #tpu.memory_space<vmem_shared>>) target(%dma_start3A_3137 : memref<128xf32, #tpu.memory_space<vmem>>) offsets(%dma_start3A_3140 : memref<128xi32, #tpu.memory_space<vmem>>) semaphore(%arg9 : memref<!tpu.dma_semaphore, #tpu.memory_space<semaphore_mem>>)
      %dma_start3A_3143 = arith.constant 0 : i32
      %dma_start3A_3144 = arith.constant 0 : i32
      %dma_start3A_3145 = arith.constant 0 : i32
      %dma_start3A_3146 = arith.constant 0 : i32
      %dma_start3A_3147 = arith.constant 256 : i32
      %dma_start3A_3148 = tpu.memref_slice %arg6[%dma_start3A_3145, %dma_start3A_3146, %dma_start3A_3147] : memref<2x2x512xf32, #tpu.memory_space<vmem>> -> memref<1x1x128xf32, #tpu.memory_space<vmem>>
      %dma_start3A_3149 = tpu.memref_squeeze %dma_start3A_3148 : memref<1x1x128xf32, #tpu.memory_space<vmem>> -> memref<128xf32, #tpu.memory_space<vmem>>
      %dma_start3A_3150 = arith.constant 256 : i32
      %dma_start3A_3151 = tpu.memref_slice %arg5[%dma_start3A_3143, %dma_start3A_3144, %dma_start3A_3150] : memref<2x2x512xi32, #tpu.memory_space<vmem>> -> memref<1x1x128xi32, #tpu.memory_space<vmem>>
      %dma_start3A_3152 = tpu.memref_squeeze %dma_start3A_3151 : memref<1x1x128xi32, #tpu.memory_space<vmem>> -> memref<128xi32, #tpu.memory_space<vmem>>
      %dma_start3A_3153 = arith.constant 0 : i32
      %dma_start3A_3154 = tpu.memref_slice %arg8[%dma_start3A_3153] : memref<1015808xf32, #tpu.memory_space<vmem_shared>> -> memref<1015808xf32, #tpu.memory_space<vmem_shared>>
      tpu.enqueue_indirect_dma source(%dma_start3A_3154 : memref<1015808xf32, #tpu.memory_space<vmem_shared>>) target(%dma_start3A_3149 : memref<128xf32, #tpu.memory_space<vmem>>) offsets(%dma_start3A_3152 : memref<128xi32, #tpu.memory_space<vmem>>) semaphore(%arg9 : memref<!tpu.dma_semaphore, #tpu.memory_space<semaphore_mem>>)
      %dma_start3A_3155 = arith.constant 0 : i32
      %dma_start3A_3156 = arith.constant 0 : i32
      %dma_start3A_3157 = arith.constant 0 : i32
      %dma_start3A_3158 = arith.constant 0 : i32
      %dma_start3A_3159 = arith.constant 384 : i32
      %dma_start3A_3160 = tpu.memref_slice %arg6[%dma_start3A_3157, %dma_start3A_3158, %dma_start3A_3159] : memref<2x2x512xf32, #tpu.memory_space<vmem>> -> memref<1x1x128xf32, #tpu.memory_space<vmem>>
      %dma_start3A_3161 = tpu.memref_squeeze %dma_start3A_3160 : memref<1x1x128xf32, #tpu.memory_space<vmem>> -> memref<128xf32, #tpu.memory_space<vmem>>
      %dma_start3A_3162 = arith.constant 384 : i32
      %dma_start3A_3163 = tpu.memref_slice %arg5[%dma_start3A_3155, %dma_start3A_3156, %dma_start3A_3162] : memref<2x2x512xi32, #tpu.memory_space<vmem>> -> memref<1x1x128xi32, #tpu.memory_space<vmem>>
      %dma_start3A_3164 = tpu.memref_squeeze %dma_start3A_3163 : memref<1x1x128xi32, #tpu.memory_space<vmem>> -> memref<128xi32, #tpu.memory_space<vmem>>
      %dma_start3A_3165 = arith.constant 0 : i32
      %dma_start3A_3166 = tpu.memref_slice %arg8[%dma_start3A_3165] : memref<1015808xf32, #tpu.memory_space<vmem_shared>> -> memref<1015808xf32, #tpu.memory_space<vmem_shared>>
      tpu.enqueue_indirect_dma source(%dma_start3A_3166 : memref<1015808xf32, #tpu.memory_space<vmem_shared>>) target(%dma_start3A_3161 : memref<128xf32, #tpu.memory_space<vmem>>) offsets(%dma_start3A_3164 : memref<128xi32, #tpu.memory_space<vmem>>) semaphore(%arg9 : memref<!tpu.dma_semaphore, #tpu.memory_space<semaphore_mem>>)
      %dma_start3A_3167 = arith.constant 0 : i32
      %dma_start3A_3168 = arith.constant 1 : i32
      %dma_start3A_3169 = arith.constant 0 : i32
      %dma_start3A_3170 = arith.constant 1 : i32
      %dma_start3A_3171 = arith.constant 0 : i32
      %dma_start3A_3172 = tpu.memref_slice %arg6[%dma_start3A_3169, %dma_start3A_3170, %dma_start3A_3171] : memref<2x2x512xf32, #tpu.memory_space<vmem>> -> memref<1x1x128xf32, #tpu.memory_space<vmem>>
      %dma_start3A_3173 = tpu.memref_squeeze %dma_start3A_3172 : memref<1x1x128xf32, #tpu.memory_space<vmem>> -> memref<128xf32, #tpu.memory_space<vmem>>
      %dma_start3A_3174 = arith.constant 0 : i32
      %dma_start3A_3175 = tpu.memref_slice %arg5[%dma_start3A_3167, %dma_start3A_3168, %dma_start3A_3174] : memref<2x2x512xi32, #tpu.memory_space<vmem>> -> memref<1x1x128xi32, #tpu.memory_space<vmem>>
      %dma_start3A_3176 = tpu.memref_squeeze %dma_start3A_3175 : memref<1x1x128xi32, #tpu.memory_space<vmem>> -> memref<128xi32, #tpu.memory_space<vmem>>
      %dma_start3A_3177 = arith.constant 0 : i32
      %dma_start3A_3178 = tpu.memref_slice %arg8[%dma_start3A_3177] : memref<1015808xf32, #tpu.memory_space<vmem_shared>> -> memref<1015808xf32, #tpu.memory_space<vmem_shared>>
      tpu.enqueue_indirect_dma source(%dma_start3A_3178 : memref<1015808xf32, #tpu.memory_space<vmem_shared>>) target(%dma_start3A_3173 : memref<128xf32, #tpu.memory_space<vmem>>) offsets(%dma_start3A_3176 : memref<128xi32, #tpu.memory_space<vmem>>) semaphore(%arg9 : memref<!tpu.dma_semaphore, #tpu.memory_space<semaphore_mem>>)
      %dma_start3A_3179 = arith.constant 0 : i32
      %dma_start3A_3180 = arith.constant 1 : i32
      %dma_start3A_3181 = arith.constant 0 : i32
      %dma_start3A_3182 = arith.constant 1 : i32
      %dma_start3A_3183 = arith.constant 128 : i32
      %dma_start3A_3184 = tpu.memref_slice %arg6[%dma_start3A_3181, %dma_start3A_3182, %dma_start3A_3183] : memref<2x2x512xf32, #tpu.memory_space<vmem>> -> memref<1x1x128xf32, #tpu.memory_space<vmem>>
      %dma_start3A_3185 = tpu.memref_squeeze %dma_start3A_3184 : memref<1x1x128xf32, #tpu.memory_space<vmem>> -> memref<128xf32, #tpu.memory_space<vmem>>
      %dma_start3A_3186 = arith.constant 128 : i32
      %dma_start3A_3187 = tpu.memref_slice %arg5[%dma_start3A_3179, %dma_start3A_3180, %dma_start3A_3186] : memref<2x2x512xi32, #tpu.memory_space<vmem>> -> memref<1x1x128xi32, #tpu.memory_space<vmem>>
      %dma_start3A_3188 = tpu.memref_squeeze %dma_start3A_3187 : memref<1x1x128xi32, #tpu.memory_space<vmem>> -> memref<128xi32, #tpu.memory_space<vmem>>
      %dma_start3A_3189 = arith.constant 0 : i32
      %dma_start3A_3190 = tpu.memref_slice %arg8[%dma_start3A_3189] : memref<1015808xf32, #tpu.memory_space<vmem_shared>> -> memref<1015808xf32, #tpu.memory_space<vmem_shared>>
      tpu.enqueue_indirect_dma source(%dma_start3A_3190 : memref<1015808xf32, #tpu.memory_space<vmem_shared>>) target(%dma_start3A_3185 : memref<128xf32, #tpu.memory_space<vmem>>) offsets(%dma_start3A_3188 : memref<128xi32, #tpu.memory_space<vmem>>) semaphore(%arg9 : memref<!tpu.dma_semaphore, #tpu.memory_space<semaphore_mem>>)
      %dma_start3A_3191 = arith.constant 0 : i32
      %dma_start3A_3192 = arith.constant 1 : i32
      %dma_start3A_3193 = arith.constant 0 : i32
      %dma_start3A_3194 = arith.constant 1 : i32
      %dma_start3A_3195 = arith.constant 256 : i32
      %dma_start3A_3196 = tpu.memref_slice %arg6[%dma_start3A_3193, %dma_start3A_3194, %dma_start3A_3195] : memref<2x2x512xf32, #tpu.memory_space<vmem>> -> memref<1x1x128xf32, #tpu.memory_space<vmem>>
      %dma_start3A_3197 = tpu.memref_squeeze %dma_start3A_3196 : memref<1x1x128xf32, #tpu.memory_space<vmem>> -> memref<128xf32, #tpu.memory_space<vmem>>
      %dma_start3A_3198 = arith.constant 256 : i32
      %dma_start3A_3199 = tpu.memref_slice %arg5[%dma_start3A_3191, %dma_start3A_3192, %dma_start3A_3198] : memref<2x2x512xi32, #tpu.memory_space<vmem>> -> memref<1x1x128xi32, #tpu.memory_space<vmem>>
      %dma_start3A_3200 = tpu.memref_squeeze %dma_start3A_3199 : memref<1x1x128xi32, #tpu.memory_space<vmem>> -> memref<128xi32, #tpu.memory_space<vmem>>
      %dma_start3A_3201 = arith.constant 0 : i32
      %dma_start3A_3202 = tpu.memref_slice %arg8[%dma_start3A_3201] : memref<1015808xf32, #tpu.memory_space<vmem_shared>> -> memref<1015808xf32, #tpu.memory_space<vmem_shared>>
      tpu.enqueue_indirect_dma source(%dma_start3A_3202 : memref<1015808xf32, #tpu.memory_space<vmem_shared>>) target(%dma_start3A_3197 : memref<128xf32, #tpu.memory_space<vmem>>) offsets(%dma_start3A_3200 : memref<128xi32, #tpu.memory_space<vmem>>) semaphore(%arg9 : memref<!tpu.dma_semaphore, #tpu.memory_space<semaphore_mem>>)
      %dma_start3A_3203 = arith.constant 0 : i32
      %dma_start3A_3204 = arith.constant 1 : i32
      %dma_start3A_3205 = arith.constant 0 : i32
      %dma_start3A_3206 = arith.constant 1 : i32
      %dma_start3A_3207 = arith.constant 384 : i32
      %dma_start3A_3208 = tpu.memref_slice %arg6[%dma_start3A_3205, %dma_start3A_3206, %dma_start3A_3207] : memref<2x2x512xf32, #tpu.memory_space<vmem>> -> memref<1x1x128xf32, #tpu.memory_space<vmem>>
      %dma_start3A_3209 = tpu.memref_squeeze %dma_start3A_3208 : memref<1x1x128xf32, #tpu.memory_space<vmem>> -> memref<128xf32, #tpu.memory_space<vmem>>
      %dma_start3A_3210 = arith.constant 384 : i32
      %dma_start3A_3211 = tpu.memref_slice %arg5[%dma_start3A_3203, %dma_start3A_3204, %dma_start3A_3210] : memref<2x2x512xi32, #tpu.memory_space<vmem>> -> memref<1x1x128xi32, #tpu.memory_space<vmem>>
      %dma_start3A_3212 = tpu.memref_squeeze %dma_start3A_3211 : memref<1x1x128xi32, #tpu.memory_space<vmem>> -> memref<128xi32, #tpu.memory_space<vmem>>
      %dma_start3A_3213 = arith.constant 0 : i32
      %dma_start3A_3214 = tpu.memref_slice %arg8[%dma_start3A_3213] : memref<1015808xf32, #tpu.memory_space<vmem_shared>> -> memref<1015808xf32, #tpu.memory_space<vmem_shared>>
      tpu.enqueue_indirect_dma source(%dma_start3A_3214 : memref<1015808xf32, #tpu.memory_space<vmem_shared>>) target(%dma_start3A_3209 : memref<128xf32, #tpu.memory_space<vmem>>) offsets(%dma_start3A_3212 : memref<128xi32, #tpu.memory_space<vmem>>) semaphore(%arg9 : memref<!tpu.dma_semaphore, #tpu.memory_space<semaphore_mem>>)
      %add3A_3215 = arith.constant 2 : i32
      %add3A_3216 = arith.addi %add3A_3007, %add3A_3215 : i32
      %mul3A_3217 = arith.constant 2 : i32
      %mul3A_3218 = arith.muli %add3A_3216, %mul3A_3217 : i32
      %dma_start3A_3219 = arith.constant 1 : i32
      %dma_start3A_3220 = arith.constant 0 : i32
      %dma_start3A_3221 = arith.constant 0 : i32
      %dma_start3A_3222 = tpu.memref_slice %arg5[%dma_start3A_3219, %dma_start3A_3220, %dma_start3A_3221] : memref<2x2x512xi32, #tpu.memory_space<vmem>> -> memref<1x2x512xi32, #tpu.memory_space<vmem>>
      %dma_start3A_3223 = tpu.memref_squeeze %dma_start3A_3222 : memref<1x2x512xi32, #tpu.memory_space<vmem>> -> memref<2x512xi32, #tpu.memory_space<vmem>>
      %dma_start3A_3224 = tpu.memref_slice %arg2[%mul3A_3218, %mul3A_2] : memref<200x16384xi32, #tpu.memory_space<hbm>> -> memref<2x512xi32, #tpu.memory_space<hbm>>
      %dma_start3A_3225 = arith.constant 0 : i32
      %dma_start3A_3226 = arith.constant 0 : i32
      %dma_start3A_3227 = tpu.memref_slice %arg5[%dma_start3A_3219, %dma_start3A_3225, %dma_start3A_3226] : memref<2x2x512xi32, #tpu.memory_space<vmem>> -> memref<1x2x512xi32, #tpu.memory_space<vmem>>
      %dma_start3A_3228 = tpu.memref_squeeze %dma_start3A_3227 : memref<1x2x512xi32, #tpu.memory_space<vmem>> -> memref<2x512xi32, #tpu.memory_space<vmem>>
      %dma_start3A_3229 = tpu.memref_slice %arg2[%mul3A_3218, %mul3A_2] : memref<200x16384xi32, #tpu.memory_space<hbm>> -> memref<2x512xi32, #tpu.memory_space<hbm>>
      tpu.enqueue_dma source(%dma_start3A_3229 : memref<2x512xi32, #tpu.memory_space<hbm>>) target(%dma_start3A_3228 : memref<2x512xi32, #tpu.memory_space<vmem>>) target_semaphore(%arg10 : memref<!tpu.dma_semaphore, #tpu.memory_space<semaphore_mem>>)
      %get3A_3230 = arith.constant 0 : index
      %get3A_3231 = tpu.vector_load %arg7[%get3A_3230] {strides = array<i32>} : memref<512xf32, #tpu.memory_space<vmem>>, vector<16xf32>,
      %get3A_3232 = arith.constant 1 : i32
      %get3A_3233 = arith.constant 0 : i32
      %get3A_3234 = arith.index_cast %get3A_3232 : i32 to index
      %get3A_3235 = arith.index_cast %get3A_3233 : i32 to index
      %get3A_3236 = arith.constant 0 : index
      %get3A_3237 = tpu.vector_load %arg6[%get3A_3234, %get3A_3235, %get3A_3236] {strides = array<i32>} : memref<2x2x512xf32, #tpu.memory_space<vmem>>, vector<16xf32>,
      %add3A_3238 = arith.addf %get3A_3231, %get3A_3237 : vector<16xf32>
      %get3A_3239 = arith.constant 1 : i32
      %get3A_3240 = arith.constant 1 : i32
      %get3A_3241 = arith.index_cast %get3A_3239 : i32 to index
      %get3A_3242 = arith.index_cast %get3A_3240 : i32 to index
      %get3A_3243 = arith.constant 0 : index
      %get3A_3244 = tpu.vector_load %arg6[%get3A_3241, %get3A_3242, %get3A_3243] {strides = array<i32>} : memref<2x2x512xf32, #tpu.memory_space<vmem>>, vector<16xf32>,
      %add3A_3245 = arith.addf %add3A_3238, %get3A_3244 : vector<16xf32>
      %swap3A_3246 = arith.constant 0 : index
      %swap3A_3247 = tpu.vector_load %arg7[%swap3A_3246] {strides = array<i32>} : memref<512xf32, #tpu.memory_space<vmem>>, vector<16xf32>,
      tpu.vector_store %arg7[%swap3A_3246], %add3A_3245 {strides = array<i32>} : memref<512xf32, #tpu.memory_space<vmem>>, vector<16xf32>,
      %get3A_3248 = arith.constant 16 : index
      %get3A_3249 = tpu.vector_load %arg7[%get3A_3248] {strides = array<i32>} : memref<512xf32, #tpu.memory_space<vmem>>, vector<16xf32>,
      %get3A_3250 = arith.constant 1 : i32
      %get3A_3251 = arith.constant 0 : i32
      %get3A_3252 = arith.index_cast %get3A_3250 : i32 to index
      %get3A_3253 = arith.index_cast %get3A_3251 : i32 to index
      %get3A_3254 = arith.constant 16 : index
      %get3A_3255 = tpu.vector_load %arg6[%get3A_3252, %get3A_3253, %get3A_3254] {strides = array<i32>} : memref<2x2x512xf32, #tpu.memory_space<vmem>>, vector<16xf32>,
      %add3A_3256 = arith.addf %get3A_3249, %get3A_3255 : vector<16xf32>
      %get3A_3257 = arith.constant 1 : i32
      %get3A_3258 = arith.constant 1 : i32
      %get3A_3259 = arith.index_cast %get3A_3257 : i32 to index
      %get3A_3260 = arith.index_cast %get3A_3258 : i32 to index
      %get3A_3261 = arith.constant 16 : index
      %get3A_3262 = tpu.vector_load %arg6[%get3A_3259, %get3A_3260, %get3A_3261] {strides = array<i32>} : memref<2x2x512xf32, #tpu.memory_space<vmem>>, vector<16xf32>,
      %add3A_3263 = arith.addf %add3A_3256, %get3A_3262 : vector<16xf32>
      %swap3A_3264 = arith.constant 16 : index
      %swap3A_3265 = tpu.vector_load %arg7[%swap3A_3264] {strides = array<i32>} : memref<512xf32, #tpu.memory_space<vmem>>, vector<16xf32>,
      tpu.vector_store %arg7[%swap3A_3264], %add3A_3263 {strides = array<i32>} : memref<512xf32, #tpu.memory_space<vmem>>, vector<16xf32>,
      %get3A_3266 = arith.constant 32 : index
      %get3A_3267 = tpu.vector_load %arg7[%get3A_3266] {strides = array<i32>} : memref<512xf32, #tpu.memory_space<vmem>>, vector<16xf32>,
      %get3A_3268 = arith.constant 1 : i32
      %get3A_3269 = arith.constant 0 : i32
      %get3A_3270 = arith.index_cast %get3A_3268 : i32 to index
      %get3A_3271 = arith.index_cast %get3A_3269 : i32 to index
      %get3A_3272 = arith.constant 32 : index
      %get3A_3273 = tpu.vector_load %arg6[%get3A_3270, %get3A_3271, %get3A_3272] {strides = array<i32>} : memref<2x2x512xf32, #tpu.memory_space<vmem>>, vector<16xf32>,
      %add3A_3274 = arith.addf %get3A_3267, %get3A_3273 : vector<16xf32>
      %get3A_3275 = arith.constant 1 : i32
      %get3A_3276 = arith.constant 1 : i32
      %get3A_3277 = arith.index_cast %get3A_3275 : i32 to index
      %get3A_3278 = arith.index_cast %get3A_3276 : i32 to index
      %get3A_3279 = arith.constant 32 : index
      %get3A_3280 = tpu.vector_load %arg6[%get3A_3277, %get3A_3278, %get3A_3279] {strides = array<i32>} : memref<2x2x512xf32, #tpu.memory_space<vmem>>, vector<16xf32>,
      %add3A_3281 = arith.addf %add3A_3274, %get3A_3280 : vector<16xf32>
      %swap3A_3282 = arith.constant 32 : index
      %swap3A_3283 = tpu.vector_load %arg7[%swap3A_3282] {strides = array<i32>} : memref<512xf32, #tpu.memory_space<vmem>>, vector<16xf32>,
      tpu.vector_store %arg7[%swap3A_3282], %add3A_3281 {strides = array<i32>} : memref<512xf32, #tpu.memory_space<vmem>>, vector<16xf32>,
      %get3A_3284 = arith.constant 48 : index
      %get3A_3285 = tpu.vector_load %arg7[%get3A_3284] {strides = array<i32>} : memref<512xf32, #tpu.memory_space<vmem>>, vector<16xf32>,
      %get3A_3286 = arith.constant 1 : i32
      %get3A_3287 = arith.constant 0 : i32
      %get3A_3288 = arith.index_cast %get3A_3286 : i32 to index
      %get3A_3289 = arith.index_cast %get3A_3287 : i32 to index
      %get3A_3290 = arith.constant 48 : index
      %get3A_3291 = tpu.vector_load %arg6[%get3A_3288, %get3A_3289, %get3A_3290] {strides = array<i32>} : memref<2x2x512xf32, #tpu.memory_space<vmem>>, vector<16xf32>,
      %add3A_3292 = arith.addf %get3A_3285, %get3A_3291 : vector<16xf32>
      %get3A_3293 = arith.constant 1 : i32
      %get3A_3294 = arith.constant 1 : i32
      %get3A_3295 = arith.index_cast %get3A_3293 : i32 to index
      %get3A_3296 = arith.index_cast %get3A_3294 : i32 to index
      %get3A_3297 = arith.constant 48 : index
      %get3A_3298 = tpu.vector_load %arg6[%get3A_3295, %get3A_3296, %get3A_3297] {strides = array<i32>} : memref<2x2x512xf32, #tpu.memory_space<vmem>>, vector<16xf32>,
      %add3A_3299 = arith.addf %add3A_3292, %get3A_3298 : vector<16xf32>
      %swap3A_3300 = arith.constant 48 : index
      %swap3A_3301 = tpu.vector_load %arg7[%swap3A_3300] {strides = array<i32>} : memref<512xf32, #tpu.memory_space<vmem>>, vector<16xf32>,
      tpu.vector_store %arg7[%swap3A_3300], %add3A_3299 {strides = array<i32>} : memref<512xf32, #tpu.memory_space<vmem>>, vector<16xf32>,
      %get3A_3302 = arith.constant 64 : index
      %get3A_3303 = tpu.vector_load %arg7[%get3A_3302] {strides = array<i32>} : memref<512xf32, #tpu.memory_space<vmem>>, vector<16xf32>,
      %get3A_3304 = arith.constant 1 : i32
      %get3A_3305 = arith.constant 0 : i32
      %get3A_3306 = arith.index_cast %get3A_3304 : i32 to index
      %get3A_3307 = arith.index_cast %get3A_3305 : i32 to index
      %get3A_3308 = arith.constant 64 : index
      %get3A_3309 = tpu.vector_load %arg6[%get3A_3306, %get3A_3307, %get3A_3308] {strides = array<i32>} : memref<2x2x512xf32, #tpu.memory_space<vmem>>, vector<16xf32>,
      %add3A_3310 = arith.addf %get3A_3303, %get3A_3309 : vector<16xf32>
      %get3A_3311 = arith.constant 1 : i32
      %get3A_3312 = arith.constant 1 : i32
      %get3A_3313 = arith.index_cast %get3A_3311 : i32 to index
      %get3A_3314 = arith.index_cast %get3A_3312 : i32 to index
      %get3A_3315 = arith.constant 64 : index
      %get3A_3316 = tpu.vector_load %arg6[%get3A_3313, %get3A_3314, %get3A_3315] {strides = array<i32>} : memref<2x2x512xf32, #tpu.memory_space<vmem>>, vector<16xf32>,
      %add3A_3317 = arith.addf %add3A_3310, %get3A_3316 : vector<16xf32>
      %swap3A_3318 = arith.constant 64 : index
      %swap3A_3319 = tpu.vector_load %arg7[%swap3A_3318] {strides = array<i32>} : memref<512xf32, #tpu.memory_space<vmem>>, vector<16xf32>,
      tpu.vector_store %arg7[%swap3A_3318], %add3A_3317 {strides = array<i32>} : memref<512xf32, #tpu.memory_space<vmem>>, vector<16xf32>,
      %get3A_3320 = arith.constant 80 : index
      %get3A_3321 = tpu.vector_load %arg7[%get3A_3320] {strides = array<i32>} : memref<512xf32, #tpu.memory_space<vmem>>, vector<16xf32>,
      %get3A_3322 = arith.constant 1 : i32
      %get3A_3323 = arith.constant 0 : i32
      %get3A_3324 = arith.index_cast %get3A_3322 : i32 to index
      %get3A_3325 = arith.index_cast %get3A_3323 : i32 to index
      %get3A_3326 = arith.constant 80 : index
      %get3A_3327 = tpu.vector_load %arg6[%get3A_3324, %get3A_3325, %get3A_3326] {strides = array<i32>} : memref<2x2x512xf32, #tpu.memory_space<vmem>>, vector<16xf32>,
      %add3A_3328 = arith.addf %get3A_3321, %get3A_3327 : vector<16xf32>
      %get3A_3329 = arith.constant 1 : i32
      %get3A_3330 = arith.constant 1 : i32
      %get3A_3331 = arith.index_cast %get3A_3329 : i32 to index
      %get3A_3332 = arith.index_cast %get3A_3330 : i32 to index
      %get3A_3333 = arith.constant 80 : index
      %get3A_3334 = tpu.vector_load %arg6[%get3A_3331, %get3A_3332, %get3A_3333] {strides = array<i32>} : memref<2x2x512xf32, #tpu.memory_space<vmem>>, vector<16xf32>,
      %add3A_3335 = arith.addf %add3A_3328, %get3A_3334 : vector<16xf32>
      %swap3A_3336 = arith.constant 80 : index
      %swap3A_3337 = tpu.vector_load %arg7[%swap3A_3336] {strides = array<i32>} : memref<512xf32, #tpu.memory_space<vmem>>, vector<16xf32>,
      tpu.vector_store %arg7[%swap3A_3336], %add3A_3335 {strides = array<i32>} : memref<512xf32, #tpu.memory_space<vmem>>, vector<16xf32>,
      %get3A_3338 = arith.constant 96 : index
      %get3A_3339 = tpu.vector_load %arg7[%get3A_3338] {strides = array<i32>} : memref<512xf32, #tpu.memory_space<vmem>>, vector<16xf32>,
      %get3A_3340 = arith.constant 1 : i32
      %get3A_3341 = arith.constant 0 : i32
      %get3A_3342 = arith.index_cast %get3A_3340 : i32 to index
      %get3A_3343 = arith.index_cast %get3A_3341 : i32 to index
      %get3A_3344 = arith.constant 96 : index
      %get3A_3345 = tpu.vector_load %arg6[%get3A_3342, %get3A_3343, %get3A_3344] {strides = array<i32>} : memref<2x2x512xf32, #tpu.memory_space<vmem>>, vector<16xf32>,
      %add3A_3346 = arith.addf %get3A_3339, %get3A_3345 : vector<16xf32>
      %get3A_3347 = arith.constant 1 : i32
      %get3A_3348 = arith.constant 1 : i32
      %get3A_3349 = arith.index_cast %get3A_3347 : i32 to index
      %get3A_3350 = arith.index_cast %get3A_3348 : i32 to index
      %get3A_3351 = arith.constant 96 : index
      %get3A_3352 = tpu.vector_load %arg6[%get3A_3349, %get3A_3350, %get3A_3351] {strides = array<i32>} : memref<2x2x512xf32, #tpu.memory_space<vmem>>, vector<16xf32>,
      %add3A_3353 = arith.addf %add3A_3346, %get3A_3352 : vector<16xf32>
      %swap3A_3354 = arith.constant 96 : index
      %swap3A_3355 = tpu.vector_load %arg7[%swap3A_3354] {strides = array<i32>} : memref<512xf32, #tpu.memory_space<vmem>>, vector<16xf32>,
      tpu.vector_store %arg7[%swap3A_3354], %add3A_3353 {strides = array<i32>} : memref<512xf32, #tpu.memory_space<vmem>>, vector<16xf32>,
      %get3A_3356 = arith.constant 112 : index
      %get3A_3357 = tpu.vector_load %arg7[%get3A_3356] {strides = array<i32>} : memref<512xf32, #tpu.memory_space<vmem>>, vector<16xf32>,
      %get3A_3358 = arith.constant 1 : i32
      %get3A_3359 = arith.constant 0 : i32
      %get3A_3360 = arith.index_cast %get3A_3358 : i32 to index
      %get3A_3361 = arith.index_cast %get3A_3359 : i32 to index
      %get3A_3362 = arith.constant 112 : index
      %get3A_3363 = tpu.vector_load %arg6[%get3A_3360, %get3A_3361, %get3A_3362] {strides = array<i32>} : memref<2x2x512xf32, #tpu.memory_space<vmem>>, vector<16xf32>,
      %add3A_3364 = arith.addf %get3A_3357, %get3A_3363 : vector<16xf32>
      %get3A_3365 = arith.constant 1 : i32
      %get3A_3366 = arith.constant 1 : i32
      %get3A_3367 = arith.index_cast %get3A_3365 : i32 to index
      %get3A_3368 = arith.index_cast %get3A_3366 : i32 to index
      %get3A_3369 = arith.constant 112 : index
      %get3A_3370 = tpu.vector_load %arg6[%get3A_3367, %get3A_3368, %get3A_3369] {strides = array<i32>} : memref<2x2x512xf32, #tpu.memory_space<vmem>>, vector<16xf32>,
      %add3A_3371 = arith.addf %add3A_3364, %get3A_3370 : vector<16xf32>
      %swap3A_3372 = arith.constant 112 : index
      %swap3A_3373 = tpu.vector_load %arg7[%swap3A_3372] {strides = array<i32>} : memref<512xf32, #tpu.memory_space<vmem>>, vector<16xf32>,
      tpu.vector_store %arg7[%swap3A_3372], %add3A_3371 {strides = array<i32>} : memref<512xf32, #tpu.memory_space<vmem>>, vector<16xf32>,
      %get3A_3374 = arith.constant 128 : index
      %get3A_3375 = tpu.vector_load %arg7[%get3A_3374] {strides = array<i32>} : memref<512xf32, #tpu.memory_space<vmem>>, vector<16xf32>,
      %get3A_3376 = arith.constant 1 : i32
      %get3A_3377 = arith.constant 0 : i32
      %get3A_3378 = arith.index_cast %get3A_3376 : i32 to index
      %get3A_3379 = arith.index_cast %get3A_3377 : i32 to index
      %get3A_3380 = arith.constant 128 : index
      %get3A_3381 = tpu.vector_load %arg6[%get3A_3378, %get3A_3379, %get3A_3380] {strides = array<i32>} : memref<2x2x512xf32, #tpu.memory_space<vmem>>, vector<16xf32>,
      %add3A_3382 = arith.addf %get3A_3375, %get3A_3381 : vector<16xf32>
      %get3A_3383 = arith.constant 1 : i32
      %get3A_3384 = arith.constant 1 : i32
      %get3A_3385 = arith.index_cast %get3A_3383 : i32 to index
      %get3A_3386 = arith.index_cast %get3A_3384 : i32 to index
      %get3A_3387 = arith.constant 128 : index
      %get3A_3388 = tpu.vector_load %arg6[%get3A_3385, %get3A_3386, %get3A_3387] {strides = array<i32>} : memref<2x2x512xf32, #tpu.memory_space<vmem>>, vector<16xf32>,
      %add3A_3389 = arith.addf %add3A_3382, %get3A_3388 : vector<16xf32>
      %swap3A_3390 = arith.constant 128 : index
      %swap3A_3391 = tpu.vector_load %arg7[%swap3A_3390] {strides = array<i32>} : memref<512xf32, #tpu.memory_space<vmem>>, vector<16xf32>,
      tpu.vector_store %arg7[%swap3A_3390], %add3A_3389 {strides = array<i32>} : memref<512xf32, #tpu.memory_space<vmem>>, vector<16xf32>,
      %get3A_3392 = arith.constant 144 : index
      %get3A_3393 = tpu.vector_load %arg7[%get3A_3392] {strides = array<i32>} : memref<512xf32, #tpu.memory_space<vmem>>, vector<16xf32>,
      %get3A_3394 = arith.constant 1 : i32
      %get3A_3395 = arith.constant 0 : i32
      %get3A_3396 = arith.index_cast %get3A_3394 : i32 to index
      %get3A_3397 = arith.index_cast %get3A_3395 : i32 to index
      %get3A_3398 = arith.constant 144 : index
      %get3A_3399 = tpu.vector_load %arg6[%get3A_3396, %get3A_3397, %get3A_3398] {strides = array<i32>} : memref<2x2x512xf32, #tpu.memory_space<vmem>>, vector<16xf32>,
      %add3A_3400 = arith.addf %get3A_3393, %get3A_3399 : vector<16xf32>
      %get3A_3401 = arith.constant 1 : i32
      %get3A_3402 = arith.constant 1 : i32
      %get3A_3403 = arith.index_cast %get3A_3401 : i32 to index
      %get3A_3404 = arith.index_cast %get3A_3402 : i32 to index
      %get3A_3405 = arith.constant 144 : index
      %get3A_3406 = tpu.vector_load %arg6[%get3A_3403, %get3A_3404, %get3A_3405] {strides = array<i32>} : memref<2x2x512xf32, #tpu.memory_space<vmem>>, vector<16xf32>,
      %add3A_3407 = arith.addf %add3A_3400, %get3A_3406 : vector<16xf32>
      %swap3A_3408 = arith.constant 144 : index
      %swap3A_3409 = tpu.vector_load %arg7[%swap3A_3408] {strides = array<i32>} : memref<512xf32, #tpu.memory_space<vmem>>, vector<16xf32>,
      tpu.vector_store %arg7[%swap3A_3408], %add3A_3407 {strides = array<i32>} : memref<512xf32, #tpu.memory_space<vmem>>, vector<16xf32>,
      %get3A_3410 = arith.constant 160 : index
      %get3A_3411 = tpu.vector_load %arg7[%get3A_3410] {strides = array<i32>} : memref<512xf32, #tpu.memory_space<vmem>>, vector<16xf32>,
      %get3A_3412 = arith.constant 1 : i32
      %get3A_3413 = arith.constant 0 : i32
      %get3A_3414 = arith.index_cast %get3A_3412 : i32 to index
      %get3A_3415 = arith.index_cast %get3A_3413 : i32 to index
      %get3A_3416 = arith.constant 160 : index
      %get3A_3417 = tpu.vector_load %arg6[%get3A_3414, %get3A_3415, %get3A_3416] {strides = array<i32>} : memref<2x2x512xf32, #tpu.memory_space<vmem>>, vector<16xf32>,
      %add3A_3418 = arith.addf %get3A_3411, %get3A_3417 : vector<16xf32>
      %get3A_3419 = arith.constant 1 : i32
      %get3A_3420 = arith.constant 1 : i32
      %get3A_3421 = arith.index_cast %get3A_3419 : i32 to index
      %get3A_3422 = arith.index_cast %get3A_3420 : i32 to index
      %get3A_3423 = arith.constant 160 : index
      %get3A_3424 = tpu.vector_load %arg6[%get3A_3421, %get3A_3422, %get3A_3423] {strides = array<i32>} : memref<2x2x512xf32, #tpu.memory_space<vmem>>, vector<16xf32>,
      %add3A_3425 = arith.addf %add3A_3418, %get3A_3424 : vector<16xf32>
      %swap3A_3426 = arith.constant 160 : index
      %swap3A_3427 = tpu.vector_load %arg7[%swap3A_3426] {strides = array<i32>} : memref<512xf32, #tpu.memory_space<vmem>>, vector<16xf32>,
      tpu.vector_store %arg7[%swap3A_3426], %add3A_3425 {strides = array<i32>} : memref<512xf32, #tpu.memory_space<vmem>>, vector<16xf32>,
      %get3A_3428 = arith.constant 176 : index
      %get3A_3429 = tpu.vector_load %arg7[%get3A_3428] {strides = array<i32>} : memref<512xf32, #tpu.memory_space<vmem>>, vector<16xf32>,
      %get3A_3430 = arith.constant 1 : i32
      %get3A_3431 = arith.constant 0 : i32
      %get3A_3432 = arith.index_cast %get3A_3430 : i32 to index
      %get3A_3433 = arith.index_cast %get3A_3431 : i32 to index
      %get3A_3434 = arith.constant 176 : index
      %get3A_3435 = tpu.vector_load %arg6[%get3A_3432, %get3A_3433, %get3A_3434] {strides = array<i32>} : memref<2x2x512xf32, #tpu.memory_space<vmem>>, vector<16xf32>,
      %add3A_3436 = arith.addf %get3A_3429, %get3A_3435 : vector<16xf32>
      %get3A_3437 = arith.constant 1 : i32
      %get3A_3438 = arith.constant 1 : i32
      %get3A_3439 = arith.index_cast %get3A_3437 : i32 to index
      %get3A_3440 = arith.index_cast %get3A_3438 : i32 to index
      %get3A_3441 = arith.constant 176 : index
      %get3A_3442 = tpu.vector_load %arg6[%get3A_3439, %get3A_3440, %get3A_3441] {strides = array<i32>} : memref<2x2x512xf32, #tpu.memory_space<vmem>>, vector<16xf32>,
      %add3A_3443 = arith.addf %add3A_3436, %get3A_3442 : vector<16xf32>
      %swap3A_3444 = arith.constant 176 : index
      %swap3A_3445 = tpu.vector_load %arg7[%swap3A_3444] {strides = array<i32>} : memref<512xf32, #tpu.memory_space<vmem>>, vector<16xf32>,
      tpu.vector_store %arg7[%swap3A_3444], %add3A_3443 {strides = array<i32>} : memref<512xf32, #tpu.memory_space<vmem>>, vector<16xf32>,
      %get3A_3446 = arith.constant 192 : index
      %get3A_3447 = tpu.vector_load %arg7[%get3A_3446] {strides = array<i32>} : memref<512xf32, #tpu.memory_space<vmem>>, vector<16xf32>,
      %get3A_3448 = arith.constant 1 : i32
      %get3A_3449 = arith.constant 0 : i32
      %get3A_3450 = arith.index_cast %get3A_3448 : i32 to index
      %get3A_3451 = arith.index_cast %get3A_3449 : i32 to index
      %get3A_3452 = arith.constant 192 : index
      %get3A_3453 = tpu.vector_load %arg6[%get3A_3450, %get3A_3451, %get3A_3452] {strides = array<i32>} : memref<2x2x512xf32, #tpu.memory_space<vmem>>, vector<16xf32>,
      %add3A_3454 = arith.addf %get3A_3447, %get3A_3453 : vector<16xf32>
      %get3A_3455 = arith.constant 1 : i32
      %get3A_3456 = arith.constant 1 : i32
      %get3A_3457 = arith.index_cast %get3A_3455 : i32 to index
      %get3A_3458 = arith.index_cast %get3A_3456 : i32 to index
      %get3A_3459 = arith.constant 192 : index
      %get3A_3460 = tpu.vector_load %arg6[%get3A_3457, %get3A_3458, %get3A_3459] {strides = array<i32>} : memref<2x2x512xf32, #tpu.memory_space<vmem>>, vector<16xf32>,
      %add3A_3461 = arith.addf %add3A_3454, %get3A_3460 : vector<16xf32>
      %swap3A_3462 = arith.constant 192 : index
      %swap3A_3463 = tpu.vector_load %arg7[%swap3A_3462] {strides = array<i32>} : memref<512xf32, #tpu.memory_space<vmem>>, vector<16xf32>,
      tpu.vector_store %arg7[%swap3A_3462], %add3A_3461 {strides = array<i32>} : memref<512xf32, #tpu.memory_space<vmem>>, vector<16xf32>,
      %get3A_3464 = arith.constant 208 : index
      %get3A_3465 = tpu.vector_load %arg7[%get3A_3464] {strides = array<i32>} : memref<512xf32, #tpu.memory_space<vmem>>, vector<16xf32>,
      %get3A_3466 = arith.constant 1 : i32
      %get3A_3467 = arith.constant 0 : i32
      %get3A_3468 = arith.index_cast %get3A_3466 : i32 to index
      %get3A_3469 = arith.index_cast %get3A_3467 : i32 to index
      %get3A_3470 = arith.constant 208 : index
      %get3A_3471 = tpu.vector_load %arg6[%get3A_3468, %get3A_3469, %get3A_3470] {strides = array<i32>} : memref<2x2x512xf32, #tpu.memory_space<vmem>>, vector<16xf32>,
      %add3A_3472 = arith.addf %get3A_3465, %get3A_3471 : vector<16xf32>
      %get3A_3473 = arith.constant 1 : i32
      %get3A_3474 = arith.constant 1 : i32
      %get3A_3475 = arith.index_cast %get3A_3473 : i32 to index
      %get3A_3476 = arith.index_cast %get3A_3474 : i32 to index
      %get3A_3477 = arith.constant 208 : index
      %get3A_3478 = tpu.vector_load %arg6[%get3A_3475, %get3A_3476, %get3A_3477] {strides = array<i32>} : memref<2x2x512xf32, #tpu.memory_space<vmem>>, vector<16xf32>,
      %add3A_3479 = arith.addf %add3A_3472, %get3A_3478 : vector<16xf32>
      %swap3A_3480 = arith.constant 208 : index
      %swap3A_3481 = tpu.vector_load %arg7[%swap3A_3480] {strides = array<i32>} : memref<512xf32, #tpu.memory_space<vmem>>, vector<16xf32>,
      tpu.vector_store %arg7[%swap3A_3480], %add3A_3479 {strides = array<i32>} : memref<512xf32, #tpu.memory_space<vmem>>, vector<16xf32>,
      %get3A_3482 = arith.constant 224 : index
      %get3A_3483 = tpu.vector_load %arg7[%get3A_3482] {strides = array<i32>} : memref<512xf32, #tpu.memory_space<vmem>>, vector<16xf32>,
      %get3A_3484 = arith.constant 1 : i32
      %get3A_3485 = arith.constant 0 : i32
      %get3A_3486 = arith.index_cast %get3A_3484 : i32 to index
      %get3A_3487 = arith.index_cast %get3A_3485 : i32 to index
      %get3A_3488 = arith.constant 224 : index
      %get3A_3489 = tpu.vector_load %arg6[%get3A_3486, %get3A_3487, %get3A_3488] {strides = array<i32>} : memref<2x2x512xf32, #tpu.memory_space<vmem>>, vector<16xf32>,
      %add3A_3490 = arith.addf %get3A_3483, %get3A_3489 : vector<16xf32>
      %get3A_3491 = arith.constant 1 : i32
      %get3A_3492 = arith.constant 1 : i32
      %get3A_3493 = arith.index_cast %get3A_3491 : i32 to index
      %get3A_3494 = arith.index_cast %get3A_3492 : i32 to index
      %get3A_3495 = arith.constant 224 : index
      %get3A_3496 = tpu.vector_load %arg6[%get3A_3493, %get3A_3494, %get3A_3495] {strides = array<i32>} : memref<2x2x512xf32, #tpu.memory_space<vmem>>, vector<16xf32>,
      %add3A_3497 = arith.addf %add3A_3490, %get3A_3496 : vector<16xf32>
      %swap3A_3498 = arith.constant 224 : index
      %swap3A_3499 = tpu.vector_load %arg7[%swap3A_3498] {strides = array<i32>} : memref<512xf32, #tpu.memory_space<vmem>>, vector<16xf32>,
      tpu.vector_store %arg7[%swap3A_3498], %add3A_3497 {strides = array<i32>} : memref<512xf32, #tpu.memory_space<vmem>>, vector<16xf32>,
      %get3A_3500 = arith.constant 240 : index
      %get3A_3501 = tpu.vector_load %arg7[%get3A_3500] {strides = array<i32>} : memref<512xf32, #tpu.memory_space<vmem>>, vector<16xf32>,
      %get3A_3502 = arith.constant 1 : i32
      %get3A_3503 = arith.constant 0 : i32
      %get3A_3504 = arith.index_cast %get3A_3502 : i32 to index
      %get3A_3505 = arith.index_cast %get3A_3503 : i32 to index
      %get3A_3506 = arith.constant 240 : index
      %get3A_3507 = tpu.vector_load %arg6[%get3A_3504, %get3A_3505, %get3A_3506] {strides = array<i32>} : memref<2x2x512xf32, #tpu.memory_space<vmem>>, vector<16xf32>,
      %add3A_3508 = arith.addf %get3A_3501, %get3A_3507 : vector<16xf32>
      %get3A_3509 = arith.constant 1 : i32
      %get3A_3510 = arith.constant 1 : i32
      %get3A_3511 = arith.index_cast %get3A_3509 : i32 to index
      %get3A_3512 = arith.index_cast %get3A_3510 : i32 to index
      %get3A_3513 = arith.constant 240 : index
      %get3A_3514 = tpu.vector_load %arg6[%get3A_3511, %get3A_3512, %get3A_3513] {strides = array<i32>} : memref<2x2x512xf32, #tpu.memory_space<vmem>>, vector<16xf32>,
      %add3A_3515 = arith.addf %add3A_3508, %get3A_3514 : vector<16xf32>
      %swap3A_3516 = arith.constant 240 : index
      %swap3A_3517 = tpu.vector_load %arg7[%swap3A_3516] {strides = array<i32>} : memref<512xf32, #tpu.memory_space<vmem>>, vector<16xf32>,
      tpu.vector_store %arg7[%swap3A_3516], %add3A_3515 {strides = array<i32>} : memref<512xf32, #tpu.memory_space<vmem>>, vector<16xf32>,
      %get3A_3518 = arith.constant 256 : index
      %get3A_3519 = tpu.vector_load %arg7[%get3A_3518] {strides = array<i32>} : memref<512xf32, #tpu.memory_space<vmem>>, vector<16xf32>,
      %get3A_3520 = arith.constant 1 : i32
      %get3A_3521 = arith.constant 0 : i32
      %get3A_3522 = arith.index_cast %get3A_3520 : i32 to index
      %get3A_3523 = arith.index_cast %get3A_3521 : i32 to index
      %get3A_3524 = arith.constant 256 : index
      %get3A_3525 = tpu.vector_load %arg6[%get3A_3522, %get3A_3523, %get3A_3524] {strides = array<i32>} : memref<2x2x512xf32, #tpu.memory_space<vmem>>, vector<16xf32>,
      %add3A_3526 = arith.addf %get3A_3519, %get3A_3525 : vector<16xf32>
      %get3A_3527 = arith.constant 1 : i32
      %get3A_3528 = arith.constant 1 : i32
      %get3A_3529 = arith.index_cast %get3A_3527 : i32 to index
      %get3A_3530 = arith.index_cast %get3A_3528 : i32 to index
      %get3A_3531 = arith.constant 256 : index
      %get3A_3532 = tpu.vector_load %arg6[%get3A_3529, %get3A_3530, %get3A_3531] {strides = array<i32>} : memref<2x2x512xf32, #tpu.memory_space<vmem>>, vector<16xf32>,
      %add3A_3533 = arith.addf %add3A_3526, %get3A_3532 : vector<16xf32>
      %swap3A_3534 = arith.constant 256 : index
      %swap3A_3535 = tpu.vector_load %arg7[%swap3A_3534] {strides = array<i32>} : memref<512xf32, #tpu.memory_space<vmem>>, vector<16xf32>,
      tpu.vector_store %arg7[%swap3A_3534], %add3A_3533 {strides = array<i32>} : memref<512xf32, #tpu.memory_space<vmem>>, vector<16xf32>,
      %get3A_3536 = arith.constant 272 : index
      %get3A_3537 = tpu.vector_load %arg7[%get3A_3536] {strides = array<i32>} : memref<512xf32, #tpu.memory_space<vmem>>, vector<16xf32>,
      %get3A_3538 = arith.constant 1 : i32
      %get3A_3539 = arith.constant 0 : i32
      %get3A_3540 = arith.index_cast %get3A_3538 : i32 to index
      %get3A_3541 = arith.index_cast %get3A_3539 : i32 to index
      %get3A_3542 = arith.constant 272 : index
      %get3A_3543 = tpu.vector_load %arg6[%get3A_3540, %get3A_3541, %get3A_3542] {strides = array<i32>} : memref<2x2x512xf32, #tpu.memory_space<vmem>>, vector<16xf32>,
      %add3A_3544 = arith.addf %get3A_3537, %get3A_3543 : vector<16xf32>
      %get3A_3545 = arith.constant 1 : i32
      %get3A_3546 = arith.constant 1 : i32
      %get3A_3547 = arith.index_cast %get3A_3545 : i32 to index
      %get3A_3548 = arith.index_cast %get3A_3546 : i32 to index
      %get3A_3549 = arith.constant 272 : index
      %get3A_3550 = tpu.vector_load %arg6[%get3A_3547, %get3A_3548, %get3A_3549] {strides = array<i32>} : memref<2x2x512xf32, #tpu.memory_space<vmem>>, vector<16xf32>,
      %add3A_3551 = arith.addf %add3A_3544, %get3A_3550 : vector<16xf32>
      %swap3A_3552 = arith.constant 272 : index
      %swap3A_3553 = tpu.vector_load %arg7[%swap3A_3552] {strides = array<i32>} : memref<512xf32, #tpu.memory_space<vmem>>, vector<16xf32>,
      tpu.vector_store %arg7[%swap3A_3552], %add3A_3551 {strides = array<i32>} : memref<512xf32, #tpu.memory_space<vmem>>, vector<16xf32>,
      %get3A_3554 = arith.constant 288 : index
      %get3A_3555 = tpu.vector_load %arg7[%get3A_3554] {strides = array<i32>} : memref<512xf32, #tpu.memory_space<vmem>>, vector<16xf32>,
      %get3A_3556 = arith.constant 1 : i32
      %get3A_3557 = arith.constant 0 : i32
      %get3A_3558 = arith.index_cast %get3A_3556 : i32 to index
      %get3A_3559 = arith.index_cast %get3A_3557 : i32 to index
      %get3A_3560 = arith.constant 288 : index
      %get3A_3561 = tpu.vector_load %arg6[%get3A_3558, %get3A_3559, %get3A_3560] {strides = array<i32>} : memref<2x2x512xf32, #tpu.memory_space<vmem>>, vector<16xf32>,
      %add3A_3562 = arith.addf %get3A_3555, %get3A_3561 : vector<16xf32>
      %get3A_3563 = arith.constant 1 : i32
      %get3A_3564 = arith.constant 1 : i32
      %get3A_3565 = arith.index_cast %get3A_3563 : i32 to index
      %get3A_3566 = arith.index_cast %get3A_3564 : i32 to index
      %get3A_3567 = arith.constant 288 : index
      %get3A_3568 = tpu.vector_load %arg6[%get3A_3565, %get3A_3566, %get3A_3567] {strides = array<i32>} : memref<2x2x512xf32, #tpu.memory_space<vmem>>, vector<16xf32>,
      %add3A_3569 = arith.addf %add3A_3562, %get3A_3568 : vector<16xf32>
      %swap3A_3570 = arith.constant 288 : index
      %swap3A_3571 = tpu.vector_load %arg7[%swap3A_3570] {strides = array<i32>} : memref<512xf32, #tpu.memory_space<vmem>>, vector<16xf32>,
      tpu.vector_store %arg7[%swap3A_3570], %add3A_3569 {strides = array<i32>} : memref<512xf32, #tpu.memory_space<vmem>>, vector<16xf32>,
      %get3A_3572 = arith.constant 304 : index
      %get3A_3573 = tpu.vector_load %arg7[%get3A_3572] {strides = array<i32>} : memref<512xf32, #tpu.memory_space<vmem>>, vector<16xf32>,
      %get3A_3574 = arith.constant 1 : i32
      %get3A_3575 = arith.constant 0 : i32
      %get3A_3576 = arith.index_cast %get3A_3574 : i32 to index
      %get3A_3577 = arith.index_cast %get3A_3575 : i32 to index
      %get3A_3578 = arith.constant 304 : index
      %get3A_3579 = tpu.vector_load %arg6[%get3A_3576, %get3A_3577, %get3A_3578] {strides = array<i32>} : memref<2x2x512xf32, #tpu.memory_space<vmem>>, vector<16xf32>,
      %add3A_3580 = arith.addf %get3A_3573, %get3A_3579 : vector<16xf32>
      %get3A_3581 = arith.constant 1 : i32
      %get3A_3582 = arith.constant 1 : i32
      %get3A_3583 = arith.index_cast %get3A_3581 : i32 to index
      %get3A_3584 = arith.index_cast %get3A_3582 : i32 to index
      %get3A_3585 = arith.constant 304 : index
      %get3A_3586 = tpu.vector_load %arg6[%get3A_3583, %get3A_3584, %get3A_3585] {strides = array<i32>} : memref<2x2x512xf32, #tpu.memory_space<vmem>>, vector<16xf32>,
      %add3A_3587 = arith.addf %add3A_3580, %get3A_3586 : vector<16xf32>
      %swap3A_3588 = arith.constant 304 : index
      %swap3A_3589 = tpu.vector_load %arg7[%swap3A_3588] {strides = array<i32>} : memref<512xf32, #tpu.memory_space<vmem>>, vector<16xf32>,
      tpu.vector_store %arg7[%swap3A_3588], %add3A_3587 {strides = array<i32>} : memref<512xf32, #tpu.memory_space<vmem>>, vector<16xf32>,
      %get3A_3590 = arith.constant 320 : index
      %get3A_3591 = tpu.vector_load %arg7[%get3A_3590] {strides = array<i32>} : memref<512xf32, #tpu.memory_space<vmem>>, vector<16xf32>,
      %get3A_3592 = arith.constant 1 : i32
      %get3A_3593 = arith.constant 0 : i32
      %get3A_3594 = arith.index_cast %get3A_3592 : i32 to index
      %get3A_3595 = arith.index_cast %get3A_3593 : i32 to index
      %get3A_3596 = arith.constant 320 : index
      %get3A_3597 = tpu.vector_load %arg6[%get3A_3594, %get3A_3595, %get3A_3596] {strides = array<i32>} : memref<2x2x512xf32, #tpu.memory_space<vmem>>, vector<16xf32>,
      %add3A_3598 = arith.addf %get3A_3591, %get3A_3597 : vector<16xf32>
      %get3A_3599 = arith.constant 1 : i32
      %get3A_3600 = arith.constant 1 : i32
      %get3A_3601 = arith.index_cast %get3A_3599 : i32 to index
      %get3A_3602 = arith.index_cast %get3A_3600 : i32 to index
      %get3A_3603 = arith.constant 320 : index
      %get3A_3604 = tpu.vector_load %arg6[%get3A_3601, %get3A_3602, %get3A_3603] {strides = array<i32>} : memref<2x2x512xf32, #tpu.memory_space<vmem>>, vector<16xf32>,
      %add3A_3605 = arith.addf %add3A_3598, %get3A_3604 : vector<16xf32>
      %swap3A_3606 = arith.constant 320 : index
      %swap3A_3607 = tpu.vector_load %arg7[%swap3A_3606] {strides = array<i32>} : memref<512xf32, #tpu.memory_space<vmem>>, vector<16xf32>,
      tpu.vector_store %arg7[%swap3A_3606], %add3A_3605 {strides = array<i32>} : memref<512xf32, #tpu.memory_space<vmem>>, vector<16xf32>,
      %get3A_3608 = arith.constant 336 : index
      %get3A_3609 = tpu.vector_load %arg7[%get3A_3608] {strides = array<i32>} : memref<512xf32, #tpu.memory_space<vmem>>, vector<16xf32>,
      %get3A_3610 = arith.constant 1 : i32
      %get3A_3611 = arith.constant 0 : i32
      %get3A_3612 = arith.index_cast %get3A_3610 : i32 to index
      %get3A_3613 = arith.index_cast %get3A_3611 : i32 to index
      %get3A_3614 = arith.constant 336 : index
      %get3A_3615 = tpu.vector_load %arg6[%get3A_3612, %get3A_3613, %get3A_3614] {strides = array<i32>} : memref<2x2x512xf32, #tpu.memory_space<vmem>>, vector<16xf32>,
      %add3A_3616 = arith.addf %get3A_3609, %get3A_3615 : vector<16xf32>
      %get3A_3617 = arith.constant 1 : i32
      %get3A_3618 = arith.constant 1 : i32
      %get3A_3619 = arith.index_cast %get3A_3617 : i32 to index
      %get3A_3620 = arith.index_cast %get3A_3618 : i32 to index
      %get3A_3621 = arith.constant 336 : index
      %get3A_3622 = tpu.vector_load %arg6[%get3A_3619, %get3A_3620, %get3A_3621] {strides = array<i32>} : memref<2x2x512xf32, #tpu.memory_space<vmem>>, vector<16xf32>,
      %add3A_3623 = arith.addf %add3A_3616, %get3A_3622 : vector<16xf32>
      %swap3A_3624 = arith.constant 336 : index
      %swap3A_3625 = tpu.vector_load %arg7[%swap3A_3624] {strides = array<i32>} : memref<512xf32, #tpu.memory_space<vmem>>, vector<16xf32>,
      tpu.vector_store %arg7[%swap3A_3624], %add3A_3623 {strides = array<i32>} : memref<512xf32, #tpu.memory_space<vmem>>, vector<16xf32>,
      %get3A_3626 = arith.constant 352 : index
      %get3A_3627 = tpu.vector_load %arg7[%get3A_3626] {strides = array<i32>} : memref<512xf32, #tpu.memory_space<vmem>>, vector<16xf32>,
      %get3A_3628 = arith.constant 1 : i32
      %get3A_3629 = arith.constant 0 : i32
      %get3A_3630 = arith.index_cast %get3A_3628 : i32 to index
      %get3A_3631 = arith.index_cast %get3A_3629 : i32 to index
      %get3A_3632 = arith.constant 352 : index
      %get3A_3633 = tpu.vector_load %arg6[%get3A_3630, %get3A_3631, %get3A_3632] {strides = array<i32>} : memref<2x2x512xf32, #tpu.memory_space<vmem>>, vector<16xf32>,
      %add3A_3634 = arith.addf %get3A_3627, %get3A_3633 : vector<16xf32>
      %get3A_3635 = arith.constant 1 : i32
      %get3A_3636 = arith.constant 1 : i32
      %get3A_3637 = arith.index_cast %get3A_3635 : i32 to index
      %get3A_3638 = arith.index_cast %get3A_3636 : i32 to index
      %get3A_3639 = arith.constant 352 : index
      %get3A_3640 = tpu.vector_load %arg6[%get3A_3637, %get3A_3638, %get3A_3639] {strides = array<i32>} : memref<2x2x512xf32, #tpu.memory_space<vmem>>, vector<16xf32>,
      %add3A_3641 = arith.addf %add3A_3634, %get3A_3640 : vector<16xf32>
      %swap3A_3642 = arith.constant 352 : index
      %swap3A_3643 = tpu.vector_load %arg7[%swap3A_3642] {strides = array<i32>} : memref<512xf32, #tpu.memory_space<vmem>>, vector<16xf32>,
      tpu.vector_store %arg7[%swap3A_3642], %add3A_3641 {strides = array<i32>} : memref<512xf32, #tpu.memory_space<vmem>>, vector<16xf32>,
      %get3A_3644 = arith.constant 368 : index
      %get3A_3645 = tpu.vector_load %arg7[%get3A_3644] {strides = array<i32>} : memref<512xf32, #tpu.memory_space<vmem>>, vector<16xf32>,
      %get3A_3646 = arith.constant 1 : i32
      %get3A_3647 = arith.constant 0 : i32
      %get3A_3648 = arith.index_cast %get3A_3646 : i32 to index
      %get3A_3649 = arith.index_cast %get3A_3647 : i32 to index
      %get3A_3650 = arith.constant 368 : index
      %get3A_3651 = tpu.vector_load %arg6[%get3A_3648, %get3A_3649, %get3A_3650] {strides = array<i32>} : memref<2x2x512xf32, #tpu.memory_space<vmem>>, vector<16xf32>,
      %add3A_3652 = arith.addf %get3A_3645, %get3A_3651 : vector<16xf32>
      %get3A_3653 = arith.constant 1 : i32
      %get3A_3654 = arith.constant 1 : i32
      %get3A_3655 = arith.index_cast %get3A_3653 : i32 to index
      %get3A_3656 = arith.index_cast %get3A_3654 : i32 to index
      %get3A_3657 = arith.constant 368 : index
      %get3A_3658 = tpu.vector_load %arg6[%get3A_3655, %get3A_3656, %get3A_3657] {strides = array<i32>} : memref<2x2x512xf32, #tpu.memory_space<vmem>>, vector<16xf32>,
      %add3A_3659 = arith.addf %add3A_3652, %get3A_3658 : vector<16xf32>
      %swap3A_3660 = arith.constant 368 : index
      %swap3A_3661 = tpu.vector_load %arg7[%swap3A_3660] {strides = array<i32>} : memref<512xf32, #tpu.memory_space<vmem>>, vector<16xf32>,
      tpu.vector_store %arg7[%swap3A_3660], %add3A_3659 {strides = array<i32>} : memref<512xf32, #tpu.memory_space<vmem>>, vector<16xf32>,
      %get3A_3662 = arith.constant 384 : index
      %get3A_3663 = tpu.vector_load %arg7[%get3A_3662] {strides = array<i32>} : memref<512xf32, #tpu.memory_space<vmem>>, vector<16xf32>,
      %get3A_3664 = arith.constant 1 : i32
      %get3A_3665 = arith.constant 0 : i32
      %get3A_3666 = arith.index_cast %get3A_3664 : i32 to index
      %get3A_3667 = arith.index_cast %get3A_3665 : i32 to index
      %get3A_3668 = arith.constant 384 : index
      %get3A_3669 = tpu.vector_load %arg6[%get3A_3666, %get3A_3667, %get3A_3668] {strides = array<i32>} : memref<2x2x512xf32, #tpu.memory_space<vmem>>, vector<16xf32>,
      %add3A_3670 = arith.addf %get3A_3663, %get3A_3669 : vector<16xf32>
      %get3A_3671 = arith.constant 1 : i32
      %get3A_3672 = arith.constant 1 : i32
      %get3A_3673 = arith.index_cast %get3A_3671 : i32 to index
      %get3A_3674 = arith.index_cast %get3A_3672 : i32 to index
      %get3A_3675 = arith.constant 384 : index
      %get3A_3676 = tpu.vector_load %arg6[%get3A_3673, %get3A_3674, %get3A_3675] {strides = array<i32>} : memref<2x2x512xf32, #tpu.memory_space<vmem>>, vector<16xf32>,
      %add3A_3677 = arith.addf %add3A_3670, %get3A_3676 : vector<16xf32>
      %swap3A_3678 = arith.constant 384 : index
      %swap3A_3679 = tpu.vector_load %arg7[%swap3A_3678] {strides = array<i32>} : memref<512xf32, #tpu.memory_space<vmem>>, vector<16xf32>,
      tpu.vector_store %arg7[%swap3A_3678], %add3A_3677 {strides = array<i32>} : memref<512xf32, #tpu.memory_space<vmem>>, vector<16xf32>,
      %get3A_3680 = arith.constant 400 : index
      %get3A_3681 = tpu.vector_load %arg7[%get3A_3680] {strides = array<i32>} : memref<512xf32, #tpu.memory_space<vmem>>, vector<16xf32>,
      %get3A_3682 = arith.constant 1 : i32
      %get3A_3683 = arith.constant 0 : i32
      %get3A_3684 = arith.index_cast %get3A_3682 : i32 to index
      %get3A_3685 = arith.index_cast %get3A_3683 : i32 to index
      %get3A_3686 = arith.constant 400 : index
      %get3A_3687 = tpu.vector_load %arg6[%get3A_3684, %get3A_3685, %get3A_3686] {strides = array<i32>} : memref<2x2x512xf32, #tpu.memory_space<vmem>>, vector<16xf32>,
      %add3A_3688 = arith.addf %get3A_3681, %get3A_3687 : vector<16xf32>
      %get3A_3689 = arith.constant 1 : i32
      %get3A_3690 = arith.constant 1 : i32
      %get3A_3691 = arith.index_cast %get3A_3689 : i32 to index
      %get3A_3692 = arith.index_cast %get3A_3690 : i32 to index
      %get3A_3693 = arith.constant 400 : index
      %get3A_3694 = tpu.vector_load %arg6[%get3A_3691, %get3A_3692, %get3A_3693] {strides = array<i32>} : memref<2x2x512xf32, #tpu.memory_space<vmem>>, vector<16xf32>,
      %add3A_3695 = arith.addf %add3A_3688, %get3A_3694 : vector<16xf32>
      %swap3A_3696 = arith.constant 400 : index
      %swap3A_3697 = tpu.vector_load %arg7[%swap3A_3696] {strides = array<i32>} : memref<512xf32, #tpu.memory_space<vmem>>, vector<16xf32>,
      tpu.vector_store %arg7[%swap3A_3696], %add3A_3695 {strides = array<i32>} : memref<512xf32, #tpu.memory_space<vmem>>, vector<16xf32>,
      %get3A_3698 = arith.constant 416 : index
      %get3A_3699 = tpu.vector_load %arg7[%get3A_3698] {strides = array<i32>} : memref<512xf32, #tpu.memory_space<vmem>>, vector<16xf32>,
      %get3A_3700 = arith.constant 1 : i32
      %get3A_3701 = arith.constant 0 : i32
      %get3A_3702 = arith.index_cast %get3A_3700 : i32 to index
      %get3A_3703 = arith.index_cast %get3A_3701 : i32 to index
      %get3A_3704 = arith.constant 416 : index
      %get3A_3705 = tpu.vector_load %arg6[%get3A_3702, %get3A_3703, %get3A_3704] {strides = array<i32>} : memref<2x2x512xf32, #tpu.memory_space<vmem>>, vector<16xf32>,
      %add3A_3706 = arith.addf %get3A_3699, %get3A_3705 : vector<16xf32>
      %get3A_3707 = arith.constant 1 : i32
      %get3A_3708 = arith.constant 1 : i32
      %get3A_3709 = arith.index_cast %get3A_3707 : i32 to index
      %get3A_3710 = arith.index_cast %get3A_3708 : i32 to index
      %get3A_3711 = arith.constant 416 : index
      %get3A_3712 = tpu.vector_load %arg6[%get3A_3709, %get3A_3710, %get3A_3711] {strides = array<i32>} : memref<2x2x512xf32, #tpu.memory_space<vmem>>, vector<16xf32>,
      %add3A_3713 = arith.addf %add3A_3706, %get3A_3712 : vector<16xf32>
      %swap3A_3714 = arith.constant 416 : index
      %swap3A_3715 = tpu.vector_load %arg7[%swap3A_3714] {strides = array<i32>} : memref<512xf32, #tpu.memory_space<vmem>>, vector<16xf32>,
      tpu.vector_store %arg7[%swap3A_3714], %add3A_3713 {strides = array<i32>} : memref<512xf32, #tpu.memory_space<vmem>>, vector<16xf32>,
      %get3A_3716 = arith.constant 432 : index
      %get3A_3717 = tpu.vector_load %arg7[%get3A_3716] {strides = array<i32>} : memref<512xf32, #tpu.memory_space<vmem>>, vector<16xf32>,
      %get3A_3718 = arith.constant 1 : i32
      %get3A_3719 = arith.constant 0 : i32
      %get3A_3720 = arith.index_cast %get3A_3718 : i32 to index
      %get3A_3721 = arith.index_cast %get3A_3719 : i32 to index
      %get3A_3722 = arith.constant 432 : index
      %get3A_3723 = tpu.vector_load %arg6[%get3A_3720, %get3A_3721, %get3A_3722] {strides = array<i32>} : memref<2x2x512xf32, #tpu.memory_space<vmem>>, vector<16xf32>,
      %add3A_3724 = arith.addf %get3A_3717, %get3A_3723 : vector<16xf32>
      %get3A_3725 = arith.constant 1 : i32
      %get3A_3726 = arith.constant 1 : i32
      %get3A_3727 = arith.index_cast %get3A_3725 : i32 to index
      %get3A_3728 = arith.index_cast %get3A_3726 : i32 to index
      %get3A_3729 = arith.constant 432 : index
      %get3A_3730 = tpu.vector_load %arg6[%get3A_3727, %get3A_3728, %get3A_3729] {strides = array<i32>} : memref<2x2x512xf32, #tpu.memory_space<vmem>>, vector<16xf32>,
      %add3A_3731 = arith.addf %add3A_3724, %get3A_3730 : vector<16xf32>
      %swap3A_3732 = arith.constant 432 : index
      %swap3A_3733 = tpu.vector_load %arg7[%swap3A_3732] {strides = array<i32>} : memref<512xf32, #tpu.memory_space<vmem>>, vector<16xf32>,
      tpu.vector_store %arg7[%swap3A_3732], %add3A_3731 {strides = array<i32>} : memref<512xf32, #tpu.memory_space<vmem>>, vector<16xf32>,
      %get3A_3734 = arith.constant 448 : index
      %get3A_3735 = tpu.vector_load %arg7[%get3A_3734] {strides = array<i32>} : memref<512xf32, #tpu.memory_space<vmem>>, vector<16xf32>,
      %get3A_3736 = arith.constant 1 : i32
      %get3A_3737 = arith.constant 0 : i32
      %get3A_3738 = arith.index_cast %get3A_3736 : i32 to index
      %get3A_3739 = arith.index_cast %get3A_3737 : i32 to index
      %get3A_3740 = arith.constant 448 : index
      %get3A_3741 = tpu.vector_load %arg6[%get3A_3738, %get3A_3739, %get3A_3740] {strides = array<i32>} : memref<2x2x512xf32, #tpu.memory_space<vmem>>, vector<16xf32>,
      %add3A_3742 = arith.addf %get3A_3735, %get3A_3741 : vector<16xf32>
      %get3A_3743 = arith.constant 1 : i32
      %get3A_3744 = arith.constant 1 : i32
      %get3A_3745 = arith.index_cast %get3A_3743 : i32 to index
      %get3A_3746 = arith.index_cast %get3A_3744 : i32 to index
      %get3A_3747 = arith.constant 448 : index
      %get3A_3748 = tpu.vector_load %arg6[%get3A_3745, %get3A_3746, %get3A_3747] {strides = array<i32>} : memref<2x2x512xf32, #tpu.memory_space<vmem>>, vector<16xf32>,
      %add3A_3749 = arith.addf %add3A_3742, %get3A_3748 : vector<16xf32>
      %swap3A_3750 = arith.constant 448 : index
      %swap3A_3751 = tpu.vector_load %arg7[%swap3A_3750] {strides = array<i32>} : memref<512xf32, #tpu.memory_space<vmem>>, vector<16xf32>,
      tpu.vector_store %arg7[%swap3A_3750], %add3A_3749 {strides = array<i32>} : memref<512xf32, #tpu.memory_space<vmem>>, vector<16xf32>,
      %get3A_3752 = arith.constant 464 : index
      %get3A_3753 = tpu.vector_load %arg7[%get3A_3752] {strides = array<i32>} : memref<512xf32, #tpu.memory_space<vmem>>, vector<16xf32>,
      %get3A_3754 = arith.constant 1 : i32
      %get3A_3755 = arith.constant 0 : i32
      %get3A_3756 = arith.index_cast %get3A_3754 : i32 to index
      %get3A_3757 = arith.index_cast %get3A_3755 : i32 to index
      %get3A_3758 = arith.constant 464 : index
      %get3A_3759 = tpu.vector_load %arg6[%get3A_3756, %get3A_3757, %get3A_3758] {strides = array<i32>} : memref<2x2x512xf32, #tpu.memory_space<vmem>>, vector<16xf32>,
      %add3A_3760 = arith.addf %get3A_3753, %get3A_3759 : vector<16xf32>
      %get3A_3761 = arith.constant 1 : i32
      %get3A_3762 = arith.constant 1 : i32
      %get3A_3763 = arith.index_cast %get3A_3761 : i32 to index
      %get3A_3764 = arith.index_cast %get3A_3762 : i32 to index
      %get3A_3765 = arith.constant 464 : index
      %get3A_3766 = tpu.vector_load %arg6[%get3A_3763, %get3A_3764, %get3A_3765] {strides = array<i32>} : memref<2x2x512xf32, #tpu.memory_space<vmem>>, vector<16xf32>,
      %add3A_3767 = arith.addf %add3A_3760, %get3A_3766 : vector<16xf32>
      %swap3A_3768 = arith.constant 464 : index
      %swap3A_3769 = tpu.vector_load %arg7[%swap3A_3768] {strides = array<i32>} : memref<512xf32, #tpu.memory_space<vmem>>, vector<16xf32>,
      tpu.vector_store %arg7[%swap3A_3768], %add3A_3767 {strides = array<i32>} : memref<512xf32, #tpu.memory_space<vmem>>, vector<16xf32>,
      %get3A_3770 = arith.constant 480 : index
      %get3A_3771 = tpu.vector_load %arg7[%get3A_3770] {strides = array<i32>} : memref<512xf32, #tpu.memory_space<vmem>>, vector<16xf32>,
      %get3A_3772 = arith.constant 1 : i32
      %get3A_3773 = arith.constant 0 : i32
      %get3A_3774 = arith.index_cast %get3A_3772 : i32 to index
      %get3A_3775 = arith.index_cast %get3A_3773 : i32 to index
      %get3A_3776 = arith.constant 480 : index
      %get3A_3777 = tpu.vector_load %arg6[%get3A_3774, %get3A_3775, %get3A_3776] {strides = array<i32>} : memref<2x2x512xf32, #tpu.memory_space<vmem>>, vector<16xf32>,
      %add3A_3778 = arith.addf %get3A_3771, %get3A_3777 : vector<16xf32>
      %get3A_3779 = arith.constant 1 : i32
      %get3A_3780 = arith.constant 1 : i32
      %get3A_3781 = arith.index_cast %get3A_3779 : i32 to index
      %get3A_3782 = arith.index_cast %get3A_3780 : i32 to index
      %get3A_3783 = arith.constant 480 : index
      %get3A_3784 = tpu.vector_load %arg6[%get3A_3781, %get3A_3782, %get3A_3783] {strides = array<i32>} : memref<2x2x512xf32, #tpu.memory_space<vmem>>, vector<16xf32>,
      %add3A_3785 = arith.addf %add3A_3778, %get3A_3784 : vector<16xf32>
      %swap3A_3786 = arith.constant 480 : index
      %swap3A_3787 = tpu.vector_load %arg7[%swap3A_3786] {strides = array<i32>} : memref<512xf32, #tpu.memory_space<vmem>>, vector<16xf32>,
      tpu.vector_store %arg7[%swap3A_3786], %add3A_3785 {strides = array<i32>} : memref<512xf32, #tpu.memory_space<vmem>>, vector<16xf32>,
      %get3A_3788 = arith.constant 496 : index
      %get3A_3789 = tpu.vector_load %arg7[%get3A_3788] {strides = array<i32>} : memref<512xf32, #tpu.memory_space<vmem>>, vector<16xf32>,
      %get3A_3790 = arith.constant 1 : i32
      %get3A_3791 = arith.constant 0 : i32
      %get3A_3792 = arith.index_cast %get3A_3790 : i32 to index
      %get3A_3793 = arith.index_cast %get3A_3791 : i32 to index
      %get3A_3794 = arith.constant 496 : index
      %get3A_3795 = tpu.vector_load %arg6[%get3A_3792, %get3A_3793, %get3A_3794] {strides = array<i32>} : memref<2x2x512xf32, #tpu.memory_space<vmem>>, vector<16xf32>,
      %add3A_3796 = arith.addf %get3A_3789, %get3A_3795 : vector<16xf32>
      %get3A_3797 = arith.constant 1 : i32
      %get3A_3798 = arith.constant 1 : i32
      %get3A_3799 = arith.index_cast %get3A_3797 : i32 to index
      %get3A_3800 = arith.index_cast %get3A_3798 : i32 to index
      %get3A_3801 = arith.constant 496 : index
      %get3A_3802 = tpu.vector_load %arg6[%get3A_3799, %get3A_3800, %get3A_3801] {strides = array<i32>} : memref<2x2x512xf32, #tpu.memory_space<vmem>>, vector<16xf32>,
      %add3A_3803 = arith.addf %add3A_3796, %get3A_3802 : vector<16xf32>
      %swap3A_3804 = arith.constant 496 : index
      %swap3A_3805 = tpu.vector_load %arg7[%swap3A_3804] {strides = array<i32>} : memref<512xf32, #tpu.memory_space<vmem>>, vector<16xf32>,
      tpu.vector_store %arg7[%swap3A_3804], %add3A_3803 {strides = array<i32>} : memref<512xf32, #tpu.memory_space<vmem>>, vector<16xf32>,
    }
    %scan3A_207 = arith.constant 49 : i32
    %dma_wait3A_208 = arith.constant 0 : i32
    %dma_wait3A_209 = arith.constant 0 : i32
    %dma_wait3A_210 = arith.constant 0 : i32
    %dma_wait3A_211 = arith.constant 0 : i32
    %dma_wait3A_212 = arith.constant 0 : i32
    %dma_wait3A_213 = tpu.memref_slice %arg6[%dma_wait3A_210, %dma_wait3A_211, %dma_wait3A_212] : memref<2x2x512xf32, #tpu.memory_space<vmem>> -> memref<1x1x128xf32, #tpu.memory_space<vmem>>
    %dma_wait3A_214 = tpu.memref_squeeze %dma_wait3A_213 : memref<1x1x128xf32, #tpu.memory_space<vmem>> -> memref<128xf32, #tpu.memory_space<vmem>>
    %dma_wait3A_215 = arith.constant 0 : i32
    %dma_wait3A_216 = tpu.memref_slice %arg5[%dma_wait3A_208, %dma_wait3A_209, %dma_wait3A_215] : memref<2x2x512xi32, #tpu.memory_space<vmem>> -> memref<1x1x128xi32, #tpu.memory_space<vmem>>
    %dma_wait3A_217 = tpu.memref_squeeze %dma_wait3A_216 : memref<1x1x128xi32, #tpu.memory_space<vmem>> -> memref<128xi32, #tpu.memory_space<vmem>>
    %dma_wait3A_218 = arith.constant 0 : i32
    %dma_wait3A_219 = tpu.memref_slice %arg8[%dma_wait3A_218] : memref<1015808xf32, #tpu.memory_space<vmem_shared>> -> memref<1015808xf32, #tpu.memory_space<vmem_shared>>
    tpu.wait_indirect_dma semaphore(%arg9 : memref<!tpu.dma_semaphore, #tpu.memory_space<semaphore_mem>>) src(%dma_wait3A_219 : memref<1015808xf32, #tpu.memory_space<vmem_shared>>) dst(%dma_wait3A_214 : memref<128xf32, #tpu.memory_space<vmem>>)
    %dma_wait3A_220 = arith.constant 0 : i32
    %dma_wait3A_221 = arith.constant 0 : i32
    %dma_wait3A_222 = arith.constant 0 : i32
    %dma_wait3A_223 = arith.constant 0 : i32
    %dma_wait3A_224 = arith.constant 128 : i32
    %dma_wait3A_225 = tpu.memref_slice %arg6[%dma_wait3A_222, %dma_wait3A_223, %dma_wait3A_224] : memref<2x2x512xf32, #tpu.memory_space<vmem>> -> memref<1x1x128xf32, #tpu.memory_space<vmem>>
    %dma_wait3A_226 = tpu.memref_squeeze %dma_wait3A_225 : memref<1x1x128xf32, #tpu.memory_space<vmem>> -> memref<128xf32, #tpu.memory_space<vmem>>
    %dma_wait3A_227 = arith.constant 128 : i32
    %dma_wait3A_228 = tpu.memref_slice %arg5[%dma_wait3A_220, %dma_wait3A_221, %dma_wait3A_227] : memref<2x2x512xi32, #tpu.memory_space<vmem>> -> memref<1x1x128xi32, #tpu.memory_space<vmem>>
    %dma_wait3A_229 = tpu.memref_squeeze %dma_wait3A_228 : memref<1x1x128xi32, #tpu.memory_space<vmem>> -> memref<128xi32, #tpu.memory_space<vmem>>
    %dma_wait3A_230 = arith.constant 0 : i32
    %dma_wait3A_231 = tpu.memref_slice %arg8[%dma_wait3A_230] : memref<1015808xf32, #tpu.memory_space<vmem_shared>> -> memref<1015808xf32, #tpu.memory_space<vmem_shared>>
    tpu.wait_indirect_dma semaphore(%arg9 : memref<!tpu.dma_semaphore, #tpu.memory_space<semaphore_mem>>) src(%dma_wait3A_231 : memref<1015808xf32, #tpu.memory_space<vmem_shared>>) dst(%dma_wait3A_226 : memref<128xf32, #tpu.memory_space<vmem>>)
    %dma_wait3A_232 = arith.constant 0 : i32
    %dma_wait3A_233 = arith.constant 0 : i32
    %dma_wait3A_234 = arith.constant 0 : i32
    %dma_wait3A_235 = arith.constant 0 : i32
    %dma_wait3A_236 = arith.constant 256 : i32
    %dma_wait3A_237 = tpu.memref_slice %arg6[%dma_wait3A_234, %dma_wait3A_235, %dma_wait3A_236] : memref<2x2x512xf32, #tpu.memory_space<vmem>> -> memref<1x1x128xf32, #tpu.memory_space<vmem>>
    %dma_wait3A_238 = tpu.memref_squeeze %dma_wait3A_237 : memref<1x1x128xf32, #tpu.memory_space<vmem>> -> memref<128xf32, #tpu.memory_space<vmem>>
    %dma_wait3A_239 = arith.constant 256 : i32
    %dma_wait3A_240 = tpu.memref_slice %arg5[%dma_wait3A_232, %dma_wait3A_233, %dma_wait3A_239] : memref<2x2x512xi32, #tpu.memory_space<vmem>> -> memref<1x1x128xi32, #tpu.memory_space<vmem>>
    %dma_wait3A_241 = tpu.memref_squeeze %dma_wait3A_240 : memref<1x1x128xi32, #tpu.memory_space<vmem>> -> memref<128xi32, #tpu.memory_space<vmem>>
    %dma_wait3A_242 = arith.constant 0 : i32
    %dma_wait3A_243 = tpu.memref_slice %arg8[%dma_wait3A_242] : memref<1015808xf32, #tpu.memory_space<vmem_shared>> -> memref<1015808xf32, #tpu.memory_space<vmem_shared>>
    tpu.wait_indirect_dma semaphore(%arg9 : memref<!tpu.dma_semaphore, #tpu.memory_space<semaphore_mem>>) src(%dma_wait3A_243 : memref<1015808xf32, #tpu.memory_space<vmem_shared>>) dst(%dma_wait3A_238 : memref<128xf32, #tpu.memory_space<vmem>>)
    %dma_wait3A_244 = arith.constant 0 : i32
    %dma_wait3A_245 = arith.constant 0 : i32
    %dma_wait3A_246 = arith.constant 0 : i32
    %dma_wait3A_247 = arith.constant 0 : i32
    %dma_wait3A_248 = arith.constant 384 : i32
    %dma_wait3A_249 = tpu.memref_slice %arg6[%dma_wait3A_246, %dma_wait3A_247, %dma_wait3A_248] : memref<2x2x512xf32, #tpu.memory_space<vmem>> -> memref<1x1x128xf32, #tpu.memory_space<vmem>>
    %dma_wait3A_250 = tpu.memref_squeeze %dma_wait3A_249 : memref<1x1x128xf32, #tpu.memory_space<vmem>> -> memref<128xf32, #tpu.memory_space<vmem>>
    %dma_wait3A_251 = arith.constant 384 : i32
    %dma_wait3A_252 = tpu.memref_slice %arg5[%dma_wait3A_244, %dma_wait3A_245, %dma_wait3A_251] : memref<2x2x512xi32, #tpu.memory_space<vmem>> -> memref<1x1x128xi32, #tpu.memory_space<vmem>>
    %dma_wait3A_253 = tpu.memref_squeeze %dma_wait3A_252 : memref<1x1x128xi32, #tpu.memory_space<vmem>> -> memref<128xi32, #tpu.memory_space<vmem>>
    %dma_wait3A_254 = arith.constant 0 : i32
    %dma_wait3A_255 = tpu.memref_slice %arg8[%dma_wait3A_254] : memref<1015808xf32, #tpu.memory_space<vmem_shared>> -> memref<1015808xf32, #tpu.memory_space<vmem_shared>>
    tpu.wait_indirect_dma semaphore(%arg9 : memref<!tpu.dma_semaphore, #tpu.memory_space<semaphore_mem>>) src(%dma_wait3A_255 : memref<1015808xf32, #tpu.memory_space<vmem_shared>>) dst(%dma_wait3A_250 : memref<128xf32, #tpu.memory_space<vmem>>)
    %dma_wait3A_256 = arith.constant 0 : i32
    %dma_wait3A_257 = arith.constant 1 : i32
    %dma_wait3A_258 = arith.constant 0 : i32
    %dma_wait3A_259 = arith.constant 1 : i32
    %dma_wait3A_260 = arith.constant 0 : i32
    %dma_wait3A_261 = tpu.memref_slice %arg6[%dma_wait3A_258, %dma_wait3A_259, %dma_wait3A_260] : memref<2x2x512xf32, #tpu.memory_space<vmem>> -> memref<1x1x128xf32, #tpu.memory_space<vmem>>
    %dma_wait3A_262 = tpu.memref_squeeze %dma_wait3A_261 : memref<1x1x128xf32, #tpu.memory_space<vmem>> -> memref<128xf32, #tpu.memory_space<vmem>>
    %dma_wait3A_263 = arith.constant 0 : i32
    %dma_wait3A_264 = tpu.memref_slice %arg5[%dma_wait3A_256, %dma_wait3A_257, %dma_wait3A_263] : memref<2x2x512xi32, #tpu.memory_space<vmem>> -> memref<1x1x128xi32, #tpu.memory_space<vmem>>
    %dma_wait3A_265 = tpu.memref_squeeze %dma_wait3A_264 : memref<1x1x128xi32, #tpu.memory_space<vmem>> -> memref<128xi32, #tpu.memory_space<vmem>>
    %dma_wait3A_266 = arith.constant 0 : i32
    %dma_wait3A_267 = tpu.memref_slice %arg8[%dma_wait3A_266] : memref<1015808xf32, #tpu.memory_space<vmem_shared>> -> memref<1015808xf32, #tpu.memory_space<vmem_shared>>
    tpu.wait_indirect_dma semaphore(%arg9 : memref<!tpu.dma_semaphore, #tpu.memory_space<semaphore_mem>>) src(%dma_wait3A_267 : memref<1015808xf32, #tpu.memory_space<vmem_shared>>) dst(%dma_wait3A_262 : memref<128xf32, #tpu.memory_space<vmem>>)
    %dma_wait3A_268 = arith.constant 0 : i32
    %dma_wait3A_269 = arith.constant 1 : i32
    %dma_wait3A_270 = arith.constant 0 : i32
    %dma_wait3A_271 = arith.constant 1 : i32
    %dma_wait3A_272 = arith.constant 128 : i32
    %dma_wait3A_273 = tpu.memref_slice %arg6[%dma_wait3A_270, %dma_wait3A_271, %dma_wait3A_272] : memref<2x2x512xf32, #tpu.memory_space<vmem>> -> memref<1x1x128xf32, #tpu.memory_space<vmem>>
    %dma_wait3A_274 = tpu.memref_squeeze %dma_wait3A_273 : memref<1x1x128xf32, #tpu.memory_space<vmem>> -> memref<128xf32, #tpu.memory_space<vmem>>
    %dma_wait3A_275 = arith.constant 128 : i32
    %dma_wait3A_276 = tpu.memref_slice %arg5[%dma_wait3A_268, %dma_wait3A_269, %dma_wait3A_275] : memref<2x2x512xi32, #tpu.memory_space<vmem>> -> memref<1x1x128xi32, #tpu.memory_space<vmem>>
    %dma_wait3A_277 = tpu.memref_squeeze %dma_wait3A_276 : memref<1x1x128xi32, #tpu.memory_space<vmem>> -> memref<128xi32, #tpu.memory_space<vmem>>
    %dma_wait3A_278 = arith.constant 0 : i32
    %dma_wait3A_279 = tpu.memref_slice %arg8[%dma_wait3A_278] : memref<1015808xf32, #tpu.memory_space<vmem_shared>> -> memref<1015808xf32, #tpu.memory_space<vmem_shared>>
    tpu.wait_indirect_dma semaphore(%arg9 : memref<!tpu.dma_semaphore, #tpu.memory_space<semaphore_mem>>) src(%dma_wait3A_279 : memref<1015808xf32, #tpu.memory_space<vmem_shared>>) dst(%dma_wait3A_274 : memref<128xf32, #tpu.memory_space<vmem>>)
    %dma_wait3A_280 = arith.constant 0 : i32
    %dma_wait3A_281 = arith.constant 1 : i32
    %dma_wait3A_282 = arith.constant 0 : i32
    %dma_wait3A_283 = arith.constant 1 : i32
    %dma_wait3A_284 = arith.constant 256 : i32
    %dma_wait3A_285 = tpu.memref_slice %arg6[%dma_wait3A_282, %dma_wait3A_283, %dma_wait3A_284] : memref<2x2x512xf32, #tpu.memory_space<vmem>> -> memref<1x1x128xf32, #tpu.memory_space<vmem>>
    %dma_wait3A_286 = tpu.memref_squeeze %dma_wait3A_285 : memref<1x1x128xf32, #tpu.memory_space<vmem>> -> memref<128xf32, #tpu.memory_space<vmem>>
    %dma_wait3A_287 = arith.constant 256 : i32
    %dma_wait3A_288 = tpu.memref_slice %arg5[%dma_wait3A_280, %dma_wait3A_281, %dma_wait3A_287] : memref<2x2x512xi32, #tpu.memory_space<vmem>> -> memref<1x1x128xi32, #tpu.memory_space<vmem>>
    %dma_wait3A_289 = tpu.memref_squeeze %dma_wait3A_288 : memref<1x1x128xi32, #tpu.memory_space<vmem>> -> memref<128xi32, #tpu.memory_space<vmem>>
    %dma_wait3A_290 = arith.constant 0 : i32
    %dma_wait3A_291 = tpu.memref_slice %arg8[%dma_wait3A_290] : memref<1015808xf32, #tpu.memory_space<vmem_shared>> -> memref<1015808xf32, #tpu.memory_space<vmem_shared>>
    tpu.wait_indirect_dma semaphore(%arg9 : memref<!tpu.dma_semaphore, #tpu.memory_space<semaphore_mem>>) src(%dma_wait3A_291 : memref<1015808xf32, #tpu.memory_space<vmem_shared>>) dst(%dma_wait3A_286 : memref<128xf32, #tpu.memory_space<vmem>>)
    %dma_wait3A_292 = arith.constant 0 : i32
    %dma_wait3A_293 = arith.constant 1 : i32
    %dma_wait3A_294 = arith.constant 0 : i32
    %dma_wait3A_295 = arith.constant 1 : i32
    %dma_wait3A_296 = arith.constant 384 : i32
    %dma_wait3A_297 = tpu.memref_slice %arg6[%dma_wait3A_294, %dma_wait3A_295, %dma_wait3A_296] : memref<2x2x512xf32, #tpu.memory_space<vmem>> -> memref<1x1x128xf32, #tpu.memory_space<vmem>>
    %dma_wait3A_298 = tpu.memref_squeeze %dma_wait3A_297 : memref<1x1x128xf32, #tpu.memory_space<vmem>> -> memref<128xf32, #tpu.memory_space<vmem>>
    %dma_wait3A_299 = arith.constant 384 : i32
    %dma_wait3A_300 = tpu.memref_slice %arg5[%dma_wait3A_292, %dma_wait3A_293, %dma_wait3A_299] : memref<2x2x512xi32, #tpu.memory_space<vmem>> -> memref<1x1x128xi32, #tpu.memory_space<vmem>>
    %dma_wait3A_301 = tpu.memref_squeeze %dma_wait3A_300 : memref<1x1x128xi32, #tpu.memory_space<vmem>> -> memref<128xi32, #tpu.memory_space<vmem>>
    %dma_wait3A_302 = arith.constant 0 : i32
    %dma_wait3A_303 = tpu.memref_slice %arg8[%dma_wait3A_302] : memref<1015808xf32, #tpu.memory_space<vmem_shared>> -> memref<1015808xf32, #tpu.memory_space<vmem_shared>>
    tpu.wait_indirect_dma semaphore(%arg9 : memref<!tpu.dma_semaphore, #tpu.memory_space<semaphore_mem>>) src(%dma_wait3A_303 : memref<1015808xf32, #tpu.memory_space<vmem_shared>>) dst(%dma_wait3A_298 : memref<128xf32, #tpu.memory_space<vmem>>)
    %dma_wait3A_304 = arith.constant 1 : i32
    %dma_wait3A_305 = arith.constant 0 : i32
    %dma_wait3A_306 = arith.constant 0 : i32
    %dma_wait3A_307 = tpu.memref_slice %arg5[%dma_wait3A_304, %dma_wait3A_305, %dma_wait3A_306] : memref<2x2x512xi32, #tpu.memory_space<vmem>> -> memref<1x2x512xi32, #tpu.memory_space<vmem>>
    %dma_wait3A_308 = tpu.memref_squeeze %dma_wait3A_307 : memref<1x2x512xi32, #tpu.memory_space<vmem>> -> memref<2x512xi32, #tpu.memory_space<vmem>>
    %dma_wait3A_309 = arith.constant 198 : i32
    %dma_wait3A_310 = tpu.memref_slice %arg2[%dma_wait3A_309, %mul3A_2] : memref<200x16384xi32, #tpu.memory_space<hbm>> -> memref<2x512xi32, #tpu.memory_space<hbm>>
    %dma_wait3A_311 = arith.constant 0 : i32
    %dma_wait3A_312 = arith.constant 0 : i32
    %dma_wait3A_313 = tpu.memref_slice %arg5[%dma_wait3A_304, %dma_wait3A_311, %dma_wait3A_312] : memref<2x2x512xi32, #tpu.memory_space<vmem>> -> memref<1x2x512xi32, #tpu.memory_space<vmem>>
    %dma_wait3A_314 = tpu.memref_squeeze %dma_wait3A_313 : memref<1x2x512xi32, #tpu.memory_space<vmem>> -> memref<2x512xi32, #tpu.memory_space<vmem>>
    %dma_wait3A_315 = arith.constant 198 : i32
    %dma_wait3A_316 = tpu.memref_slice %arg2[%dma_wait3A_315, %mul3A_2] : memref<200x16384xi32, #tpu.memory_space<hbm>> -> memref<2x512xi32, #tpu.memory_space<hbm>>
    tpu.wait_dma2 semaphore(%arg10 : memref<!tpu.dma_semaphore, #tpu.memory_space<semaphore_mem>>) src(%dma_wait3A_316 : memref<2x512xi32, #tpu.memory_space<hbm>>) dst(%dma_wait3A_314 : memref<2x512xi32, #tpu.memory_space<vmem>>)
    %dma_start3A_317 = arith.constant 1 : i32
    %dma_start3A_318 = arith.constant 0 : i32
    %dma_start3A_319 = arith.constant 1 : i32
    %dma_start3A_320 = arith.constant 0 : i32
    %dma_start3A_321 = arith.constant 0 : i32
    %dma_start3A_322 = tpu.memref_slice %arg6[%dma_start3A_319, %dma_start3A_320, %dma_start3A_321] : memref<2x2x512xf32, #tpu.memory_space<vmem>> -> memref<1x1x128xf32, #tpu.memory_space<vmem>>
    %dma_start3A_323 = tpu.memref_squeeze %dma_start3A_322 : memref<1x1x128xf32, #tpu.memory_space<vmem>> -> memref<128xf32, #tpu.memory_space<vmem>>
    %dma_start3A_324 = arith.constant 0 : i32
    %dma_start3A_325 = tpu.memref_slice %arg5[%dma_start3A_317, %dma_start3A_318, %dma_start3A_324] : memref<2x2x512xi32, #tpu.memory_space<vmem>> -> memref<1x1x128xi32, #tpu.memory_space<vmem>>
    %dma_start3A_326 = tpu.memref_squeeze %dma_start3A_325 : memref<1x1x128xi32, #tpu.memory_space<vmem>> -> memref<128xi32, #tpu.memory_space<vmem>>
    %dma_start3A_327 = arith.constant 0 : i32
    %dma_start3A_328 = tpu.memref_slice %arg8[%dma_start3A_327] : memref<1015808xf32, #tpu.memory_space<vmem_shared>> -> memref<1015808xf32, #tpu.memory_space<vmem_shared>>
    tpu.enqueue_indirect_dma source(%dma_start3A_328 : memref<1015808xf32, #tpu.memory_space<vmem_shared>>) target(%dma_start3A_323 : memref<128xf32, #tpu.memory_space<vmem>>) offsets(%dma_start3A_326 : memref<128xi32, #tpu.memory_space<vmem>>) semaphore(%arg9 : memref<!tpu.dma_semaphore, #tpu.memory_space<semaphore_mem>>)
    %dma_start3A_329 = arith.constant 1 : i32
    %dma_start3A_330 = arith.constant 0 : i32
    %dma_start3A_331 = arith.constant 1 : i32
    %dma_start3A_332 = arith.constant 0 : i32
    %dma_start3A_333 = arith.constant 128 : i32
    %dma_start3A_334 = tpu.memref_slice %arg6[%dma_start3A_331, %dma_start3A_332, %dma_start3A_333] : memref<2x2x512xf32, #tpu.memory_space<vmem>> -> memref<1x1x128xf32, #tpu.memory_space<vmem>>
    %dma_start3A_335 = tpu.memref_squeeze %dma_start3A_334 : memref<1x1x128xf32, #tpu.memory_space<vmem>> -> memref<128xf32, #tpu.memory_space<vmem>>
    %dma_start3A_336 = arith.constant 128 : i32
    %dma_start3A_337 = tpu.memref_slice %arg5[%dma_start3A_329, %dma_start3A_330, %dma_start3A_336] : memref<2x2x512xi32, #tpu.memory_space<vmem>> -> memref<1x1x128xi32, #tpu.memory_space<vmem>>
    %dma_start3A_338 = tpu.memref_squeeze %dma_start3A_337 : memref<1x1x128xi32, #tpu.memory_space<vmem>> -> memref<128xi32, #tpu.memory_space<vmem>>
    %dma_start3A_339 = arith.constant 0 : i32
    %dma_start3A_340 = tpu.memref_slice %arg8[%dma_start3A_339] : memref<1015808xf32, #tpu.memory_space<vmem_shared>> -> memref<1015808xf32, #tpu.memory_space<vmem_shared>>
    tpu.enqueue_indirect_dma source(%dma_start3A_340 : memref<1015808xf32, #tpu.memory_space<vmem_shared>>) target(%dma_start3A_335 : memref<128xf32, #tpu.memory_space<vmem>>) offsets(%dma_start3A_338 : memref<128xi32, #tpu.memory_space<vmem>>) semaphore(%arg9 : memref<!tpu.dma_semaphore, #tpu.memory_space<semaphore_mem>>)
    %dma_start3A_341 = arith.constant 1 : i32
    %dma_start3A_342 = arith.constant 0 : i32
    %dma_start3A_343 = arith.constant 1 : i32
    %dma_start3A_344 = arith.constant 0 : i32
    %dma_start3A_345 = arith.constant 256 : i32
    %dma_start3A_346 = tpu.memref_slice %arg6[%dma_start3A_343, %dma_start3A_344, %dma_start3A_345] : memref<2x2x512xf32, #tpu.memory_space<vmem>> -> memref<1x1x128xf32, #tpu.memory_space<vmem>>
    %dma_start3A_347 = tpu.memref_squeeze %dma_start3A_346 : memref<1x1x128xf32, #tpu.memory_space<vmem>> -> memref<128xf32, #tpu.memory_space<vmem>>
    %dma_start3A_348 = arith.constant 256 : i32
    %dma_start3A_349 = tpu.memref_slice %arg5[%dma_start3A_341, %dma_start3A_342, %dma_start3A_348] : memref<2x2x512xi32, #tpu.memory_space<vmem>> -> memref<1x1x128xi32, #tpu.memory_space<vmem>>
    %dma_start3A_350 = tpu.memref_squeeze %dma_start3A_349 : memref<1x1x128xi32, #tpu.memory_space<vmem>> -> memref<128xi32, #tpu.memory_space<vmem>>
    %dma_start3A_351 = arith.constant 0 : i32
    %dma_start3A_352 = tpu.memref_slice %arg8[%dma_start3A_351] : memref<1015808xf32, #tpu.memory_space<vmem_shared>> -> memref<1015808xf32, #tpu.memory_space<vmem_shared>>
    tpu.enqueue_indirect_dma source(%dma_start3A_352 : memref<1015808xf32, #tpu.memory_space<vmem_shared>>) target(%dma_start3A_347 : memref<128xf32, #tpu.memory_space<vmem>>) offsets(%dma_start3A_350 : memref<128xi32, #tpu.memory_space<vmem>>) semaphore(%arg9 : memref<!tpu.dma_semaphore, #tpu.memory_space<semaphore_mem>>)
    %dma_start3A_353 = arith.constant 1 : i32
    %dma_start3A_354 = arith.constant 0 : i32
    %dma_start3A_355 = arith.constant 1 : i32
    %dma_start3A_356 = arith.constant 0 : i32
    %dma_start3A_357 = arith.constant 384 : i32
    %dma_start3A_358 = tpu.memref_slice %arg6[%dma_start3A_355, %dma_start3A_356, %dma_start3A_357] : memref<2x2x512xf32, #tpu.memory_space<vmem>> -> memref<1x1x128xf32, #tpu.memory_space<vmem>>
    %dma_start3A_359 = tpu.memref_squeeze %dma_start3A_358 : memref<1x1x128xf32, #tpu.memory_space<vmem>> -> memref<128xf32, #tpu.memory_space<vmem>>
    %dma_start3A_360 = arith.constant 384 : i32
    %dma_start3A_361 = tpu.memref_slice %arg5[%dma_start3A_353, %dma_start3A_354, %dma_start3A_360] : memref<2x2x512xi32, #tpu.memory_space<vmem>> -> memref<1x1x128xi32, #tpu.memory_space<vmem>>
    %dma_start3A_362 = tpu.memref_squeeze %dma_start3A_361 : memref<1x1x128xi32, #tpu.memory_space<vmem>> -> memref<128xi32, #tpu.memory_space<vmem>>
    %dma_start3A_363 = arith.constant 0 : i32
    %dma_start3A_364 = tpu.memref_slice %arg8[%dma_start3A_363] : memref<1015808xf32, #tpu.memory_space<vmem_shared>> -> memref<1015808xf32, #tpu.memory_space<vmem_shared>>
    tpu.enqueue_indirect_dma source(%dma_start3A_364 : memref<1015808xf32, #tpu.memory_space<vmem_shared>>) target(%dma_start3A_359 : memref<128xf32, #tpu.memory_space<vmem>>) offsets(%dma_start3A_362 : memref<128xi32, #tpu.memory_space<vmem>>) semaphore(%arg9 : memref<!tpu.dma_semaphore, #tpu.memory_space<semaphore_mem>>)
    %dma_start3A_365 = arith.constant 1 : i32
    %dma_start3A_366 = arith.constant 1 : i32
    %dma_start3A_367 = arith.constant 1 : i32
    %dma_start3A_368 = arith.constant 1 : i32
    %dma_start3A_369 = arith.constant 0 : i32
    %dma_start3A_370 = tpu.memref_slice %arg6[%dma_start3A_367, %dma_start3A_368, %dma_start3A_369] : memref<2x2x512xf32, #tpu.memory_space<vmem>> -> memref<1x1x128xf32, #tpu.memory_space<vmem>>
    %dma_start3A_371 = tpu.memref_squeeze %dma_start3A_370 : memref<1x1x128xf32, #tpu.memory_space<vmem>> -> memref<128xf32, #tpu.memory_space<vmem>>
    %dma_start3A_372 = arith.constant 0 : i32
    %dma_start3A_373 = tpu.memref_slice %arg5[%dma_start3A_365, %dma_start3A_366, %dma_start3A_372] : memref<2x2x512xi32, #tpu.memory_space<vmem>> -> memref<1x1x128xi32, #tpu.memory_space<vmem>>
    %dma_start3A_374 = tpu.memref_squeeze %dma_start3A_373 : memref<1x1x128xi32, #tpu.memory_space<vmem>> -> memref<128xi32, #tpu.memory_space<vmem>>
    %dma_start3A_375 = arith.constant 0 : i32
    %dma_start3A_376 = tpu.memref_slice %arg8[%dma_start3A_375] : memref<1015808xf32, #tpu.memory_space<vmem_shared>> -> memref<1015808xf32, #tpu.memory_space<vmem_shared>>
    tpu.enqueue_indirect_dma source(%dma_start3A_376 : memref<1015808xf32, #tpu.memory_space<vmem_shared>>) target(%dma_start3A_371 : memref<128xf32, #tpu.memory_space<vmem>>) offsets(%dma_start3A_374 : memref<128xi32, #tpu.memory_space<vmem>>) semaphore(%arg9 : memref<!tpu.dma_semaphore, #tpu.memory_space<semaphore_mem>>)
    %dma_start3A_377 = arith.constant 1 : i32
    %dma_start3A_378 = arith.constant 1 : i32
    %dma_start3A_379 = arith.constant 1 : i32
    %dma_start3A_380 = arith.constant 1 : i32
    %dma_start3A_381 = arith.constant 128 : i32
    %dma_start3A_382 = tpu.memref_slice %arg6[%dma_start3A_379, %dma_start3A_380, %dma_start3A_381] : memref<2x2x512xf32, #tpu.memory_space<vmem>> -> memref<1x1x128xf32, #tpu.memory_space<vmem>>
    %dma_start3A_383 = tpu.memref_squeeze %dma_start3A_382 : memref<1x1x128xf32, #tpu.memory_space<vmem>> -> memref<128xf32, #tpu.memory_space<vmem>>
    %dma_start3A_384 = arith.constant 128 : i32
    %dma_start3A_385 = tpu.memref_slice %arg5[%dma_start3A_377, %dma_start3A_378, %dma_start3A_384] : memref<2x2x512xi32, #tpu.memory_space<vmem>> -> memref<1x1x128xi32, #tpu.memory_space<vmem>>
    %dma_start3A_386 = tpu.memref_squeeze %dma_start3A_385 : memref<1x1x128xi32, #tpu.memory_space<vmem>> -> memref<128xi32, #tpu.memory_space<vmem>>
    %dma_start3A_387 = arith.constant 0 : i32
    %dma_start3A_388 = tpu.memref_slice %arg8[%dma_start3A_387] : memref<1015808xf32, #tpu.memory_space<vmem_shared>> -> memref<1015808xf32, #tpu.memory_space<vmem_shared>>
    tpu.enqueue_indirect_dma source(%dma_start3A_388 : memref<1015808xf32, #tpu.memory_space<vmem_shared>>) target(%dma_start3A_383 : memref<128xf32, #tpu.memory_space<vmem>>) offsets(%dma_start3A_386 : memref<128xi32, #tpu.memory_space<vmem>>) semaphore(%arg9 : memref<!tpu.dma_semaphore, #tpu.memory_space<semaphore_mem>>)
    %dma_start3A_389 = arith.constant 1 : i32
    %dma_start3A_390 = arith.constant 1 : i32
    %dma_start3A_391 = arith.constant 1 : i32
    %dma_start3A_392 = arith.constant 1 : i32
    %dma_start3A_393 = arith.constant 256 : i32
    %dma_start3A_394 = tpu.memref_slice %arg6[%dma_start3A_391, %dma_start3A_392, %dma_start3A_393] : memref<2x2x512xf32, #tpu.memory_space<vmem>> -> memref<1x1x128xf32, #tpu.memory_space<vmem>>
    %dma_start3A_395 = tpu.memref_squeeze %dma_start3A_394 : memref<1x1x128xf32, #tpu.memory_space<vmem>> -> memref<128xf32, #tpu.memory_space<vmem>>
    %dma_start3A_396 = arith.constant 256 : i32
    %dma_start3A_397 = tpu.memref_slice %arg5[%dma_start3A_389, %dma_start3A_390, %dma_start3A_396] : memref<2x2x512xi32, #tpu.memory_space<vmem>> -> memref<1x1x128xi32, #tpu.memory_space<vmem>>
    %dma_start3A_398 = tpu.memref_squeeze %dma_start3A_397 : memref<1x1x128xi32, #tpu.memory_space<vmem>> -> memref<128xi32, #tpu.memory_space<vmem>>
    %dma_start3A_399 = arith.constant 0 : i32
    %dma_start3A_400 = tpu.memref_slice %arg8[%dma_start3A_399] : memref<1015808xf32, #tpu.memory_space<vmem_shared>> -> memref<1015808xf32, #tpu.memory_space<vmem_shared>>
    tpu.enqueue_indirect_dma source(%dma_start3A_400 : memref<1015808xf32, #tpu.memory_space<vmem_shared>>) target(%dma_start3A_395 : memref<128xf32, #tpu.memory_space<vmem>>) offsets(%dma_start3A_398 : memref<128xi32, #tpu.memory_space<vmem>>) semaphore(%arg9 : memref<!tpu.dma_semaphore, #tpu.memory_space<semaphore_mem>>)
    %dma_start3A_401 = arith.constant 1 : i32
    %dma_start3A_402 = arith.constant 1 : i32
    %dma_start3A_403 = arith.constant 1 : i32
    %dma_start3A_404 = arith.constant 1 : i32
    %dma_start3A_405 = arith.constant 384 : i32
    %dma_start3A_406 = tpu.memref_slice %arg6[%dma_start3A_403, %dma_start3A_404, %dma_start3A_405] : memref<2x2x512xf32, #tpu.memory_space<vmem>> -> memref<1x1x128xf32, #tpu.memory_space<vmem>>
    %dma_start3A_407 = tpu.memref_squeeze %dma_start3A_406 : memref<1x1x128xf32, #tpu.memory_space<vmem>> -> memref<128xf32, #tpu.memory_space<vmem>>
    %dma_start3A_408 = arith.constant 384 : i32
    %dma_start3A_409 = tpu.memref_slice %arg5[%dma_start3A_401, %dma_start3A_402, %dma_start3A_408] : memref<2x2x512xi32, #tpu.memory_space<vmem>> -> memref<1x1x128xi32, #tpu.memory_space<vmem>>
    %dma_start3A_410 = tpu.memref_squeeze %dma_start3A_409 : memref<1x1x128xi32, #tpu.memory_space<vmem>> -> memref<128xi32, #tpu.memory_space<vmem>>
    %dma_start3A_411 = arith.constant 0 : i32
    %dma_start3A_412 = tpu.memref_slice %arg8[%dma_start3A_411] : memref<1015808xf32, #tpu.memory_space<vmem_shared>> -> memref<1015808xf32, #tpu.memory_space<vmem_shared>>
    tpu.enqueue_indirect_dma source(%dma_start3A_412 : memref<1015808xf32, #tpu.memory_space<vmem_shared>>) target(%dma_start3A_407 : memref<128xf32, #tpu.memory_space<vmem>>) offsets(%dma_start3A_410 : memref<128xi32, #tpu.memory_space<vmem>>) semaphore(%arg9 : memref<!tpu.dma_semaphore, #tpu.memory_space<semaphore_mem>>)
    %get3A = arith.constant 0 : index
    %get3A_413 = tpu.vector_load %arg7[%get3A] {strides = array<i32>} : memref<512xf32, #tpu.memory_space<vmem>>, vector<16xf32>,
    %get3A_414 = arith.constant 0 : i32
    %get3A_415 = arith.constant 0 : i32
    %get3A_416 = arith.index_cast %get3A_414 : i32 to index
    %get3A_417 = arith.index_cast %get3A_415 : i32 to index
    %get3A_418 = arith.constant 0 : index
    %get3A_419 = tpu.vector_load %arg6[%get3A_416, %get3A_417, %get3A_418] {strides = array<i32>} : memref<2x2x512xf32, #tpu.memory_space<vmem>>, vector<16xf32>,
    %add3A_420 = arith.addf %get3A_413, %get3A_419 : vector<16xf32>
    %get3A_421 = arith.constant 0 : i32
    %get3A_422 = arith.constant 1 : i32
    %get3A_423 = arith.index_cast %get3A_421 : i32 to index
    %get3A_424 = arith.index_cast %get3A_422 : i32 to index
    %get3A_425 = arith.constant 0 : index
    %get3A_426 = tpu.vector_load %arg6[%get3A_423, %get3A_424, %get3A_425] {strides = array<i32>} : memref<2x2x512xf32, #tpu.memory_space<vmem>>, vector<16xf32>,
    %add3A_427 = arith.addf %add3A_420, %get3A_426 : vector<16xf32>
    %swap3A_428 = arith.constant 0 : index
    %swap3A_429 = tpu.vector_load %arg7[%swap3A_428] {strides = array<i32>} : memref<512xf32, #tpu.memory_space<vmem>>, vector<16xf32>,
    tpu.vector_store %arg7[%swap3A_428], %add3A_427 {strides = array<i32>} : memref<512xf32, #tpu.memory_space<vmem>>, vector<16xf32>,
    %get3A_430 = arith.constant 16 : index
    %get3A_431 = tpu.vector_load %arg7[%get3A_430] {strides = array<i32>} : memref<512xf32, #tpu.memory_space<vmem>>, vector<16xf32>,
    %get3A_432 = arith.constant 0 : i32
    %get3A_433 = arith.constant 0 : i32
    %get3A_434 = arith.index_cast %get3A_432 : i32 to index
    %get3A_435 = arith.index_cast %get3A_433 : i32 to index
    %get3A_436 = arith.constant 16 : index
    %get3A_437 = tpu.vector_load %arg6[%get3A_434, %get3A_435, %get3A_436] {strides = array<i32>} : memref<2x2x512xf32, #tpu.memory_space<vmem>>, vector<16xf32>,
    %add3A_438 = arith.addf %get3A_431, %get3A_437 : vector<16xf32>
    %get3A_439 = arith.constant 0 : i32
    %get3A_440 = arith.constant 1 : i32
    %get3A_441 = arith.index_cast %get3A_439 : i32 to index
    %get3A_442 = arith.index_cast %get3A_440 : i32 to index
    %get3A_443 = arith.constant 16 : index
    %get3A_444 = tpu.vector_load %arg6[%get3A_441, %get3A_442, %get3A_443] {strides = array<i32>} : memref<2x2x512xf32, #tpu.memory_space<vmem>>, vector<16xf32>,
    %add3A_445 = arith.addf %add3A_438, %get3A_444 : vector<16xf32>
    %swap3A_446 = arith.constant 16 : index
    %swap3A_447 = tpu.vector_load %arg7[%swap3A_446] {strides = array<i32>} : memref<512xf32, #tpu.memory_space<vmem>>, vector<16xf32>,
    tpu.vector_store %arg7[%swap3A_446], %add3A_445 {strides = array<i32>} : memref<512xf32, #tpu.memory_space<vmem>>, vector<16xf32>,
    %get3A_448 = arith.constant 32 : index
    %get3A_449 = tpu.vector_load %arg7[%get3A_448] {strides = array<i32>} : memref<512xf32, #tpu.memory_space<vmem>>, vector<16xf32>,
    %get3A_450 = arith.constant 0 : i32
    %get3A_451 = arith.constant 0 : i32
    %get3A_452 = arith.index_cast %get3A_450 : i32 to index
    %get3A_453 = arith.index_cast %get3A_451 : i32 to index
    %get3A_454 = arith.constant 32 : index
    %get3A_455 = tpu.vector_load %arg6[%get3A_452, %get3A_453, %get3A_454] {strides = array<i32>} : memref<2x2x512xf32, #tpu.memory_space<vmem>>, vector<16xf32>,
    %add3A_456 = arith.addf %get3A_449, %get3A_455 : vector<16xf32>
    %get3A_457 = arith.constant 0 : i32
    %get3A_458 = arith.constant 1 : i32
    %get3A_459 = arith.index_cast %get3A_457 : i32 to index
    %get3A_460 = arith.index_cast %get3A_458 : i32 to index
    %get3A_461 = arith.constant 32 : index
    %get3A_462 = tpu.vector_load %arg6[%get3A_459, %get3A_460, %get3A_461] {strides = array<i32>} : memref<2x2x512xf32, #tpu.memory_space<vmem>>, vector<16xf32>,
    %add3A_463 = arith.addf %add3A_456, %get3A_462 : vector<16xf32>
    %swap3A_464 = arith.constant 32 : index
    %swap3A_465 = tpu.vector_load %arg7[%swap3A_464] {strides = array<i32>} : memref<512xf32, #tpu.memory_space<vmem>>, vector<16xf32>,
    tpu.vector_store %arg7[%swap3A_464], %add3A_463 {strides = array<i32>} : memref<512xf32, #tpu.memory_space<vmem>>, vector<16xf32>,
    %get3A_466 = arith.constant 48 : index
    %get3A_467 = tpu.vector_load %arg7[%get3A_466] {strides = array<i32>} : memref<512xf32, #tpu.memory_space<vmem>>, vector<16xf32>,
    %get3A_468 = arith.constant 0 : i32
    %get3A_469 = arith.constant 0 : i32
    %get3A_470 = arith.index_cast %get3A_468 : i32 to index
    %get3A_471 = arith.index_cast %get3A_469 : i32 to index
    %get3A_472 = arith.constant 48 : index
    %get3A_473 = tpu.vector_load %arg6[%get3A_470, %get3A_471, %get3A_472] {strides = array<i32>} : memref<2x2x512xf32, #tpu.memory_space<vmem>>, vector<16xf32>,
    %add3A_474 = arith.addf %get3A_467, %get3A_473 : vector<16xf32>
    %get3A_475 = arith.constant 0 : i32
    %get3A_476 = arith.constant 1 : i32
    %get3A_477 = arith.index_cast %get3A_475 : i32 to index
    %get3A_478 = arith.index_cast %get3A_476 : i32 to index
    %get3A_479 = arith.constant 48 : index
    %get3A_480 = tpu.vector_load %arg6[%get3A_477, %get3A_478, %get3A_479] {strides = array<i32>} : memref<2x2x512xf32, #tpu.memory_space<vmem>>, vector<16xf32>,
    %add3A_481 = arith.addf %add3A_474, %get3A_480 : vector<16xf32>
    %swap3A_482 = arith.constant 48 : index
    %swap3A_483 = tpu.vector_load %arg7[%swap3A_482] {strides = array<i32>} : memref<512xf32, #tpu.memory_space<vmem>>, vector<16xf32>,
    tpu.vector_store %arg7[%swap3A_482], %add3A_481 {strides = array<i32>} : memref<512xf32, #tpu.memory_space<vmem>>, vector<16xf32>,
    %get3A_484 = arith.constant 64 : index
    %get3A_485 = tpu.vector_load %arg7[%get3A_484] {strides = array<i32>} : memref<512xf32, #tpu.memory_space<vmem>>, vector<16xf32>,
    %get3A_486 = arith.constant 0 : i32
    %get3A_487 = arith.constant 0 : i32
    %get3A_488 = arith.index_cast %get3A_486 : i32 to index
    %get3A_489 = arith.index_cast %get3A_487 : i32 to index
    %get3A_490 = arith.constant 64 : index
    %get3A_491 = tpu.vector_load %arg6[%get3A_488, %get3A_489, %get3A_490] {strides = array<i32>} : memref<2x2x512xf32, #tpu.memory_space<vmem>>, vector<16xf32>,
    %add3A_492 = arith.addf %get3A_485, %get3A_491 : vector<16xf32>
    %get3A_493 = arith.constant 0 : i32
    %get3A_494 = arith.constant 1 : i32
    %get3A_495 = arith.index_cast %get3A_493 : i32 to index
    %get3A_496 = arith.index_cast %get3A_494 : i32 to index
    %get3A_497 = arith.constant 64 : index
    %get3A_498 = tpu.vector_load %arg6[%get3A_495, %get3A_496, %get3A_497] {strides = array<i32>} : memref<2x2x512xf32, #tpu.memory_space<vmem>>, vector<16xf32>,
    %add3A_499 = arith.addf %add3A_492, %get3A_498 : vector<16xf32>
    %swap3A_500 = arith.constant 64 : index
    %swap3A_501 = tpu.vector_load %arg7[%swap3A_500] {strides = array<i32>} : memref<512xf32, #tpu.memory_space<vmem>>, vector<16xf32>,
    tpu.vector_store %arg7[%swap3A_500], %add3A_499 {strides = array<i32>} : memref<512xf32, #tpu.memory_space<vmem>>, vector<16xf32>,
    %get3A_502 = arith.constant 80 : index
    %get3A_503 = tpu.vector_load %arg7[%get3A_502] {strides = array<i32>} : memref<512xf32, #tpu.memory_space<vmem>>, vector<16xf32>,
    %get3A_504 = arith.constant 0 : i32
    %get3A_505 = arith.constant 0 : i32
    %get3A_506 = arith.index_cast %get3A_504 : i32 to index
    %get3A_507 = arith.index_cast %get3A_505 : i32 to index
    %get3A_508 = arith.constant 80 : index
    %get3A_509 = tpu.vector_load %arg6[%get3A_506, %get3A_507, %get3A_508] {strides = array<i32>} : memref<2x2x512xf32, #tpu.memory_space<vmem>>, vector<16xf32>,
    %add3A_510 = arith.addf %get3A_503, %get3A_509 : vector<16xf32>
    %get3A_511 = arith.constant 0 : i32
    %get3A_512 = arith.constant 1 : i32
    %get3A_513 = arith.index_cast %get3A_511 : i32 to index
    %get3A_514 = arith.index_cast %get3A_512 : i32 to index
    %get3A_515 = arith.constant 80 : index
    %get3A_516 = tpu.vector_load %arg6[%get3A_513, %get3A_514, %get3A_515] {strides = array<i32>} : memref<2x2x512xf32, #tpu.memory_space<vmem>>, vector<16xf32>,
    %add3A_517 = arith.addf %add3A_510, %get3A_516 : vector<16xf32>
    %swap3A_518 = arith.constant 80 : index
    %swap3A_519 = tpu.vector_load %arg7[%swap3A_518] {strides = array<i32>} : memref<512xf32, #tpu.memory_space<vmem>>, vector<16xf32>,
    tpu.vector_store %arg7[%swap3A_518], %add3A_517 {strides = array<i32>} : memref<512xf32, #tpu.memory_space<vmem>>, vector<16xf32>,
    %get3A_520 = arith.constant 96 : index
    %get3A_521 = tpu.vector_load %arg7[%get3A_520] {strides = array<i32>} : memref<512xf32, #tpu.memory_space<vmem>>, vector<16xf32>,
    %get3A_522 = arith.constant 0 : i32
    %get3A_523 = arith.constant 0 : i32
    %get3A_524 = arith.index_cast %get3A_522 : i32 to index
    %get3A_525 = arith.index_cast %get3A_523 : i32 to index
    %get3A_526 = arith.constant 96 : index
    %get3A_527 = tpu.vector_load %arg6[%get3A_524, %get3A_525, %get3A_526] {strides = array<i32>} : memref<2x2x512xf32, #tpu.memory_space<vmem>>, vector<16xf32>,
    %add3A_528 = arith.addf %get3A_521, %get3A_527 : vector<16xf32>
    %get3A_529 = arith.constant 0 : i32
    %get3A_530 = arith.constant 1 : i32
    %get3A_531 = arith.index_cast %get3A_529 : i32 to index
    %get3A_532 = arith.index_cast %get3A_530 : i32 to index
    %get3A_533 = arith.constant 96 : index
    %get3A_534 = tpu.vector_load %arg6[%get3A_531, %get3A_532, %get3A_533] {strides = array<i32>} : memref<2x2x512xf32, #tpu.memory_space<vmem>>, vector<16xf32>,
    %add3A_535 = arith.addf %add3A_528, %get3A_534 : vector<16xf32>
    %swap3A_536 = arith.constant 96 : index
    %swap3A_537 = tpu.vector_load %arg7[%swap3A_536] {strides = array<i32>} : memref<512xf32, #tpu.memory_space<vmem>>, vector<16xf32>,
    tpu.vector_store %arg7[%swap3A_536], %add3A_535 {strides = array<i32>} : memref<512xf32, #tpu.memory_space<vmem>>, vector<16xf32>,
    %get3A_538 = arith.constant 112 : index
    %get3A_539 = tpu.vector_load %arg7[%get3A_538] {strides = array<i32>} : memref<512xf32, #tpu.memory_space<vmem>>, vector<16xf32>,
    %get3A_540 = arith.constant 0 : i32
    %get3A_541 = arith.constant 0 : i32
    %get3A_542 = arith.index_cast %get3A_540 : i32 to index
    %get3A_543 = arith.index_cast %get3A_541 : i32 to index
    %get3A_544 = arith.constant 112 : index
    %get3A_545 = tpu.vector_load %arg6[%get3A_542, %get3A_543, %get3A_544] {strides = array<i32>} : memref<2x2x512xf32, #tpu.memory_space<vmem>>, vector<16xf32>,
    %add3A_546 = arith.addf %get3A_539, %get3A_545 : vector<16xf32>
    %get3A_547 = arith.constant 0 : i32
    %get3A_548 = arith.constant 1 : i32
    %get3A_549 = arith.index_cast %get3A_547 : i32 to index
    %get3A_550 = arith.index_cast %get3A_548 : i32 to index
    %get3A_551 = arith.constant 112 : index
    %get3A_552 = tpu.vector_load %arg6[%get3A_549, %get3A_550, %get3A_551] {strides = array<i32>} : memref<2x2x512xf32, #tpu.memory_space<vmem>>, vector<16xf32>,
    %add3A_553 = arith.addf %add3A_546, %get3A_552 : vector<16xf32>
    %swap3A_554 = arith.constant 112 : index
    %swap3A_555 = tpu.vector_load %arg7[%swap3A_554] {strides = array<i32>} : memref<512xf32, #tpu.memory_space<vmem>>, vector<16xf32>,
    tpu.vector_store %arg7[%swap3A_554], %add3A_553 {strides = array<i32>} : memref<512xf32, #tpu.memory_space<vmem>>, vector<16xf32>,
    %get3A_556 = arith.constant 128 : index
    %get3A_557 = tpu.vector_load %arg7[%get3A_556] {strides = array<i32>} : memref<512xf32, #tpu.memory_space<vmem>>, vector<16xf32>,
    %get3A_558 = arith.constant 0 : i32
    %get3A_559 = arith.constant 0 : i32
    %get3A_560 = arith.index_cast %get3A_558 : i32 to index
    %get3A_561 = arith.index_cast %get3A_559 : i32 to index
    %get3A_562 = arith.constant 128 : index
    %get3A_563 = tpu.vector_load %arg6[%get3A_560, %get3A_561, %get3A_562] {strides = array<i32>} : memref<2x2x512xf32, #tpu.memory_space<vmem>>, vector<16xf32>,
    %add3A_564 = arith.addf %get3A_557, %get3A_563 : vector<16xf32>
    %get3A_565 = arith.constant 0 : i32
    %get3A_566 = arith.constant 1 : i32
    %get3A_567 = arith.index_cast %get3A_565 : i32 to index
    %get3A_568 = arith.index_cast %get3A_566 : i32 to index
    %get3A_569 = arith.constant 128 : index
    %get3A_570 = tpu.vector_load %arg6[%get3A_567, %get3A_568, %get3A_569] {strides = array<i32>} : memref<2x2x512xf32, #tpu.memory_space<vmem>>, vector<16xf32>,
    %add3A_571 = arith.addf %add3A_564, %get3A_570 : vector<16xf32>
    %swap3A_572 = arith.constant 128 : index
    %swap3A_573 = tpu.vector_load %arg7[%swap3A_572] {strides = array<i32>} : memref<512xf32, #tpu.memory_space<vmem>>, vector<16xf32>,
    tpu.vector_store %arg7[%swap3A_572], %add3A_571 {strides = array<i32>} : memref<512xf32, #tpu.memory_space<vmem>>, vector<16xf32>,
    %get3A_574 = arith.constant 144 : index
    %get3A_575 = tpu.vector_load %arg7[%get3A_574] {strides = array<i32>} : memref<512xf32, #tpu.memory_space<vmem>>, vector<16xf32>,
    %get3A_576 = arith.constant 0 : i32
    %get3A_577 = arith.constant 0 : i32
    %get3A_578 = arith.index_cast %get3A_576 : i32 to index
    %get3A_579 = arith.index_cast %get3A_577 : i32 to index
    %get3A_580 = arith.constant 144 : index
    %get3A_581 = tpu.vector_load %arg6[%get3A_578, %get3A_579, %get3A_580] {strides = array<i32>} : memref<2x2x512xf32, #tpu.memory_space<vmem>>, vector<16xf32>,
    %add3A_582 = arith.addf %get3A_575, %get3A_581 : vector<16xf32>
    %get3A_583 = arith.constant 0 : i32
    %get3A_584 = arith.constant 1 : i32
    %get3A_585 = arith.index_cast %get3A_583 : i32 to index
    %get3A_586 = arith.index_cast %get3A_584 : i32 to index
    %get3A_587 = arith.constant 144 : index
    %get3A_588 = tpu.vector_load %arg6[%get3A_585, %get3A_586, %get3A_587] {strides = array<i32>} : memref<2x2x512xf32, #tpu.memory_space<vmem>>, vector<16xf32>,
    %add3A_589 = arith.addf %add3A_582, %get3A_588 : vector<16xf32>
    %swap3A_590 = arith.constant 144 : index
    %swap3A_591 = tpu.vector_load %arg7[%swap3A_590] {strides = array<i32>} : memref<512xf32, #tpu.memory_space<vmem>>, vector<16xf32>,
    tpu.vector_store %arg7[%swap3A_590], %add3A_589 {strides = array<i32>} : memref<512xf32, #tpu.memory_space<vmem>>, vector<16xf32>,
    %get3A_592 = arith.constant 160 : index
    %get3A_593 = tpu.vector_load %arg7[%get3A_592] {strides = array<i32>} : memref<512xf32, #tpu.memory_space<vmem>>, vector<16xf32>,
    %get3A_594 = arith.constant 0 : i32
    %get3A_595 = arith.constant 0 : i32
    %get3A_596 = arith.index_cast %get3A_594 : i32 to index
    %get3A_597 = arith.index_cast %get3A_595 : i32 to index
    %get3A_598 = arith.constant 160 : index
    %get3A_599 = tpu.vector_load %arg6[%get3A_596, %get3A_597, %get3A_598] {strides = array<i32>} : memref<2x2x512xf32, #tpu.memory_space<vmem>>, vector<16xf32>,
    %add3A_600 = arith.addf %get3A_593, %get3A_599 : vector<16xf32>
    %get3A_601 = arith.constant 0 : i32
    %get3A_602 = arith.constant 1 : i32
    %get3A_603 = arith.index_cast %get3A_601 : i32 to index
    %get3A_604 = arith.index_cast %get3A_602 : i32 to index
    %get3A_605 = arith.constant 160 : index
    %get3A_606 = tpu.vector_load %arg6[%get3A_603, %get3A_604, %get3A_605] {strides = array<i32>} : memref<2x2x512xf32, #tpu.memory_space<vmem>>, vector<16xf32>,
    %add3A_607 = arith.addf %add3A_600, %get3A_606 : vector<16xf32>
    %swap3A_608 = arith.constant 160 : index
    %swap3A_609 = tpu.vector_load %arg7[%swap3A_608] {strides = array<i32>} : memref<512xf32, #tpu.memory_space<vmem>>, vector<16xf32>,
    tpu.vector_store %arg7[%swap3A_608], %add3A_607 {strides = array<i32>} : memref<512xf32, #tpu.memory_space<vmem>>, vector<16xf32>,
    %get3A_610 = arith.constant 176 : index
    %get3A_611 = tpu.vector_load %arg7[%get3A_610] {strides = array<i32>} : memref<512xf32, #tpu.memory_space<vmem>>, vector<16xf32>,
    %get3A_612 = arith.constant 0 : i32
    %get3A_613 = arith.constant 0 : i32
    %get3A_614 = arith.index_cast %get3A_612 : i32 to index
    %get3A_615 = arith.index_cast %get3A_613 : i32 to index
    %get3A_616 = arith.constant 176 : index
    %get3A_617 = tpu.vector_load %arg6[%get3A_614, %get3A_615, %get3A_616] {strides = array<i32>} : memref<2x2x512xf32, #tpu.memory_space<vmem>>, vector<16xf32>,
    %add3A_618 = arith.addf %get3A_611, %get3A_617 : vector<16xf32>
    %get3A_619 = arith.constant 0 : i32
    %get3A_620 = arith.constant 1 : i32
    %get3A_621 = arith.index_cast %get3A_619 : i32 to index
    %get3A_622 = arith.index_cast %get3A_620 : i32 to index
    %get3A_623 = arith.constant 176 : index
    %get3A_624 = tpu.vector_load %arg6[%get3A_621, %get3A_622, %get3A_623] {strides = array<i32>} : memref<2x2x512xf32, #tpu.memory_space<vmem>>, vector<16xf32>,
    %add3A_625 = arith.addf %add3A_618, %get3A_624 : vector<16xf32>
    %swap3A_626 = arith.constant 176 : index
    %swap3A_627 = tpu.vector_load %arg7[%swap3A_626] {strides = array<i32>} : memref<512xf32, #tpu.memory_space<vmem>>, vector<16xf32>,
    tpu.vector_store %arg7[%swap3A_626], %add3A_625 {strides = array<i32>} : memref<512xf32, #tpu.memory_space<vmem>>, vector<16xf32>,
    %get3A_628 = arith.constant 192 : index
    %get3A_629 = tpu.vector_load %arg7[%get3A_628] {strides = array<i32>} : memref<512xf32, #tpu.memory_space<vmem>>, vector<16xf32>,
    %get3A_630 = arith.constant 0 : i32
    %get3A_631 = arith.constant 0 : i32
    %get3A_632 = arith.index_cast %get3A_630 : i32 to index
    %get3A_633 = arith.index_cast %get3A_631 : i32 to index
    %get3A_634 = arith.constant 192 : index
    %get3A_635 = tpu.vector_load %arg6[%get3A_632, %get3A_633, %get3A_634] {strides = array<i32>} : memref<2x2x512xf32, #tpu.memory_space<vmem>>, vector<16xf32>,
    %add3A_636 = arith.addf %get3A_629, %get3A_635 : vector<16xf32>
    %get3A_637 = arith.constant 0 : i32
    %get3A_638 = arith.constant 1 : i32
    %get3A_639 = arith.index_cast %get3A_637 : i32 to index
    %get3A_640 = arith.index_cast %get3A_638 : i32 to index
    %get3A_641 = arith.constant 192 : index
    %get3A_642 = tpu.vector_load %arg6[%get3A_639, %get3A_640, %get3A_641] {strides = array<i32>} : memref<2x2x512xf32, #tpu.memory_space<vmem>>, vector<16xf32>,
    %add3A_643 = arith.addf %add3A_636, %get3A_642 : vector<16xf32>
    %swap3A_644 = arith.constant 192 : index
    %swap3A_645 = tpu.vector_load %arg7[%swap3A_644] {strides = array<i32>} : memref<512xf32, #tpu.memory_space<vmem>>, vector<16xf32>,
    tpu.vector_store %arg7[%swap3A_644], %add3A_643 {strides = array<i32>} : memref<512xf32, #tpu.memory_space<vmem>>, vector<16xf32>,
    %get3A_646 = arith.constant 208 : index
    %get3A_647 = tpu.vector_load %arg7[%get3A_646] {strides = array<i32>} : memref<512xf32, #tpu.memory_space<vmem>>, vector<16xf32>,
    %get3A_648 = arith.constant 0 : i32
    %get3A_649 = arith.constant 0 : i32
    %get3A_650 = arith.index_cast %get3A_648 : i32 to index
    %get3A_651 = arith.index_cast %get3A_649 : i32 to index
    %get3A_652 = arith.constant 208 : index
    %get3A_653 = tpu.vector_load %arg6[%get3A_650, %get3A_651, %get3A_652] {strides = array<i32>} : memref<2x2x512xf32, #tpu.memory_space<vmem>>, vector<16xf32>,
    %add3A_654 = arith.addf %get3A_647, %get3A_653 : vector<16xf32>
    %get3A_655 = arith.constant 0 : i32
    %get3A_656 = arith.constant 1 : i32
    %get3A_657 = arith.index_cast %get3A_655 : i32 to index
    %get3A_658 = arith.index_cast %get3A_656 : i32 to index
    %get3A_659 = arith.constant 208 : index
    %get3A_660 = tpu.vector_load %arg6[%get3A_657, %get3A_658, %get3A_659] {strides = array<i32>} : memref<2x2x512xf32, #tpu.memory_space<vmem>>, vector<16xf32>,
    %add3A_661 = arith.addf %add3A_654, %get3A_660 : vector<16xf32>
    %swap3A_662 = arith.constant 208 : index
    %swap3A_663 = tpu.vector_load %arg7[%swap3A_662] {strides = array<i32>} : memref<512xf32, #tpu.memory_space<vmem>>, vector<16xf32>,
    tpu.vector_store %arg7[%swap3A_662], %add3A_661 {strides = array<i32>} : memref<512xf32, #tpu.memory_space<vmem>>, vector<16xf32>,
    %get3A_664 = arith.constant 224 : index
    %get3A_665 = tpu.vector_load %arg7[%get3A_664] {strides = array<i32>} : memref<512xf32, #tpu.memory_space<vmem>>, vector<16xf32>,
    %get3A_666 = arith.constant 0 : i32
    %get3A_667 = arith.constant 0 : i32
    %get3A_668 = arith.index_cast %get3A_666 : i32 to index
    %get3A_669 = arith.index_cast %get3A_667 : i32 to index
    %get3A_670 = arith.constant 224 : index
    %get3A_671 = tpu.vector_load %arg6[%get3A_668, %get3A_669, %get3A_670] {strides = array<i32>} : memref<2x2x512xf32, #tpu.memory_space<vmem>>, vector<16xf32>,
    %add3A_672 = arith.addf %get3A_665, %get3A_671 : vector<16xf32>
    %get3A_673 = arith.constant 0 : i32
    %get3A_674 = arith.constant 1 : i32
    %get3A_675 = arith.index_cast %get3A_673 : i32 to index
    %get3A_676 = arith.index_cast %get3A_674 : i32 to index
    %get3A_677 = arith.constant 224 : index
    %get3A_678 = tpu.vector_load %arg6[%get3A_675, %get3A_676, %get3A_677] {strides = array<i32>} : memref<2x2x512xf32, #tpu.memory_space<vmem>>, vector<16xf32>,
    %add3A_679 = arith.addf %add3A_672, %get3A_678 : vector<16xf32>
    %swap3A_680 = arith.constant 224 : index
    %swap3A_681 = tpu.vector_load %arg7[%swap3A_680] {strides = array<i32>} : memref<512xf32, #tpu.memory_space<vmem>>, vector<16xf32>,
    tpu.vector_store %arg7[%swap3A_680], %add3A_679 {strides = array<i32>} : memref<512xf32, #tpu.memory_space<vmem>>, vector<16xf32>,
    %get3A_682 = arith.constant 240 : index
    %get3A_683 = tpu.vector_load %arg7[%get3A_682] {strides = array<i32>} : memref<512xf32, #tpu.memory_space<vmem>>, vector<16xf32>,
    %get3A_684 = arith.constant 0 : i32
    %get3A_685 = arith.constant 0 : i32
    %get3A_686 = arith.index_cast %get3A_684 : i32 to index
    %get3A_687 = arith.index_cast %get3A_685 : i32 to index
    %get3A_688 = arith.constant 240 : index
    %get3A_689 = tpu.vector_load %arg6[%get3A_686, %get3A_687, %get3A_688] {strides = array<i32>} : memref<2x2x512xf32, #tpu.memory_space<vmem>>, vector<16xf32>,
    %add3A_690 = arith.addf %get3A_683, %get3A_689 : vector<16xf32>
    %get3A_691 = arith.constant 0 : i32
    %get3A_692 = arith.constant 1 : i32
    %get3A_693 = arith.index_cast %get3A_691 : i32 to index
    %get3A_694 = arith.index_cast %get3A_692 : i32 to index
    %get3A_695 = arith.constant 240 : index
    %get3A_696 = tpu.vector_load %arg6[%get3A_693, %get3A_694, %get3A_695] {strides = array<i32>} : memref<2x2x512xf32, #tpu.memory_space<vmem>>, vector<16xf32>,
    %add3A_697 = arith.addf %add3A_690, %get3A_696 : vector<16xf32>
    %swap3A_698 = arith.constant 240 : index
    %swap3A_699 = tpu.vector_load %arg7[%swap3A_698] {strides = array<i32>} : memref<512xf32, #tpu.memory_space<vmem>>, vector<16xf32>,
    tpu.vector_store %arg7[%swap3A_698], %add3A_697 {strides = array<i32>} : memref<512xf32, #tpu.memory_space<vmem>>, vector<16xf32>,
    %get3A_700 = arith.constant 256 : index
    %get3A_701 = tpu.vector_load %arg7[%get3A_700] {strides = array<i32>} : memref<512xf32, #tpu.memory_space<vmem>>, vector<16xf32>,
    %get3A_702 = arith.constant 0 : i32
    %get3A_703 = arith.constant 0 : i32
    %get3A_704 = arith.index_cast %get3A_702 : i32 to index
    %get3A_705 = arith.index_cast %get3A_703 : i32 to index
    %get3A_706 = arith.constant 256 : index
    %get3A_707 = tpu.vector_load %arg6[%get3A_704, %get3A_705, %get3A_706] {strides = array<i32>} : memref<2x2x512xf32, #tpu.memory_space<vmem>>, vector<16xf32>,
    %add3A_708 = arith.addf %get3A_701, %get3A_707 : vector<16xf32>
    %get3A_709 = arith.constant 0 : i32
    %get3A_710 = arith.constant 1 : i32
    %get3A_711 = arith.index_cast %get3A_709 : i32 to index
    %get3A_712 = arith.index_cast %get3A_710 : i32 to index
    %get3A_713 = arith.constant 256 : index
    %get3A_714 = tpu.vector_load %arg6[%get3A_711, %get3A_712, %get3A_713] {strides = array<i32>} : memref<2x2x512xf32, #tpu.memory_space<vmem>>, vector<16xf32>,
    %add3A_715 = arith.addf %add3A_708, %get3A_714 : vector<16xf32>
    %swap3A_716 = arith.constant 256 : index
    %swap3A_717 = tpu.vector_load %arg7[%swap3A_716] {strides = array<i32>} : memref<512xf32, #tpu.memory_space<vmem>>, vector<16xf32>,
    tpu.vector_store %arg7[%swap3A_716], %add3A_715 {strides = array<i32>} : memref<512xf32, #tpu.memory_space<vmem>>, vector<16xf32>,
    %get3A_718 = arith.constant 272 : index
    %get3A_719 = tpu.vector_load %arg7[%get3A_718] {strides = array<i32>} : memref<512xf32, #tpu.memory_space<vmem>>, vector<16xf32>,
    %get3A_720 = arith.constant 0 : i32
    %get3A_721 = arith.constant 0 : i32
    %get3A_722 = arith.index_cast %get3A_720 : i32 to index
    %get3A_723 = arith.index_cast %get3A_721 : i32 to index
    %get3A_724 = arith.constant 272 : index
    %get3A_725 = tpu.vector_load %arg6[%get3A_722, %get3A_723, %get3A_724] {strides = array<i32>} : memref<2x2x512xf32, #tpu.memory_space<vmem>>, vector<16xf32>,
    %add3A_726 = arith.addf %get3A_719, %get3A_725 : vector<16xf32>
    %get3A_727 = arith.constant 0 : i32
    %get3A_728 = arith.constant 1 : i32
    %get3A_729 = arith.index_cast %get3A_727 : i32 to index
    %get3A_730 = arith.index_cast %get3A_728 : i32 to index
    %get3A_731 = arith.constant 272 : index
    %get3A_732 = tpu.vector_load %arg6[%get3A_729, %get3A_730, %get3A_731] {strides = array<i32>} : memref<2x2x512xf32, #tpu.memory_space<vmem>>, vector<16xf32>,
    %add3A_733 = arith.addf %add3A_726, %get3A_732 : vector<16xf32>
    %swap3A_734 = arith.constant 272 : index
    %swap3A_735 = tpu.vector_load %arg7[%swap3A_734] {strides = array<i32>} : memref<512xf32, #tpu.memory_space<vmem>>, vector<16xf32>,
    tpu.vector_store %arg7[%swap3A_734], %add3A_733 {strides = array<i32>} : memref<512xf32, #tpu.memory_space<vmem>>, vector<16xf32>,
    %get3A_736 = arith.constant 288 : index
    %get3A_737 = tpu.vector_load %arg7[%get3A_736] {strides = array<i32>} : memref<512xf32, #tpu.memory_space<vmem>>, vector<16xf32>,
    %get3A_738 = arith.constant 0 : i32
    %get3A_739 = arith.constant 0 : i32
    %get3A_740 = arith.index_cast %get3A_738 : i32 to index
    %get3A_741 = arith.index_cast %get3A_739 : i32 to index
    %get3A_742 = arith.constant 288 : index
    %get3A_743 = tpu.vector_load %arg6[%get3A_740, %get3A_741, %get3A_742] {strides = array<i32>} : memref<2x2x512xf32, #tpu.memory_space<vmem>>, vector<16xf32>,
    %add3A_744 = arith.addf %get3A_737, %get3A_743 : vector<16xf32>
    %get3A_745 = arith.constant 0 : i32
    %get3A_746 = arith.constant 1 : i32
    %get3A_747 = arith.index_cast %get3A_745 : i32 to index
    %get3A_748 = arith.index_cast %get3A_746 : i32 to index
    %get3A_749 = arith.constant 288 : index
    %get3A_750 = tpu.vector_load %arg6[%get3A_747, %get3A_748, %get3A_749] {strides = array<i32>} : memref<2x2x512xf32, #tpu.memory_space<vmem>>, vector<16xf32>,
    %add3A_751 = arith.addf %add3A_744, %get3A_750 : vector<16xf32>
    %swap3A_752 = arith.constant 288 : index
    %swap3A_753 = tpu.vector_load %arg7[%swap3A_752] {strides = array<i32>} : memref<512xf32, #tpu.memory_space<vmem>>, vector<16xf32>,
    tpu.vector_store %arg7[%swap3A_752], %add3A_751 {strides = array<i32>} : memref<512xf32, #tpu.memory_space<vmem>>, vector<16xf32>,
    %get3A_754 = arith.constant 304 : index
    %get3A_755 = tpu.vector_load %arg7[%get3A_754] {strides = array<i32>} : memref<512xf32, #tpu.memory_space<vmem>>, vector<16xf32>,
    %get3A_756 = arith.constant 0 : i32
    %get3A_757 = arith.constant 0 : i32
    %get3A_758 = arith.index_cast %get3A_756 : i32 to index
    %get3A_759 = arith.index_cast %get3A_757 : i32 to index
    %get3A_760 = arith.constant 304 : index
    %get3A_761 = tpu.vector_load %arg6[%get3A_758, %get3A_759, %get3A_760] {strides = array<i32>} : memref<2x2x512xf32, #tpu.memory_space<vmem>>, vector<16xf32>,
    %add3A_762 = arith.addf %get3A_755, %get3A_761 : vector<16xf32>
    %get3A_763 = arith.constant 0 : i32
    %get3A_764 = arith.constant 1 : i32
    %get3A_765 = arith.index_cast %get3A_763 : i32 to index
    %get3A_766 = arith.index_cast %get3A_764 : i32 to index
    %get3A_767 = arith.constant 304 : index
    %get3A_768 = tpu.vector_load %arg6[%get3A_765, %get3A_766, %get3A_767] {strides = array<i32>} : memref<2x2x512xf32, #tpu.memory_space<vmem>>, vector<16xf32>,
    %add3A_769 = arith.addf %add3A_762, %get3A_768 : vector<16xf32>
    %swap3A_770 = arith.constant 304 : index
    %swap3A_771 = tpu.vector_load %arg7[%swap3A_770] {strides = array<i32>} : memref<512xf32, #tpu.memory_space<vmem>>, vector<16xf32>,
    tpu.vector_store %arg7[%swap3A_770], %add3A_769 {strides = array<i32>} : memref<512xf32, #tpu.memory_space<vmem>>, vector<16xf32>,
    %get3A_772 = arith.constant 320 : index
    %get3A_773 = tpu.vector_load %arg7[%get3A_772] {strides = array<i32>} : memref<512xf32, #tpu.memory_space<vmem>>, vector<16xf32>,
    %get3A_774 = arith.constant 0 : i32
    %get3A_775 = arith.constant 0 : i32
    %get3A_776 = arith.index_cast %get3A_774 : i32 to index
    %get3A_777 = arith.index_cast %get3A_775 : i32 to index
    %get3A_778 = arith.constant 320 : index
    %get3A_779 = tpu.vector_load %arg6[%get3A_776, %get3A_777, %get3A_778] {strides = array<i32>} : memref<2x2x512xf32, #tpu.memory_space<vmem>>, vector<16xf32>,
    %add3A_780 = arith.addf %get3A_773, %get3A_779 : vector<16xf32>
    %get3A_781 = arith.constant 0 : i32
    %get3A_782 = arith.constant 1 : i32
    %get3A_783 = arith.index_cast %get3A_781 : i32 to index
    %get3A_784 = arith.index_cast %get3A_782 : i32 to index
    %get3A_785 = arith.constant 320 : index
    %get3A_786 = tpu.vector_load %arg6[%get3A_783, %get3A_784, %get3A_785] {strides = array<i32>} : memref<2x2x512xf32, #tpu.memory_space<vmem>>, vector<16xf32>,
    %add3A_787 = arith.addf %add3A_780, %get3A_786 : vector<16xf32>
    %swap3A_788 = arith.constant 320 : index
    %swap3A_789 = tpu.vector_load %arg7[%swap3A_788] {strides = array<i32>} : memref<512xf32, #tpu.memory_space<vmem>>, vector<16xf32>,
    tpu.vector_store %arg7[%swap3A_788], %add3A_787 {strides = array<i32>} : memref<512xf32, #tpu.memory_space<vmem>>, vector<16xf32>,
    %get3A_790 = arith.constant 336 : index
    %get3A_791 = tpu.vector_load %arg7[%get3A_790] {strides = array<i32>} : memref<512xf32, #tpu.memory_space<vmem>>, vector<16xf32>,
    %get3A_792 = arith.constant 0 : i32
    %get3A_793 = arith.constant 0 : i32
    %get3A_794 = arith.index_cast %get3A_792 : i32 to index
    %get3A_795 = arith.index_cast %get3A_793 : i32 to index
    %get3A_796 = arith.constant 336 : index
    %get3A_797 = tpu.vector_load %arg6[%get3A_794, %get3A_795, %get3A_796] {strides = array<i32>} : memref<2x2x512xf32, #tpu.memory_space<vmem>>, vector<16xf32>,
    %add3A_798 = arith.addf %get3A_791, %get3A_797 : vector<16xf32>
    %get3A_799 = arith.constant 0 : i32
    %get3A_800 = arith.constant 1 : i32
    %get3A_801 = arith.index_cast %get3A_799 : i32 to index
    %get3A_802 = arith.index_cast %get3A_800 : i32 to index
    %get3A_803 = arith.constant 336 : index
    %get3A_804 = tpu.vector_load %arg6[%get3A_801, %get3A_802, %get3A_803] {strides = array<i32>} : memref<2x2x512xf32, #tpu.memory_space<vmem>>, vector<16xf32>,
    %add3A_805 = arith.addf %add3A_798, %get3A_804 : vector<16xf32>
    %swap3A_806 = arith.constant 336 : index
    %swap3A_807 = tpu.vector_load %arg7[%swap3A_806] {strides = array<i32>} : memref<512xf32, #tpu.memory_space<vmem>>, vector<16xf32>,
    tpu.vector_store %arg7[%swap3A_806], %add3A_805 {strides = array<i32>} : memref<512xf32, #tpu.memory_space<vmem>>, vector<16xf32>,
    %get3A_808 = arith.constant 352 : index
    %get3A_809 = tpu.vector_load %arg7[%get3A_808] {strides = array<i32>} : memref<512xf32, #tpu.memory_space<vmem>>, vector<16xf32>,
    %get3A_810 = arith.constant 0 : i32
    %get3A_811 = arith.constant 0 : i32
    %get3A_812 = arith.index_cast %get3A_810 : i32 to index
    %get3A_813 = arith.index_cast %get3A_811 : i32 to index
    %get3A_814 = arith.constant 352 : index
    %get3A_815 = tpu.vector_load %arg6[%get3A_812, %get3A_813, %get3A_814] {strides = array<i32>} : memref<2x2x512xf32, #tpu.memory_space<vmem>>, vector<16xf32>,
    %add3A_816 = arith.addf %get3A_809, %get3A_815 : vector<16xf32>
    %get3A_817 = arith.constant 0 : i32
    %get3A_818 = arith.constant 1 : i32
    %get3A_819 = arith.index_cast %get3A_817 : i32 to index
    %get3A_820 = arith.index_cast %get3A_818 : i32 to index
    %get3A_821 = arith.constant 352 : index
    %get3A_822 = tpu.vector_load %arg6[%get3A_819, %get3A_820, %get3A_821] {strides = array<i32>} : memref<2x2x512xf32, #tpu.memory_space<vmem>>, vector<16xf32>,
    %add3A_823 = arith.addf %add3A_816, %get3A_822 : vector<16xf32>
    %swap3A_824 = arith.constant 352 : index
    %swap3A_825 = tpu.vector_load %arg7[%swap3A_824] {strides = array<i32>} : memref<512xf32, #tpu.memory_space<vmem>>, vector<16xf32>,
    tpu.vector_store %arg7[%swap3A_824], %add3A_823 {strides = array<i32>} : memref<512xf32, #tpu.memory_space<vmem>>, vector<16xf32>,
    %get3A_826 = arith.constant 368 : index
    %get3A_827 = tpu.vector_load %arg7[%get3A_826] {strides = array<i32>} : memref<512xf32, #tpu.memory_space<vmem>>, vector<16xf32>,
    %get3A_828 = arith.constant 0 : i32
    %get3A_829 = arith.constant 0 : i32
    %get3A_830 = arith.index_cast %get3A_828 : i32 to index
    %get3A_831 = arith.index_cast %get3A_829 : i32 to index
    %get3A_832 = arith.constant 368 : index
    %get3A_833 = tpu.vector_load %arg6[%get3A_830, %get3A_831, %get3A_832] {strides = array<i32>} : memref<2x2x512xf32, #tpu.memory_space<vmem>>, vector<16xf32>,
    %add3A_834 = arith.addf %get3A_827, %get3A_833 : vector<16xf32>
    %get3A_835 = arith.constant 0 : i32
    %get3A_836 = arith.constant 1 : i32
    %get3A_837 = arith.index_cast %get3A_835 : i32 to index
    %get3A_838 = arith.index_cast %get3A_836 : i32 to index
    %get3A_839 = arith.constant 368 : index
    %get3A_840 = tpu.vector_load %arg6[%get3A_837, %get3A_838, %get3A_839] {strides = array<i32>} : memref<2x2x512xf32, #tpu.memory_space<vmem>>, vector<16xf32>,
    %add3A_841 = arith.addf %add3A_834, %get3A_840 : vector<16xf32>
    %swap3A_842 = arith.constant 368 : index
    %swap3A_843 = tpu.vector_load %arg7[%swap3A_842] {strides = array<i32>} : memref<512xf32, #tpu.memory_space<vmem>>, vector<16xf32>,
    tpu.vector_store %arg7[%swap3A_842], %add3A_841 {strides = array<i32>} : memref<512xf32, #tpu.memory_space<vmem>>, vector<16xf32>,
    %get3A_844 = arith.constant 384 : index
    %get3A_845 = tpu.vector_load %arg7[%get3A_844] {strides = array<i32>} : memref<512xf32, #tpu.memory_space<vmem>>, vector<16xf32>,
    %get3A_846 = arith.constant 0 : i32
    %get3A_847 = arith.constant 0 : i32
    %get3A_848 = arith.index_cast %get3A_846 : i32 to index
    %get3A_849 = arith.index_cast %get3A_847 : i32 to index
    %get3A_850 = arith.constant 384 : index
    %get3A_851 = tpu.vector_load %arg6[%get3A_848, %get3A_849, %get3A_850] {strides = array<i32>} : memref<2x2x512xf32, #tpu.memory_space<vmem>>, vector<16xf32>,
    %add3A_852 = arith.addf %get3A_845, %get3A_851 : vector<16xf32>
    %get3A_853 = arith.constant 0 : i32
    %get3A_854 = arith.constant 1 : i32
    %get3A_855 = arith.index_cast %get3A_853 : i32 to index
    %get3A_856 = arith.index_cast %get3A_854 : i32 to index
    %get3A_857 = arith.constant 384 : index
    %get3A_858 = tpu.vector_load %arg6[%get3A_855, %get3A_856, %get3A_857] {strides = array<i32>} : memref<2x2x512xf32, #tpu.memory_space<vmem>>, vector<16xf32>,
    %add3A_859 = arith.addf %add3A_852, %get3A_858 : vector<16xf32>
    %swap3A_860 = arith.constant 384 : index
    %swap3A_861 = tpu.vector_load %arg7[%swap3A_860] {strides = array<i32>} : memref<512xf32, #tpu.memory_space<vmem>>, vector<16xf32>,
    tpu.vector_store %arg7[%swap3A_860], %add3A_859 {strides = array<i32>} : memref<512xf32, #tpu.memory_space<vmem>>, vector<16xf32>,
    %get3A_862 = arith.constant 400 : index
    %get3A_863 = tpu.vector_load %arg7[%get3A_862] {strides = array<i32>} : memref<512xf32, #tpu.memory_space<vmem>>, vector<16xf32>,
    %get3A_864 = arith.constant 0 : i32
    %get3A_865 = arith.constant 0 : i32
    %get3A_866 = arith.index_cast %get3A_864 : i32 to index
    %get3A_867 = arith.index_cast %get3A_865 : i32 to index
    %get3A_868 = arith.constant 400 : index
    %get3A_869 = tpu.vector_load %arg6[%get3A_866, %get3A_867, %get3A_868] {strides = array<i32>} : memref<2x2x512xf32, #tpu.memory_space<vmem>>, vector<16xf32>,
    %add3A_870 = arith.addf %get3A_863, %get3A_869 : vector<16xf32>
    %get3A_871 = arith.constant 0 : i32
    %get3A_872 = arith.constant 1 : i32
    %get3A_873 = arith.index_cast %get3A_871 : i32 to index
    %get3A_874 = arith.index_cast %get3A_872 : i32 to index
    %get3A_875 = arith.constant 400 : index
    %get3A_876 = tpu.vector_load %arg6[%get3A_873, %get3A_874, %get3A_875] {strides = array<i32>} : memref<2x2x512xf32, #tpu.memory_space<vmem>>, vector<16xf32>,
    %add3A_877 = arith.addf %add3A_870, %get3A_876 : vector<16xf32>
    %swap3A_878 = arith.constant 400 : index
    %swap3A_879 = tpu.vector_load %arg7[%swap3A_878] {strides = array<i32>} : memref<512xf32, #tpu.memory_space<vmem>>, vector<16xf32>,
    tpu.vector_store %arg7[%swap3A_878], %add3A_877 {strides = array<i32>} : memref<512xf32, #tpu.memory_space<vmem>>, vector<16xf32>,
    %get3A_880 = arith.constant 416 : index
    %get3A_881 = tpu.vector_load %arg7[%get3A_880] {strides = array<i32>} : memref<512xf32, #tpu.memory_space<vmem>>, vector<16xf32>,
    %get3A_882 = arith.constant 0 : i32
    %get3A_883 = arith.constant 0 : i32
    %get3A_884 = arith.index_cast %get3A_882 : i32 to index
    %get3A_885 = arith.index_cast %get3A_883 : i32 to index
    %get3A_886 = arith.constant 416 : index
    %get3A_887 = tpu.vector_load %arg6[%get3A_884, %get3A_885, %get3A_886] {strides = array<i32>} : memref<2x2x512xf32, #tpu.memory_space<vmem>>, vector<16xf32>,
    %add3A_888 = arith.addf %get3A_881, %get3A_887 : vector<16xf32>
    %get3A_889 = arith.constant 0 : i32
    %get3A_890 = arith.constant 1 : i32
    %get3A_891 = arith.index_cast %get3A_889 : i32 to index
    %get3A_892 = arith.index_cast %get3A_890 : i32 to index
    %get3A_893 = arith.constant 416 : index
    %get3A_894 = tpu.vector_load %arg6[%get3A_891, %get3A_892, %get3A_893] {strides = array<i32>} : memref<2x2x512xf32, #tpu.memory_space<vmem>>, vector<16xf32>,
    %add3A_895 = arith.addf %add3A_888, %get3A_894 : vector<16xf32>
    %swap3A_896 = arith.constant 416 : index
    %swap3A_897 = tpu.vector_load %arg7[%swap3A_896] {strides = array<i32>} : memref<512xf32, #tpu.memory_space<vmem>>, vector<16xf32>,
    tpu.vector_store %arg7[%swap3A_896], %add3A_895 {strides = array<i32>} : memref<512xf32, #tpu.memory_space<vmem>>, vector<16xf32>,
    %get3A_898 = arith.constant 432 : index
    %get3A_899 = tpu.vector_load %arg7[%get3A_898] {strides = array<i32>} : memref<512xf32, #tpu.memory_space<vmem>>, vector<16xf32>,
    %get3A_900 = arith.constant 0 : i32
    %get3A_901 = arith.constant 0 : i32
    %get3A_902 = arith.index_cast %get3A_900 : i32 to index
    %get3A_903 = arith.index_cast %get3A_901 : i32 to index
    %get3A_904 = arith.constant 432 : index
    %get3A_905 = tpu.vector_load %arg6[%get3A_902, %get3A_903, %get3A_904] {strides = array<i32>} : memref<2x2x512xf32, #tpu.memory_space<vmem>>, vector<16xf32>,
    %add3A_906 = arith.addf %get3A_899, %get3A_905 : vector<16xf32>
    %get3A_907 = arith.constant 0 : i32
    %get3A_908 = arith.constant 1 : i32
    %get3A_909 = arith.index_cast %get3A_907 : i32 to index
    %get3A_910 = arith.index_cast %get3A_908 : i32 to index
    %get3A_911 = arith.constant 432 : index
    %get3A_912 = tpu.vector_load %arg6[%get3A_909, %get3A_910, %get3A_911] {strides = array<i32>} : memref<2x2x512xf32, #tpu.memory_space<vmem>>, vector<16xf32>,
    %add3A_913 = arith.addf %add3A_906, %get3A_912 : vector<16xf32>
    %swap3A_914 = arith.constant 432 : index
    %swap3A_915 = tpu.vector_load %arg7[%swap3A_914] {strides = array<i32>} : memref<512xf32, #tpu.memory_space<vmem>>, vector<16xf32>,
    tpu.vector_store %arg7[%swap3A_914], %add3A_913 {strides = array<i32>} : memref<512xf32, #tpu.memory_space<vmem>>, vector<16xf32>,
    %get3A_916 = arith.constant 448 : index
    %get3A_917 = tpu.vector_load %arg7[%get3A_916] {strides = array<i32>} : memref<512xf32, #tpu.memory_space<vmem>>, vector<16xf32>,
    %get3A_918 = arith.constant 0 : i32
    %get3A_919 = arith.constant 0 : i32
    %get3A_920 = arith.index_cast %get3A_918 : i32 to index
    %get3A_921 = arith.index_cast %get3A_919 : i32 to index
    %get3A_922 = arith.constant 448 : index
    %get3A_923 = tpu.vector_load %arg6[%get3A_920, %get3A_921, %get3A_922] {strides = array<i32>} : memref<2x2x512xf32, #tpu.memory_space<vmem>>, vector<16xf32>,
    %add3A_924 = arith.addf %get3A_917, %get3A_923 : vector<16xf32>
    %get3A_925 = arith.constant 0 : i32
    %get3A_926 = arith.constant 1 : i32
    %get3A_927 = arith.index_cast %get3A_925 : i32 to index
    %get3A_928 = arith.index_cast %get3A_926 : i32 to index
    %get3A_929 = arith.constant 448 : index
    %get3A_930 = tpu.vector_load %arg6[%get3A_927, %get3A_928, %get3A_929] {strides = array<i32>} : memref<2x2x512xf32, #tpu.memory_space<vmem>>, vector<16xf32>,
    %add3A_931 = arith.addf %add3A_924, %get3A_930 : vector<16xf32>
    %swap3A_932 = arith.constant 448 : index
    %swap3A_933 = tpu.vector_load %arg7[%swap3A_932] {strides = array<i32>} : memref<512xf32, #tpu.memory_space<vmem>>, vector<16xf32>,
    tpu.vector_store %arg7[%swap3A_932], %add3A_931 {strides = array<i32>} : memref<512xf32, #tpu.memory_space<vmem>>, vector<16xf32>,
    %get3A_934 = arith.constant 464 : index
    %get3A_935 = tpu.vector_load %arg7[%get3A_934] {strides = array<i32>} : memref<512xf32, #tpu.memory_space<vmem>>, vector<16xf32>,
    %get3A_936 = arith.constant 0 : i32
    %get3A_937 = arith.constant 0 : i32
    %get3A_938 = arith.index_cast %get3A_936 : i32 to index
    %get3A_939 = arith.index_cast %get3A_937 : i32 to index
    %get3A_940 = arith.constant 464 : index
    %get3A_941 = tpu.vector_load %arg6[%get3A_938, %get3A_939, %get3A_940] {strides = array<i32>} : memref<2x2x512xf32, #tpu.memory_space<vmem>>, vector<16xf32>,
    %add3A_942 = arith.addf %get3A_935, %get3A_941 : vector<16xf32>
    %get3A_943 = arith.constant 0 : i32
    %get3A_944 = arith.constant 1 : i32
    %get3A_945 = arith.index_cast %get3A_943 : i32 to index
    %get3A_946 = arith.index_cast %get3A_944 : i32 to index
    %get3A_947 = arith.constant 464 : index
    %get3A_948 = tpu.vector_load %arg6[%get3A_945, %get3A_946, %get3A_947] {strides = array<i32>} : memref<2x2x512xf32, #tpu.memory_space<vmem>>, vector<16xf32>,
    %add3A_949 = arith.addf %add3A_942, %get3A_948 : vector<16xf32>
    %swap3A_950 = arith.constant 464 : index
    %swap3A_951 = tpu.vector_load %arg7[%swap3A_950] {strides = array<i32>} : memref<512xf32, #tpu.memory_space<vmem>>, vector<16xf32>,
    tpu.vector_store %arg7[%swap3A_950], %add3A_949 {strides = array<i32>} : memref<512xf32, #tpu.memory_space<vmem>>, vector<16xf32>,
    %get3A_952 = arith.constant 480 : index
    %get3A_953 = tpu.vector_load %arg7[%get3A_952] {strides = array<i32>} : memref<512xf32, #tpu.memory_space<vmem>>, vector<16xf32>,
    %get3A_954 = arith.constant 0 : i32
    %get3A_955 = arith.constant 0 : i32
    %get3A_956 = arith.index_cast %get3A_954 : i32 to index
    %get3A_957 = arith.index_cast %get3A_955 : i32 to index
    %get3A_958 = arith.constant 480 : index
    %get3A_959 = tpu.vector_load %arg6[%get3A_956, %get3A_957, %get3A_958] {strides = array<i32>} : memref<2x2x512xf32, #tpu.memory_space<vmem>>, vector<16xf32>,
    %add3A_960 = arith.addf %get3A_953, %get3A_959 : vector<16xf32>
    %get3A_961 = arith.constant 0 : i32
    %get3A_962 = arith.constant 1 : i32
    %get3A_963 = arith.index_cast %get3A_961 : i32 to index
    %get3A_964 = arith.index_cast %get3A_962 : i32 to index
    %get3A_965 = arith.constant 480 : index
    %get3A_966 = tpu.vector_load %arg6[%get3A_963, %get3A_964, %get3A_965] {strides = array<i32>} : memref<2x2x512xf32, #tpu.memory_space<vmem>>, vector<16xf32>,
    %add3A_967 = arith.addf %add3A_960, %get3A_966 : vector<16xf32>
    %swap3A_968 = arith.constant 480 : index
    %swap3A_969 = tpu.vector_load %arg7[%swap3A_968] {strides = array<i32>} : memref<512xf32, #tpu.memory_space<vmem>>, vector<16xf32>,
    tpu.vector_store %arg7[%swap3A_968], %add3A_967 {strides = array<i32>} : memref<512xf32, #tpu.memory_space<vmem>>, vector<16xf32>,
    %get3A_970 = arith.constant 496 : index
    %get3A_971 = tpu.vector_load %arg7[%get3A_970] {strides = array<i32>} : memref<512xf32, #tpu.memory_space<vmem>>, vector<16xf32>,
    %get3A_972 = arith.constant 0 : i32
    %get3A_973 = arith.constant 0 : i32
    %get3A_974 = arith.index_cast %get3A_972 : i32 to index
    %get3A_975 = arith.index_cast %get3A_973 : i32 to index
    %get3A_976 = arith.constant 496 : index
    %get3A_977 = tpu.vector_load %arg6[%get3A_974, %get3A_975, %get3A_976] {strides = array<i32>} : memref<2x2x512xf32, #tpu.memory_space<vmem>>, vector<16xf32>,
    %add3A_978 = arith.addf %get3A_971, %get3A_977 : vector<16xf32>
    %get3A_979 = arith.constant 0 : i32
    %get3A_980 = arith.constant 1 : i32
    %get3A_981 = arith.index_cast %get3A_979 : i32 to index
    %get3A_982 = arith.index_cast %get3A_980 : i32 to index
    %get3A_983 = arith.constant 496 : index
    %get3A_984 = tpu.vector_load %arg6[%get3A_981, %get3A_982, %get3A_983] {strides = array<i32>} : memref<2x2x512xf32, #tpu.memory_space<vmem>>, vector<16xf32>,
    %add3A_985 = arith.addf %add3A_978, %get3A_984 : vector<16xf32>
    %swap3A_986 = arith.constant 496 : index
    %swap3A_987 = tpu.vector_load %arg7[%swap3A_986] {strides = array<i32>} : memref<512xf32, #tpu.memory_space<vmem>>, vector<16xf32>,
    tpu.vector_store %arg7[%swap3A_986], %add3A_985 {strides = array<i32>} : memref<512xf32, #tpu.memory_space<vmem>>, vector<16xf32>,
    %dma_wait3A_988 = arith.constant 1 : i32
    %dma_wait3A_989 = arith.constant 0 : i32
    %dma_wait3A_990 = arith.constant 1 : i32
    %dma_wait3A_991 = arith.constant 0 : i32
    %dma_wait3A_992 = arith.constant 0 : i32
    %dma_wait3A_993 = tpu.memref_slice %arg6[%dma_wait3A_990, %dma_wait3A_991, %dma_wait3A_992] : memref<2x2x512xf32, #tpu.memory_space<vmem>> -> memref<1x1x128xf32, #tpu.memory_space<vmem>>
    %dma_wait3A_994 = tpu.memref_squeeze %dma_wait3A_993 : memref<1x1x128xf32, #tpu.memory_space<vmem>> -> memref<128xf32, #tpu.memory_space<vmem>>
    %dma_wait3A_995 = arith.constant 0 : i32
    %dma_wait3A_996 = tpu.memref_slice %arg5[%dma_wait3A_988, %dma_wait3A_989, %dma_wait3A_995] : memref<2x2x512xi32, #tpu.memory_space<vmem>> -> memref<1x1x128xi32, #tpu.memory_space<vmem>>
    %dma_wait3A_997 = tpu.memref_squeeze %dma_wait3A_996 : memref<1x1x128xi32, #tpu.memory_space<vmem>> -> memref<128xi32, #tpu.memory_space<vmem>>
    %dma_wait3A_998 = arith.constant 0 : i32
    %dma_wait3A_999 = tpu.memref_slice %arg8[%dma_wait3A_998] : memref<1015808xf32, #tpu.memory_space<vmem_shared>> -> memref<1015808xf32, #tpu.memory_space<vmem_shared>>
    tpu.wait_indirect_dma semaphore(%arg9 : memref<!tpu.dma_semaphore, #tpu.memory_space<semaphore_mem>>) src(%dma_wait3A_999 : memref<1015808xf32, #tpu.memory_space<vmem_shared>>) dst(%dma_wait3A_994 : memref<128xf32, #tpu.memory_space<vmem>>)
    %dma_wait3A_1000 = arith.constant 1 : i32
    %dma_wait3A_1001 = arith.constant 0 : i32
    %dma_wait3A_1002 = arith.constant 1 : i32
    %dma_wait3A_1003 = arith.constant 0 : i32
    %dma_wait3A_1004 = arith.constant 128 : i32
    %dma_wait3A_1005 = tpu.memref_slice %arg6[%dma_wait3A_1002, %dma_wait3A_1003, %dma_wait3A_1004] : memref<2x2x512xf32, #tpu.memory_space<vmem>> -> memref<1x1x128xf32, #tpu.memory_space<vmem>>
    %dma_wait3A_1006 = tpu.memref_squeeze %dma_wait3A_1005 : memref<1x1x128xf32, #tpu.memory_space<vmem>> -> memref<128xf32, #tpu.memory_space<vmem>>
    %dma_wait3A_1007 = arith.constant 128 : i32
    %dma_wait3A_1008 = tpu.memref_slice %arg5[%dma_wait3A_1000, %dma_wait3A_1001, %dma_wait3A_1007] : memref<2x2x512xi32, #tpu.memory_space<vmem>> -> memref<1x1x128xi32, #tpu.memory_space<vmem>>
    %dma_wait3A_1009 = tpu.memref_squeeze %dma_wait3A_1008 : memref<1x1x128xi32, #tpu.memory_space<vmem>> -> memref<128xi32, #tpu.memory_space<vmem>>
    %dma_wait3A_1010 = arith.constant 0 : i32
    %dma_wait3A_1011 = tpu.memref_slice %arg8[%dma_wait3A_1010] : memref<1015808xf32, #tpu.memory_space<vmem_shared>> -> memref<1015808xf32, #tpu.memory_space<vmem_shared>>
    tpu.wait_indirect_dma semaphore(%arg9 : memref<!tpu.dma_semaphore, #tpu.memory_space<semaphore_mem>>) src(%dma_wait3A_1011 : memref<1015808xf32, #tpu.memory_space<vmem_shared>>) dst(%dma_wait3A_1006 : memref<128xf32, #tpu.memory_space<vmem>>)
    %dma_wait3A_1012 = arith.constant 1 : i32
    %dma_wait3A_1013 = arith.constant 0 : i32
    %dma_wait3A_1014 = arith.constant 1 : i32
    %dma_wait3A_1015 = arith.constant 0 : i32
    %dma_wait3A_1016 = arith.constant 256 : i32
    %dma_wait3A_1017 = tpu.memref_slice %arg6[%dma_wait3A_1014, %dma_wait3A_1015, %dma_wait3A_1016] : memref<2x2x512xf32, #tpu.memory_space<vmem>> -> memref<1x1x128xf32, #tpu.memory_space<vmem>>
    %dma_wait3A_1018 = tpu.memref_squeeze %dma_wait3A_1017 : memref<1x1x128xf32, #tpu.memory_space<vmem>> -> memref<128xf32, #tpu.memory_space<vmem>>
    %dma_wait3A_1019 = arith.constant 256 : i32
    %dma_wait3A_1020 = tpu.memref_slice %arg5[%dma_wait3A_1012, %dma_wait3A_1013, %dma_wait3A_1019] : memref<2x2x512xi32, #tpu.memory_space<vmem>> -> memref<1x1x128xi32, #tpu.memory_space<vmem>>
    %dma_wait3A_1021 = tpu.memref_squeeze %dma_wait3A_1020 : memref<1x1x128xi32, #tpu.memory_space<vmem>> -> memref<128xi32, #tpu.memory_space<vmem>>
    %dma_wait3A_1022 = arith.constant 0 : i32
    %dma_wait3A_1023 = tpu.memref_slice %arg8[%dma_wait3A_1022] : memref<1015808xf32, #tpu.memory_space<vmem_shared>> -> memref<1015808xf32, #tpu.memory_space<vmem_shared>>
    tpu.wait_indirect_dma semaphore(%arg9 : memref<!tpu.dma_semaphore, #tpu.memory_space<semaphore_mem>>) src(%dma_wait3A_1023 : memref<1015808xf32, #tpu.memory_space<vmem_shared>>) dst(%dma_wait3A_1018 : memref<128xf32, #tpu.memory_space<vmem>>)
    %dma_wait3A_1024 = arith.constant 1 : i32
    %dma_wait3A_1025 = arith.constant 0 : i32
    %dma_wait3A_1026 = arith.constant 1 : i32
    %dma_wait3A_1027 = arith.constant 0 : i32
    %dma_wait3A_1028 = arith.constant 384 : i32
    %dma_wait3A_1029 = tpu.memref_slice %arg6[%dma_wait3A_1026, %dma_wait3A_1027, %dma_wait3A_1028] : memref<2x2x512xf32, #tpu.memory_space<vmem>> -> memref<1x1x128xf32, #tpu.memory_space<vmem>>
    %dma_wait3A_1030 = tpu.memref_squeeze %dma_wait3A_1029 : memref<1x1x128xf32, #tpu.memory_space<vmem>> -> memref<128xf32, #tpu.memory_space<vmem>>
    %dma_wait3A_1031 = arith.constant 384 : i32
    %dma_wait3A_1032 = tpu.memref_slice %arg5[%dma_wait3A_1024, %dma_wait3A_1025, %dma_wait3A_1031] : memref<2x2x512xi32, #tpu.memory_space<vmem>> -> memref<1x1x128xi32, #tpu.memory_space<vmem>>
    %dma_wait3A_1033 = tpu.memref_squeeze %dma_wait3A_1032 : memref<1x1x128xi32, #tpu.memory_space<vmem>> -> memref<128xi32, #tpu.memory_space<vmem>>
    %dma_wait3A_1034 = arith.constant 0 : i32
    %dma_wait3A_1035 = tpu.memref_slice %arg8[%dma_wait3A_1034] : memref<1015808xf32, #tpu.memory_space<vmem_shared>> -> memref<1015808xf32, #tpu.memory_space<vmem_shared>>
    tpu.wait_indirect_dma semaphore(%arg9 : memref<!tpu.dma_semaphore, #tpu.memory_space<semaphore_mem>>) src(%dma_wait3A_1035 : memref<1015808xf32, #tpu.memory_space<vmem_shared>>) dst(%dma_wait3A_1030 : memref<128xf32, #tpu.memory_space<vmem>>)
    %dma_wait3A_1036 = arith.constant 1 : i32
    %dma_wait3A_1037 = arith.constant 1 : i32
    %dma_wait3A_1038 = arith.constant 1 : i32
    %dma_wait3A_1039 = arith.constant 1 : i32
    %dma_wait3A_1040 = arith.constant 0 : i32
    %dma_wait3A_1041 = tpu.memref_slice %arg6[%dma_wait3A_1038, %dma_wait3A_1039, %dma_wait3A_1040] : memref<2x2x512xf32, #tpu.memory_space<vmem>> -> memref<1x1x128xf32, #tpu.memory_space<vmem>>
    %dma_wait3A_1042 = tpu.memref_squeeze %dma_wait3A_1041 : memref<1x1x128xf32, #tpu.memory_space<vmem>> -> memref<128xf32, #tpu.memory_space<vmem>>
    %dma_wait3A_1043 = arith.constant 0 : i32
    %dma_wait3A_1044 = tpu.memref_slice %arg5[%dma_wait3A_1036, %dma_wait3A_1037, %dma_wait3A_1043] : memref<2x2x512xi32, #tpu.memory_space<vmem>> -> memref<1x1x128xi32, #tpu.memory_space<vmem>>
    %dma_wait3A_1045 = tpu.memref_squeeze %dma_wait3A_1044 : memref<1x1x128xi32, #tpu.memory_space<vmem>> -> memref<128xi32, #tpu.memory_space<vmem>>
    %dma_wait3A_1046 = arith.constant 0 : i32
    %dma_wait3A_1047 = tpu.memref_slice %arg8[%dma_wait3A_1046] : memref<1015808xf32, #tpu.memory_space<vmem_shared>> -> memref<1015808xf32, #tpu.memory_space<vmem_shared>>
    tpu.wait_indirect_dma semaphore(%arg9 : memref<!tpu.dma_semaphore, #tpu.memory_space<semaphore_mem>>) src(%dma_wait3A_1047 : memref<1015808xf32, #tpu.memory_space<vmem_shared>>) dst(%dma_wait3A_1042 : memref<128xf32, #tpu.memory_space<vmem>>)
    %dma_wait3A_1048 = arith.constant 1 : i32
    %dma_wait3A_1049 = arith.constant 1 : i32
    %dma_wait3A_1050 = arith.constant 1 : i32
    %dma_wait3A_1051 = arith.constant 1 : i32
    %dma_wait3A_1052 = arith.constant 128 : i32
    %dma_wait3A_1053 = tpu.memref_slice %arg6[%dma_wait3A_1050, %dma_wait3A_1051, %dma_wait3A_1052] : memref<2x2x512xf32, #tpu.memory_space<vmem>> -> memref<1x1x128xf32, #tpu.memory_space<vmem>>
    %dma_wait3A_1054 = tpu.memref_squeeze %dma_wait3A_1053 : memref<1x1x128xf32, #tpu.memory_space<vmem>> -> memref<128xf32, #tpu.memory_space<vmem>>
    %dma_wait3A_1055 = arith.constant 128 : i32
    %dma_wait3A_1056 = tpu.memref_slice %arg5[%dma_wait3A_1048, %dma_wait3A_1049, %dma_wait3A_1055] : memref<2x2x512xi32, #tpu.memory_space<vmem>> -> memref<1x1x128xi32, #tpu.memory_space<vmem>>
    %dma_wait3A_1057 = tpu.memref_squeeze %dma_wait3A_1056 : memref<1x1x128xi32, #tpu.memory_space<vmem>> -> memref<128xi32, #tpu.memory_space<vmem>>
    %dma_wait3A_1058 = arith.constant 0 : i32
    %dma_wait3A_1059 = tpu.memref_slice %arg8[%dma_wait3A_1058] : memref<1015808xf32, #tpu.memory_space<vmem_shared>> -> memref<1015808xf32, #tpu.memory_space<vmem_shared>>
    tpu.wait_indirect_dma semaphore(%arg9 : memref<!tpu.dma_semaphore, #tpu.memory_space<semaphore_mem>>) src(%dma_wait3A_1059 : memref<1015808xf32, #tpu.memory_space<vmem_shared>>) dst(%dma_wait3A_1054 : memref<128xf32, #tpu.memory_space<vmem>>)
    %dma_wait3A_1060 = arith.constant 1 : i32
    %dma_wait3A_1061 = arith.constant 1 : i32
    %dma_wait3A_1062 = arith.constant 1 : i32
    %dma_wait3A_1063 = arith.constant 1 : i32
    %dma_wait3A_1064 = arith.constant 256 : i32
    %dma_wait3A_1065 = tpu.memref_slice %arg6[%dma_wait3A_1062, %dma_wait3A_1063, %dma_wait3A_1064] : memref<2x2x512xf32, #tpu.memory_space<vmem>> -> memref<1x1x128xf32, #tpu.memory_space<vmem>>
    %dma_wait3A_1066 = tpu.memref_squeeze %dma_wait3A_1065 : memref<1x1x128xf32, #tpu.memory_space<vmem>> -> memref<128xf32, #tpu.memory_space<vmem>>
    %dma_wait3A_1067 = arith.constant 256 : i32
    %dma_wait3A_1068 = tpu.memref_slice %arg5[%dma_wait3A_1060, %dma_wait3A_1061, %dma_wait3A_1067] : memref<2x2x512xi32, #tpu.memory_space<vmem>> -> memref<1x1x128xi32, #tpu.memory_space<vmem>>
    %dma_wait3A_1069 = tpu.memref_squeeze %dma_wait3A_1068 : memref<1x1x128xi32, #tpu.memory_space<vmem>> -> memref<128xi32, #tpu.memory_space<vmem>>
    %dma_wait3A_1070 = arith.constant 0 : i32
    %dma_wait3A_1071 = tpu.memref_slice %arg8[%dma_wait3A_1070] : memref<1015808xf32, #tpu.memory_space<vmem_shared>> -> memref<1015808xf32, #tpu.memory_space<vmem_shared>>
    tpu.wait_indirect_dma semaphore(%arg9 : memref<!tpu.dma_semaphore, #tpu.memory_space<semaphore_mem>>) src(%dma_wait3A_1071 : memref<1015808xf32, #tpu.memory_space<vmem_shared>>) dst(%dma_wait3A_1066 : memref<128xf32, #tpu.memory_space<vmem>>)
    %dma_wait3A_1072 = arith.constant 1 : i32
    %dma_wait3A_1073 = arith.constant 1 : i32
    %dma_wait3A_1074 = arith.constant 1 : i32
    %dma_wait3A_1075 = arith.constant 1 : i32
    %dma_wait3A_1076 = arith.constant 384 : i32
    %dma_wait3A_1077 = tpu.memref_slice %arg6[%dma_wait3A_1074, %dma_wait3A_1075, %dma_wait3A_1076] : memref<2x2x512xf32, #tpu.memory_space<vmem>> -> memref<1x1x128xf32, #tpu.memory_space<vmem>>
    %dma_wait3A_1078 = tpu.memref_squeeze %dma_wait3A_1077 : memref<1x1x128xf32, #tpu.memory_space<vmem>> -> memref<128xf32, #tpu.memory_space<vmem>>
    %dma_wait3A_1079 = arith.constant 384 : i32
    %dma_wait3A_1080 = tpu.memref_slice %arg5[%dma_wait3A_1072, %dma_wait3A_1073, %dma_wait3A_1079] : memref<2x2x512xi32, #tpu.memory_space<vmem>> -> memref<1x1x128xi32, #tpu.memory_space<vmem>>
    %dma_wait3A_1081 = tpu.memref_squeeze %dma_wait3A_1080 : memref<1x1x128xi32, #tpu.memory_space<vmem>> -> memref<128xi32, #tpu.memory_space<vmem>>
    %dma_wait3A_1082 = arith.constant 0 : i32
    %dma_wait3A_1083 = tpu.memref_slice %arg8[%dma_wait3A_1082] : memref<1015808xf32, #tpu.memory_space<vmem_shared>> -> memref<1015808xf32, #tpu.memory_space<vmem_shared>>
    tpu.wait_indirect_dma semaphore(%arg9 : memref<!tpu.dma_semaphore, #tpu.memory_space<semaphore_mem>>) src(%dma_wait3A_1083 : memref<1015808xf32, #tpu.memory_space<vmem_shared>>) dst(%dma_wait3A_1078 : memref<128xf32, #tpu.memory_space<vmem>>)
    %get3A_1084 = arith.constant 0 : index
    %get3A_1085 = tpu.vector_load %arg7[%get3A_1084] {strides = array<i32>} : memref<512xf32, #tpu.memory_space<vmem>>, vector<16xf32>,
    %get3A_1086 = arith.constant 1 : i32
    %get3A_1087 = arith.constant 0 : i32
    %get3A_1088 = arith.index_cast %get3A_1086 : i32 to index
    %get3A_1089 = arith.index_cast %get3A_1087 : i32 to index
    %get3A_1090 = arith.constant 0 : index
    %get3A_1091 = tpu.vector_load %arg6[%get3A_1088, %get3A_1089, %get3A_1090] {strides = array<i32>} : memref<2x2x512xf32, #tpu.memory_space<vmem>>, vector<16xf32>,
    %add3A_1092 = arith.addf %get3A_1085, %get3A_1091 : vector<16xf32>
    %get3A_1093 = arith.constant 1 : i32
    %get3A_1094 = arith.constant 1 : i32
    %get3A_1095 = arith.index_cast %get3A_1093 : i32 to index
    %get3A_1096 = arith.index_cast %get3A_1094 : i32 to index
    %get3A_1097 = arith.constant 0 : index
    %get3A_1098 = tpu.vector_load %arg6[%get3A_1095, %get3A_1096, %get3A_1097] {strides = array<i32>} : memref<2x2x512xf32, #tpu.memory_space<vmem>>, vector<16xf32>,
    %add3A_1099 = arith.addf %add3A_1092, %get3A_1098 : vector<16xf32>
    %swap3A_1100 = arith.constant 0 : index
    %swap3A_1101 = tpu.vector_load %arg7[%swap3A_1100] {strides = array<i32>} : memref<512xf32, #tpu.memory_space<vmem>>, vector<16xf32>,
    tpu.vector_store %arg7[%swap3A_1100], %add3A_1099 {strides = array<i32>} : memref<512xf32, #tpu.memory_space<vmem>>, vector<16xf32>,
    %get3A_1102 = arith.constant 16 : index
    %get3A_1103 = tpu.vector_load %arg7[%get3A_1102] {strides = array<i32>} : memref<512xf32, #tpu.memory_space<vmem>>, vector<16xf32>,
    %get3A_1104 = arith.constant 1 : i32
    %get3A_1105 = arith.constant 0 : i32
    %get3A_1106 = arith.index_cast %get3A_1104 : i32 to index
    %get3A_1107 = arith.index_cast %get3A_1105 : i32 to index
    %get3A_1108 = arith.constant 16 : index
    %get3A_1109 = tpu.vector_load %arg6[%get3A_1106, %get3A_1107, %get3A_1108] {strides = array<i32>} : memref<2x2x512xf32, #tpu.memory_space<vmem>>, vector<16xf32>,
    %add3A_1110 = arith.addf %get3A_1103, %get3A_1109 : vector<16xf32>
    %get3A_1111 = arith.constant 1 : i32
    %get3A_1112 = arith.constant 1 : i32
    %get3A_1113 = arith.index_cast %get3A_1111 : i32 to index
    %get3A_1114 = arith.index_cast %get3A_1112 : i32 to index
    %get3A_1115 = arith.constant 16 : index
    %get3A_1116 = tpu.vector_load %arg6[%get3A_1113, %get3A_1114, %get3A_1115] {strides = array<i32>} : memref<2x2x512xf32, #tpu.memory_space<vmem>>, vector<16xf32>,
    %add3A_1117 = arith.addf %add3A_1110, %get3A_1116 : vector<16xf32>
    %swap3A_1118 = arith.constant 16 : index
    %swap3A_1119 = tpu.vector_load %arg7[%swap3A_1118] {strides = array<i32>} : memref<512xf32, #tpu.memory_space<vmem>>, vector<16xf32>,
    tpu.vector_store %arg7[%swap3A_1118], %add3A_1117 {strides = array<i32>} : memref<512xf32, #tpu.memory_space<vmem>>, vector<16xf32>,
    %get3A_1120 = arith.constant 32 : index
    %get3A_1121 = tpu.vector_load %arg7[%get3A_1120] {strides = array<i32>} : memref<512xf32, #tpu.memory_space<vmem>>, vector<16xf32>,
    %get3A_1122 = arith.constant 1 : i32
    %get3A_1123 = arith.constant 0 : i32
    %get3A_1124 = arith.index_cast %get3A_1122 : i32 to index
    %get3A_1125 = arith.index_cast %get3A_1123 : i32 to index
    %get3A_1126 = arith.constant 32 : index
    %get3A_1127 = tpu.vector_load %arg6[%get3A_1124, %get3A_1125, %get3A_1126] {strides = array<i32>} : memref<2x2x512xf32, #tpu.memory_space<vmem>>, vector<16xf32>,
    %add3A_1128 = arith.addf %get3A_1121, %get3A_1127 : vector<16xf32>
    %get3A_1129 = arith.constant 1 : i32
    %get3A_1130 = arith.constant 1 : i32
    %get3A_1131 = arith.index_cast %get3A_1129 : i32 to index
    %get3A_1132 = arith.index_cast %get3A_1130 : i32 to index
    %get3A_1133 = arith.constant 32 : index
    %get3A_1134 = tpu.vector_load %arg6[%get3A_1131, %get3A_1132, %get3A_1133] {strides = array<i32>} : memref<2x2x512xf32, #tpu.memory_space<vmem>>, vector<16xf32>,
    %add3A_1135 = arith.addf %add3A_1128, %get3A_1134 : vector<16xf32>
    %swap3A_1136 = arith.constant 32 : index
    %swap3A_1137 = tpu.vector_load %arg7[%swap3A_1136] {strides = array<i32>} : memref<512xf32, #tpu.memory_space<vmem>>, vector<16xf32>,
    tpu.vector_store %arg7[%swap3A_1136], %add3A_1135 {strides = array<i32>} : memref<512xf32, #tpu.memory_space<vmem>>, vector<16xf32>,
    %get3A_1138 = arith.constant 48 : index
    %get3A_1139 = tpu.vector_load %arg7[%get3A_1138] {strides = array<i32>} : memref<512xf32, #tpu.memory_space<vmem>>, vector<16xf32>,
    %get3A_1140 = arith.constant 1 : i32
    %get3A_1141 = arith.constant 0 : i32
    %get3A_1142 = arith.index_cast %get3A_1140 : i32 to index
    %get3A_1143 = arith.index_cast %get3A_1141 : i32 to index
    %get3A_1144 = arith.constant 48 : index
    %get3A_1145 = tpu.vector_load %arg6[%get3A_1142, %get3A_1143, %get3A_1144] {strides = array<i32>} : memref<2x2x512xf32, #tpu.memory_space<vmem>>, vector<16xf32>,
    %add3A_1146 = arith.addf %get3A_1139, %get3A_1145 : vector<16xf32>
    %get3A_1147 = arith.constant 1 : i32
    %get3A_1148 = arith.constant 1 : i32
    %get3A_1149 = arith.index_cast %get3A_1147 : i32 to index
    %get3A_1150 = arith.index_cast %get3A_1148 : i32 to index
    %get3A_1151 = arith.constant 48 : index
    %get3A_1152 = tpu.vector_load %arg6[%get3A_1149, %get3A_1150, %get3A_1151] {strides = array<i32>} : memref<2x2x512xf32, #tpu.memory_space<vmem>>, vector<16xf32>,
    %add3A_1153 = arith.addf %add3A_1146, %get3A_1152 : vector<16xf32>
    %swap3A_1154 = arith.constant 48 : index
    %swap3A_1155 = tpu.vector_load %arg7[%swap3A_1154] {strides = array<i32>} : memref<512xf32, #tpu.memory_space<vmem>>, vector<16xf32>,
    tpu.vector_store %arg7[%swap3A_1154], %add3A_1153 {strides = array<i32>} : memref<512xf32, #tpu.memory_space<vmem>>, vector<16xf32>,
    %get3A_1156 = arith.constant 64 : index
    %get3A_1157 = tpu.vector_load %arg7[%get3A_1156] {strides = array<i32>} : memref<512xf32, #tpu.memory_space<vmem>>, vector<16xf32>,
    %get3A_1158 = arith.constant 1 : i32
    %get3A_1159 = arith.constant 0 : i32
    %get3A_1160 = arith.index_cast %get3A_1158 : i32 to index
    %get3A_1161 = arith.index_cast %get3A_1159 : i32 to index
    %get3A_1162 = arith.constant 64 : index
    %get3A_1163 = tpu.vector_load %arg6[%get3A_1160, %get3A_1161, %get3A_1162] {strides = array<i32>} : memref<2x2x512xf32, #tpu.memory_space<vmem>>, vector<16xf32>,
    %add3A_1164 = arith.addf %get3A_1157, %get3A_1163 : vector<16xf32>
    %get3A_1165 = arith.constant 1 : i32
    %get3A_1166 = arith.constant 1 : i32
    %get3A_1167 = arith.index_cast %get3A_1165 : i32 to index
    %get3A_1168 = arith.index_cast %get3A_1166 : i32 to index
    %get3A_1169 = arith.constant 64 : index
    %get3A_1170 = tpu.vector_load %arg6[%get3A_1167, %get3A_1168, %get3A_1169] {strides = array<i32>} : memref<2x2x512xf32, #tpu.memory_space<vmem>>, vector<16xf32>,
    %add3A_1171 = arith.addf %add3A_1164, %get3A_1170 : vector<16xf32>
    %swap3A_1172 = arith.constant 64 : index
    %swap3A_1173 = tpu.vector_load %arg7[%swap3A_1172] {strides = array<i32>} : memref<512xf32, #tpu.memory_space<vmem>>, vector<16xf32>,
    tpu.vector_store %arg7[%swap3A_1172], %add3A_1171 {strides = array<i32>} : memref<512xf32, #tpu.memory_space<vmem>>, vector<16xf32>,
    %get3A_1174 = arith.constant 80 : index
    %get3A_1175 = tpu.vector_load %arg7[%get3A_1174] {strides = array<i32>} : memref<512xf32, #tpu.memory_space<vmem>>, vector<16xf32>,
    %get3A_1176 = arith.constant 1 : i32
    %get3A_1177 = arith.constant 0 : i32
    %get3A_1178 = arith.index_cast %get3A_1176 : i32 to index
    %get3A_1179 = arith.index_cast %get3A_1177 : i32 to index
    %get3A_1180 = arith.constant 80 : index
    %get3A_1181 = tpu.vector_load %arg6[%get3A_1178, %get3A_1179, %get3A_1180] {strides = array<i32>} : memref<2x2x512xf32, #tpu.memory_space<vmem>>, vector<16xf32>,
    %add3A_1182 = arith.addf %get3A_1175, %get3A_1181 : vector<16xf32>
    %get3A_1183 = arith.constant 1 : i32
    %get3A_1184 = arith.constant 1 : i32
    %get3A_1185 = arith.index_cast %get3A_1183 : i32 to index
    %get3A_1186 = arith.index_cast %get3A_1184 : i32 to index
    %get3A_1187 = arith.constant 80 : index
    %get3A_1188 = tpu.vector_load %arg6[%get3A_1185, %get3A_1186, %get3A_1187] {strides = array<i32>} : memref<2x2x512xf32, #tpu.memory_space<vmem>>, vector<16xf32>,
    %add3A_1189 = arith.addf %add3A_1182, %get3A_1188 : vector<16xf32>
    %swap3A_1190 = arith.constant 80 : index
    %swap3A_1191 = tpu.vector_load %arg7[%swap3A_1190] {strides = array<i32>} : memref<512xf32, #tpu.memory_space<vmem>>, vector<16xf32>,
    tpu.vector_store %arg7[%swap3A_1190], %add3A_1189 {strides = array<i32>} : memref<512xf32, #tpu.memory_space<vmem>>, vector<16xf32>,
    %get3A_1192 = arith.constant 96 : index
    %get3A_1193 = tpu.vector_load %arg7[%get3A_1192] {strides = array<i32>} : memref<512xf32, #tpu.memory_space<vmem>>, vector<16xf32>,
    %get3A_1194 = arith.constant 1 : i32
    %get3A_1195 = arith.constant 0 : i32
    %get3A_1196 = arith.index_cast %get3A_1194 : i32 to index
    %get3A_1197 = arith.index_cast %get3A_1195 : i32 to index
    %get3A_1198 = arith.constant 96 : index
    %get3A_1199 = tpu.vector_load %arg6[%get3A_1196, %get3A_1197, %get3A_1198] {strides = array<i32>} : memref<2x2x512xf32, #tpu.memory_space<vmem>>, vector<16xf32>,
    %add3A_1200 = arith.addf %get3A_1193, %get3A_1199 : vector<16xf32>
    %get3A_1201 = arith.constant 1 : i32
    %get3A_1202 = arith.constant 1 : i32
    %get3A_1203 = arith.index_cast %get3A_1201 : i32 to index
    %get3A_1204 = arith.index_cast %get3A_1202 : i32 to index
    %get3A_1205 = arith.constant 96 : index
    %get3A_1206 = tpu.vector_load %arg6[%get3A_1203, %get3A_1204, %get3A_1205] {strides = array<i32>} : memref<2x2x512xf32, #tpu.memory_space<vmem>>, vector<16xf32>,
    %add3A_1207 = arith.addf %add3A_1200, %get3A_1206 : vector<16xf32>
    %swap3A_1208 = arith.constant 96 : index
    %swap3A_1209 = tpu.vector_load %arg7[%swap3A_1208] {strides = array<i32>} : memref<512xf32, #tpu.memory_space<vmem>>, vector<16xf32>,
    tpu.vector_store %arg7[%swap3A_1208], %add3A_1207 {strides = array<i32>} : memref<512xf32, #tpu.memory_space<vmem>>, vector<16xf32>,
    %get3A_1210 = arith.constant 112 : index
    %get3A_1211 = tpu.vector_load %arg7[%get3A_1210] {strides = array<i32>} : memref<512xf32, #tpu.memory_space<vmem>>, vector<16xf32>,
    %get3A_1212 = arith.constant 1 : i32
    %get3A_1213 = arith.constant 0 : i32
    %get3A_1214 = arith.index_cast %get3A_1212 : i32 to index
    %get3A_1215 = arith.index_cast %get3A_1213 : i32 to index
    %get3A_1216 = arith.constant 112 : index
    %get3A_1217 = tpu.vector_load %arg6[%get3A_1214, %get3A_1215, %get3A_1216] {strides = array<i32>} : memref<2x2x512xf32, #tpu.memory_space<vmem>>, vector<16xf32>,
    %add3A_1218 = arith.addf %get3A_1211, %get3A_1217 : vector<16xf32>
    %get3A_1219 = arith.constant 1 : i32
    %get3A_1220 = arith.constant 1 : i32
    %get3A_1221 = arith.index_cast %get3A_1219 : i32 to index
    %get3A_1222 = arith.index_cast %get3A_1220 : i32 to index
    %get3A_1223 = arith.constant 112 : index
    %get3A_1224 = tpu.vector_load %arg6[%get3A_1221, %get3A_1222, %get3A_1223] {strides = array<i32>} : memref<2x2x512xf32, #tpu.memory_space<vmem>>, vector<16xf32>,
    %add3A_1225 = arith.addf %add3A_1218, %get3A_1224 : vector<16xf32>
    %swap3A_1226 = arith.constant 112 : index
    %swap3A_1227 = tpu.vector_load %arg7[%swap3A_1226] {strides = array<i32>} : memref<512xf32, #tpu.memory_space<vmem>>, vector<16xf32>,
    tpu.vector_store %arg7[%swap3A_1226], %add3A_1225 {strides = array<i32>} : memref<512xf32, #tpu.memory_space<vmem>>, vector<16xf32>,
    %get3A_1228 = arith.constant 128 : index
    %get3A_1229 = tpu.vector_load %arg7[%get3A_1228] {strides = array<i32>} : memref<512xf32, #tpu.memory_space<vmem>>, vector<16xf32>,
    %get3A_1230 = arith.constant 1 : i32
    %get3A_1231 = arith.constant 0 : i32
    %get3A_1232 = arith.index_cast %get3A_1230 : i32 to index
    %get3A_1233 = arith.index_cast %get3A_1231 : i32 to index
    %get3A_1234 = arith.constant 128 : index
    %get3A_1235 = tpu.vector_load %arg6[%get3A_1232, %get3A_1233, %get3A_1234] {strides = array<i32>} : memref<2x2x512xf32, #tpu.memory_space<vmem>>, vector<16xf32>,
    %add3A_1236 = arith.addf %get3A_1229, %get3A_1235 : vector<16xf32>
    %get3A_1237 = arith.constant 1 : i32
    %get3A_1238 = arith.constant 1 : i32
    %get3A_1239 = arith.index_cast %get3A_1237 : i32 to index
    %get3A_1240 = arith.index_cast %get3A_1238 : i32 to index
    %get3A_1241 = arith.constant 128 : index
    %get3A_1242 = tpu.vector_load %arg6[%get3A_1239, %get3A_1240, %get3A_1241] {strides = array<i32>} : memref<2x2x512xf32, #tpu.memory_space<vmem>>, vector<16xf32>,
    %add3A_1243 = arith.addf %add3A_1236, %get3A_1242 : vector<16xf32>
    %swap3A_1244 = arith.constant 128 : index
    %swap3A_1245 = tpu.vector_load %arg7[%swap3A_1244] {strides = array<i32>} : memref<512xf32, #tpu.memory_space<vmem>>, vector<16xf32>,
    tpu.vector_store %arg7[%swap3A_1244], %add3A_1243 {strides = array<i32>} : memref<512xf32, #tpu.memory_space<vmem>>, vector<16xf32>,
    %get3A_1246 = arith.constant 144 : index
    %get3A_1247 = tpu.vector_load %arg7[%get3A_1246] {strides = array<i32>} : memref<512xf32, #tpu.memory_space<vmem>>, vector<16xf32>,
    %get3A_1248 = arith.constant 1 : i32
    %get3A_1249 = arith.constant 0 : i32
    %get3A_1250 = arith.index_cast %get3A_1248 : i32 to index
    %get3A_1251 = arith.index_cast %get3A_1249 : i32 to index
    %get3A_1252 = arith.constant 144 : index
    %get3A_1253 = tpu.vector_load %arg6[%get3A_1250, %get3A_1251, %get3A_1252] {strides = array<i32>} : memref<2x2x512xf32, #tpu.memory_space<vmem>>, vector<16xf32>,
    %add3A_1254 = arith.addf %get3A_1247, %get3A_1253 : vector<16xf32>
    %get3A_1255 = arith.constant 1 : i32
    %get3A_1256 = arith.constant 1 : i32
    %get3A_1257 = arith.index_cast %get3A_1255 : i32 to index
    %get3A_1258 = arith.index_cast %get3A_1256 : i32 to index
    %get3A_1259 = arith.constant 144 : index
    %get3A_1260 = tpu.vector_load %arg6[%get3A_1257, %get3A_1258, %get3A_1259] {strides = array<i32>} : memref<2x2x512xf32, #tpu.memory_space<vmem>>, vector<16xf32>,
    %add3A_1261 = arith.addf %add3A_1254, %get3A_1260 : vector<16xf32>
    %swap3A_1262 = arith.constant 144 : index
    %swap3A_1263 = tpu.vector_load %arg7[%swap3A_1262] {strides = array<i32>} : memref<512xf32, #tpu.memory_space<vmem>>, vector<16xf32>,
    tpu.vector_store %arg7[%swap3A_1262], %add3A_1261 {strides = array<i32>} : memref<512xf32, #tpu.memory_space<vmem>>, vector<16xf32>,
    %get3A_1264 = arith.constant 160 : index
    %get3A_1265 = tpu.vector_load %arg7[%get3A_1264] {strides = array<i32>} : memref<512xf32, #tpu.memory_space<vmem>>, vector<16xf32>,
    %get3A_1266 = arith.constant 1 : i32
    %get3A_1267 = arith.constant 0 : i32
    %get3A_1268 = arith.index_cast %get3A_1266 : i32 to index
    %get3A_1269 = arith.index_cast %get3A_1267 : i32 to index
    %get3A_1270 = arith.constant 160 : index
    %get3A_1271 = tpu.vector_load %arg6[%get3A_1268, %get3A_1269, %get3A_1270] {strides = array<i32>} : memref<2x2x512xf32, #tpu.memory_space<vmem>>, vector<16xf32>,
    %add3A_1272 = arith.addf %get3A_1265, %get3A_1271 : vector<16xf32>
    %get3A_1273 = arith.constant 1 : i32
    %get3A_1274 = arith.constant 1 : i32
    %get3A_1275 = arith.index_cast %get3A_1273 : i32 to index
    %get3A_1276 = arith.index_cast %get3A_1274 : i32 to index
    %get3A_1277 = arith.constant 160 : index
    %get3A_1278 = tpu.vector_load %arg6[%get3A_1275, %get3A_1276, %get3A_1277] {strides = array<i32>} : memref<2x2x512xf32, #tpu.memory_space<vmem>>, vector<16xf32>,
    %add3A_1279 = arith.addf %add3A_1272, %get3A_1278 : vector<16xf32>
    %swap3A_1280 = arith.constant 160 : index
    %swap3A_1281 = tpu.vector_load %arg7[%swap3A_1280] {strides = array<i32>} : memref<512xf32, #tpu.memory_space<vmem>>, vector<16xf32>,
    tpu.vector_store %arg7[%swap3A_1280], %add3A_1279 {strides = array<i32>} : memref<512xf32, #tpu.memory_space<vmem>>, vector<16xf32>,
    %get3A_1282 = arith.constant 176 : index
    %get3A_1283 = tpu.vector_load %arg7[%get3A_1282] {strides = array<i32>} : memref<512xf32, #tpu.memory_space<vmem>>, vector<16xf32>,
    %get3A_1284 = arith.constant 1 : i32
    %get3A_1285 = arith.constant 0 : i32
    %get3A_1286 = arith.index_cast %get3A_1284 : i32 to index
    %get3A_1287 = arith.index_cast %get3A_1285 : i32 to index
    %get3A_1288 = arith.constant 176 : index
    %get3A_1289 = tpu.vector_load %arg6[%get3A_1286, %get3A_1287, %get3A_1288] {strides = array<i32>} : memref<2x2x512xf32, #tpu.memory_space<vmem>>, vector<16xf32>,
    %add3A_1290 = arith.addf %get3A_1283, %get3A_1289 : vector<16xf32>
    %get3A_1291 = arith.constant 1 : i32
    %get3A_1292 = arith.constant 1 : i32
    %get3A_1293 = arith.index_cast %get3A_1291 : i32 to index
    %get3A_1294 = arith.index_cast %get3A_1292 : i32 to index
    %get3A_1295 = arith.constant 176 : index
    %get3A_1296 = tpu.vector_load %arg6[%get3A_1293, %get3A_1294, %get3A_1295] {strides = array<i32>} : memref<2x2x512xf32, #tpu.memory_space<vmem>>, vector<16xf32>,
    %add3A_1297 = arith.addf %add3A_1290, %get3A_1296 : vector<16xf32>
    %swap3A_1298 = arith.constant 176 : index
    %swap3A_1299 = tpu.vector_load %arg7[%swap3A_1298] {strides = array<i32>} : memref<512xf32, #tpu.memory_space<vmem>>, vector<16xf32>,
    tpu.vector_store %arg7[%swap3A_1298], %add3A_1297 {strides = array<i32>} : memref<512xf32, #tpu.memory_space<vmem>>, vector<16xf32>,
    %get3A_1300 = arith.constant 192 : index
    %get3A_1301 = tpu.vector_load %arg7[%get3A_1300] {strides = array<i32>} : memref<512xf32, #tpu.memory_space<vmem>>, vector<16xf32>,
    %get3A_1302 = arith.constant 1 : i32
    %get3A_1303 = arith.constant 0 : i32
    %get3A_1304 = arith.index_cast %get3A_1302 : i32 to index
    %get3A_1305 = arith.index_cast %get3A_1303 : i32 to index
    %get3A_1306 = arith.constant 192 : index
    %get3A_1307 = tpu.vector_load %arg6[%get3A_1304, %get3A_1305, %get3A_1306] {strides = array<i32>} : memref<2x2x512xf32, #tpu.memory_space<vmem>>, vector<16xf32>,
    %add3A_1308 = arith.addf %get3A_1301, %get3A_1307 : vector<16xf32>
    %get3A_1309 = arith.constant 1 : i32
    %get3A_1310 = arith.constant 1 : i32
    %get3A_1311 = arith.index_cast %get3A_1309 : i32 to index
    %get3A_1312 = arith.index_cast %get3A_1310 : i32 to index
    %get3A_1313 = arith.constant 192 : index
    %get3A_1314 = tpu.vector_load %arg6[%get3A_1311, %get3A_1312, %get3A_1313] {strides = array<i32>} : memref<2x2x512xf32, #tpu.memory_space<vmem>>, vector<16xf32>,
    %add3A_1315 = arith.addf %add3A_1308, %get3A_1314 : vector<16xf32>
    %swap3A_1316 = arith.constant 192 : index
    %swap3A_1317 = tpu.vector_load %arg7[%swap3A_1316] {strides = array<i32>} : memref<512xf32, #tpu.memory_space<vmem>>, vector<16xf32>,
    tpu.vector_store %arg7[%swap3A_1316], %add3A_1315 {strides = array<i32>} : memref<512xf32, #tpu.memory_space<vmem>>, vector<16xf32>,
    %get3A_1318 = arith.constant 208 : index
    %get3A_1319 = tpu.vector_load %arg7[%get3A_1318] {strides = array<i32>} : memref<512xf32, #tpu.memory_space<vmem>>, vector<16xf32>,
    %get3A_1320 = arith.constant 1 : i32
    %get3A_1321 = arith.constant 0 : i32
    %get3A_1322 = arith.index_cast %get3A_1320 : i32 to index
    %get3A_1323 = arith.index_cast %get3A_1321 : i32 to index
    %get3A_1324 = arith.constant 208 : index
    %get3A_1325 = tpu.vector_load %arg6[%get3A_1322, %get3A_1323, %get3A_1324] {strides = array<i32>} : memref<2x2x512xf32, #tpu.memory_space<vmem>>, vector<16xf32>,
    %add3A_1326 = arith.addf %get3A_1319, %get3A_1325 : vector<16xf32>
    %get3A_1327 = arith.constant 1 : i32
    %get3A_1328 = arith.constant 1 : i32
    %get3A_1329 = arith.index_cast %get3A_1327 : i32 to index
    %get3A_1330 = arith.index_cast %get3A_1328 : i32 to index
    %get3A_1331 = arith.constant 208 : index
    %get3A_1332 = tpu.vector_load %arg6[%get3A_1329, %get3A_1330, %get3A_1331] {strides = array<i32>} : memref<2x2x512xf32, #tpu.memory_space<vmem>>, vector<16xf32>,
    %add3A_1333 = arith.addf %add3A_1326, %get3A_1332 : vector<16xf32>
    %swap3A_1334 = arith.constant 208 : index
    %swap3A_1335 = tpu.vector_load %arg7[%swap3A_1334] {strides = array<i32>} : memref<512xf32, #tpu.memory_space<vmem>>, vector<16xf32>,
    tpu.vector_store %arg7[%swap3A_1334], %add3A_1333 {strides = array<i32>} : memref<512xf32, #tpu.memory_space<vmem>>, vector<16xf32>,
    %get3A_1336 = arith.constant 224 : index
    %get3A_1337 = tpu.vector_load %arg7[%get3A_1336] {strides = array<i32>} : memref<512xf32, #tpu.memory_space<vmem>>, vector<16xf32>,
    %get3A_1338 = arith.constant 1 : i32
    %get3A_1339 = arith.constant 0 : i32
    %get3A_1340 = arith.index_cast %get3A_1338 : i32 to index
    %get3A_1341 = arith.index_cast %get3A_1339 : i32 to index
    %get3A_1342 = arith.constant 224 : index
    %get3A_1343 = tpu.vector_load %arg6[%get3A_1340, %get3A_1341, %get3A_1342] {strides = array<i32>} : memref<2x2x512xf32, #tpu.memory_space<vmem>>, vector<16xf32>,
    %add3A_1344 = arith.addf %get3A_1337, %get3A_1343 : vector<16xf32>
    %get3A_1345 = arith.constant 1 : i32
    %get3A_1346 = arith.constant 1 : i32
    %get3A_1347 = arith.index_cast %get3A_1345 : i32 to index
    %get3A_1348 = arith.index_cast %get3A_1346 : i32 to index
    %get3A_1349 = arith.constant 224 : index
    %get3A_1350 = tpu.vector_load %arg6[%get3A_1347, %get3A_1348, %get3A_1349] {strides = array<i32>} : memref<2x2x512xf32, #tpu.memory_space<vmem>>, vector<16xf32>,
    %add3A_1351 = arith.addf %add3A_1344, %get3A_1350 : vector<16xf32>
    %swap3A_1352 = arith.constant 224 : index
    %swap3A_1353 = tpu.vector_load %arg7[%swap3A_1352] {strides = array<i32>} : memref<512xf32, #tpu.memory_space<vmem>>, vector<16xf32>,
    tpu.vector_store %arg7[%swap3A_1352], %add3A_1351 {strides = array<i32>} : memref<512xf32, #tpu.memory_space<vmem>>, vector<16xf32>,
    %get3A_1354 = arith.constant 240 : index
    %get3A_1355 = tpu.vector_load %arg7[%get3A_1354] {strides = array<i32>} : memref<512xf32, #tpu.memory_space<vmem>>, vector<16xf32>,
    %get3A_1356 = arith.constant 1 : i32
    %get3A_1357 = arith.constant 0 : i32
    %get3A_1358 = arith.index_cast %get3A_1356 : i32 to index
    %get3A_1359 = arith.index_cast %get3A_1357 : i32 to index
    %get3A_1360 = arith.constant 240 : index
    %get3A_1361 = tpu.vector_load %arg6[%get3A_1358, %get3A_1359, %get3A_1360] {strides = array<i32>} : memref<2x2x512xf32, #tpu.memory_space<vmem>>, vector<16xf32>,
    %add3A_1362 = arith.addf %get3A_1355, %get3A_1361 : vector<16xf32>
    %get3A_1363 = arith.constant 1 : i32
    %get3A_1364 = arith.constant 1 : i32
    %get3A_1365 = arith.index_cast %get3A_1363 : i32 to index
    %get3A_1366 = arith.index_cast %get3A_1364 : i32 to index
    %get3A_1367 = arith.constant 240 : index
    %get3A_1368 = tpu.vector_load %arg6[%get3A_1365, %get3A_1366, %get3A_1367] {strides = array<i32>} : memref<2x2x512xf32, #tpu.memory_space<vmem>>, vector<16xf32>,
    %add3A_1369 = arith.addf %add3A_1362, %get3A_1368 : vector<16xf32>
    %swap3A_1370 = arith.constant 240 : index
    %swap3A_1371 = tpu.vector_load %arg7[%swap3A_1370] {strides = array<i32>} : memref<512xf32, #tpu.memory_space<vmem>>, vector<16xf32>,
    tpu.vector_store %arg7[%swap3A_1370], %add3A_1369 {strides = array<i32>} : memref<512xf32, #tpu.memory_space<vmem>>, vector<16xf32>,
    %get3A_1372 = arith.constant 256 : index
    %get3A_1373 = tpu.vector_load %arg7[%get3A_1372] {strides = array<i32>} : memref<512xf32, #tpu.memory_space<vmem>>, vector<16xf32>,
    %get3A_1374 = arith.constant 1 : i32
    %get3A_1375 = arith.constant 0 : i32
    %get3A_1376 = arith.index_cast %get3A_1374 : i32 to index
    %get3A_1377 = arith.index_cast %get3A_1375 : i32 to index
    %get3A_1378 = arith.constant 256 : index
    %get3A_1379 = tpu.vector_load %arg6[%get3A_1376, %get3A_1377, %get3A_1378] {strides = array<i32>} : memref<2x2x512xf32, #tpu.memory_space<vmem>>, vector<16xf32>,
    %add3A_1380 = arith.addf %get3A_1373, %get3A_1379 : vector<16xf32>
    %get3A_1381 = arith.constant 1 : i32
    %get3A_1382 = arith.constant 1 : i32
    %get3A_1383 = arith.index_cast %get3A_1381 : i32 to index
    %get3A_1384 = arith.index_cast %get3A_1382 : i32 to index
    %get3A_1385 = arith.constant 256 : index
    %get3A_1386 = tpu.vector_load %arg6[%get3A_1383, %get3A_1384, %get3A_1385] {strides = array<i32>} : memref<2x2x512xf32, #tpu.memory_space<vmem>>, vector<16xf32>,
    %add3A_1387 = arith.addf %add3A_1380, %get3A_1386 : vector<16xf32>
    %swap3A_1388 = arith.constant 256 : index
    %swap3A_1389 = tpu.vector_load %arg7[%swap3A_1388] {strides = array<i32>} : memref<512xf32, #tpu.memory_space<vmem>>, vector<16xf32>,
    tpu.vector_store %arg7[%swap3A_1388], %add3A_1387 {strides = array<i32>} : memref<512xf32, #tpu.memory_space<vmem>>, vector<16xf32>,
    %get3A_1390 = arith.constant 272 : index
    %get3A_1391 = tpu.vector_load %arg7[%get3A_1390] {strides = array<i32>} : memref<512xf32, #tpu.memory_space<vmem>>, vector<16xf32>,
    %get3A_1392 = arith.constant 1 : i32
    %get3A_1393 = arith.constant 0 : i32
    %get3A_1394 = arith.index_cast %get3A_1392 : i32 to index
    %get3A_1395 = arith.index_cast %get3A_1393 : i32 to index
    %get3A_1396 = arith.constant 272 : index
    %get3A_1397 = tpu.vector_load %arg6[%get3A_1394, %get3A_1395, %get3A_1396] {strides = array<i32>} : memref<2x2x512xf32, #tpu.memory_space<vmem>>, vector<16xf32>,
    %add3A_1398 = arith.addf %get3A_1391, %get3A_1397 : vector<16xf32>
    %get3A_1399 = arith.constant 1 : i32
    %get3A_1400 = arith.constant 1 : i32
    %get3A_1401 = arith.index_cast %get3A_1399 : i32 to index
    %get3A_1402 = arith.index_cast %get3A_1400 : i32 to index
    %get3A_1403 = arith.constant 272 : index
    %get3A_1404 = tpu.vector_load %arg6[%get3A_1401, %get3A_1402, %get3A_1403] {strides = array<i32>} : memref<2x2x512xf32, #tpu.memory_space<vmem>>, vector<16xf32>,
    %add3A_1405 = arith.addf %add3A_1398, %get3A_1404 : vector<16xf32>
    %swap3A_1406 = arith.constant 272 : index
    %swap3A_1407 = tpu.vector_load %arg7[%swap3A_1406] {strides = array<i32>} : memref<512xf32, #tpu.memory_space<vmem>>, vector<16xf32>,
    tpu.vector_store %arg7[%swap3A_1406], %add3A_1405 {strides = array<i32>} : memref<512xf32, #tpu.memory_space<vmem>>, vector<16xf32>,
    %get3A_1408 = arith.constant 288 : index
    %get3A_1409 = tpu.vector_load %arg7[%get3A_1408] {strides = array<i32>} : memref<512xf32, #tpu.memory_space<vmem>>, vector<16xf32>,
    %get3A_1410 = arith.constant 1 : i32
    %get3A_1411 = arith.constant 0 : i32
    %get3A_1412 = arith.index_cast %get3A_1410 : i32 to index
    %get3A_1413 = arith.index_cast %get3A_1411 : i32 to index
    %get3A_1414 = arith.constant 288 : index
    %get3A_1415 = tpu.vector_load %arg6[%get3A_1412, %get3A_1413, %get3A_1414] {strides = array<i32>} : memref<2x2x512xf32, #tpu.memory_space<vmem>>, vector<16xf32>,
    %add3A_1416 = arith.addf %get3A_1409, %get3A_1415 : vector<16xf32>
    %get3A_1417 = arith.constant 1 : i32
    %get3A_1418 = arith.constant 1 : i32
    %get3A_1419 = arith.index_cast %get3A_1417 : i32 to index
    %get3A_1420 = arith.index_cast %get3A_1418 : i32 to index
    %get3A_1421 = arith.constant 288 : index
    %get3A_1422 = tpu.vector_load %arg6[%get3A_1419, %get3A_1420, %get3A_1421] {strides = array<i32>} : memref<2x2x512xf32, #tpu.memory_space<vmem>>, vector<16xf32>,
    %add3A_1423 = arith.addf %add3A_1416, %get3A_1422 : vector<16xf32>
    %swap3A_1424 = arith.constant 288 : index
    %swap3A_1425 = tpu.vector_load %arg7[%swap3A_1424] {strides = array<i32>} : memref<512xf32, #tpu.memory_space<vmem>>, vector<16xf32>,
    tpu.vector_store %arg7[%swap3A_1424], %add3A_1423 {strides = array<i32>} : memref<512xf32, #tpu.memory_space<vmem>>, vector<16xf32>,
    %get3A_1426 = arith.constant 304 : index
    %get3A_1427 = tpu.vector_load %arg7[%get3A_1426] {strides = array<i32>} : memref<512xf32, #tpu.memory_space<vmem>>, vector<16xf32>,
    %get3A_1428 = arith.constant 1 : i32
    %get3A_1429 = arith.constant 0 : i32
    %get3A_1430 = arith.index_cast %get3A_1428 : i32 to index
    %get3A_1431 = arith.index_cast %get3A_1429 : i32 to index
    %get3A_1432 = arith.constant 304 : index
    %get3A_1433 = tpu.vector_load %arg6[%get3A_1430, %get3A_1431, %get3A_1432] {strides = array<i32>} : memref<2x2x512xf32, #tpu.memory_space<vmem>>, vector<16xf32>,
    %add3A_1434 = arith.addf %get3A_1427, %get3A_1433 : vector<16xf32>
    %get3A_1435 = arith.constant 1 : i32
    %get3A_1436 = arith.constant 1 : i32
    %get3A_1437 = arith.index_cast %get3A_1435 : i32 to index
    %get3A_1438 = arith.index_cast %get3A_1436 : i32 to index
    %get3A_1439 = arith.constant 304 : index
    %get3A_1440 = tpu.vector_load %arg6[%get3A_1437, %get3A_1438, %get3A_1439] {strides = array<i32>} : memref<2x2x512xf32, #tpu.memory_space<vmem>>, vector<16xf32>,
    %add3A_1441 = arith.addf %add3A_1434, %get3A_1440 : vector<16xf32>
    %swap3A_1442 = arith.constant 304 : index
    %swap3A_1443 = tpu.vector_load %arg7[%swap3A_1442] {strides = array<i32>} : memref<512xf32, #tpu.memory_space<vmem>>, vector<16xf32>,
    tpu.vector_store %arg7[%swap3A_1442], %add3A_1441 {strides = array<i32>} : memref<512xf32, #tpu.memory_space<vmem>>, vector<16xf32>,
    %get3A_1444 = arith.constant 320 : index
    %get3A_1445 = tpu.vector_load %arg7[%get3A_1444] {strides = array<i32>} : memref<512xf32, #tpu.memory_space<vmem>>, vector<16xf32>,
    %get3A_1446 = arith.constant 1 : i32
    %get3A_1447 = arith.constant 0 : i32
    %get3A_1448 = arith.index_cast %get3A_1446 : i32 to index
    %get3A_1449 = arith.index_cast %get3A_1447 : i32 to index
    %get3A_1450 = arith.constant 320 : index
    %get3A_1451 = tpu.vector_load %arg6[%get3A_1448, %get3A_1449, %get3A_1450] {strides = array<i32>} : memref<2x2x512xf32, #tpu.memory_space<vmem>>, vector<16xf32>,
    %add3A_1452 = arith.addf %get3A_1445, %get3A_1451 : vector<16xf32>
    %get3A_1453 = arith.constant 1 : i32
    %get3A_1454 = arith.constant 1 : i32
    %get3A_1455 = arith.index_cast %get3A_1453 : i32 to index
    %get3A_1456 = arith.index_cast %get3A_1454 : i32 to index
    %get3A_1457 = arith.constant 320 : index
    %get3A_1458 = tpu.vector_load %arg6[%get3A_1455, %get3A_1456, %get3A_1457] {strides = array<i32>} : memref<2x2x512xf32, #tpu.memory_space<vmem>>, vector<16xf32>,
    %add3A_1459 = arith.addf %add3A_1452, %get3A_1458 : vector<16xf32>
    %swap3A_1460 = arith.constant 320 : index
    %swap3A_1461 = tpu.vector_load %arg7[%swap3A_1460] {strides = array<i32>} : memref<512xf32, #tpu.memory_space<vmem>>, vector<16xf32>,
    tpu.vector_store %arg7[%swap3A_1460], %add3A_1459 {strides = array<i32>} : memref<512xf32, #tpu.memory_space<vmem>>, vector<16xf32>,
    %get3A_1462 = arith.constant 336 : index
    %get3A_1463 = tpu.vector_load %arg7[%get3A_1462] {strides = array<i32>} : memref<512xf32, #tpu.memory_space<vmem>>, vector<16xf32>,
    %get3A_1464 = arith.constant 1 : i32
    %get3A_1465 = arith.constant 0 : i32
    %get3A_1466 = arith.index_cast %get3A_1464 : i32 to index
    %get3A_1467 = arith.index_cast %get3A_1465 : i32 to index
    %get3A_1468 = arith.constant 336 : index
    %get3A_1469 = tpu.vector_load %arg6[%get3A_1466, %get3A_1467, %get3A_1468] {strides = array<i32>} : memref<2x2x512xf32, #tpu.memory_space<vmem>>, vector<16xf32>,
    %add3A_1470 = arith.addf %get3A_1463, %get3A_1469 : vector<16xf32>
    %get3A_1471 = arith.constant 1 : i32
    %get3A_1472 = arith.constant 1 : i32
    %get3A_1473 = arith.index_cast %get3A_1471 : i32 to index
    %get3A_1474 = arith.index_cast %get3A_1472 : i32 to index
    %get3A_1475 = arith.constant 336 : index
    %get3A_1476 = tpu.vector_load %arg6[%get3A_1473, %get3A_1474, %get3A_1475] {strides = array<i32>} : memref<2x2x512xf32, #tpu.memory_space<vmem>>, vector<16xf32>,
    %add3A_1477 = arith.addf %add3A_1470, %get3A_1476 : vector<16xf32>
    %swap3A_1478 = arith.constant 336 : index
    %swap3A_1479 = tpu.vector_load %arg7[%swap3A_1478] {strides = array<i32>} : memref<512xf32, #tpu.memory_space<vmem>>, vector<16xf32>,
    tpu.vector_store %arg7[%swap3A_1478], %add3A_1477 {strides = array<i32>} : memref<512xf32, #tpu.memory_space<vmem>>, vector<16xf32>,
    %get3A_1480 = arith.constant 352 : index
    %get3A_1481 = tpu.vector_load %arg7[%get3A_1480] {strides = array<i32>} : memref<512xf32, #tpu.memory_space<vmem>>, vector<16xf32>,
    %get3A_1482 = arith.constant 1 : i32
    %get3A_1483 = arith.constant 0 : i32
    %get3A_1484 = arith.index_cast %get3A_1482 : i32 to index
    %get3A_1485 = arith.index_cast %get3A_1483 : i32 to index
    %get3A_1486 = arith.constant 352 : index
    %get3A_1487 = tpu.vector_load %arg6[%get3A_1484, %get3A_1485, %get3A_1486] {strides = array<i32>} : memref<2x2x512xf32, #tpu.memory_space<vmem>>, vector<16xf32>,
    %add3A_1488 = arith.addf %get3A_1481, %get3A_1487 : vector<16xf32>
    %get3A_1489 = arith.constant 1 : i32
    %get3A_1490 = arith.constant 1 : i32
    %get3A_1491 = arith.index_cast %get3A_1489 : i32 to index
    %get3A_1492 = arith.index_cast %get3A_1490 : i32 to index
    %get3A_1493 = arith.constant 352 : index
    %get3A_1494 = tpu.vector_load %arg6[%get3A_1491, %get3A_1492, %get3A_1493] {strides = array<i32>} : memref<2x2x512xf32, #tpu.memory_space<vmem>>, vector<16xf32>,
    %add3A_1495 = arith.addf %add3A_1488, %get3A_1494 : vector<16xf32>
    %swap3A_1496 = arith.constant 352 : index
    %swap3A_1497 = tpu.vector_load %arg7[%swap3A_1496] {strides = array<i32>} : memref<512xf32, #tpu.memory_space<vmem>>, vector<16xf32>,
    tpu.vector_store %arg7[%swap3A_1496], %add3A_1495 {strides = array<i32>} : memref<512xf32, #tpu.memory_space<vmem>>, vector<16xf32>,
    %get3A_1498 = arith.constant 368 : index
    %get3A_1499 = tpu.vector_load %arg7[%get3A_1498] {strides = array<i32>} : memref<512xf32, #tpu.memory_space<vmem>>, vector<16xf32>,
    %get3A_1500 = arith.constant 1 : i32
    %get3A_1501 = arith.constant 0 : i32
    %get3A_1502 = arith.index_cast %get3A_1500 : i32 to index
    %get3A_1503 = arith.index_cast %get3A_1501 : i32 to index
    %get3A_1504 = arith.constant 368 : index
    %get3A_1505 = tpu.vector_load %arg6[%get3A_1502, %get3A_1503, %get3A_1504] {strides = array<i32>} : memref<2x2x512xf32, #tpu.memory_space<vmem>>, vector<16xf32>,
    %add3A_1506 = arith.addf %get3A_1499, %get3A_1505 : vector<16xf32>
    %get3A_1507 = arith.constant 1 : i32
    %get3A_1508 = arith.constant 1 : i32
    %get3A_1509 = arith.index_cast %get3A_1507 : i32 to index
    %get3A_1510 = arith.index_cast %get3A_1508 : i32 to index
    %get3A_1511 = arith.constant 368 : index
    %get3A_1512 = tpu.vector_load %arg6[%get3A_1509, %get3A_1510, %get3A_1511] {strides = array<i32>} : memref<2x2x512xf32, #tpu.memory_space<vmem>>, vector<16xf32>,
    %add3A_1513 = arith.addf %add3A_1506, %get3A_1512 : vector<16xf32>
    %swap3A_1514 = arith.constant 368 : index
    %swap3A_1515 = tpu.vector_load %arg7[%swap3A_1514] {strides = array<i32>} : memref<512xf32, #tpu.memory_space<vmem>>, vector<16xf32>,
    tpu.vector_store %arg7[%swap3A_1514], %add3A_1513 {strides = array<i32>} : memref<512xf32, #tpu.memory_space<vmem>>, vector<16xf32>,
    %get3A_1516 = arith.constant 384 : index
    %get3A_1517 = tpu.vector_load %arg7[%get3A_1516] {strides = array<i32>} : memref<512xf32, #tpu.memory_space<vmem>>, vector<16xf32>,
    %get3A_1518 = arith.constant 1 : i32
    %get3A_1519 = arith.constant 0 : i32
    %get3A_1520 = arith.index_cast %get3A_1518 : i32 to index
    %get3A_1521 = arith.index_cast %get3A_1519 : i32 to index
    %get3A_1522 = arith.constant 384 : index
    %get3A_1523 = tpu.vector_load %arg6[%get3A_1520, %get3A_1521, %get3A_1522] {strides = array<i32>} : memref<2x2x512xf32, #tpu.memory_space<vmem>>, vector<16xf32>,
    %add3A_1524 = arith.addf %get3A_1517, %get3A_1523 : vector<16xf32>
    %get3A_1525 = arith.constant 1 : i32
    %get3A_1526 = arith.constant 1 : i32
    %get3A_1527 = arith.index_cast %get3A_1525 : i32 to index
    %get3A_1528 = arith.index_cast %get3A_1526 : i32 to index
    %get3A_1529 = arith.constant 384 : index
    %get3A_1530 = tpu.vector_load %arg6[%get3A_1527, %get3A_1528, %get3A_1529] {strides = array<i32>} : memref<2x2x512xf32, #tpu.memory_space<vmem>>, vector<16xf32>,
    %add3A_1531 = arith.addf %add3A_1524, %get3A_1530 : vector<16xf32>
    %swap3A_1532 = arith.constant 384 : index
    %swap3A_1533 = tpu.vector_load %arg7[%swap3A_1532] {strides = array<i32>} : memref<512xf32, #tpu.memory_space<vmem>>, vector<16xf32>,
    tpu.vector_store %arg7[%swap3A_1532], %add3A_1531 {strides = array<i32>} : memref<512xf32, #tpu.memory_space<vmem>>, vector<16xf32>,
    %get3A_1534 = arith.constant 400 : index
    %get3A_1535 = tpu.vector_load %arg7[%get3A_1534] {strides = array<i32>} : memref<512xf32, #tpu.memory_space<vmem>>, vector<16xf32>,
    %get3A_1536 = arith.constant 1 : i32
    %get3A_1537 = arith.constant 0 : i32
    %get3A_1538 = arith.index_cast %get3A_1536 : i32 to index
    %get3A_1539 = arith.index_cast %get3A_1537 : i32 to index
    %get3A_1540 = arith.constant 400 : index
    %get3A_1541 = tpu.vector_load %arg6[%get3A_1538, %get3A_1539, %get3A_1540] {strides = array<i32>} : memref<2x2x512xf32, #tpu.memory_space<vmem>>, vector<16xf32>,
    %add3A_1542 = arith.addf %get3A_1535, %get3A_1541 : vector<16xf32>
    %get3A_1543 = arith.constant 1 : i32
    %get3A_1544 = arith.constant 1 : i32
    %get3A_1545 = arith.index_cast %get3A_1543 : i32 to index
    %get3A_1546 = arith.index_cast %get3A_1544 : i32 to index
    %get3A_1547 = arith.constant 400 : index
    %get3A_1548 = tpu.vector_load %arg6[%get3A_1545, %get3A_1546, %get3A_1547] {strides = array<i32>} : memref<2x2x512xf32, #tpu.memory_space<vmem>>, vector<16xf32>,
    %add3A_1549 = arith.addf %add3A_1542, %get3A_1548 : vector<16xf32>
    %swap3A_1550 = arith.constant 400 : index
    %swap3A_1551 = tpu.vector_load %arg7[%swap3A_1550] {strides = array<i32>} : memref<512xf32, #tpu.memory_space<vmem>>, vector<16xf32>,
    tpu.vector_store %arg7[%swap3A_1550], %add3A_1549 {strides = array<i32>} : memref<512xf32, #tpu.memory_space<vmem>>, vector<16xf32>,
    %get3A_1552 = arith.constant 416 : index
    %get3A_1553 = tpu.vector_load %arg7[%get3A_1552] {strides = array<i32>} : memref<512xf32, #tpu.memory_space<vmem>>, vector<16xf32>,
    %get3A_1554 = arith.constant 1 : i32
    %get3A_1555 = arith.constant 0 : i32
    %get3A_1556 = arith.index_cast %get3A_1554 : i32 to index
    %get3A_1557 = arith.index_cast %get3A_1555 : i32 to index
    %get3A_1558 = arith.constant 416 : index
    %get3A_1559 = tpu.vector_load %arg6[%get3A_1556, %get3A_1557, %get3A_1558] {strides = array<i32>} : memref<2x2x512xf32, #tpu.memory_space<vmem>>, vector<16xf32>,
    %add3A_1560 = arith.addf %get3A_1553, %get3A_1559 : vector<16xf32>
    %get3A_1561 = arith.constant 1 : i32
    %get3A_1562 = arith.constant 1 : i32
    %get3A_1563 = arith.index_cast %get3A_1561 : i32 to index
    %get3A_1564 = arith.index_cast %get3A_1562 : i32 to index
    %get3A_1565 = arith.constant 416 : index
    %get3A_1566 = tpu.vector_load %arg6[%get3A_1563, %get3A_1564, %get3A_1565] {strides = array<i32>} : memref<2x2x512xf32, #tpu.memory_space<vmem>>, vector<16xf32>,
    %add3A_1567 = arith.addf %add3A_1560, %get3A_1566 : vector<16xf32>
    %swap3A_1568 = arith.constant 416 : index
    %swap3A_1569 = tpu.vector_load %arg7[%swap3A_1568] {strides = array<i32>} : memref<512xf32, #tpu.memory_space<vmem>>, vector<16xf32>,
    tpu.vector_store %arg7[%swap3A_1568], %add3A_1567 {strides = array<i32>} : memref<512xf32, #tpu.memory_space<vmem>>, vector<16xf32>,
    %get3A_1570 = arith.constant 432 : index
    %get3A_1571 = tpu.vector_load %arg7[%get3A_1570] {strides = array<i32>} : memref<512xf32, #tpu.memory_space<vmem>>, vector<16xf32>,
    %get3A_1572 = arith.constant 1 : i32
    %get3A_1573 = arith.constant 0 : i32
    %get3A_1574 = arith.index_cast %get3A_1572 : i32 to index
    %get3A_1575 = arith.index_cast %get3A_1573 : i32 to index
    %get3A_1576 = arith.constant 432 : index
    %get3A_1577 = tpu.vector_load %arg6[%get3A_1574, %get3A_1575, %get3A_1576] {strides = array<i32>} : memref<2x2x512xf32, #tpu.memory_space<vmem>>, vector<16xf32>,
    %add3A_1578 = arith.addf %get3A_1571, %get3A_1577 : vector<16xf32>
    %get3A_1579 = arith.constant 1 : i32
    %get3A_1580 = arith.constant 1 : i32
    %get3A_1581 = arith.index_cast %get3A_1579 : i32 to index
    %get3A_1582 = arith.index_cast %get3A_1580 : i32 to index
    %get3A_1583 = arith.constant 432 : index
    %get3A_1584 = tpu.vector_load %arg6[%get3A_1581, %get3A_1582, %get3A_1583] {strides = array<i32>} : memref<2x2x512xf32, #tpu.memory_space<vmem>>, vector<16xf32>,
    %add3A_1585 = arith.addf %add3A_1578, %get3A_1584 : vector<16xf32>
    %swap3A_1586 = arith.constant 432 : index
    %swap3A_1587 = tpu.vector_load %arg7[%swap3A_1586] {strides = array<i32>} : memref<512xf32, #tpu.memory_space<vmem>>, vector<16xf32>,
    tpu.vector_store %arg7[%swap3A_1586], %add3A_1585 {strides = array<i32>} : memref<512xf32, #tpu.memory_space<vmem>>, vector<16xf32>,
    %get3A_1588 = arith.constant 448 : index
    %get3A_1589 = tpu.vector_load %arg7[%get3A_1588] {strides = array<i32>} : memref<512xf32, #tpu.memory_space<vmem>>, vector<16xf32>,
    %get3A_1590 = arith.constant 1 : i32
    %get3A_1591 = arith.constant 0 : i32
    %get3A_1592 = arith.index_cast %get3A_1590 : i32 to index
    %get3A_1593 = arith.index_cast %get3A_1591 : i32 to index
    %get3A_1594 = arith.constant 448 : index
    %get3A_1595 = tpu.vector_load %arg6[%get3A_1592, %get3A_1593, %get3A_1594] {strides = array<i32>} : memref<2x2x512xf32, #tpu.memory_space<vmem>>, vector<16xf32>,
    %add3A_1596 = arith.addf %get3A_1589, %get3A_1595 : vector<16xf32>
    %get3A_1597 = arith.constant 1 : i32
    %get3A_1598 = arith.constant 1 : i32
    %get3A_1599 = arith.index_cast %get3A_1597 : i32 to index
    %get3A_1600 = arith.index_cast %get3A_1598 : i32 to index
    %get3A_1601 = arith.constant 448 : index
    %get3A_1602 = tpu.vector_load %arg6[%get3A_1599, %get3A_1600, %get3A_1601] {strides = array<i32>} : memref<2x2x512xf32, #tpu.memory_space<vmem>>, vector<16xf32>,
    %add3A_1603 = arith.addf %add3A_1596, %get3A_1602 : vector<16xf32>
    %swap3A_1604 = arith.constant 448 : index
    %swap3A_1605 = tpu.vector_load %arg7[%swap3A_1604] {strides = array<i32>} : memref<512xf32, #tpu.memory_space<vmem>>, vector<16xf32>,
    tpu.vector_store %arg7[%swap3A_1604], %add3A_1603 {strides = array<i32>} : memref<512xf32, #tpu.memory_space<vmem>>, vector<16xf32>,
    %get3A_1606 = arith.constant 464 : index
    %get3A_1607 = tpu.vector_load %arg7[%get3A_1606] {strides = array<i32>} : memref<512xf32, #tpu.memory_space<vmem>>, vector<16xf32>,
    %get3A_1608 = arith.constant 1 : i32
    %get3A_1609 = arith.constant 0 : i32
    %get3A_1610 = arith.index_cast %get3A_1608 : i32 to index
    %get3A_1611 = arith.index_cast %get3A_1609 : i32 to index
    %get3A_1612 = arith.constant 464 : index
    %get3A_1613 = tpu.vector_load %arg6[%get3A_1610, %get3A_1611, %get3A_1612] {strides = array<i32>} : memref<2x2x512xf32, #tpu.memory_space<vmem>>, vector<16xf32>,
    %add3A_1614 = arith.addf %get3A_1607, %get3A_1613 : vector<16xf32>
    %get3A_1615 = arith.constant 1 : i32
    %get3A_1616 = arith.constant 1 : i32
    %get3A_1617 = arith.index_cast %get3A_1615 : i32 to index
    %get3A_1618 = arith.index_cast %get3A_1616 : i32 to index
    %get3A_1619 = arith.constant 464 : index
    %get3A_1620 = tpu.vector_load %arg6[%get3A_1617, %get3A_1618, %get3A_1619] {strides = array<i32>} : memref<2x2x512xf32, #tpu.memory_space<vmem>>, vector<16xf32>,
    %add3A_1621 = arith.addf %add3A_1614, %get3A_1620 : vector<16xf32>
    %swap3A_1622 = arith.constant 464 : index
    %swap3A_1623 = tpu.vector_load %arg7[%swap3A_1622] {strides = array<i32>} : memref<512xf32, #tpu.memory_space<vmem>>, vector<16xf32>,
    tpu.vector_store %arg7[%swap3A_1622], %add3A_1621 {strides = array<i32>} : memref<512xf32, #tpu.memory_space<vmem>>, vector<16xf32>,
    %get3A_1624 = arith.constant 480 : index
    %get3A_1625 = tpu.vector_load %arg7[%get3A_1624] {strides = array<i32>} : memref<512xf32, #tpu.memory_space<vmem>>, vector<16xf32>,
    %get3A_1626 = arith.constant 1 : i32
    %get3A_1627 = arith.constant 0 : i32
    %get3A_1628 = arith.index_cast %get3A_1626 : i32 to index
    %get3A_1629 = arith.index_cast %get3A_1627 : i32 to index
    %get3A_1630 = arith.constant 480 : index
    %get3A_1631 = tpu.vector_load %arg6[%get3A_1628, %get3A_1629, %get3A_1630] {strides = array<i32>} : memref<2x2x512xf32, #tpu.memory_space<vmem>>, vector<16xf32>,
    %add3A_1632 = arith.addf %get3A_1625, %get3A_1631 : vector<16xf32>
    %get3A_1633 = arith.constant 1 : i32
    %get3A_1634 = arith.constant 1 : i32
    %get3A_1635 = arith.index_cast %get3A_1633 : i32 to index
    %get3A_1636 = arith.index_cast %get3A_1634 : i32 to index
    %get3A_1637 = arith.constant 480 : index
    %get3A_1638 = tpu.vector_load %arg6[%get3A_1635, %get3A_1636, %get3A_1637] {strides = array<i32>} : memref<2x2x512xf32, #tpu.memory_space<vmem>>, vector<16xf32>,
    %add3A_1639 = arith.addf %add3A_1632, %get3A_1638 : vector<16xf32>
    %swap3A_1640 = arith.constant 480 : index
    %swap3A_1641 = tpu.vector_load %arg7[%swap3A_1640] {strides = array<i32>} : memref<512xf32, #tpu.memory_space<vmem>>, vector<16xf32>,
    tpu.vector_store %arg7[%swap3A_1640], %add3A_1639 {strides = array<i32>} : memref<512xf32, #tpu.memory_space<vmem>>, vector<16xf32>,
    %get3A_1642 = arith.constant 496 : index
    %get3A_1643 = tpu.vector_load %arg7[%get3A_1642] {strides = array<i32>} : memref<512xf32, #tpu.memory_space<vmem>>, vector<16xf32>,
    %get3A_1644 = arith.constant 1 : i32
    %get3A_1645 = arith.constant 0 : i32
    %get3A_1646 = arith.index_cast %get3A_1644 : i32 to index
    %get3A_1647 = arith.index_cast %get3A_1645 : i32 to index
    %get3A_1648 = arith.constant 496 : index
    %get3A_1649 = tpu.vector_load %arg6[%get3A_1646, %get3A_1647, %get3A_1648] {strides = array<i32>} : memref<2x2x512xf32, #tpu.memory_space<vmem>>, vector<16xf32>,
    %add3A_1650 = arith.addf %get3A_1643, %get3A_1649 : vector<16xf32>
    %get3A_1651 = arith.constant 1 : i32
    %get3A_1652 = arith.constant 1 : i32
    %get3A_1653 = arith.index_cast %get3A_1651 : i32 to index
    %get3A_1654 = arith.index_cast %get3A_1652 : i32 to index
    %get3A_1655 = arith.constant 496 : index
    %get3A_1656 = tpu.vector_load %arg6[%get3A_1653, %get3A_1654, %get3A_1655] {strides = array<i32>} : memref<2x2x512xf32, #tpu.memory_space<vmem>>, vector<16xf32>,
    %add3A_1657 = arith.addf %add3A_1650, %get3A_1656 : vector<16xf32>
    %swap3A_1658 = arith.constant 496 : index
    %swap3A_1659 = tpu.vector_load %arg7[%swap3A_1658] {strides = array<i32>} : memref<512xf32, #tpu.memory_space<vmem>>, vector<16xf32>,
    tpu.vector_store %arg7[%swap3A_1658], %add3A_1657 {strides = array<i32>} : memref<512xf32, #tpu.memory_space<vmem>>, vector<16xf32>,
    %get3A_1660 = arith.constant 0 : index
    %get3A_1661 = tpu.vector_load %arg7[%get3A_1660] {strides = array<i32>} : memref<512xf32, #tpu.memory_space<vmem>>, vector<16xf32>,
    %mul3A_1662 = arith.constant 5.000000e-03 : f32
    %mul3A_1663 = vector.broadcast %mul3A_1662 : f32 to vector<16xf32>
    %mul3A_1664 = arith.mulf %get3A_1661, %mul3A_1663 : vector<16xf32>
    %neg3A = arith.constant 0.000000e+00 : f32
    %neg3A_1665 = vector.broadcast %neg3A : f32 to vector<16xf32>
    %neg3A_1666 = arith.subf %neg3A_1665, %mul3A_1664 : vector<16xf32>
    %exp3A = math.exp %neg3A_1666 : vector<16xf32>
    %add3A_1667 = arith.constant 1.000000e+00 : f32
    %add3A_1668 = vector.broadcast %add3A_1667 : f32 to vector<16xf32>
    %add3A_1669 = arith.addf %add3A_1668, %exp3A : vector<16xf32>
    %div3A = arith.constant 1.000000e+00 : f32
    %div3A_1670 = vector.broadcast %div3A : f32 to vector<16xf32>
    %div3A_1671 = arith.divf %div3A_1670, %add3A_1669 : vector<16xf32>
    %swap3A_1672 = arith.constant 0 : index
    %swap3A_1673 = tpu.vector_load %arg7[%swap3A_1672] {strides = array<i32>} : memref<512xf32, #tpu.memory_space<vmem>>, vector<16xf32>,
    tpu.vector_store %arg7[%swap3A_1672], %div3A_1671 {strides = array<i32>} : memref<512xf32, #tpu.memory_space<vmem>>, vector<16xf32>,
    %get3A_1674 = arith.constant 16 : index
    %get3A_1675 = tpu.vector_load %arg7[%get3A_1674] {strides = array<i32>} : memref<512xf32, #tpu.memory_space<vmem>>, vector<16xf32>,
    %mul3A_1676 = arith.constant 5.000000e-03 : f32
    %mul3A_1677 = vector.broadcast %mul3A_1676 : f32 to vector<16xf32>
    %mul3A_1678 = arith.mulf %get3A_1675, %mul3A_1677 : vector<16xf32>
    %neg3A_1679 = arith.constant 0.000000e+00 : f32
    %neg3A_1680 = vector.broadcast %neg3A_1679 : f32 to vector<16xf32>
    %neg3A_1681 = arith.subf %neg3A_1680, %mul3A_1678 : vector<16xf32>
    %exp3A_1682 = math.exp %neg3A_1681 : vector<16xf32>
    %add3A_1683 = arith.constant 1.000000e+00 : f32
    %add3A_1684 = vector.broadcast %add3A_1683 : f32 to vector<16xf32>
    %add3A_1685 = arith.addf %add3A_1684, %exp3A_1682 : vector<16xf32>
    %div3A_1686 = arith.constant 1.000000e+00 : f32
    %div3A_1687 = vector.broadcast %div3A_1686 : f32 to vector<16xf32>
    %div3A_1688 = arith.divf %div3A_1687, %add3A_1685 : vector<16xf32>
    %swap3A_1689 = arith.constant 16 : index
    %swap3A_1690 = tpu.vector_load %arg7[%swap3A_1689] {strides = array<i32>} : memref<512xf32, #tpu.memory_space<vmem>>, vector<16xf32>,
    tpu.vector_store %arg7[%swap3A_1689], %div3A_1688 {strides = array<i32>} : memref<512xf32, #tpu.memory_space<vmem>>, vector<16xf32>,
    %get3A_1691 = arith.constant 32 : index
    %get3A_1692 = tpu.vector_load %arg7[%get3A_1691] {strides = array<i32>} : memref<512xf32, #tpu.memory_space<vmem>>, vector<16xf32>,
    %mul3A_1693 = arith.constant 5.000000e-03 : f32
    %mul3A_1694 = vector.broadcast %mul3A_1693 : f32 to vector<16xf32>
    %mul3A_1695 = arith.mulf %get3A_1692, %mul3A_1694 : vector<16xf32>
    %neg3A_1696 = arith.constant 0.000000e+00 : f32
    %neg3A_1697 = vector.broadcast %neg3A_1696 : f32 to vector<16xf32>
    %neg3A_1698 = arith.subf %neg3A_1697, %mul3A_1695 : vector<16xf32>
    %exp3A_1699 = math.exp %neg3A_1698 : vector<16xf32>
    %add3A_1700 = arith.constant 1.000000e+00 : f32
    %add3A_1701 = vector.broadcast %add3A_1700 : f32 to vector<16xf32>
    %add3A_1702 = arith.addf %add3A_1701, %exp3A_1699 : vector<16xf32>
    %div3A_1703 = arith.constant 1.000000e+00 : f32
    %div3A_1704 = vector.broadcast %div3A_1703 : f32 to vector<16xf32>
    %div3A_1705 = arith.divf %div3A_1704, %add3A_1702 : vector<16xf32>
    %swap3A_1706 = arith.constant 32 : index
    %swap3A_1707 = tpu.vector_load %arg7[%swap3A_1706] {strides = array<i32>} : memref<512xf32, #tpu.memory_space<vmem>>, vector<16xf32>,
    tpu.vector_store %arg7[%swap3A_1706], %div3A_1705 {strides = array<i32>} : memref<512xf32, #tpu.memory_space<vmem>>, vector<16xf32>,
    %get3A_1708 = arith.constant 48 : index
    %get3A_1709 = tpu.vector_load %arg7[%get3A_1708] {strides = array<i32>} : memref<512xf32, #tpu.memory_space<vmem>>, vector<16xf32>,
    %mul3A_1710 = arith.constant 5.000000e-03 : f32
    %mul3A_1711 = vector.broadcast %mul3A_1710 : f32 to vector<16xf32>
    %mul3A_1712 = arith.mulf %get3A_1709, %mul3A_1711 : vector<16xf32>
    %neg3A_1713 = arith.constant 0.000000e+00 : f32
    %neg3A_1714 = vector.broadcast %neg3A_1713 : f32 to vector<16xf32>
    %neg3A_1715 = arith.subf %neg3A_1714, %mul3A_1712 : vector<16xf32>
    %exp3A_1716 = math.exp %neg3A_1715 : vector<16xf32>
    %add3A_1717 = arith.constant 1.000000e+00 : f32
    %add3A_1718 = vector.broadcast %add3A_1717 : f32 to vector<16xf32>
    %add3A_1719 = arith.addf %add3A_1718, %exp3A_1716 : vector<16xf32>
    %div3A_1720 = arith.constant 1.000000e+00 : f32
    %div3A_1721 = vector.broadcast %div3A_1720 : f32 to vector<16xf32>
    %div3A_1722 = arith.divf %div3A_1721, %add3A_1719 : vector<16xf32>
    %swap3A_1723 = arith.constant 48 : index
    %swap3A_1724 = tpu.vector_load %arg7[%swap3A_1723] {strides = array<i32>} : memref<512xf32, #tpu.memory_space<vmem>>, vector<16xf32>,
    tpu.vector_store %arg7[%swap3A_1723], %div3A_1722 {strides = array<i32>} : memref<512xf32, #tpu.memory_space<vmem>>, vector<16xf32>,
    %get3A_1725 = arith.constant 64 : index
    %get3A_1726 = tpu.vector_load %arg7[%get3A_1725] {strides = array<i32>} : memref<512xf32, #tpu.memory_space<vmem>>, vector<16xf32>,
    %mul3A_1727 = arith.constant 5.000000e-03 : f32
    %mul3A_1728 = vector.broadcast %mul3A_1727 : f32 to vector<16xf32>
    %mul3A_1729 = arith.mulf %get3A_1726, %mul3A_1728 : vector<16xf32>
    %neg3A_1730 = arith.constant 0.000000e+00 : f32
    %neg3A_1731 = vector.broadcast %neg3A_1730 : f32 to vector<16xf32>
    %neg3A_1732 = arith.subf %neg3A_1731, %mul3A_1729 : vector<16xf32>
    %exp3A_1733 = math.exp %neg3A_1732 : vector<16xf32>
    %add3A_1734 = arith.constant 1.000000e+00 : f32
    %add3A_1735 = vector.broadcast %add3A_1734 : f32 to vector<16xf32>
    %add3A_1736 = arith.addf %add3A_1735, %exp3A_1733 : vector<16xf32>
    %div3A_1737 = arith.constant 1.000000e+00 : f32
    %div3A_1738 = vector.broadcast %div3A_1737 : f32 to vector<16xf32>
    %div3A_1739 = arith.divf %div3A_1738, %add3A_1736 : vector<16xf32>
    %swap3A_1740 = arith.constant 64 : index
    %swap3A_1741 = tpu.vector_load %arg7[%swap3A_1740] {strides = array<i32>} : memref<512xf32, #tpu.memory_space<vmem>>, vector<16xf32>,
    tpu.vector_store %arg7[%swap3A_1740], %div3A_1739 {strides = array<i32>} : memref<512xf32, #tpu.memory_space<vmem>>, vector<16xf32>,
    %get3A_1742 = arith.constant 80 : index
    %get3A_1743 = tpu.vector_load %arg7[%get3A_1742] {strides = array<i32>} : memref<512xf32, #tpu.memory_space<vmem>>, vector<16xf32>,
    %mul3A_1744 = arith.constant 5.000000e-03 : f32
    %mul3A_1745 = vector.broadcast %mul3A_1744 : f32 to vector<16xf32>
    %mul3A_1746 = arith.mulf %get3A_1743, %mul3A_1745 : vector<16xf32>
    %neg3A_1747 = arith.constant 0.000000e+00 : f32
    %neg3A_1748 = vector.broadcast %neg3A_1747 : f32 to vector<16xf32>
    %neg3A_1749 = arith.subf %neg3A_1748, %mul3A_1746 : vector<16xf32>
    %exp3A_1750 = math.exp %neg3A_1749 : vector<16xf32>
    %add3A_1751 = arith.constant 1.000000e+00 : f32
    %add3A_1752 = vector.broadcast %add3A_1751 : f32 to vector<16xf32>
    %add3A_1753 = arith.addf %add3A_1752, %exp3A_1750 : vector<16xf32>
    %div3A_1754 = arith.constant 1.000000e+00 : f32
    %div3A_1755 = vector.broadcast %div3A_1754 : f32 to vector<16xf32>
    %div3A_1756 = arith.divf %div3A_1755, %add3A_1753 : vector<16xf32>
    %swap3A_1757 = arith.constant 80 : index
    %swap3A_1758 = tpu.vector_load %arg7[%swap3A_1757] {strides = array<i32>} : memref<512xf32, #tpu.memory_space<vmem>>, vector<16xf32>,
    tpu.vector_store %arg7[%swap3A_1757], %div3A_1756 {strides = array<i32>} : memref<512xf32, #tpu.memory_space<vmem>>, vector<16xf32>,
    %get3A_1759 = arith.constant 96 : index
    %get3A_1760 = tpu.vector_load %arg7[%get3A_1759] {strides = array<i32>} : memref<512xf32, #tpu.memory_space<vmem>>, vector<16xf32>,
    %mul3A_1761 = arith.constant 5.000000e-03 : f32
    %mul3A_1762 = vector.broadcast %mul3A_1761 : f32 to vector<16xf32>
    %mul3A_1763 = arith.mulf %get3A_1760, %mul3A_1762 : vector<16xf32>
    %neg3A_1764 = arith.constant 0.000000e+00 : f32
    %neg3A_1765 = vector.broadcast %neg3A_1764 : f32 to vector<16xf32>
    %neg3A_1766 = arith.subf %neg3A_1765, %mul3A_1763 : vector<16xf32>
    %exp3A_1767 = math.exp %neg3A_1766 : vector<16xf32>
    %add3A_1768 = arith.constant 1.000000e+00 : f32
    %add3A_1769 = vector.broadcast %add3A_1768 : f32 to vector<16xf32>
    %add3A_1770 = arith.addf %add3A_1769, %exp3A_1767 : vector<16xf32>
    %div3A_1771 = arith.constant 1.000000e+00 : f32
    %div3A_1772 = vector.broadcast %div3A_1771 : f32 to vector<16xf32>
    %div3A_1773 = arith.divf %div3A_1772, %add3A_1770 : vector<16xf32>
    %swap3A_1774 = arith.constant 96 : index
    %swap3A_1775 = tpu.vector_load %arg7[%swap3A_1774] {strides = array<i32>} : memref<512xf32, #tpu.memory_space<vmem>>, vector<16xf32>,
    tpu.vector_store %arg7[%swap3A_1774], %div3A_1773 {strides = array<i32>} : memref<512xf32, #tpu.memory_space<vmem>>, vector<16xf32>,
    %get3A_1776 = arith.constant 112 : index
    %get3A_1777 = tpu.vector_load %arg7[%get3A_1776] {strides = array<i32>} : memref<512xf32, #tpu.memory_space<vmem>>, vector<16xf32>,
    %mul3A_1778 = arith.constant 5.000000e-03 : f32
    %mul3A_1779 = vector.broadcast %mul3A_1778 : f32 to vector<16xf32>
    %mul3A_1780 = arith.mulf %get3A_1777, %mul3A_1779 : vector<16xf32>
    %neg3A_1781 = arith.constant 0.000000e+00 : f32
    %neg3A_1782 = vector.broadcast %neg3A_1781 : f32 to vector<16xf32>
    %neg3A_1783 = arith.subf %neg3A_1782, %mul3A_1780 : vector<16xf32>
    %exp3A_1784 = math.exp %neg3A_1783 : vector<16xf32>
    %add3A_1785 = arith.constant 1.000000e+00 : f32
    %add3A_1786 = vector.broadcast %add3A_1785 : f32 to vector<16xf32>
    %add3A_1787 = arith.addf %add3A_1786, %exp3A_1784 : vector<16xf32>
    %div3A_1788 = arith.constant 1.000000e+00 : f32
    %div3A_1789 = vector.broadcast %div3A_1788 : f32 to vector<16xf32>
    %div3A_1790 = arith.divf %div3A_1789, %add3A_1787 : vector<16xf32>
    %swap3A_1791 = arith.constant 112 : index
    %swap3A_1792 = tpu.vector_load %arg7[%swap3A_1791] {strides = array<i32>} : memref<512xf32, #tpu.memory_space<vmem>>, vector<16xf32>,
    tpu.vector_store %arg7[%swap3A_1791], %div3A_1790 {strides = array<i32>} : memref<512xf32, #tpu.memory_space<vmem>>, vector<16xf32>,
    %get3A_1793 = arith.constant 128 : index
    %get3A_1794 = tpu.vector_load %arg7[%get3A_1793] {strides = array<i32>} : memref<512xf32, #tpu.memory_space<vmem>>, vector<16xf32>,
    %mul3A_1795 = arith.constant 5.000000e-03 : f32
    %mul3A_1796 = vector.broadcast %mul3A_1795 : f32 to vector<16xf32>
    %mul3A_1797 = arith.mulf %get3A_1794, %mul3A_1796 : vector<16xf32>
    %neg3A_1798 = arith.constant 0.000000e+00 : f32
    %neg3A_1799 = vector.broadcast %neg3A_1798 : f32 to vector<16xf32>
    %neg3A_1800 = arith.subf %neg3A_1799, %mul3A_1797 : vector<16xf32>
    %exp3A_1801 = math.exp %neg3A_1800 : vector<16xf32>
    %add3A_1802 = arith.constant 1.000000e+00 : f32
    %add3A_1803 = vector.broadcast %add3A_1802 : f32 to vector<16xf32>
    %add3A_1804 = arith.addf %add3A_1803, %exp3A_1801 : vector<16xf32>
    %div3A_1805 = arith.constant 1.000000e+00 : f32
    %div3A_1806 = vector.broadcast %div3A_1805 : f32 to vector<16xf32>
    %div3A_1807 = arith.divf %div3A_1806, %add3A_1804 : vector<16xf32>
    %swap3A_1808 = arith.constant 128 : index
    %swap3A_1809 = tpu.vector_load %arg7[%swap3A_1808] {strides = array<i32>} : memref<512xf32, #tpu.memory_space<vmem>>, vector<16xf32>,
    tpu.vector_store %arg7[%swap3A_1808], %div3A_1807 {strides = array<i32>} : memref<512xf32, #tpu.memory_space<vmem>>, vector<16xf32>,
    %get3A_1810 = arith.constant 144 : index
    %get3A_1811 = tpu.vector_load %arg7[%get3A_1810] {strides = array<i32>} : memref<512xf32, #tpu.memory_space<vmem>>, vector<16xf32>,
    %mul3A_1812 = arith.constant 5.000000e-03 : f32
    %mul3A_1813 = vector.broadcast %mul3A_1812 : f32 to vector<16xf32>
    %mul3A_1814 = arith.mulf %get3A_1811, %mul3A_1813 : vector<16xf32>
    %neg3A_1815 = arith.constant 0.000000e+00 : f32
    %neg3A_1816 = vector.broadcast %neg3A_1815 : f32 to vector<16xf32>
    %neg3A_1817 = arith.subf %neg3A_1816, %mul3A_1814 : vector<16xf32>
    %exp3A_1818 = math.exp %neg3A_1817 : vector<16xf32>
    %add3A_1819 = arith.constant 1.000000e+00 : f32
    %add3A_1820 = vector.broadcast %add3A_1819 : f32 to vector<16xf32>
    %add3A_1821 = arith.addf %add3A_1820, %exp3A_1818 : vector<16xf32>
    %div3A_1822 = arith.constant 1.000000e+00 : f32
    %div3A_1823 = vector.broadcast %div3A_1822 : f32 to vector<16xf32>
    %div3A_1824 = arith.divf %div3A_1823, %add3A_1821 : vector<16xf32>
    %swap3A_1825 = arith.constant 144 : index
    %swap3A_1826 = tpu.vector_load %arg7[%swap3A_1825] {strides = array<i32>} : memref<512xf32, #tpu.memory_space<vmem>>, vector<16xf32>,
    tpu.vector_store %arg7[%swap3A_1825], %div3A_1824 {strides = array<i32>} : memref<512xf32, #tpu.memory_space<vmem>>, vector<16xf32>,
    %get3A_1827 = arith.constant 160 : index
    %get3A_1828 = tpu.vector_load %arg7[%get3A_1827] {strides = array<i32>} : memref<512xf32, #tpu.memory_space<vmem>>, vector<16xf32>,
    %mul3A_1829 = arith.constant 5.000000e-03 : f32
    %mul3A_1830 = vector.broadcast %mul3A_1829 : f32 to vector<16xf32>
    %mul3A_1831 = arith.mulf %get3A_1828, %mul3A_1830 : vector<16xf32>
    %neg3A_1832 = arith.constant 0.000000e+00 : f32
    %neg3A_1833 = vector.broadcast %neg3A_1832 : f32 to vector<16xf32>
    %neg3A_1834 = arith.subf %neg3A_1833, %mul3A_1831 : vector<16xf32>
    %exp3A_1835 = math.exp %neg3A_1834 : vector<16xf32>
    %add3A_1836 = arith.constant 1.000000e+00 : f32
    %add3A_1837 = vector.broadcast %add3A_1836 : f32 to vector<16xf32>
    %add3A_1838 = arith.addf %add3A_1837, %exp3A_1835 : vector<16xf32>
    %div3A_1839 = arith.constant 1.000000e+00 : f32
    %div3A_1840 = vector.broadcast %div3A_1839 : f32 to vector<16xf32>
    %div3A_1841 = arith.divf %div3A_1840, %add3A_1838 : vector<16xf32>
    %swap3A_1842 = arith.constant 160 : index
    %swap3A_1843 = tpu.vector_load %arg7[%swap3A_1842] {strides = array<i32>} : memref<512xf32, #tpu.memory_space<vmem>>, vector<16xf32>,
    tpu.vector_store %arg7[%swap3A_1842], %div3A_1841 {strides = array<i32>} : memref<512xf32, #tpu.memory_space<vmem>>, vector<16xf32>,
    %get3A_1844 = arith.constant 176 : index
    %get3A_1845 = tpu.vector_load %arg7[%get3A_1844] {strides = array<i32>} : memref<512xf32, #tpu.memory_space<vmem>>, vector<16xf32>,
    %mul3A_1846 = arith.constant 5.000000e-03 : f32
    %mul3A_1847 = vector.broadcast %mul3A_1846 : f32 to vector<16xf32>
    %mul3A_1848 = arith.mulf %get3A_1845, %mul3A_1847 : vector<16xf32>
    %neg3A_1849 = arith.constant 0.000000e+00 : f32
    %neg3A_1850 = vector.broadcast %neg3A_1849 : f32 to vector<16xf32>
    %neg3A_1851 = arith.subf %neg3A_1850, %mul3A_1848 : vector<16xf32>
    %exp3A_1852 = math.exp %neg3A_1851 : vector<16xf32>
    %add3A_1853 = arith.constant 1.000000e+00 : f32
    %add3A_1854 = vector.broadcast %add3A_1853 : f32 to vector<16xf32>
    %add3A_1855 = arith.addf %add3A_1854, %exp3A_1852 : vector<16xf32>
    %div3A_1856 = arith.constant 1.000000e+00 : f32
    %div3A_1857 = vector.broadcast %div3A_1856 : f32 to vector<16xf32>
    %div3A_1858 = arith.divf %div3A_1857, %add3A_1855 : vector<16xf32>
    %swap3A_1859 = arith.constant 176 : index
    %swap3A_1860 = tpu.vector_load %arg7[%swap3A_1859] {strides = array<i32>} : memref<512xf32, #tpu.memory_space<vmem>>, vector<16xf32>,
    tpu.vector_store %arg7[%swap3A_1859], %div3A_1858 {strides = array<i32>} : memref<512xf32, #tpu.memory_space<vmem>>, vector<16xf32>,
    %get3A_1861 = arith.constant 192 : index
    %get3A_1862 = tpu.vector_load %arg7[%get3A_1861] {strides = array<i32>} : memref<512xf32, #tpu.memory_space<vmem>>, vector<16xf32>,
    %mul3A_1863 = arith.constant 5.000000e-03 : f32
    %mul3A_1864 = vector.broadcast %mul3A_1863 : f32 to vector<16xf32>
    %mul3A_1865 = arith.mulf %get3A_1862, %mul3A_1864 : vector<16xf32>
    %neg3A_1866 = arith.constant 0.000000e+00 : f32
    %neg3A_1867 = vector.broadcast %neg3A_1866 : f32 to vector<16xf32>
    %neg3A_1868 = arith.subf %neg3A_1867, %mul3A_1865 : vector<16xf32>
    %exp3A_1869 = math.exp %neg3A_1868 : vector<16xf32>
    %add3A_1870 = arith.constant 1.000000e+00 : f32
    %add3A_1871 = vector.broadcast %add3A_1870 : f32 to vector<16xf32>
    %add3A_1872 = arith.addf %add3A_1871, %exp3A_1869 : vector<16xf32>
    %div3A_1873 = arith.constant 1.000000e+00 : f32
    %div3A_1874 = vector.broadcast %div3A_1873 : f32 to vector<16xf32>
    %div3A_1875 = arith.divf %div3A_1874, %add3A_1872 : vector<16xf32>
    %swap3A_1876 = arith.constant 192 : index
    %swap3A_1877 = tpu.vector_load %arg7[%swap3A_1876] {strides = array<i32>} : memref<512xf32, #tpu.memory_space<vmem>>, vector<16xf32>,
    tpu.vector_store %arg7[%swap3A_1876], %div3A_1875 {strides = array<i32>} : memref<512xf32, #tpu.memory_space<vmem>>, vector<16xf32>,
    %get3A_1878 = arith.constant 208 : index
    %get3A_1879 = tpu.vector_load %arg7[%get3A_1878] {strides = array<i32>} : memref<512xf32, #tpu.memory_space<vmem>>, vector<16xf32>,
    %mul3A_1880 = arith.constant 5.000000e-03 : f32
    %mul3A_1881 = vector.broadcast %mul3A_1880 : f32 to vector<16xf32>
    %mul3A_1882 = arith.mulf %get3A_1879, %mul3A_1881 : vector<16xf32>
    %neg3A_1883 = arith.constant 0.000000e+00 : f32
    %neg3A_1884 = vector.broadcast %neg3A_1883 : f32 to vector<16xf32>
    %neg3A_1885 = arith.subf %neg3A_1884, %mul3A_1882 : vector<16xf32>
    %exp3A_1886 = math.exp %neg3A_1885 : vector<16xf32>
    %add3A_1887 = arith.constant 1.000000e+00 : f32
    %add3A_1888 = vector.broadcast %add3A_1887 : f32 to vector<16xf32>
    %add3A_1889 = arith.addf %add3A_1888, %exp3A_1886 : vector<16xf32>
    %div3A_1890 = arith.constant 1.000000e+00 : f32
    %div3A_1891 = vector.broadcast %div3A_1890 : f32 to vector<16xf32>
    %div3A_1892 = arith.divf %div3A_1891, %add3A_1889 : vector<16xf32>
    %swap3A_1893 = arith.constant 208 : index
    %swap3A_1894 = tpu.vector_load %arg7[%swap3A_1893] {strides = array<i32>} : memref<512xf32, #tpu.memory_space<vmem>>, vector<16xf32>,
    tpu.vector_store %arg7[%swap3A_1893], %div3A_1892 {strides = array<i32>} : memref<512xf32, #tpu.memory_space<vmem>>, vector<16xf32>,
    %get3A_1895 = arith.constant 224 : index
    %get3A_1896 = tpu.vector_load %arg7[%get3A_1895] {strides = array<i32>} : memref<512xf32, #tpu.memory_space<vmem>>, vector<16xf32>,
    %mul3A_1897 = arith.constant 5.000000e-03 : f32
    %mul3A_1898 = vector.broadcast %mul3A_1897 : f32 to vector<16xf32>
    %mul3A_1899 = arith.mulf %get3A_1896, %mul3A_1898 : vector<16xf32>
    %neg3A_1900 = arith.constant 0.000000e+00 : f32
    %neg3A_1901 = vector.broadcast %neg3A_1900 : f32 to vector<16xf32>
    %neg3A_1902 = arith.subf %neg3A_1901, %mul3A_1899 : vector<16xf32>
    %exp3A_1903 = math.exp %neg3A_1902 : vector<16xf32>
    %add3A_1904 = arith.constant 1.000000e+00 : f32
    %add3A_1905 = vector.broadcast %add3A_1904 : f32 to vector<16xf32>
    %add3A_1906 = arith.addf %add3A_1905, %exp3A_1903 : vector<16xf32>
    %div3A_1907 = arith.constant 1.000000e+00 : f32
    %div3A_1908 = vector.broadcast %div3A_1907 : f32 to vector<16xf32>
    %div3A_1909 = arith.divf %div3A_1908, %add3A_1906 : vector<16xf32>
    %swap3A_1910 = arith.constant 224 : index
    %swap3A_1911 = tpu.vector_load %arg7[%swap3A_1910] {strides = array<i32>} : memref<512xf32, #tpu.memory_space<vmem>>, vector<16xf32>,
    tpu.vector_store %arg7[%swap3A_1910], %div3A_1909 {strides = array<i32>} : memref<512xf32, #tpu.memory_space<vmem>>, vector<16xf32>,
    %get3A_1912 = arith.constant 240 : index
    %get3A_1913 = tpu.vector_load %arg7[%get3A_1912] {strides = array<i32>} : memref<512xf32, #tpu.memory_space<vmem>>, vector<16xf32>,
    %mul3A_1914 = arith.constant 5.000000e-03 : f32
    %mul3A_1915 = vector.broadcast %mul3A_1914 : f32 to vector<16xf32>
    %mul3A_1916 = arith.mulf %get3A_1913, %mul3A_1915 : vector<16xf32>
    %neg3A_1917 = arith.constant 0.000000e+00 : f32
    %neg3A_1918 = vector.broadcast %neg3A_1917 : f32 to vector<16xf32>
    %neg3A_1919 = arith.subf %neg3A_1918, %mul3A_1916 : vector<16xf32>
    %exp3A_1920 = math.exp %neg3A_1919 : vector<16xf32>
    %add3A_1921 = arith.constant 1.000000e+00 : f32
    %add3A_1922 = vector.broadcast %add3A_1921 : f32 to vector<16xf32>
    %add3A_1923 = arith.addf %add3A_1922, %exp3A_1920 : vector<16xf32>
    %div3A_1924 = arith.constant 1.000000e+00 : f32
    %div3A_1925 = vector.broadcast %div3A_1924 : f32 to vector<16xf32>
    %div3A_1926 = arith.divf %div3A_1925, %add3A_1923 : vector<16xf32>
    %swap3A_1927 = arith.constant 240 : index
    %swap3A_1928 = tpu.vector_load %arg7[%swap3A_1927] {strides = array<i32>} : memref<512xf32, #tpu.memory_space<vmem>>, vector<16xf32>,
    tpu.vector_store %arg7[%swap3A_1927], %div3A_1926 {strides = array<i32>} : memref<512xf32, #tpu.memory_space<vmem>>, vector<16xf32>,
    %get3A_1929 = arith.constant 256 : index
    %get3A_1930 = tpu.vector_load %arg7[%get3A_1929] {strides = array<i32>} : memref<512xf32, #tpu.memory_space<vmem>>, vector<16xf32>,
    %mul3A_1931 = arith.constant 5.000000e-03 : f32
    %mul3A_1932 = vector.broadcast %mul3A_1931 : f32 to vector<16xf32>
    %mul3A_1933 = arith.mulf %get3A_1930, %mul3A_1932 : vector<16xf32>
    %neg3A_1934 = arith.constant 0.000000e+00 : f32
    %neg3A_1935 = vector.broadcast %neg3A_1934 : f32 to vector<16xf32>
    %neg3A_1936 = arith.subf %neg3A_1935, %mul3A_1933 : vector<16xf32>
    %exp3A_1937 = math.exp %neg3A_1936 : vector<16xf32>
    %add3A_1938 = arith.constant 1.000000e+00 : f32
    %add3A_1939 = vector.broadcast %add3A_1938 : f32 to vector<16xf32>
    %add3A_1940 = arith.addf %add3A_1939, %exp3A_1937 : vector<16xf32>
    %div3A_1941 = arith.constant 1.000000e+00 : f32
    %div3A_1942 = vector.broadcast %div3A_1941 : f32 to vector<16xf32>
    %div3A_1943 = arith.divf %div3A_1942, %add3A_1940 : vector<16xf32>
    %swap3A_1944 = arith.constant 256 : index
    %swap3A_1945 = tpu.vector_load %arg7[%swap3A_1944] {strides = array<i32>} : memref<512xf32, #tpu.memory_space<vmem>>, vector<16xf32>,
    tpu.vector_store %arg7[%swap3A_1944], %div3A_1943 {strides = array<i32>} : memref<512xf32, #tpu.memory_space<vmem>>, vector<16xf32>,
    %get3A_1946 = arith.constant 272 : index
    %get3A_1947 = tpu.vector_load %arg7[%get3A_1946] {strides = array<i32>} : memref<512xf32, #tpu.memory_space<vmem>>, vector<16xf32>,
    %mul3A_1948 = arith.constant 5.000000e-03 : f32
    %mul3A_1949 = vector.broadcast %mul3A_1948 : f32 to vector<16xf32>
    %mul3A_1950 = arith.mulf %get3A_1947, %mul3A_1949 : vector<16xf32>
    %neg3A_1951 = arith.constant 0.000000e+00 : f32
    %neg3A_1952 = vector.broadcast %neg3A_1951 : f32 to vector<16xf32>
    %neg3A_1953 = arith.subf %neg3A_1952, %mul3A_1950 : vector<16xf32>
    %exp3A_1954 = math.exp %neg3A_1953 : vector<16xf32>
    %add3A_1955 = arith.constant 1.000000e+00 : f32
    %add3A_1956 = vector.broadcast %add3A_1955 : f32 to vector<16xf32>
    %add3A_1957 = arith.addf %add3A_1956, %exp3A_1954 : vector<16xf32>
    %div3A_1958 = arith.constant 1.000000e+00 : f32
    %div3A_1959 = vector.broadcast %div3A_1958 : f32 to vector<16xf32>
    %div3A_1960 = arith.divf %div3A_1959, %add3A_1957 : vector<16xf32>
    %swap3A_1961 = arith.constant 272 : index
    %swap3A_1962 = tpu.vector_load %arg7[%swap3A_1961] {strides = array<i32>} : memref<512xf32, #tpu.memory_space<vmem>>, vector<16xf32>,
    tpu.vector_store %arg7[%swap3A_1961], %div3A_1960 {strides = array<i32>} : memref<512xf32, #tpu.memory_space<vmem>>, vector<16xf32>,
    %get3A_1963 = arith.constant 288 : index
    %get3A_1964 = tpu.vector_load %arg7[%get3A_1963] {strides = array<i32>} : memref<512xf32, #tpu.memory_space<vmem>>, vector<16xf32>,
    %mul3A_1965 = arith.constant 5.000000e-03 : f32
    %mul3A_1966 = vector.broadcast %mul3A_1965 : f32 to vector<16xf32>
    %mul3A_1967 = arith.mulf %get3A_1964, %mul3A_1966 : vector<16xf32>
    %neg3A_1968 = arith.constant 0.000000e+00 : f32
    %neg3A_1969 = vector.broadcast %neg3A_1968 : f32 to vector<16xf32>
    %neg3A_1970 = arith.subf %neg3A_1969, %mul3A_1967 : vector<16xf32>
    %exp3A_1971 = math.exp %neg3A_1970 : vector<16xf32>
    %add3A_1972 = arith.constant 1.000000e+00 : f32
    %add3A_1973 = vector.broadcast %add3A_1972 : f32 to vector<16xf32>
    %add3A_1974 = arith.addf %add3A_1973, %exp3A_1971 : vector<16xf32>
    %div3A_1975 = arith.constant 1.000000e+00 : f32
    %div3A_1976 = vector.broadcast %div3A_1975 : f32 to vector<16xf32>
    %div3A_1977 = arith.divf %div3A_1976, %add3A_1974 : vector<16xf32>
    %swap3A_1978 = arith.constant 288 : index
    %swap3A_1979 = tpu.vector_load %arg7[%swap3A_1978] {strides = array<i32>} : memref<512xf32, #tpu.memory_space<vmem>>, vector<16xf32>,
    tpu.vector_store %arg7[%swap3A_1978], %div3A_1977 {strides = array<i32>} : memref<512xf32, #tpu.memory_space<vmem>>, vector<16xf32>,
    %get3A_1980 = arith.constant 304 : index
    %get3A_1981 = tpu.vector_load %arg7[%get3A_1980] {strides = array<i32>} : memref<512xf32, #tpu.memory_space<vmem>>, vector<16xf32>,
    %mul3A_1982 = arith.constant 5.000000e-03 : f32
    %mul3A_1983 = vector.broadcast %mul3A_1982 : f32 to vector<16xf32>
    %mul3A_1984 = arith.mulf %get3A_1981, %mul3A_1983 : vector<16xf32>
    %neg3A_1985 = arith.constant 0.000000e+00 : f32
    %neg3A_1986 = vector.broadcast %neg3A_1985 : f32 to vector<16xf32>
    %neg3A_1987 = arith.subf %neg3A_1986, %mul3A_1984 : vector<16xf32>
    %exp3A_1988 = math.exp %neg3A_1987 : vector<16xf32>
    %add3A_1989 = arith.constant 1.000000e+00 : f32
    %add3A_1990 = vector.broadcast %add3A_1989 : f32 to vector<16xf32>
    %add3A_1991 = arith.addf %add3A_1990, %exp3A_1988 : vector<16xf32>
    %div3A_1992 = arith.constant 1.000000e+00 : f32
    %div3A_1993 = vector.broadcast %div3A_1992 : f32 to vector<16xf32>
    %div3A_1994 = arith.divf %div3A_1993, %add3A_1991 : vector<16xf32>
    %swap3A_1995 = arith.constant 304 : index
    %swap3A_1996 = tpu.vector_load %arg7[%swap3A_1995] {strides = array<i32>} : memref<512xf32, #tpu.memory_space<vmem>>, vector<16xf32>,
    tpu.vector_store %arg7[%swap3A_1995], %div3A_1994 {strides = array<i32>} : memref<512xf32, #tpu.memory_space<vmem>>, vector<16xf32>,
    %get3A_1997 = arith.constant 320 : index
    %get3A_1998 = tpu.vector_load %arg7[%get3A_1997] {strides = array<i32>} : memref<512xf32, #tpu.memory_space<vmem>>, vector<16xf32>,
    %mul3A_1999 = arith.constant 5.000000e-03 : f32
    %mul3A_2000 = vector.broadcast %mul3A_1999 : f32 to vector<16xf32>
    %mul3A_2001 = arith.mulf %get3A_1998, %mul3A_2000 : vector<16xf32>
    %neg3A_2002 = arith.constant 0.000000e+00 : f32
    %neg3A_2003 = vector.broadcast %neg3A_2002 : f32 to vector<16xf32>
    %neg3A_2004 = arith.subf %neg3A_2003, %mul3A_2001 : vector<16xf32>
    %exp3A_2005 = math.exp %neg3A_2004 : vector<16xf32>
    %add3A_2006 = arith.constant 1.000000e+00 : f32
    %add3A_2007 = vector.broadcast %add3A_2006 : f32 to vector<16xf32>
    %add3A_2008 = arith.addf %add3A_2007, %exp3A_2005 : vector<16xf32>
    %div3A_2009 = arith.constant 1.000000e+00 : f32
    %div3A_2010 = vector.broadcast %div3A_2009 : f32 to vector<16xf32>
    %div3A_2011 = arith.divf %div3A_2010, %add3A_2008 : vector<16xf32>
    %swap3A_2012 = arith.constant 320 : index
    %swap3A_2013 = tpu.vector_load %arg7[%swap3A_2012] {strides = array<i32>} : memref<512xf32, #tpu.memory_space<vmem>>, vector<16xf32>,
    tpu.vector_store %arg7[%swap3A_2012], %div3A_2011 {strides = array<i32>} : memref<512xf32, #tpu.memory_space<vmem>>, vector<16xf32>,
    %get3A_2014 = arith.constant 336 : index
    %get3A_2015 = tpu.vector_load %arg7[%get3A_2014] {strides = array<i32>} : memref<512xf32, #tpu.memory_space<vmem>>, vector<16xf32>,
    %mul3A_2016 = arith.constant 5.000000e-03 : f32
    %mul3A_2017 = vector.broadcast %mul3A_2016 : f32 to vector<16xf32>
    %mul3A_2018 = arith.mulf %get3A_2015, %mul3A_2017 : vector<16xf32>
    %neg3A_2019 = arith.constant 0.000000e+00 : f32
    %neg3A_2020 = vector.broadcast %neg3A_2019 : f32 to vector<16xf32>
    %neg3A_2021 = arith.subf %neg3A_2020, %mul3A_2018 : vector<16xf32>
    %exp3A_2022 = math.exp %neg3A_2021 : vector<16xf32>
    %add3A_2023 = arith.constant 1.000000e+00 : f32
    %add3A_2024 = vector.broadcast %add3A_2023 : f32 to vector<16xf32>
    %add3A_2025 = arith.addf %add3A_2024, %exp3A_2022 : vector<16xf32>
    %div3A_2026 = arith.constant 1.000000e+00 : f32
    %div3A_2027 = vector.broadcast %div3A_2026 : f32 to vector<16xf32>
    %div3A_2028 = arith.divf %div3A_2027, %add3A_2025 : vector<16xf32>
    %swap3A_2029 = arith.constant 336 : index
    %swap3A_2030 = tpu.vector_load %arg7[%swap3A_2029] {strides = array<i32>} : memref<512xf32, #tpu.memory_space<vmem>>, vector<16xf32>,
    tpu.vector_store %arg7[%swap3A_2029], %div3A_2028 {strides = array<i32>} : memref<512xf32, #tpu.memory_space<vmem>>, vector<16xf32>,
    %get3A_2031 = arith.constant 352 : index
    %get3A_2032 = tpu.vector_load %arg7[%get3A_2031] {strides = array<i32>} : memref<512xf32, #tpu.memory_space<vmem>>, vector<16xf32>,
    %mul3A_2033 = arith.constant 5.000000e-03 : f32
    %mul3A_2034 = vector.broadcast %mul3A_2033 : f32 to vector<16xf32>
    %mul3A_2035 = arith.mulf %get3A_2032, %mul3A_2034 : vector<16xf32>
    %neg3A_2036 = arith.constant 0.000000e+00 : f32
    %neg3A_2037 = vector.broadcast %neg3A_2036 : f32 to vector<16xf32>
    %neg3A_2038 = arith.subf %neg3A_2037, %mul3A_2035 : vector<16xf32>
    %exp3A_2039 = math.exp %neg3A_2038 : vector<16xf32>
    %add3A_2040 = arith.constant 1.000000e+00 : f32
    %add3A_2041 = vector.broadcast %add3A_2040 : f32 to vector<16xf32>
    %add3A_2042 = arith.addf %add3A_2041, %exp3A_2039 : vector<16xf32>
    %div3A_2043 = arith.constant 1.000000e+00 : f32
    %div3A_2044 = vector.broadcast %div3A_2043 : f32 to vector<16xf32>
    %div3A_2045 = arith.divf %div3A_2044, %add3A_2042 : vector<16xf32>
    %swap3A_2046 = arith.constant 352 : index
    %swap3A_2047 = tpu.vector_load %arg7[%swap3A_2046] {strides = array<i32>} : memref<512xf32, #tpu.memory_space<vmem>>, vector<16xf32>,
    tpu.vector_store %arg7[%swap3A_2046], %div3A_2045 {strides = array<i32>} : memref<512xf32, #tpu.memory_space<vmem>>, vector<16xf32>,
    %get3A_2048 = arith.constant 368 : index
    %get3A_2049 = tpu.vector_load %arg7[%get3A_2048] {strides = array<i32>} : memref<512xf32, #tpu.memory_space<vmem>>, vector<16xf32>,
    %mul3A_2050 = arith.constant 5.000000e-03 : f32
    %mul3A_2051 = vector.broadcast %mul3A_2050 : f32 to vector<16xf32>
    %mul3A_2052 = arith.mulf %get3A_2049, %mul3A_2051 : vector<16xf32>
    %neg3A_2053 = arith.constant 0.000000e+00 : f32
    %neg3A_2054 = vector.broadcast %neg3A_2053 : f32 to vector<16xf32>
    %neg3A_2055 = arith.subf %neg3A_2054, %mul3A_2052 : vector<16xf32>
    %exp3A_2056 = math.exp %neg3A_2055 : vector<16xf32>
    %add3A_2057 = arith.constant 1.000000e+00 : f32
    %add3A_2058 = vector.broadcast %add3A_2057 : f32 to vector<16xf32>
    %add3A_2059 = arith.addf %add3A_2058, %exp3A_2056 : vector<16xf32>
    %div3A_2060 = arith.constant 1.000000e+00 : f32
    %div3A_2061 = vector.broadcast %div3A_2060 : f32 to vector<16xf32>
    %div3A_2062 = arith.divf %div3A_2061, %add3A_2059 : vector<16xf32>
    %swap3A_2063 = arith.constant 368 : index
    %swap3A_2064 = tpu.vector_load %arg7[%swap3A_2063] {strides = array<i32>} : memref<512xf32, #tpu.memory_space<vmem>>, vector<16xf32>,
    tpu.vector_store %arg7[%swap3A_2063], %div3A_2062 {strides = array<i32>} : memref<512xf32, #tpu.memory_space<vmem>>, vector<16xf32>,
    %get3A_2065 = arith.constant 384 : index
    %get3A_2066 = tpu.vector_load %arg7[%get3A_2065] {strides = array<i32>} : memref<512xf32, #tpu.memory_space<vmem>>, vector<16xf32>,
    %mul3A_2067 = arith.constant 5.000000e-03 : f32
    %mul3A_2068 = vector.broadcast %mul3A_2067 : f32 to vector<16xf32>
    %mul3A_2069 = arith.mulf %get3A_2066, %mul3A_2068 : vector<16xf32>
    %neg3A_2070 = arith.constant 0.000000e+00 : f32
    %neg3A_2071 = vector.broadcast %neg3A_2070 : f32 to vector<16xf32>
    %neg3A_2072 = arith.subf %neg3A_2071, %mul3A_2069 : vector<16xf32>
    %exp3A_2073 = math.exp %neg3A_2072 : vector<16xf32>
    %add3A_2074 = arith.constant 1.000000e+00 : f32
    %add3A_2075 = vector.broadcast %add3A_2074 : f32 to vector<16xf32>
    %add3A_2076 = arith.addf %add3A_2075, %exp3A_2073 : vector<16xf32>
    %div3A_2077 = arith.constant 1.000000e+00 : f32
    %div3A_2078 = vector.broadcast %div3A_2077 : f32 to vector<16xf32>
    %div3A_2079 = arith.divf %div3A_2078, %add3A_2076 : vector<16xf32>
    %swap3A_2080 = arith.constant 384 : index
    %swap3A_2081 = tpu.vector_load %arg7[%swap3A_2080] {strides = array<i32>} : memref<512xf32, #tpu.memory_space<vmem>>, vector<16xf32>,
    tpu.vector_store %arg7[%swap3A_2080], %div3A_2079 {strides = array<i32>} : memref<512xf32, #tpu.memory_space<vmem>>, vector<16xf32>,
    %get3A_2082 = arith.constant 400 : index
    %get3A_2083 = tpu.vector_load %arg7[%get3A_2082] {strides = array<i32>} : memref<512xf32, #tpu.memory_space<vmem>>, vector<16xf32>,
    %mul3A_2084 = arith.constant 5.000000e-03 : f32
    %mul3A_2085 = vector.broadcast %mul3A_2084 : f32 to vector<16xf32>
    %mul3A_2086 = arith.mulf %get3A_2083, %mul3A_2085 : vector<16xf32>
    %neg3A_2087 = arith.constant 0.000000e+00 : f32
    %neg3A_2088 = vector.broadcast %neg3A_2087 : f32 to vector<16xf32>
    %neg3A_2089 = arith.subf %neg3A_2088, %mul3A_2086 : vector<16xf32>
    %exp3A_2090 = math.exp %neg3A_2089 : vector<16xf32>
    %add3A_2091 = arith.constant 1.000000e+00 : f32
    %add3A_2092 = vector.broadcast %add3A_2091 : f32 to vector<16xf32>
    %add3A_2093 = arith.addf %add3A_2092, %exp3A_2090 : vector<16xf32>
    %div3A_2094 = arith.constant 1.000000e+00 : f32
    %div3A_2095 = vector.broadcast %div3A_2094 : f32 to vector<16xf32>
    %div3A_2096 = arith.divf %div3A_2095, %add3A_2093 : vector<16xf32>
    %swap3A_2097 = arith.constant 400 : index
    %swap3A_2098 = tpu.vector_load %arg7[%swap3A_2097] {strides = array<i32>} : memref<512xf32, #tpu.memory_space<vmem>>, vector<16xf32>,
    tpu.vector_store %arg7[%swap3A_2097], %div3A_2096 {strides = array<i32>} : memref<512xf32, #tpu.memory_space<vmem>>, vector<16xf32>,
    %get3A_2099 = arith.constant 416 : index
    %get3A_2100 = tpu.vector_load %arg7[%get3A_2099] {strides = array<i32>} : memref<512xf32, #tpu.memory_space<vmem>>, vector<16xf32>,
    %mul3A_2101 = arith.constant 5.000000e-03 : f32
    %mul3A_2102 = vector.broadcast %mul3A_2101 : f32 to vector<16xf32>
    %mul3A_2103 = arith.mulf %get3A_2100, %mul3A_2102 : vector<16xf32>
    %neg3A_2104 = arith.constant 0.000000e+00 : f32
    %neg3A_2105 = vector.broadcast %neg3A_2104 : f32 to vector<16xf32>
    %neg3A_2106 = arith.subf %neg3A_2105, %mul3A_2103 : vector<16xf32>
    %exp3A_2107 = math.exp %neg3A_2106 : vector<16xf32>
    %add3A_2108 = arith.constant 1.000000e+00 : f32
    %add3A_2109 = vector.broadcast %add3A_2108 : f32 to vector<16xf32>
    %add3A_2110 = arith.addf %add3A_2109, %exp3A_2107 : vector<16xf32>
    %div3A_2111 = arith.constant 1.000000e+00 : f32
    %div3A_2112 = vector.broadcast %div3A_2111 : f32 to vector<16xf32>
    %div3A_2113 = arith.divf %div3A_2112, %add3A_2110 : vector<16xf32>
    %swap3A_2114 = arith.constant 416 : index
    %swap3A_2115 = tpu.vector_load %arg7[%swap3A_2114] {strides = array<i32>} : memref<512xf32, #tpu.memory_space<vmem>>, vector<16xf32>,
    tpu.vector_store %arg7[%swap3A_2114], %div3A_2113 {strides = array<i32>} : memref<512xf32, #tpu.memory_space<vmem>>, vector<16xf32>,
    %get3A_2116 = arith.constant 432 : index
    %get3A_2117 = tpu.vector_load %arg7[%get3A_2116] {strides = array<i32>} : memref<512xf32, #tpu.memory_space<vmem>>, vector<16xf32>,
    %mul3A_2118 = arith.constant 5.000000e-03 : f32
    %mul3A_2119 = vector.broadcast %mul3A_2118 : f32 to vector<16xf32>
    %mul3A_2120 = arith.mulf %get3A_2117, %mul3A_2119 : vector<16xf32>
    %neg3A_2121 = arith.constant 0.000000e+00 : f32
    %neg3A_2122 = vector.broadcast %neg3A_2121 : f32 to vector<16xf32>
    %neg3A_2123 = arith.subf %neg3A_2122, %mul3A_2120 : vector<16xf32>
    %exp3A_2124 = math.exp %neg3A_2123 : vector<16xf32>
    %add3A_2125 = arith.constant 1.000000e+00 : f32
    %add3A_2126 = vector.broadcast %add3A_2125 : f32 to vector<16xf32>
    %add3A_2127 = arith.addf %add3A_2126, %exp3A_2124 : vector<16xf32>
    %div3A_2128 = arith.constant 1.000000e+00 : f32
    %div3A_2129 = vector.broadcast %div3A_2128 : f32 to vector<16xf32>
    %div3A_2130 = arith.divf %div3A_2129, %add3A_2127 : vector<16xf32>
    %swap3A_2131 = arith.constant 432 : index
    %swap3A_2132 = tpu.vector_load %arg7[%swap3A_2131] {strides = array<i32>} : memref<512xf32, #tpu.memory_space<vmem>>, vector<16xf32>,
    tpu.vector_store %arg7[%swap3A_2131], %div3A_2130 {strides = array<i32>} : memref<512xf32, #tpu.memory_space<vmem>>, vector<16xf32>,
    %get3A_2133 = arith.constant 448 : index
    %get3A_2134 = tpu.vector_load %arg7[%get3A_2133] {strides = array<i32>} : memref<512xf32, #tpu.memory_space<vmem>>, vector<16xf32>,
    %mul3A_2135 = arith.constant 5.000000e-03 : f32
    %mul3A_2136 = vector.broadcast %mul3A_2135 : f32 to vector<16xf32>
    %mul3A_2137 = arith.mulf %get3A_2134, %mul3A_2136 : vector<16xf32>
    %neg3A_2138 = arith.constant 0.000000e+00 : f32
    %neg3A_2139 = vector.broadcast %neg3A_2138 : f32 to vector<16xf32>
    %neg3A_2140 = arith.subf %neg3A_2139, %mul3A_2137 : vector<16xf32>
    %exp3A_2141 = math.exp %neg3A_2140 : vector<16xf32>
    %add3A_2142 = arith.constant 1.000000e+00 : f32
    %add3A_2143 = vector.broadcast %add3A_2142 : f32 to vector<16xf32>
    %add3A_2144 = arith.addf %add3A_2143, %exp3A_2141 : vector<16xf32>
    %div3A_2145 = arith.constant 1.000000e+00 : f32
    %div3A_2146 = vector.broadcast %div3A_2145 : f32 to vector<16xf32>
    %div3A_2147 = arith.divf %div3A_2146, %add3A_2144 : vector<16xf32>
    %swap3A_2148 = arith.constant 448 : index
    %swap3A_2149 = tpu.vector_load %arg7[%swap3A_2148] {strides = array<i32>} : memref<512xf32, #tpu.memory_space<vmem>>, vector<16xf32>,
    tpu.vector_store %arg7[%swap3A_2148], %div3A_2147 {strides = array<i32>} : memref<512xf32, #tpu.memory_space<vmem>>, vector<16xf32>,
    %get3A_2150 = arith.constant 464 : index
    %get3A_2151 = tpu.vector_load %arg7[%get3A_2150] {strides = array<i32>} : memref<512xf32, #tpu.memory_space<vmem>>, vector<16xf32>,
    %mul3A_2152 = arith.constant 5.000000e-03 : f32
    %mul3A_2153 = vector.broadcast %mul3A_2152 : f32 to vector<16xf32>
    %mul3A_2154 = arith.mulf %get3A_2151, %mul3A_2153 : vector<16xf32>
    %neg3A_2155 = arith.constant 0.000000e+00 : f32
    %neg3A_2156 = vector.broadcast %neg3A_2155 : f32 to vector<16xf32>
    %neg3A_2157 = arith.subf %neg3A_2156, %mul3A_2154 : vector<16xf32>
    %exp3A_2158 = math.exp %neg3A_2157 : vector<16xf32>
    %add3A_2159 = arith.constant 1.000000e+00 : f32
    %add3A_2160 = vector.broadcast %add3A_2159 : f32 to vector<16xf32>
    %add3A_2161 = arith.addf %add3A_2160, %exp3A_2158 : vector<16xf32>
    %div3A_2162 = arith.constant 1.000000e+00 : f32
    %div3A_2163 = vector.broadcast %div3A_2162 : f32 to vector<16xf32>
    %div3A_2164 = arith.divf %div3A_2163, %add3A_2161 : vector<16xf32>
    %swap3A_2165 = arith.constant 464 : index
    %swap3A_2166 = tpu.vector_load %arg7[%swap3A_2165] {strides = array<i32>} : memref<512xf32, #tpu.memory_space<vmem>>, vector<16xf32>,
    tpu.vector_store %arg7[%swap3A_2165], %div3A_2164 {strides = array<i32>} : memref<512xf32, #tpu.memory_space<vmem>>, vector<16xf32>,
    %get3A_2167 = arith.constant 480 : index
    %get3A_2168 = tpu.vector_load %arg7[%get3A_2167] {strides = array<i32>} : memref<512xf32, #tpu.memory_space<vmem>>, vector<16xf32>,
    %mul3A_2169 = arith.constant 5.000000e-03 : f32
    %mul3A_2170 = vector.broadcast %mul3A_2169 : f32 to vector<16xf32>
    %mul3A_2171 = arith.mulf %get3A_2168, %mul3A_2170 : vector<16xf32>
    %neg3A_2172 = arith.constant 0.000000e+00 : f32
    %neg3A_2173 = vector.broadcast %neg3A_2172 : f32 to vector<16xf32>
    %neg3A_2174 = arith.subf %neg3A_2173, %mul3A_2171 : vector<16xf32>
    %exp3A_2175 = math.exp %neg3A_2174 : vector<16xf32>
    %add3A_2176 = arith.constant 1.000000e+00 : f32
    %add3A_2177 = vector.broadcast %add3A_2176 : f32 to vector<16xf32>
    %add3A_2178 = arith.addf %add3A_2177, %exp3A_2175 : vector<16xf32>
    %div3A_2179 = arith.constant 1.000000e+00 : f32
    %div3A_2180 = vector.broadcast %div3A_2179 : f32 to vector<16xf32>
    %div3A_2181 = arith.divf %div3A_2180, %add3A_2178 : vector<16xf32>
    %swap3A_2182 = arith.constant 480 : index
    %swap3A_2183 = tpu.vector_load %arg7[%swap3A_2182] {strides = array<i32>} : memref<512xf32, #tpu.memory_space<vmem>>, vector<16xf32>,
    tpu.vector_store %arg7[%swap3A_2182], %div3A_2181 {strides = array<i32>} : memref<512xf32, #tpu.memory_space<vmem>>, vector<16xf32>,
    %get3A_2184 = arith.constant 496 : index
    %get3A_2185 = tpu.vector_load %arg7[%get3A_2184] {strides = array<i32>} : memref<512xf32, #tpu.memory_space<vmem>>, vector<16xf32>,
    %mul3A_2186 = arith.constant 5.000000e-03 : f32
    %mul3A_2187 = vector.broadcast %mul3A_2186 : f32 to vector<16xf32>
    %mul3A_2188 = arith.mulf %get3A_2185, %mul3A_2187 : vector<16xf32>
    %neg3A_2189 = arith.constant 0.000000e+00 : f32
    %neg3A_2190 = vector.broadcast %neg3A_2189 : f32 to vector<16xf32>
    %neg3A_2191 = arith.subf %neg3A_2190, %mul3A_2188 : vector<16xf32>
    %exp3A_2192 = math.exp %neg3A_2191 : vector<16xf32>
    %add3A_2193 = arith.constant 1.000000e+00 : f32
    %add3A_2194 = vector.broadcast %add3A_2193 : f32 to vector<16xf32>
    %add3A_2195 = arith.addf %add3A_2194, %exp3A_2192 : vector<16xf32>
    %div3A_2196 = arith.constant 1.000000e+00 : f32
    %div3A_2197 = vector.broadcast %div3A_2196 : f32 to vector<16xf32>
    %div3A_2198 = arith.divf %div3A_2197, %add3A_2195 : vector<16xf32>
    %swap3A_2199 = arith.constant 496 : index
    %swap3A_2200 = tpu.vector_load %arg7[%swap3A_2199] {strides = array<i32>} : memref<512xf32, #tpu.memory_space<vmem>>, vector<16xf32>,
    tpu.vector_store %arg7[%swap3A_2199], %div3A_2198 {strides = array<i32>} : memref<512xf32, #tpu.memory_space<vmem>>, vector<16xf32>,
    "tpu.region"() ({
      %run_scoped3A = tpu.sem_alloc : memref<!tpu.dma_semaphore, #tpu.memory_space<semaphore_mem>>
      %dma_start3A_2201 = arith.constant 0 : i32
      %dma_start3A_2202 = tpu.memref_slice %arg4[%add3A, %dma_start3A_2201] : memref<32x512xf32, #tpu.memory_space<hbm>> -> memref<1x512xf32, #tpu.memory_space<hbm>>
      %dma_start3A_2203 = tpu.memref_squeeze %dma_start3A_2202 : memref<1x512xf32, #tpu.memory_space<hbm>> -> memref<512xf32, #tpu.memory_space<hbm>>
      %dma_start3A_2204 = arith.constant 0 : i32
      %dma_start3A_2205 = tpu.memref_slice %arg4[%add3A, %dma_start3A_2204] : memref<32x512xf32, #tpu.memory_space<hbm>> -> memref<1x512xf32, #tpu.memory_space<hbm>>
      %dma_start3A_2206 = tpu.memref_squeeze %dma_start3A_2205 : memref<1x512xf32, #tpu.memory_space<hbm>> -> memref<512xf32, #tpu.memory_space<hbm>>
      tpu.enqueue_dma source(%arg7 : memref<512xf32, #tpu.memory_space<vmem>>) target(%dma_start3A_2206 : memref<512xf32, #tpu.memory_space<hbm>>) target_semaphore(%run_scoped3A : memref<!tpu.dma_semaphore, #tpu.memory_space<semaphore_mem>>)
      %dma_wait3A_2207 = arith.constant 0 : i32
      %dma_wait3A_2208 = tpu.memref_slice %arg4[%add3A, %dma_wait3A_2207] : memref<32x512xf32, #tpu.memory_space<hbm>> -> memref<1x512xf32, #tpu.memory_space<hbm>>
      %dma_wait3A_2209 = tpu.memref_squeeze %dma_wait3A_2208 : memref<1x512xf32, #tpu.memory_space<hbm>> -> memref<512xf32, #tpu.memory_space<hbm>>
      %dma_wait3A_2210 = arith.constant 0 : i32
      %dma_wait3A_2211 = tpu.memref_slice %arg4[%add3A, %dma_wait3A_2210] : memref<32x512xf32, #tpu.memory_space<hbm>> -> memref<1x512xf32, #tpu.memory_space<hbm>>
      %dma_wait3A_2212 = tpu.memref_squeeze %dma_wait3A_2211 : memref<1x512xf32, #tpu.memory_space<hbm>> -> memref<512xf32, #tpu.memory_space<hbm>>
      tpu.wait_dma2 semaphore(%run_scoped3A : memref<!tpu.dma_semaphore, #tpu.memory_space<semaphore_mem>>) src(%arg7 : memref<512xf32, #tpu.memory_space<vmem>>) dst(%dma_wait3A_2212 : memref<512xf32, #tpu.memory_space<hbm>>)
      tpu.yield
    }) : () -> ()
    return
  }
}

module attributes {stable_mosaic.version = 14 : i64} {
  func.func @_tv_body(%arg0: i32, %arg1: memref<16x32768xf32, #tpu.memory_space<vmem>>, %arg2: memref<16x1xf32, #tpu.memory_space<vmem>>, %arg3: memref<1x1xf32, #tpu.memory_space<smem>>, %arg4: memref<256x128xf32, #tpu.memory_space<vmem>>) attributes {dimension_semantics = [#tpu.dimension_semantics<arbitrary>], iteration_bounds = array<i64: 31>, scalar_prefetch = 0 : i64, scratch_operands = 0 : i64, tpu.core_type = #tpu.core_type<tc>, window_params = [{transform_indices = @transform_0, window_bounds = array<i64: 16, 32768>}, {pipeline_mode = #tpu.pipeline_mode<synchronous>, transform_indices = @transform_1, window_bounds = array<i64: 16, 1>}, {transform_indices = @transform_2, window_bounds = array<i64: 1, 1>}, {transform_indices = @transform_3, window_bounds = array<i64: 256, 128>}]} {
    %get3A = arith.constant 0 : index
    %get3A_0 = arith.constant 0 : index
    %get3A_1 = vector.load %arg1[%get3A, %get3A_0] : memref<16x32768xf32, #tpu.memory_space<vmem>>, vector<16x32768xf32>
    %get3A_2 = arith.constant 0 : index
    %get3A_3 = arith.constant 0 : index
    %get3A_4 = vector.load %arg2[%get3A_2, %get3A_3] : memref<16x1xf32, #tpu.memory_space<vmem>>, vector<16x1xf32>
    %mul3A = vector.broadcast %get3A_4 : vector<16x1xf32> to vector<16x32768xf32>
    %mul3A_5 = arith.mulf %get3A_1, %mul3A : vector<16x32768xf32>
    %reduce_sum3A = arith.constant dense<0.000000e+00> : vector<32768xf32>
    %reduce_sum3A_6 = vector.multi_reduction <add>, %mul3A_5, %reduce_sum3A [0] : vector<16x32768xf32> to vector<32768xf32>
    %get3A_7 = arith.constant 0 : index
    %get3A_8 = arith.constant 0 : index
    %get3A_9 = memref.load %arg3[%get3A_7, %get3A_8] : memref<1x1xf32, #tpu.memory_space<smem>>
    %add3A = vector.broadcast %get3A_9 : f32 to vector<32768xf32>
    %add3A_10 = arith.addf %reduce_sum3A_6, %add3A : vector<32768xf32>
    %reshape3A = vector.shape_cast %add3A_10 : vector<32768xf32> to vector<256x128xf32>
    %swap3A = arith.constant 0 : index
    %swap3A_11 = arith.constant 0 : index
    %swap3A_12 = vector.load %arg4[%swap3A, %swap3A_11] : memref<256x128xf32, #tpu.memory_space<vmem>>, vector<256x128xf32>
    tpu.vector_store %arg4[%swap3A, %swap3A_11], %reshape3A {strides = array<i32>} : memref<256x128xf32, #tpu.memory_space<vmem>>, vector<256x128xf32>,
    return
  }
  func.func @transform_0(%arg0: i32) -> (i32, i32) {
    %c0_i32 = arith.constant 0 : i32
    %c0_i32_0 = arith.constant 0 : i32
    return %c0_i32, %arg0 : i32, i32
  }
  func.func @transform_1(%arg0: i32) -> (i32, i32) {
    %c0_i32 = arith.constant 0 : i32
    %c0_i32_0 = arith.constant 0 : i32
    %c0_i32_1 = arith.constant 0 : i32
    return %c0_i32, %c0_i32_0 : i32, i32
  }
  func.func @transform_2(%arg0: i32) -> (i32, i32) {
    %c0_i32 = arith.constant 0 : i32
    %c0_i32_0 = arith.constant 0 : i32
    %c0_i32_1 = arith.constant 0 : i32
    return %c0_i32, %c0_i32_0 : i32, i32
  }
  func.func @transform_3(%arg0: i32) -> (i32, i32) {
    %c0_i32 = arith.constant 0 : i32
    %c0_i32_0 = arith.constant 0 : i32
    return %arg0, %c0_i32 : i32, i32
  }
}

</mosaic_0001>

<sc_bundles>
// kernel: kernel.4.cloned.1.call-start
scs
__scs_entry_jumppad:
0x0: {  	(pc) =	sbr.rel $0x88, $3  }
0x1: {  	(tag) =	ssettag $0x0;
	lr =	simm.s32 $0x1  }
0x2: {  	[smem:$0x3F9D] =	sst lr;
	_ =	strace $0xD0000000  }
0x3: {  	_ = 	snop  }
0x4: {  	_ = 	snop  }
0x5: {  	_ = 	snop  }
0x6: {  	_ = 	snop  }
0x7: {  	_ = 	snop  }
__scs_overlays_trampoline_lowered:
0x8: {  	[smem:$0x3FAC] =	sst s0  }
0x9: {  	[smem:$0x3FAD] =	sst s1  }
0xa: {  	[smem:$0x3FAE] =	sst s2  }
0xb: {  	[smem:$0x3FAF] =	sst s3  }
0xc: {  	[smem:$0x3FB0] =	sst s4  }
0xd: {  	[smem:$0x3FB1] =	sst s5  }
0xe: {  	[smem:$0x3FB2] =	sst s6  }
0xf: {  	[smem:$0x3FB3] =	sst s7  }
0x10: {  	[smem:$0x3FB4] =	sst s8  }
0x11: {  	[smem:$0x3FB5] =	sst s9;
	s0 =	simm.s32 @!p0 $0x0  }
0x12: {  	s1 =	sld [smem:$0x3F9B];
	s0 =	simm.s32 @p0 $0x1  }
0x13: {  	[smem:$0x3FB6] =	sst s0;
	s0 =	simm.s32 @!p1 $0x0  }
0x14: {  	s2 =	sld [smem:$0x3F9A];
	s0 =	simm.s32 @p1 $0x1  }
0x15: {  	[smem:$0x3FB7] =	sst s0;
	s0 =	simm.s32 @!p2 $0x0  }
0x16: {  	s3 =	sld [smem:$0x3FDB];
	s0 =	simm.s32 @p2 $0x1  }
0x17: {  	s4 =	simm.s32 $0x1BF5;
	[smem:$0x3FB9] =	sst s0  }
0x18: {  	s0 =	sld [smem:$0x3F9C];
	_ =	swait.ge [sflag:s4], $0x0  }
0x19: {  	s7 =	sld [smem:$0x3F9D]  }
0x1a: {  	s8 =	sadd.s32 $0xFFFFE003, lr  }
0x1b: {  	s9 =	sadd.s32 $0xFFFFFEF7, lr;
	s5 =	simm.s32 $0xFFFFFFFF;
	p2 =	slt.u32 s8, $0xFFFFF086  }
0x1c: {  	p1 =	slt.u32 s9, $0xF7A;
	s5 =	simm.s32 @!p2 $0x0  }
0x1d: {  	s5 =	simm.s32 @p1 $0x1;
	p0 =	seq.s32 s7, s2  }
0x1e: {  	s7 =	smul.u32 @!p0 $0xF7A, s2;
	p2 =	seq.s32 @!p0 s5, $0x0  }
0x1f: {  	s9 =	smul.u32 $0xF7A, s1;
	s8 =	simm.s32 @!p0 $0x1BF5;
	p2 =	por !p2, p0  }
0x20: {  	[sflag:s8] =	ssyncset.s32 @!p0 $0xFFFFF086;
	s6 =	sadd.s32 @!p0 s3, s7;
	s7 =	simm.s32 @!p0 $0x108  }
0x21: {  	s3 =	sadd.s32 s3, s9;
	s6 =	sadd.s32 @!p0 $0x88, s6;
	s7 =	simm.s32 @p2 $0x1082  }
0x22: {  	[simem:s7], [sflag:s8] =	dma.local @!p0 [hbm:s6], $0xF7A  }
0x23: {  	s9 =	sor.u32 $0xD0000000, s2;
	s6 =	simm.s32 $0x108;
	_ =	swait.ge @!p0 [sflag:s8], $0x0  }
0x24: {  	s3 =	sadd.s32 $0x88, s3;
	s6 =	simm.s32 @!p1 $0x1082;
	[sflag:s4] =	ssyncset.s32 $0xFFFFF086  }
0x25: {  	[simem:s6], [sflag:s4] =	dma.local [hbm:s3], $0xF7A  }
0x26: {  	[smem:$0x3F9D] =	sst s1;
	(tag) =	ssettag s2;
	_ =	strace s9  }
0x27: {  	s1 =	sld [smem:$0x3FAD]  }
0x28: {  	s2 =	sld [smem:$0x3FAE]  }
0x29: {  	s4 =	sld [smem:$0x3FB0]  }
0x2a: {  	p0 =	seq.s32 s5, $0x0;
	s5 =	sld [smem:$0x3FB1]  }
0x2b: {  	s6 =	sld [smem:$0x3FB2]  }
0x2c: {  	s7 =	sld [smem:$0x3FB3]  }
0x2d: {  	s3 =	simm.s32 $0x108;
	s8 =	sld [smem:$0x3FB4]  }
0x2e: {  	s3 =	simm.s32 @!p0 $0x1082;
	s9 =	sld [smem:$0x3FB5]  }
0x2f: {  	lr =	sadd.s32 s0, s3;
	s0 =	sld [smem:$0x3FAC]  }
0x30: {  	s3 =	sld [smem:$0x3FAF]  }
0x31: {  	[smem:$0x3FB8] =	sst s10  }
0x32: {  	s10 =	sld [smem:$0x3FB6];
	_ =	sdelay $0x3  }
0x33: {  	p0 =	seq.s32 s10, $0x1;
	s10 =	sld [smem:$0x3FB8];
	_ =	sdelay $0x3  }
0x34: {  	[smem:$0x3FB8] =	sst s10  }
0x35: {  	s10 =	sld [smem:$0x3FB7];
	_ =	sdelay $0x3  }
0x36: {  	p1 =	seq.s32 s10, $0x1;
	s10 =	sld [smem:$0x3FB8];
	_ =	sdelay $0x3  }
0x37: {  	[smem:$0x3FB8] =	sst s10  }
0x38: {  	s10 =	sld [smem:$0x3FB9]  }
0x39: {  	_ = 	snop;
	(pc) =	sbr.ind lr, $3  }
0x3a: {  	_ = 	snop  }
0x3b: {  	_ = 	snop  }
0x3c: {  	p2 =	seq.s32 s10, $0x1;
	s10 =	sld [smem:$0x3FB8]  }
0x3d: {  	_ =	shalt  }
0x3e: {  	_ =	shalt  }
0x3f: {  	_ =	shalt  }
0x40: {  	_ =	shalt  }
0x41: {  	_ =	shalt  }
0x42: {  	_ =	shalt  }
0x43: {  	_ =	shalt  }
0x44: {  	_ =	shalt  }
0x45: {  	_ =	shalt  }
0x46: {  	_ =	shalt  }
0x47: {  	_ =	shalt  }
0x48: {  	_ =	shalt  }
0x49: {  	_ =	shalt  }
0x4a: {  	_ =	shalt  }
0x4b: {  	_ =	shalt  }
0x4c: {  	_ =	shalt  }
0x4d: {  	_ =	shalt  }
0x4e: {  	_ =	shalt  }
0x4f: {  	_ =	shalt  }
0x50: {  	_ =	shalt  }
0x51: {  	_ =	shalt  }
0x52: {  	_ =	shalt  }
0x53: {  	_ =	shalt  }
0x54: {  	_ =	shalt  }
0x55: {  	_ =	shalt  }
0x56: {  	_ =	shalt  }
0x57: {  	_ =	shalt  }
0x58: {  	_ =	shalt  }
0x59: {  	_ =	shalt  }
0x5a: {  	_ =	shalt  }
0x5b: {  	_ =	shalt  }
0x5c: {  	_ =	shalt  }
0x5d: {  	_ =	shalt  }
0x5e: {  	_ =	shalt  }
0x5f: {  	_ =	shalt  }
0x60: {  	_ =	shalt  }
0x61: {  	_ =	shalt  }
0x62: {  	_ =	shalt  }
0x63: {  	_ =	shalt  }
0x64: {  	_ =	shalt  }
0x65: {  	_ =	shalt  }
0x66: {  	_ =	shalt  }
0x67: {  	_ =	shalt  }
0x68: {  	_ =	shalt  }
0x69: {  	_ =	shalt  }
0x6a: {  	_ =	shalt  }
0x6b: {  	_ =	shalt  }
0x6c: {  	_ =	shalt  }
0x6d: {  	_ =	shalt  }
0x6e: {  	_ =	shalt  }
0x6f: {  	_ =	shalt  }
0x70: {  	_ =	shalt  }
0x71: {  	_ =	shalt  }
0x72: {  	_ =	shalt  }
0x73: {  	_ =	shalt  }
0x74: {  	_ =	shalt  }
0x75: {  	_ =	shalt  }
0x76: {  	_ =	shalt  }
0x77: {  	_ =	shalt  }
0x78: {  	_ =	shalt  }
0x79: {  	_ =	shalt  }
0x7a: {  	_ =	shalt  }
0x7b: {  	_ =	shalt  }
0x7c: {  	_ =	shalt  }
0x7d: {  	_ =	shalt  }
0x7e: {  	_ =	shalt  }
0x7f: {  	_ =	shalt  }
0x80: {  	_ =	shalt  }
0x81: {  	_ =	shalt  }
0x82: {  	_ =	shalt  }
0x83: {  	_ =	shalt  }
0x84: {  	_ =	shalt  }
0x85: {  	_ =	shalt  }
0x86: {  	_ =	shalt  }
0x87: {  	_ =	shalt  }
.Lfunc_end0:
.L_simem_size_0:
called_computation_lowered:
.L_overlay_start_0:
0x88: {  	s2 =	sld [smem:$0x3FD9]  }
0x89: {  	s3 =	sld [smem:$0x3FFE];
	_ =	sdelay $0x1  }
0x8a: {  	s1 =	srdreg.scid  }
0x8b: {  	s0 =	sand.u32 $0x1, s1  }
0x8c: {  	s17 =	sshll.u32 s0, $0xA;
	s2 =	sadd.s32 s3, s2  }
0x8d: {  	s2 =	sadd.s32 s2, s17  }
0x8e: {  	[smem:$0x3FC4] =	sst s2  }
0x8f: {  	_ = 	snop  }
0x90: {  	s2 =	sld [smem:$0x3FC9];
	(tm) =	ssettm $0x1  }
0x91: {  	s18 =	sld [smem:$0x3FFB];
	_ =	sdelay $0x3  }
0x92: {  	_ =	strace s18  }
0x93: {  	s3 =	sld [smem:$0x3FFC];
	_ =	sdelay $0x3  }
0x94: {  	_ =	strace s3  }
0x95: {  	s3 =	sld [smem:$0x3FFD];
	_ =	sdelay $0x3  }
0x96: {  	_ =	strace s3  }
0x97: {  	_ =	strace $0x8FFFFFFF  }
0x98: {  	s19 =	sld [smem:$0x3FDB];
	_ =	sdelay $0x1  }
0x99: {  	s4 =	simm.s32 $_scs_section_size  }
0x9a: {  	s5 =	simm.s32 $_size__tile_overlayer_lowered;
	s6 =	simm.s32 $_tile_overlayer_lowered  }
0x9b: {  	s22 =	simm.s32 $0x1BFF;
	s21 =	sshll.u32 s6, $0x1;
	s3 =	sadd.s32 s4, s19  }
0x9c: {  	s7 =	simm.s32 $0x0;
	s20 =	sshll.u32 s5, $0x1;
	s5 =	sadd.s32 s21, s3  }
0x9d: {  	[timem:s7], [sflag:s22] =	dma.local [hbm:s5], s20  }
0x9e: {  	_ =	swait.ge [sflag:s22], s20  }
0x9f: {  	s4 =	ssub.s32 $0x0, s20;
	[sflag:s22] =	ssyncset.done $0x0  }
0xa0: {  	[sflag:s22] =	ssyncadd.s32 s4;
	_ =	sdelay $0x1  }
0xa1: {  	s23 =	simm.s32 $0x1B8B  }
0xa2: {  	_ =	swait.ge [sflag:s23], $0x1  }
0xa3: {  	[sflag:s23] =	ssyncset.done $0x0  }
0xa4: {  	s25 =	simm.s32 $0x1B8E;
	s24 =	sld [smem:$0x3FFE];
	[sflag:s23] =	ssyncadd.s32 $0xFFFFFFFF  }
0xa5: {  	s26 =	simm.s32 $execute0_lowered;
	[smem:$0x3FD2] =	sst s25  }
0xa6: {  	s5 =	sshll.u32 s26, $0x1;
	_ =	strace $0x80000046;
	[dreg:$0x1] =	wrdreg $0xFFFFFFFF  }
0xa7: {  	s28 =	simm.s32 $_size_execute0_lowered;
	s3 =	sadd.s32 s3, s5;
	[dreg:$0x0] =	wrdreg $0x0  }
0xa8: {  	s5 =	sshll.u32 s28, $0x1;
	[dreg:$0x2] =	wrdreg s3  }
0xa9: {  	[dreg:$0x3] =	wrdreg s5  }
0xaa: {  	[dreg:$0x4] =	wrdreg $0xC0  }
0xab: {  	_ =	task [dreg:s7], $0x5FFFF  }
0xac: {  	[dreg:$0x1] =	wrdreg $0xFFFFFFFF  }
0xad: {  	[dreg:$0x0] =	wrdreg $0x60  }
0xae: {  	[dreg:$0x2] =	wrdreg s2  }
0xaf: {  	[dreg:$0x3] =	wrdreg s24  }
0xb0: {  	[dreg:$0x4] =	wrdreg $0x12000  }
0xb1: {  	[dreg:$0x5] =	wrdreg $0x9  }
0xb2: {  	_ =	task.clear_ibuf [dreg:s7], $0x6FFFF;
	_ =	strace $0x90000046  }
0xb3: {  	s29 =	simm.s32 $0x9;
	_ =	strace $0x80000048  }
0xb4: {  	_ =	swait.ge [sflag:s29], $0x1  }
0xb5: {  	[sflag:s29] =	ssyncadd.s32 $0xFFFFFFFF  }
0xb6: {  	_ =	strace $0x90000048  }
0xb7: {  	_ =	sfence  }
0xb8: {  	s30 =	sld [smem:$0x0];
	_ =	sdelay $0x2  }
0xb9: {  	s31 =	sshll.u32 s1, $0xD;
	s1 =	sshrl.u32 s1, $0x2  }
0xba: {  	s3 =	sand.u32 $0x4000, s31;
	s1 =	sadd.s32 s1, s30  }
0xbb: {  	s0 =	sor.u32 s3, s0;
	s1 =	sshll.u32 s1, $0x11  }
0xbc: {  	s0 =	sor.u32 s1, s0  }
0xbd: {  	s0 =	sadd.s32 $0x8F2B, s0  }
0xbe: {  	[sflag:s0] =	ssyncadd.remote.s32 $0x1  }
0xbf: {  	_ =	sfence.sel $0xFFFF  }
0xc0: {  	[dreg:$0x0] =	wrdreg $0xFFFFFFFF;
	(pc) =	sbr.abs _section_cstart, $3  }
0xc1: {  	[dreg:$0x1] =	wrdreg $0xFFFFFFFF  }
0xc2: {  	_ =	task.clear_ibuf [dreg:s7], $0x2FFFF;
	_ =	strace $0x9FFFFFFF  }
0xc3: {  	(tm) =	ssettm $0x7FFFFFFF  }
tec
execute0_lowered:
.L_overlay_start_1:
0x0: {  	(tag) =	ssettag $0x1  }
0x1: {  	s2 =	rddreg [dreg:$0x0]  }
0x2: {  	s0 =	rddreg [dreg:$0x1]  }
0x3: {  	s3 =	rddreg [dreg:$0x2]  }
0x4: {  	s11 =	stileid.u32;
	s1 =	srdreg.scid  }
0x5: {  	s4 =	simm.s32 $0x0;
	s12 =	simm.s32 $0x100;
	s13 =	simm.s32 $0x400  }
0x6: {  	s28 =	simm.s32 $0x3;
	s16 =	simm.s32 $0x2;
	s17 =	simm.s32 $0x80  }
0x7: {  	s31 =	simm.s32 $0x1;
	s29 =	simm.s32 $0x800;
	s30 =	simm.s32 $0x900  }
0x8: {  	s18 =	simm.s32 $0xC00;
	s19 =	simm.s32 $0x500;
	s14 =	simm.s32 $0xA80  }
0x9: {  	s15 =	simm.s32 $0xB80;
	s1 =	sand.u32 $0x1, s1;
	s5 =	sshll.u32 s11, $0x1  }
0xa: {  	[smem:$0x7FF] =	sst s4;
	s6 =	smul.u32 $0xF800, s11;
	s23 =	sshll.u32 s11, $0x6  }
0xb: {  	s11 =	simm.s32 $0x280;
	s5 =	sor.u32 s1, s5;
	_ =	strace $0x80000047  }
0xc: {  	s1 =	ssub.s32 $0x2, s1;
	s7 =	sshll.u32 s5, $0x9;
	s8 =	sshll.u32 s5, $0x7  }
0xd: {  	s10 =	sshrl.u32 s6, $0x3;
	s21 =	sshrl.u32 s1, $0x1;
	s5 =	sshll.u32 s5, $0xC  }
0xe: {  	s6 =	sadd.s32 s6, s3;
	s9 =	sand.u32 $0x3000, s7;
	s8 =	sand.u32 $0x380, s8  }
0xf: {  	s20 =	sadd.s32 s10, s0;
	s1 =	ssub.s32 s1, s21;
	s22 =	sadd.s32 s2, s7  }
0x10: {  	s7 =	sor.u32 $0x1C03, s23;
	s26 =	sshrl.u32 s6, $0x3;
	s2 =	simm.s32 $0x300  }
0x11: {  	s21 =	simm.s32 $0x600;
	s10 =	simm.s32 $0x980;
	s6 =	simm.s32 $0x380  }
0x12: {  	s23 =	simm.s32 $0x0;
	s8 =	sor.u32 s8, s9;
	[dreg:$0x6] =	wrdreg s7  }
0x13: {  	s9 =	sadd.s32 $0x600, s20;
	[dreg:$0x4] =	wrdreg s22;
	s24 =	sadd.s32 $0x20, s22  }
0x14: {  	s25 =	smax.u32 s1, $0x1;
	[dreg:$0xa] =	wrdreg s26;
	s20 =	simm.s32 $0xD00  }
0x15: {  	s22 =	simm.s32 $0xE00;
	s8 =	sshrl.u32 s8, $0x3;
	[dreg:$0x5] =	wrdreg s9  }
0x16: {  	s7 =	simm.s32 $0xB00;
	[dreg:$0x7] =	wrdreg s24;
	s0 =	sadd.s32 s8, s0  }
0x17: {  	[dreg:$0x9] =	wrdreg s25;
	s9 =	simm.s32 $0x180;
	s0 =	sadd.s32 $0x1F600, s0  }
0x18: {  	s8 =	simm.s32 $0x880;
	[dreg:$0x8] =	wrdreg s0;
	s0 =	simm.s32 $0x0  }
.LBB2_1:
0x19: {  	[dreg:$0xb] =	wrdreg s0  }
0x1a: {  	s24 =	rddreg [dreg:$0x4]  }
0x1b: {  	s1 =	rddreg [dreg:$0x5]  }
0x1c: {  	s25 =	rddreg [dreg:$0x6]  }
0x1d: {  	s26 =	rddreg [dreg:$0xa]  }
0x1e: {  	[tilespmem:s4], [sflag:$0x2] =	stream.strided.gather [hbm4b:s24+s12], $0x400, s13, s12, $0x38;
	[tilespmem:$0x10A00] =	vst v63  }
0x1f: {  	[spmem:s26], [sflag:s25] =	dma.local [hbm:s1], $0x1F00  }
0x20: {  	_ =	swait.ge [sflag:s28], $0x1F00  }
0x21: {  	[sflag:s28] =	ssyncset.done $0x0  }
0x22: {  	[sflag:s28] =	ssyncadd.s32 $0xFFFFE100  }
0x23: {  	v0 =	vimm.f32 $0.0e+00;
	[bflag:$0x0] =	sbarrier.arrive $0xFFFF  }
0x24: {  	[tilespmem:$0x1000] =	vst v0  }
0x25: {  	[tilespmem:$0x1010] =	vst v0  }
0x26: {  	[tilespmem:$0x1020] =	vst v0  }
0x27: {  	[tilespmem:$0x1030] =	vst v0  }
0x28: {  	[tilespmem:$0x1040] =	vst v0  }
0x29: {  	[tilespmem:$0x1050] =	vst v0  }
0x2a: {  	[tilespmem:$0x1060] =	vst v0  }
0x2b: {  	[tilespmem:$0x1070] =	vst v0  }
0x2c: {  	[tilespmem:$0x1080] =	vst v0  }
0x2d: {  	[tilespmem:$0x1090] =	vst v0  }
0x2e: {  	[tilespmem:$0x10A0] =	vst v0  }
0x2f: {  	[tilespmem:$0x10B0] =	vst v0  }
0x30: {  	[tilespmem:$0x10C0] =	vst v0  }
0x31: {  	[tilespmem:$0x10D0] =	vst v0  }
0x32: {  	[tilespmem:$0x10E0] =	vst v0  }
0x33: {  	[tilespmem:$0x10F0] =	vst v0  }
0x34: {  	[tilespmem:$0x1100] =	vst v0  }
0x35: {  	[tilespmem:$0x1110] =	vst v0  }
0x36: {  	[tilespmem:$0x1120] =	vst v0  }
0x37: {  	[tilespmem:$0x1130] =	vst v0  }
0x38: {  	[tilespmem:$0x1140] =	vst v0  }
0x39: {  	[tilespmem:$0x1150] =	vst v0  }
0x3a: {  	[tilespmem:$0x1160] =	vst v0  }
0x3b: {  	[tilespmem:$0x1170] =	vst v0  }
0x3c: {  	[tilespmem:$0x1180] =	vst v0  }
0x3d: {  	[tilespmem:$0x1190] =	vst v0  }
0x3e: {  	[tilespmem:$0x11A0] =	vst v0  }
0x3f: {  	[tilespmem:$0x11B0] =	vst v0  }
0x40: {  	[tilespmem:$0x11C0] =	vst v0  }
0x41: {  	[tilespmem:$0x11D0] =	vst v0  }
0x42: {  	[tilespmem:$0x11E0] =	vst v0  }
0x43: {  	[tilespmem:$0x11F0] =	vst v0  }
0x44: {  	_ =	swait.ge [sflag:s16], $0x400  }
0x45: {  	[sflag:s16] =	ssyncset.done $0x0  }
0x46: {  	[sflag:s16] =	ssyncadd.s32 $0xFFFFFC00  }
0x47: {  	[tilespmem:s29], [sflag:$0x1] =	stream.indirect.gather [spmem:s3], $0x1, s4, s17, $0xb8;
	[tilespmem:$0x10A00] =	vst v63  }
0x48: {  	_ = 	snop  }
0x49: {  	[tilespmem:s30], [sflag:$0x1] =	stream.indirect.gather [spmem:s3], $0x1, s12, s17, $0xb8;
	[tilespmem:$0x10A00] =	vst v63  }
0x4a: {  	s0 =	simm.s32 $0x200;
	s1 =	simm.s32 $0xA00  }
0x4b: {  	[tilespmem:s1], [sflag:$0x1] =	stream.indirect.gather [spmem:s3], $0x1, s0, s17, $0xb8;
	[tilespmem:$0x10A00] =	vst v63  }
0x4c: {  	_ = 	snop  }
0x4d: {  	[tilespmem:s7], [sflag:$0x1] =	stream.indirect.gather [spmem:s3], $0x1, s2, s17, $0xb8;
	[tilespmem:$0x10A00] =	vst v63  }
0x4e: {  	_ = 	snop  }
0x4f: {  	[tilespmem:s8], [sflag:$0x1] =	stream.indirect.gather [spmem:s3], $0x1, s17, s17, $0xb8;
	[tilespmem:$0x10A00] =	vst v63  }
0x50: {  	_ = 	snop  }
0x51: {  	[tilespmem:s10], [sflag:$0x1] =	stream.indirect.gather [spmem:s3], $0x1, s9, s17, $0xb8;
	[tilespmem:$0x10A00] =	vst v63  }
0x52: {  	_ = 	snop  }
0x53: {  	[tilespmem:s14], [sflag:$0x1] =	stream.indirect.gather [spmem:s3], $0x1, s11, s17, $0xb8;
	[tilespmem:$0x10A00] =	vst v63  }
0x54: {  	s24 =	simm.s32 $0x18000;
	s28 =	rddreg [dreg:$0x7]  }
0x55: {  	[tilespmem:s15], [sflag:$0x1] =	stream.indirect.gather [spmem:s3], $0x1, s6, s17, $0xb8;
	[tilespmem:$0x10A00] =	vst v63  }
0x56: {  	s25 =	simm.s32 $0x300;
	s4 =	rddreg [dreg:$0x0];
	s2 =	simm.s32 $0x300  }
0x57: {  	[tilespmem:s13], [sflag:$0x2] =	stream.strided.gather [hbm4b:s28+s12], $0x400, s13, s12, $0x38;
	[tilespmem:$0x10A00] =	vst v63  }
.LBB2_2:
0x58: {  	_ =	swait.ge [sflag:s31], $0x80  }
0x59: {  	[sflag:s31] =	ssyncset.done $0x0  }
0x5a: {  	[sflag:s31] =	ssyncadd.s32 $0xFFFFFF80  }
0x5b: {  	_ =	swait.ge [sflag:s31], $0x80  }
0x5c: {  	[sflag:s31] =	ssyncset.done $0x0  }
0x5d: {  	[sflag:s31] =	ssyncadd.s32 $0xFFFFFF80  }
0x5e: {  	_ =	swait.ge [sflag:s31], $0x80  }
0x5f: {  	[sflag:s31] =	ssyncset.done $0x0  }
0x60: {  	[sflag:s31] =	ssyncadd.s32 $0xFFFFFF80  }
0x61: {  	_ =	swait.ge [sflag:s31], $0x80  }
0x62: {  	[sflag:s31] =	ssyncset.done $0x0  }
0x63: {  	[sflag:s31] =	ssyncadd.s32 $0xFFFFFF80  }
0x64: {  	_ =	swait.ge [sflag:s31], $0x80  }
0x65: {  	[sflag:s31] =	ssyncset.done $0x0  }
0x66: {  	[sflag:s31] =	ssyncadd.s32 $0xFFFFFF80  }
0x67: {  	_ =	swait.ge [sflag:s31], $0x80  }
0x68: {  	[sflag:s31] =	ssyncset.done $0x0  }
0x69: {  	[sflag:s31] =	ssyncadd.s32 $0xFFFFFF80  }
0x6a: {  	_ =	swait.ge [sflag:s31], $0x80  }
0x6b: {  	[sflag:s31] =	ssyncset.done $0x0  }
0x6c: {  	[sflag:s31] =	ssyncadd.s32 $0xFFFFFF80  }
0x6d: {  	_ =	swait.ge [sflag:s31], $0x80  }
0x6e: {  	[sflag:s31] =	ssyncset.done $0x0  }
0x6f: {  	[sflag:s31] =	ssyncadd.s32 $0xFFFFFF80  }
0x70: {  	_ =	swait.ge [sflag:s16], $0x400  }
0x71: {  	[sflag:s16] =	ssyncset.done $0x0  }
0x72: {  	[sflag:s16] =	ssyncadd.s32 $0xFFFFFC00  }
0x73: {  	[tilespmem:s18], [sflag:$0x1] =	stream.indirect.gather [spmem:s3], $0x1, s13, s17, $0xb8;
	[tilespmem:$0x10A00] =	vst v63  }
0x74: {  	_ = 	snop  }
0x75: {  	[tilespmem:s20], [sflag:$0x1] =	stream.indirect.gather [spmem:s3], $0x1, s19, s17, $0xb8;
	[tilespmem:$0x10A00] =	vst v63  }
0x76: {  	_ = 	snop  }
0x77: {  	[tilespmem:s22], [sflag:$0x1] =	stream.indirect.gather [spmem:s3], $0x1, s21, s17, $0xb8;
	[tilespmem:$0x10A00] =	vst v63  }
0x78: {  	s26 =	simm.s32 $0x700;
	s28 =	simm.s32 $0xF00  }
0x79: {  	[tilespmem:s28], [sflag:$0x1] =	stream.indirect.gather [spmem:s3], $0x1, s26, s17, $0xb8;
	[tilespmem:$0x10A00] =	vst v63  }
0x7a: {  	s26 =	simm.s32 $0x480;
	s28 =	simm.s32 $0xC80  }
0x7b: {  	[tilespmem:s28], [sflag:$0x1] =	stream.indirect.gather [spmem:s3], $0x1, s26, s17, $0xb8;
	[tilespmem:$0x10A00] =	vst v63  }
0x7c: {  	s26 =	simm.s32 $0x580;
	s28 =	simm.s32 $0xD80  }
0x7d: {  	[tilespmem:s28], [sflag:$0x1] =	stream.indirect.gather [spmem:s3], $0x1, s26, s17, $0xb8;
	[tilespmem:$0x10A00] =	vst v63  }
0x7e: {  	s26 =	simm.s32 $0x680;
	s28 =	simm.s32 $0xE80  }
0x7f: {  	[tilespmem:s28], [sflag:$0x1] =	stream.indirect.gather [spmem:s3], $0x1, s26, s17, $0xb8;
	[tilespmem:$0x10A00] =	vst v63  }
0x80: {  	s26 =	simm.s32 $0x780;
	s28 =	simm.s32 $0xF80  }
0x81: {  	[tilespmem:s28], [sflag:$0x1] =	stream.indirect.gather [spmem:s3], $0x1, s26, s17, $0xb8;
	[tilespmem:$0x10A00] =	vst v63  }
0x82: {  	s26 =	sadd.s32 $0xFFFFFF00, s25;
	s28 =	sadd.s32 $0xFFFF8000, s24  }
0x83: {  	s26 =	sand.u32 $0x200, s26;
	s28 =	sand.u32 $0x7E0000, s28  }
0x84: {  	s26 =	sor.u32 s28, s26  }
0x85: {  	s26 =	sor.u32 s5, s26  }
0x86: {  	s26 =	sshrl.u32 s26, $0x3  }
0x87: {  	s26 =	sadd.s32 s4, s26  }
0x88: {  	[tilespmem:s23], [sflag:$0x2] =	stream.strided.gather [hbm4b:s26+s12], $0x400, s13, s12, $0x38;
	[tilespmem:$0x10A00] =	vst v63  }
0x89: {  	v1 =	vld [tilespmem:$0x1000]  }
0x8a: {  	v2 =	vld [tilespmem:$0x800]  }
0x8b: {  	v3 =	vld [tilespmem:$0x880]  }
0x8c: {  	v4 =	vld [tilespmem:$0x1010]  }
0x8d: {  	v5 =	vld [tilespmem:$0x810]  }
0x8e: {  	v6 =	vld [tilespmem:$0x890]  }
0x8f: {  	v7 =	vld [tilespmem:$0x1020]  }
0x90: {  	v8 =	vld [tilespmem:$0x820]  }
0x91: {  	v9 =	vld [tilespmem:$0x8A0]  }
0x92: {  	v10 =	vld [tilespmem:$0x1030]  }
0x93: {  	v11 =	vld [tilespmem:$0x830]  }
0x94: {  	v12 =	vld [tilespmem:$0x8B0]  }
0x95: {  	v13 =	vld [tilespmem:$0x1040]  }
0x96: {  	v14 =	vld [tilespmem:$0x840]  }
0x97: {  	v15 =	vld [tilespmem:$0x8C0]  }
0x98: {  	v16 =	vld [tilespmem:$0x1050]  }
0x99: {  	v17 =	vld [tilespmem:$0x850]  }
0x9a: {  	v18 =	vld [tilespmem:$0x8D0]  }
0x9b: {  	v19 =	vld [tilespmem:$0x1060]  }
0x9c: {  	v20 =	vld [tilespmem:$0x860]  }
0x9d: {  	v21 =	vld [tilespmem:$0x8E0]  }
0x9e: {  	v22 =	vld [tilespmem:$0x1070]  }
0x9f: {  	v23 =	vld [tilespmem:$0x870]  }
0xa0: {  	v24 =	vld [tilespmem:$0x8F0]  }
0xa1: {  	v25 =	vld [tilespmem:$0x1080]  }
0xa2: {  	v26 =	vld [tilespmem:$0x900]  }
0xa3: {  	v27 =	vld [tilespmem:$0x980]  }
0xa4: {  	v28 =	vld [tilespmem:$0x1090]  }
0xa5: {  	v29 =	vld [tilespmem:$0x910]  }
0xa6: {  	v30 =	vld [tilespmem:$0x990]  }
0xa7: {  	v31 =	vld [tilespmem:$0x10A0]  }
0xa8: {  	v32 =	vld [tilespmem:$0x920]  }
0xa9: {  	v33 =	vld [tilespmem:$0x9A0]  }
0xaa: {  	v34 =	vld [tilespmem:$0x10B0]  }
0xab: {  	v35 =	vld [tilespmem:$0x930]  }
0xac: {  	v36 =	vld [tilespmem:$0x9B0]  }
0xad: {  	v37 =	vld [tilespmem:$0x10C0]  }
0xae: {  	v38 =	vld [tilespmem:$0x940]  }
0xaf: {  	v39 =	vld [tilespmem:$0x9C0]  }
0xb0: {  	v40 =	vld [tilespmem:$0x10D0]  }
0xb1: {  	v41 =	vld [tilespmem:$0x950]  }
0xb2: {  	v42 =	vld [tilespmem:$0x9D0]  }
0xb3: {  	v43 =	vld [tilespmem:$0x10E0]  }
0xb4: {  	v44 =	vld [tilespmem:$0x960]  }
0xb5: {  	v45 =	vld [tilespmem:$0x9E0]  }
0xb6: {  	v46 =	vld [tilespmem:$0x10F0]  }
0xb7: {  	v47 =	vld [tilespmem:$0x970]  }
0xb8: {  	v48 =	vld [tilespmem:$0x9F0]  }
0xb9: {  	v49 =	vld [tilespmem:$0x1100]  }
0xba: {  	v50 =	vld [tilespmem:$0xA00]  }
0xbb: {  	v51 =	vld [tilespmem:$0xA80]  }
0xbc: {  	v52 =	vld [tilespmem:$0x1110]  }
0xbd: {  	v53 =	vld [tilespmem:$0xA10]  }
0xbe: {  	v57 =	vld [tilespmem:$0xA90]  }
0xbf: {  	v55 =	vld [tilespmem:$0x1120]  }
0xc0: {  	v56 =	vld [tilespmem:$0xA20]  }
0xc1: {  	v63 =	vld [tilespmem:$0xAA0]  }
0xc2: {  	v58 =	vld [tilespmem:$0x1130]  }
0xc3: {  	v59 =	vld [tilespmem:$0xA30]  }
0xc4: {  	v0 =	vld [tilespmem:$0xAB0]  }
0xc5: {  	v60 =	vld [tilespmem:$0xAC0]  }
0xc6: {  	v61 =	vld [tilespmem:$0x1140]  }
0xc7: {  	v62 =	vld [tilespmem:$0xA40]  }
0xc8: {  	v54 =	vld [tilespmem:$0x1150]  }
0xc9: {  	[tilespmem:$0x1FFA0] =	vst v0;
	v0 =	vld [tilespmem:$0xA50];
	v1 =	vadd.f32 v2, v1  }
0xca: {  	[tilespmem:$0x1FFB0] =	vst v60;
	v60 =	vld [tilespmem:$0xAD0];
	v4 =	vadd.f32 v5, v4;
	v55 =	vadd.f32 v56, v55  }
0xcb: {  	v2 =	vld [tilespmem:$0xA60];
	v1 =	vadd.f32 v3, v1;
	v3 =	vadd.f32 v8, v7  }
0xcc: {  	v5 =	vld [tilespmem:$0xAE0];
	v4 =	vadd.f32 v6, v4;
	v6 =	vadd.f32 v11, v10  }
0xcd: {  	v56 =	vld [tilespmem:$0xB40];
	v58 =	vadd.f32 v59, v58;
	[tilespmem:$0x1000] =	vst v1;
	v1 =	vadd.f32 v9, v3  }
0xce: {  	v59 =	vld [tilespmem:$0xBC0];
	v3 =	vadd.f32 v14, v13;
	v13 =	vadd.f32 v12, v6  }
0xcf: {  	v7 =	vld [tilespmem:$0x1170];
	v14 =	vadd.f32 v17, v16;
	v17 =	vadd.f32 v20, v19  }
0xd0: {  	v8 =	vld [tilespmem:$0xA70];
	v20 =	vadd.f32 v23, v22;
	v23 =	vadd.f32 v26, v25  }
0xd1: {  	v10 =	vld [tilespmem:$0x1180];
	v26 =	vadd.f32 v29, v28;
	v29 =	vadd.f32 v32, v31  }
0xd2: {  	v11 =	vld [tilespmem:$0xB00];
	v32 =	vadd.f32 v35, v34;
	v35 =	vadd.f32 v38, v37  }
0xd3: {  	v9 =	vld [tilespmem:$0xAF0];
	[tilespmem:$0x1010] =	vst v4;
	v38 =	vadd.f32 v41, v40;
	v41 =	vadd.f32 v44, v43  }
0xd4: {  	v12 =	vld [tilespmem:$0xB80];
	v44 =	vadd.f32 v47, v46;
	v47 =	vadd.f32 v50, v49;
	[tilespmem:$0x1FFC0] =	vst v60  }
0xd5: {  	v50 =	vadd.f32 v53, v52;
	v52 =	vld [tilespmem:$0x11C0];
	[tilespmem:$0x1020] =	vst v1;
	v16 =	vadd.f32 v15, v3  }
0xd6: {  	v60 =	vld [tilespmem:$0x1160];
	[tilespmem:$0x1030] =	vst v13;
	v19 =	vadd.f32 v18, v14  }
0xd7: {  	v22 =	vadd.f32 v21, v17;
	v13 =	vld [tilespmem:$0x1190];
	[tilespmem:$0x1040] =	vst v16  }
0xd8: {  	v25 =	vadd.f32 v24, v20;
	v14 =	vld [tilespmem:$0xB10];
	[tilespmem:$0x1050] =	vst v19  }
0xd9: {  	v28 =	vadd.f32 v27, v23;
	v15 =	vld [tilespmem:$0xB90];
	[tilespmem:$0x1060] =	vst v22  }
0xda: {  	v31 =	vadd.f32 v30, v26;
	v17 =	vld [tilespmem:$0xB20];
	[tilespmem:$0x1070] =	vst v25  }
0xdb: {  	v34 =	vadd.f32 v33, v29;
	v18 =	vld [tilespmem:$0xBA0];
	[tilespmem:$0x1080] =	vst v28  }
0xdc: {  	v37 =	vadd.f32 v36, v32;
	v20 =	vld [tilespmem:$0xB30];
	[tilespmem:$0x1090] =	vst v31  }
0xdd: {  	v40 =	vadd.f32 v39, v35;
	v21 =	vld [tilespmem:$0xBB0];
	[tilespmem:$0x10A0] =	vst v34  }
0xde: {  	v43 =	vadd.f32 v42, v38;
	v30 =	vld [tilespmem:$0x11D0];
	[tilespmem:$0x10B0] =	vst v37  }
0xdf: {  	v46 =	vadd.f32 v45, v41;
	v32 =	vld [tilespmem:$0xB50];
	[tilespmem:$0x10C0] =	vst v40  }
0xe0: {  	v49 =	vadd.f32 v48, v44;
	v33 =	vld [tilespmem:$0x1FFB0];
	[tilespmem:$0x10D0] =	vst v43  }
0xe1: {  	v53 =	vadd.f32 v51, v47;
	v35 =	vld [tilespmem:$0x1FFC0];
	[tilespmem:$0x10E0] =	vst v46  }
0xe2: {  	v57 =	vadd.f32 v57, v50;
	v36 =	vadd.f32 v8, v7;
	v16 =	vld [tilespmem:$0x11A0];
	[tilespmem:$0x10F0] =	vst v49  }
0xe3: {  	v39 =	vadd.f32 v11, v10;
	v19 =	vld [tilespmem:$0x11B0];
	[tilespmem:$0x1100] =	vst v53;
	v28 =	vadd.f32 v63, v55  }
0xe4: {  	v29 =	vadd.f32 v62, v61;
	[tilespmem:$0x1110] =	vst v57;
	v31 =	vld [tilespmem:$0x1FFA0];
	v41 =	vadd.f32 v9, v36  }
0xe5: {  	v0 =	vadd.f32 v0, v54;
	v34 =	vld [tilespmem:$0xBD0];
	v44 =	vadd.f32 v12, v39;
	[tilespmem:$0x1120] =	vst v28  }
0xe6: {  	v37 =	vld [tilespmem:$0x11E0];
	v51 =	vadd.f32 v56, v52;
	v1 =	vadd.f32 v33, v29;
	[tilespmem:$0x1170] =	vst v41  }
0xe7: {  	v40 =	vld [tilespmem:$0xB60];
	v2 =	vadd.f32 v2, v60;
	v0 =	vadd.f32 v35, v0;
	[tilespmem:$0x1180] =	vst v44  }
0xe8: {  	v43 =	vld [tilespmem:$0x11F0];
	v55 =	vadd.f32 v59, v51;
	[tilespmem:$0x1140] =	vst v1  }
0xe9: {  	v46 =	vld [tilespmem:$0xB70];
	v42 =	vadd.f32 v14, v13;
	v38 =	vadd.f32 v5, v2;
	[tilespmem:$0x1150] =	vst v0  }
0xea: {  	v49 =	vld [tilespmem:$0xBE0];
	v54 =	vadd.f32 v32, v30;
	v4 =	vadd.f32 v31, v58;
	[tilespmem:$0x11C0] =	vst v55  }
0xeb: {  	v52 =	vld [tilespmem:$0xBF0];
	v45 =	vadd.f32 v17, v16;
	v47 =	vadd.f32 v15, v42;
	[tilespmem:$0x1160] =	vst v38  }
0xec: {  	v48 =	vadd.f32 v20, v19;
	v57 =	vadd.f32 v34, v54;
	[tilespmem:$0x1130] =	vst v4  }
0xed: {  	v56 =	vadd.f32 v40, v37;
	v50 =	vadd.f32 v18, v45;
	[tilespmem:$0x1190] =	vst v47  }
0xee: {  	v58 =	vadd.f32 v46, v43;
	v53 =	vadd.f32 v21, v48;
	[tilespmem:$0x11D0] =	vst v57  }
0xef: {  	v59 =	vadd.f32 v49, v56;
	[tilespmem:$0x11A0] =	vst v50  }
0xf0: {  	v60 =	vadd.f32 v52, v58;
	[tilespmem:$0x11B0] =	vst v53  }
0xf1: {  	[tilespmem:$0x11E0] =	vst v59  }
0xf2: {  	[tilespmem:$0x11F0] =	vst v60  }
0xf3: {  	_ =	swait.ge [sflag:s31], $0x80  }
0xf4: {  	[sflag:s31] =	ssyncset.done $0x0  }
0xf5: {  	[sflag:s31] =	ssyncadd.s32 $0xFFFFFF80  }
0xf6: {  	_ =	swait.ge [sflag:s31], $0x80  }
0xf7: {  	[sflag:s31] =	ssyncset.done $0x0  }
0xf8: {  	[sflag:s31] =	ssyncadd.s32 $0xFFFFFF80  }
0xf9: {  	_ =	swait.ge [sflag:s31], $0x80  }
0xfa: {  	[sflag:s31] =	ssyncset.done $0x0  }
0xfb: {  	[sflag:s31] =	ssyncadd.s32 $0xFFFFFF80  }
0xfc: {  	_ =	swait.ge [sflag:s31], $0x80  }
0xfd: {  	[sflag:s31] =	ssyncset.done $0x0  }
0xfe: {  	[sflag:s31] =	ssyncadd.s32 $0xFFFFFF80  }
0xff: {  	_ =	swait.ge [sflag:s31], $0x80  }
0x100: {  	[sflag:s31] =	ssyncset.done $0x0  }
0x101: {  	[sflag:s31] =	ssyncadd.s32 $0xFFFFFF80  }
0x102: {  	_ =	swait.ge [sflag:s31], $0x80  }
0x103: {  	[sflag:s31] =	ssyncset.done $0x0  }
0x104: {  	[sflag:s31] =	ssyncadd.s32 $0xFFFFFF80  }
0x105: {  	_ =	swait.ge [sflag:s31], $0x80  }
0x106: {  	[sflag:s31] =	ssyncset.done $0x0  }
0x107: {  	[sflag:s31] =	ssyncadd.s32 $0xFFFFFF80  }
0x108: {  	_ =	swait.ge [sflag:s31], $0x80  }
0x109: {  	[sflag:s31] =	ssyncset.done $0x0  }
0x10a: {  	[sflag:s31] =	ssyncadd.s32 $0xFFFFFF80  }
0x10b: {  	_ =	swait.ge [sflag:s16], $0x400  }
0x10c: {  	[sflag:s16] =	ssyncset.done $0x0  }
0x10d: {  	[sflag:s16] =	ssyncadd.s32 $0xFFFFFC00  }
0x10e: {  	[tilespmem:s29], [sflag:$0x1] =	stream.indirect.gather [spmem:s3], $0x1, s23, s17, $0xb8;
	[tilespmem:$0x10A00] =	vst v63  }
0x10f: {  	_ = 	snop  }
0x110: {  	[tilespmem:s30], [sflag:$0x1] =	stream.indirect.gather [spmem:s3], $0x1, s12, s17, $0xb8;
	[tilespmem:$0x10A00] =	vst v63  }
0x111: {  	_ = 	snop  }
0x112: {  	[tilespmem:s1], [sflag:$0x1] =	stream.indirect.gather [spmem:s3], $0x1, s0, s17, $0xb8;
	[tilespmem:$0x10A00] =	vst v63  }
0x113: {  	_ = 	snop  }
0x114: {  	[tilespmem:s7], [sflag:$0x1] =	stream.indirect.gather [spmem:s3], $0x1, s2, s17, $0xb8;
	[tilespmem:$0x10A00] =	vst v63  }
0x115: {  	s28 =	sand.u32 $0x7E0000, s24;
	s26 =	sand.u32 $0x300, s25  }
0x116: {  	[tilespmem:s8], [sflag:$0x1] =	stream.indirect.gather [spmem:s3], $0x1, s17, s17, $0xb8;
	[tilespmem:$0x10A00] =	vst v63  }
0x117: {  	s26 =	sor.u32 s28, s26  }
0x118: {  	[tilespmem:s10], [sflag:$0x1] =	stream.indirect.gather [spmem:s3], $0x1, s9, s17, $0xb8;
	[tilespmem:$0x10A00] =	vst v63  }
0x119: {  	s26 =	sor.u32 s5, s26  }
0x11a: {  	[tilespmem:s14], [sflag:$0x1] =	stream.indirect.gather [spmem:s3], $0x1, s11, s17, $0xb8;
	[tilespmem:$0x10A00] =	vst v63  }
0x11b: {  	s26 =	sshrl.u32 s26, $0x3  }
0x11c: {  	[tilespmem:s15], [sflag:$0x1] =	stream.indirect.gather [spmem:s3], $0x1, s6, s17, $0xb8;
	[tilespmem:$0x10A00] =	vst v63  }
0x11d: {  	s26 =	sadd.s32 s4, s26  }
0x11e: {  	[tilespmem:s13], [sflag:$0x2] =	stream.strided.gather [hbm4b:s26+s12], $0x400, s13, s12, $0x38;
	[tilespmem:$0x10A00] =	vst v63  }
0x11f: {  	v0 =	vld [tilespmem:$0x1000]  }
0x120: {  	v1 =	vld [tilespmem:$0xC00]  }
0x121: {  	v2 =	vld [tilespmem:$0xC80]  }
0x122: {  	v3 =	vld [tilespmem:$0x1010]  }
0x123: {  	v4 =	vld [tilespmem:$0xC10]  }
0x124: {  	v5 =	vld [tilespmem:$0xC90]  }
0x125: {  	v6 =	vld [tilespmem:$0x1020]  }
0x126: {  	v7 =	vld [tilespmem:$0xC20]  }
0x127: {  	v8 =	vld [tilespmem:$0xCA0]  }
0x128: {  	v9 =	vld [tilespmem:$0x1030]  }
0x129: {  	v10 =	vld [tilespmem:$0xC30]  }
0x12a: {  	v11 =	vld [tilespmem:$0xCB0]  }
0x12b: {  	v12 =	vld [tilespmem:$0x1040]  }
0x12c: {  	v13 =	vld [tilespmem:$0xC40]  }
0x12d: {  	v14 =	vld [tilespmem:$0xCC0]  }
0x12e: {  	v15 =	vld [tilespmem:$0x1050]  }
0x12f: {  	v16 =	vld [tilespmem:$0xC50]  }
0x130: {  	v17 =	vld [tilespmem:$0xCD0]  }
0x131: {  	v18 =	vld [tilespmem:$0x1060]  }
0x132: {  	v19 =	vld [tilespmem:$0xC60]  }
0x133: {  	v20 =	vld [tilespmem:$0xCE0]  }
0x134: {  	v21 =	vld [tilespmem:$0x1070]  }
0x135: {  	v22 =	vld [tilespmem:$0xC70]  }
0x136: {  	v23 =	vld [tilespmem:$0xCF0]  }
0x137: {  	v24 =	vld [tilespmem:$0x1080]  }
0x138: {  	v25 =	vld [tilespmem:$0xD00]  }
0x139: {  	v26 =	vld [tilespmem:$0xD80]  }
0x13a: {  	v27 =	vld [tilespmem:$0x1090]  }
0x13b: {  	v28 =	vld [tilespmem:$0xD10]  }
0x13c: {  	v29 =	vld [tilespmem:$0xD90]  }
0x13d: {  	v30 =	vld [tilespmem:$0x10A0]  }
0x13e: {  	v31 =	vld [tilespmem:$0xD20]  }
0x13f: {  	v32 =	vld [tilespmem:$0xDA0]  }
0x140: {  	v33 =	vld [tilespmem:$0x10B0]  }
0x141: {  	v34 =	vld [tilespmem:$0xD30]  }
0x142: {  	v35 =	vld [tilespmem:$0xDB0]  }
0x143: {  	v36 =	vld [tilespmem:$0x10C0]  }
0x144: {  	v37 =	vld [tilespmem:$0xD40]  }
0x145: {  	v38 =	vld [tilespmem:$0xDC0]  }
0x146: {  	v39 =	vld [tilespmem:$0x10D0]  }
0x147: {  	v40 =	vld [tilespmem:$0xD50]  }
0x148: {  	v41 =	vld [tilespmem:$0xDD0]  }
0x149: {  	v42 =	vld [tilespmem:$0x10E0]  }
0x14a: {  	v43 =	vld [tilespmem:$0xD60]  }
0x14b: {  	v44 =	vld [tilespmem:$0xDE0]  }
0x14c: {  	v45 =	vld [tilespmem:$0x10F0]  }
0x14d: {  	v46 =	vld [tilespmem:$0xD70]  }
0x14e: {  	v47 =	vld [tilespmem:$0xDF0]  }
0x14f: {  	v48 =	vld [tilespmem:$0x1100]  }
0x150: {  	v49 =	vld [tilespmem:$0xE00]  }
0x151: {  	v53 =	vld [tilespmem:$0xE80]  }
0x152: {  	v51 =	vld [tilespmem:$0x1110]  }
0x153: {  	v52 =	vld [tilespmem:$0xE10]  }
0x154: {  	v56 =	vld [tilespmem:$0xE90]  }
0x155: {  	v54 =	vld [tilespmem:$0x1120]  }
0x156: {  	v55 =	vld [tilespmem:$0xE20]  }
0x157: {  	v62 =	vld [tilespmem:$0xEA0]  }
0x158: {  	v57 =	vld [tilespmem:$0x1130]  }
0x159: {  	v58 =	vld [tilespmem:$0xE30]  }
0x15a: {  	v61 =	vld [tilespmem:$0xEB0]  }
0x15b: {  	v63 =	vld [tilespmem:$0xEC0]  }
0x15c: {  	v59 =	vld [tilespmem:$0xED0]  }
0x15d: {  	v60 =	vld [tilespmem:$0x1140]  }
0x15e: {  	v50 =	vld [tilespmem:$0xE50]  }
0x15f: {  	[tilespmem:$0x1FFD0] =	vst v61;
	v61 =	vld [tilespmem:$0xE40]  }
0x160: {  	[tilespmem:$0x1FFE0] =	vst v63;
	v63 =	vld [tilespmem:$0x1150]  }
0x161: {  	[tilespmem:$0x1FFF0] =	vst v59;
	v59 =	vld [tilespmem:$0x1160]  }
0x162: {  	v0 =	vadd.f32 v1, v0;
	v1 =	vld [tilespmem:$0xE60]  }
0x163: {  	v3 =	vadd.f32 v4, v3;
	v4 =	vld [tilespmem:$0xEE0]  }
0x164: {  	v54 =	vadd.f32 v55, v54;
	v55 =	vld [tilespmem:$0xF40]  }
0x165: {  	v0 =	vadd.f32 v2, v0;
	v2 =	vadd.f32 v7, v6;
	v6 =	vld [tilespmem:$0x1170]  }
0x166: {  	v12 =	vadd.f32 v13, v12;
	v7 =	vld [tilespmem:$0xE70]  }
0x167: {  	v3 =	vadd.f32 v5, v3;
	v5 =	vadd.f32 v10, v9;
	v9 =	vld [tilespmem:$0x1180]  }
0x168: {  	v15 =	vadd.f32 v16, v15;
	v10 =	vld [tilespmem:$0xF00]  }
0x169: {  	v18 =	vadd.f32 v19, v18;
	v16 =	vadd.f32 v14, v12;
	v12 =	vld [tilespmem:$0x1190];
	[tilespmem:$0x1000] =	vst v0  }
0x16a: {  	v21 =	vadd.f32 v22, v21;
	v19 =	vadd.f32 v17, v15;
	v15 =	vld [tilespmem:$0x11A0];
	[tilespmem:$0x1010] =	vst v3  }
0x16b: {  	v24 =	vadd.f32 v25, v24;
	v22 =	vadd.f32 v20, v18;
	v17 =	vld [tilespmem:$0xFA0];
	[tilespmem:$0x1040] =	vst v16  }
0x16c: {  	v27 =	vadd.f32 v28, v27;
	v25 =	vadd.f32 v23, v21;
	v18 =	vld [tilespmem:$0x11B0];
	[tilespmem:$0x1050] =	vst v19  }
0x16d: {  	v30 =	vadd.f32 v31, v30;
	v28 =	vadd.f32 v26, v24;
	v20 =	vld [tilespmem:$0xFB0];
	[tilespmem:$0x1060] =	vst v22  }
0x16e: {  	v33 =	vadd.f32 v34, v33;
	v31 =	vadd.f32 v29, v27;
	v21 =	vld [tilespmem:$0x11C0];
	[tilespmem:$0x1070] =	vst v25  }
0x16f: {  	v36 =	vadd.f32 v37, v36;
	v34 =	vadd.f32 v32, v30;
	v30 =	vld [tilespmem:$0xFC0];
	[tilespmem:$0x1080] =	vst v28  }
0x170: {  	v39 =	vadd.f32 v40, v39;
	v37 =	vadd.f32 v35, v33;
	v33 =	vld [tilespmem:$0x11D0];
	[tilespmem:$0x1090] =	vst v31  }
0x171: {  	v42 =	vadd.f32 v43, v42;
	v40 =	vadd.f32 v38, v36;
	v36 =	vld [tilespmem:$0xF50];
	[tilespmem:$0x10A0] =	vst v34  }
0x172: {  	v45 =	vadd.f32 v46, v45;
	v43 =	vadd.f32 v41, v39;
	v38 =	vld [tilespmem:$0xFD0];
	[tilespmem:$0x10B0] =	vst v37  }
0x173: {  	v48 =	vadd.f32 v49, v48;
	v46 =	vadd.f32 v44, v42;
	v39 =	vld [tilespmem:$0x1FFF0];
	[tilespmem:$0x10C0] =	vst v40  }
0x174: {  	v49 =	vadd.f32 v47, v45;
	v41 =	vld [tilespmem:$0x11E0];
	[tilespmem:$0x10D0] =	vst v43  }
0x175: {  	v53 =	vadd.f32 v53, v48;
	v44 =	vld [tilespmem:$0xF60];
	[tilespmem:$0x10E0] =	vst v46  }
0x176: {  	v52 =	vadd.f32 v52, v51;
	v0 =	vadd.f32 v8, v2;
	[tilespmem:$0x10F0] =	vst v49;
	v34 =	vld [tilespmem:$0x1FFD0]  }
0x177: {  	v29 =	vadd.f32 v58, v57;
	v13 =	vadd.f32 v11, v5;
	[tilespmem:$0x1100] =	vst v53;
	v37 =	vld [tilespmem:$0x1FFE0]  }
0x178: {  	v8 =	vld [tilespmem:$0xEF0];
	v28 =	vadd.f32 v56, v52;
	v1 =	vadd.f32 v1, v59;
	[tilespmem:$0x1020] =	vst v0  }
0x179: {  	v11 =	vld [tilespmem:$0xF80];
	v31 =	vadd.f32 v62, v54;
	v32 =	vadd.f32 v61, v60;
	[tilespmem:$0x1030] =	vst v13  }
0x17a: {  	v47 =	vld [tilespmem:$0x11F0];
	v35 =	vadd.f32 v50, v63;
	[tilespmem:$0x1110] =	vst v28;
	v42 =	vadd.f32 v4, v1  }
0x17b: {  	v16 =	vld [tilespmem:$0xF20];
	[tilespmem:$0x1120] =	vst v31;
	v40 =	vadd.f32 v7, v6;
	v3 =	vadd.f32 v34, v29  }
0x17c: {  	v53 =	vld [tilespmem:$0xFE0];
	v43 =	vadd.f32 v10, v9;
	v0 =	vadd.f32 v37, v32;
	[tilespmem:$0x1160] =	vst v42  }
0x17d: {  	v19 =	vld [tilespmem:$0xF30];
	v55 =	vadd.f32 v55, v21;
	v45 =	vadd.f32 v8, v40;
	[tilespmem:$0x1130] =	vst v3  }
0x17e: {  	v50 =	vld [tilespmem:$0xF70];
	v58 =	vadd.f32 v36, v33;
	v48 =	vadd.f32 v11, v43;
	[tilespmem:$0x1140] =	vst v0  }
0x17f: {  	v13 =	vld [tilespmem:$0xF10];
	v60 =	vadd.f32 v44, v41;
	v59 =	vadd.f32 v30, v55;
	[tilespmem:$0x1170] =	vst v45  }
0x180: {  	v56 =	vld [tilespmem:$0xFF0];
	v2 =	vadd.f32 v38, v58;
	[tilespmem:$0x1180] =	vst v48  }
0x181: {  	v14 =	vld [tilespmem:$0xF90];
	v49 =	vadd.f32 v16, v15;
	v62 =	vadd.f32 v53, v60;
	[tilespmem:$0x11C0] =	vst v59  }
0x182: {  	v52 =	vadd.f32 v19, v18;
	v3 =	vadd.f32 v39, v35;
	[tilespmem:$0x11D0] =	vst v2  }
0x183: {  	p0 =	sne.s32 s24, $0x318000;
	v61 =	vadd.f32 v50, v47;
	v54 =	vadd.f32 v17, v49;
	[tilespmem:$0x11E0] =	vst v62  }
.Ltmp0:
0x184: {  	v46 =	vadd.f32 v13, v12;
	v57 =	vadd.f32 v20, v52;
	[tilespmem:$0x1150] =	vst v3;
	(pc) =	sbr.rel @p0 .LBB2_2-.Ltmp0, $4  }
0x185: {  	v63 =	vadd.f32 v56, v61;
	[tilespmem:$0x11A0] =	vst v54  }
0x186: {  	v51 =	vadd.f32 v14, v46;
	[tilespmem:$0x11B0] =	vst v57  }
0x187: {  	[tilespmem:$0x11F0] =	vst v63  }
0x188: {  	s24 =	sadd.s32 $0x10000, s24;
	s25 =	sadd.s32 $0x200, s25;
	[tilespmem:$0x1190] =	vst v51  }
0x189: {  	_ =	swait.ge [sflag:s31], $0x80  }
0x18a: {  	[sflag:s31] =	ssyncset.done $0x0  }
0x18b: {  	[sflag:s31] =	ssyncadd.s32 $0xFFFFFF80  }
0x18c: {  	_ =	swait.ge [sflag:s31], $0x80  }
0x18d: {  	[sflag:s31] =	ssyncset.done $0x0  }
0x18e: {  	[sflag:s31] =	ssyncadd.s32 $0xFFFFFF80  }
0x18f: {  	_ =	swait.ge [sflag:s31], $0x80  }
0x190: {  	[sflag:s31] =	ssyncset.done $0x0  }
0x191: {  	[sflag:s31] =	ssyncadd.s32 $0xFFFFFF80  }
0x192: {  	_ =	swait.ge [sflag:s31], $0x80  }
0x193: {  	[sflag:s31] =	ssyncset.done $0x0  }
0x194: {  	[sflag:s31] =	ssyncadd.s32 $0xFFFFFF80  }
0x195: {  	_ =	swait.ge [sflag:s31], $0x80  }
0x196: {  	[sflag:s31] =	ssyncset.done $0x0  }
0x197: {  	[sflag:s31] =	ssyncadd.s32 $0xFFFFFF80  }
0x198: {  	_ =	swait.ge [sflag:s31], $0x80  }
0x199: {  	[sflag:s31] =	ssyncset.done $0x0  }
0x19a: {  	[sflag:s31] =	ssyncadd.s32 $0xFFFFFF80  }
0x19b: {  	_ =	swait.ge [sflag:s31], $0x80  }
0x19c: {  	[sflag:s31] =	ssyncset.done $0x0  }
0x19d: {  	[sflag:s31] =	ssyncadd.s32 $0xFFFFFF80  }
0x19e: {  	_ =	swait.ge [sflag:s31], $0x80  }
0x19f: {  	[sflag:s31] =	ssyncset.done $0x0  }
0x1a0: {  	[sflag:s31] =	ssyncadd.s32 $0xFFFFFF80  }
0x1a1: {  	_ =	swait.ge [sflag:s16], $0x400  }
0x1a2: {  	[sflag:s16] =	ssyncset.done $0x0  }
0x1a3: {  	[sflag:s16] =	ssyncadd.s32 $0xFFFFFC00  }
0x1a4: {  	[tilespmem:s18], [sflag:$0x1] =	stream.indirect.gather [spmem:s3], $0x1, s13, s17, $0xb8;
	[tilespmem:$0x10A00] =	vst v63  }
0x1a5: {  	_ = 	snop  }
0x1a6: {  	[tilespmem:s20], [sflag:$0x1] =	stream.indirect.gather [spmem:s3], $0x1, s19, s17, $0xb8;
	[tilespmem:$0x10A00] =	vst v63  }
0x1a7: {  	_ = 	snop  }
0x1a8: {  	[tilespmem:s22], [sflag:$0x1] =	stream.indirect.gather [spmem:s3], $0x1, s21, s17, $0xb8;
	[tilespmem:$0x10A00] =	vst v63  }
0x1a9: {  	s0 =	simm.s32 $0x700;
	s1 =	simm.s32 $0xF00  }
0x1aa: {  	[tilespmem:s1], [sflag:$0x1] =	stream.indirect.gather [spmem:s3], $0x1, s0, s17, $0xb8;
	[tilespmem:$0x10A00] =	vst v63  }
0x1ab: {  	s2 =	simm.s32 $0xC80;
	s1 =	simm.s32 $0x480  }
0x1ac: {  	[tilespmem:s2], [sflag:$0x1] =	stream.indirect.gather [spmem:s3], $0x1, s1, s17, $0xb8;
	[tilespmem:$0x10A00] =	vst v63  }
0x1ad: {  	s4 =	simm.s32 $0x580;
	s24 =	simm.s32 $0xD80  }
0x1ae: {  	[tilespmem:s24], [sflag:$0x1] =	stream.indirect.gather [spmem:s3], $0x1, s4, s17, $0xb8;
	[tilespmem:$0x10A00] =	vst v63  }
0x1af: {  	s25 =	simm.s32 $0x680;
	s26 =	simm.s32 $0xE80  }
0x1b0: {  	[tilespmem:s26], [sflag:$0x1] =	stream.indirect.gather [spmem:s3], $0x1, s25, s17, $0xb8;
	[tilespmem:$0x10A00] =	vst v63  }
0x1b1: {  	s1 =	simm.s32 $0x780;
	s2 =	simm.s32 $0xF80  }
0x1b2: {  	[tilespmem:s2], [sflag:$0x1] =	stream.indirect.gather [spmem:s3], $0x1, s1, s17, $0xb8;
	[tilespmem:$0x10A00] =	vst v63  }
0x1b3: {  	v0 =	vld [tilespmem:$0x1000]  }
0x1b4: {  	v1 =	vld [tilespmem:$0x800]  }
0x1b5: {  	v2 =	vld [tilespmem:$0x880]  }
0x1b6: {  	v3 =	vld [tilespmem:$0x1010]  }
0x1b7: {  	v4 =	vld [tilespmem:$0x810]  }
0x1b8: {  	v5 =	vld [tilespmem:$0x890]  }
0x1b9: {  	v6 =	vld [tilespmem:$0x1020]  }
0x1ba: {  	v7 =	vld [tilespmem:$0x820]  }
0x1bb: {  	v8 =	vld [tilespmem:$0x8A0]  }
0x1bc: {  	v9 =	vld [tilespmem:$0x1030]  }
0x1bd: {  	v10 =	vld [tilespmem:$0x830]  }
0x1be: {  	v11 =	vld [tilespmem:$0x8B0]  }
0x1bf: {  	v13 =	vld [tilespmem:$0x1040]  }
0x1c0: {  	v14 =	vld [tilespmem:$0x840]  }
0x1c1: {  	v16 =	vld [tilespmem:$0x8C0]  }
0x1c2: {  	v17 =	vld [tilespmem:$0x1050]  }
0x1c3: {  	v18 =	vld [tilespmem:$0x850]  }
0x1c4: {  	v19 =	vld [tilespmem:$0x8D0]  }
0x1c5: {  	v20 =	vld [tilespmem:$0x1060]  }
0x1c6: {  	v21 =	vld [tilespmem:$0x860]  }
0x1c7: {  	v22 =	vld [tilespmem:$0x8E0]  }
0x1c8: {  	v23 =	vld [tilespmem:$0x1070]  }
0x1c9: {  	v24 =	vld [tilespmem:$0x870]  }
0x1ca: {  	v25 =	vld [tilespmem:$0x8F0]  }
0x1cb: {  	v26 =	vld [tilespmem:$0x1080]  }
0x1cc: {  	v27 =	vld [tilespmem:$0x900]  }
0x1cd: {  	v28 =	vld [tilespmem:$0x980]  }
0x1ce: {  	v29 =	vld [tilespmem:$0x1090]  }
0x1cf: {  	v30 =	vld [tilespmem:$0x910]  }
0x1d0: {  	v31 =	vld [tilespmem:$0x990]  }
0x1d1: {  	v32 =	vld [tilespmem:$0x10A0]  }
0x1d2: {  	v33 =	vld [tilespmem:$0x920]  }
0x1d3: {  	v34 =	vld [tilespmem:$0x9A0]  }
0x1d4: {  	v35 =	vld [tilespmem:$0x10B0]  }
0x1d5: {  	v36 =	vld [tilespmem:$0x930]  }
0x1d6: {  	v37 =	vld [tilespmem:$0x9B0]  }
0x1d7: {  	v38 =	vld [tilespmem:$0x10C0]  }
0x1d8: {  	v39 =	vld [tilespmem:$0x940]  }
0x1d9: {  	v40 =	vld [tilespmem:$0x9C0]  }
0x1da: {  	v41 =	vld [tilespmem:$0x10D0]  }
0x1db: {  	v42 =	vld [tilespmem:$0x950]  }
0x1dc: {  	v43 =	vld [tilespmem:$0x9D0]  }
0x1dd: {  	v44 =	vld [tilespmem:$0x10E0]  }
0x1de: {  	v45 =	vld [tilespmem:$0x960]  }
0x1df: {  	v46 =	vld [tilespmem:$0x9E0]  }
0x1e0: {  	v47 =	vld [tilespmem:$0x10F0]  }
0x1e1: {  	v48 =	vld [tilespmem:$0x970]  }
0x1e2: {  	v49 =	vld [tilespmem:$0x9F0]  }
0x1e3: {  	v50 =	vld [tilespmem:$0x1100]  }
0x1e4: {  	v51 =	vld [tilespmem:$0xA00]  }
0x1e5: {  	v52 =	vld [tilespmem:$0xA80]  }
0x1e6: {  	v53 =	vld [tilespmem:$0x1110]  }
0x1e7: {  	v54 =	vld [tilespmem:$0xA10]  }
0x1e8: {  	v55 =	vld [tilespmem:$0xA90]  }
0x1e9: {  	v56 =	vld [tilespmem:$0x1120]  }
0x1ea: {  	v57 =	vld [tilespmem:$0xA20]  }
0x1eb: {  	v61 =	vld [tilespmem:$0xAA0]  }
0x1ec: {  	v59 =	vld [tilespmem:$0x1130]  }
0x1ed: {  	v60 =	vld [tilespmem:$0xA30]  }
0x1ee: {  	v12 =	vld [tilespmem:$0xAB0]  }
0x1ef: {  	v58 =	vld [tilespmem:$0xAC0]  }
0x1f0: {  	v62 =	vld [tilespmem:$0x1140]  }
0x1f1: {  	v63 =	vld [tilespmem:$0xA40]  }
0x1f2: {  	v15 =	vld [tilespmem:$0x1150]  }
0x1f3: {  	[tilespmem:$0x1FF70] =	vst v12;
	v12 =	vld [tilespmem:$0xA50]  }
0x1f4: {  	[tilespmem:$0x1FF80] =	vst v58;
	v58 =	vld [tilespmem:$0xAD0]  }
0x1f5: {  	v0 =	vadd.f32 v1, v0;
	v1 =	vld [tilespmem:$0xA60]  }
0x1f6: {  	v3 =	vadd.f32 v4, v3;
	v4 =	vld [tilespmem:$0xAE0];
	v6 =	vadd.f32 v7, v6  }
0x1f7: {  	v7 =	vld [tilespmem:$0x1170];
	v21 =	vadd.f32 v21, v20;
	v44 =	vadd.f32 v45, v44  }
0x1f8: {  	v45 =	vadd.f32 v48, v47;
	v48 =	vadd.f32 v54, v53;
	v54 =	vld [tilespmem:$0xB50]  }
0x1f9: {  	v47 =	vadd.f32 v51, v50;
	v50 =	vadd.f32 v60, v59;
	v59 =	vld [tilespmem:$0x11E0]  }
0x1fa: {  	v51 =	vadd.f32 v63, v62;
	v63 =	vld [tilespmem:$0x11F0];
	v2 =	vadd.f32 v2, v0  }
0x1fb: {  	v0 =	vadd.f32 v5, v3;
	v5 =	vadd.f32 v10, v9;
	v9 =	vld [tilespmem:$0xA70]  }
0x1fc: {  	v3 =	vadd.f32 v8, v6;
	v8 =	vadd.f32 v14, v13;
	v13 =	vld [tilespmem:$0xAF0];
	[tilespmem:$0x1000] =	vst v2  }
0x1fd: {  	v14 =	vadd.f32 v22, v21;
	v21 =	vld [tilespmem:$0x1190];
	[tilespmem:$0x1010] =	vst v0  }
0x1fe: {  	v22 =	vadd.f32 v36, v35;
	v35 =	vadd.f32 v52, v47;
	v52 =	vld [tilespmem:$0x1FF70];
	[tilespmem:$0x1020] =	vst v3  }
0x1ff: {  	v33 =	vadd.f32 v33, v32;
	v32 =	vadd.f32 v55, v48;
	v55 =	vld [tilespmem:$0x1FF80];
	[tilespmem:$0x1060] =	vst v14  }
0x200: {  	v6 =	vadd.f32 v11, v5;
	v11 =	vld [tilespmem:$0x1180];
	[tilespmem:$0x1100] =	vst v35  }
0x201: {  	v24 =	vadd.f32 v24, v23;
	v8 =	vadd.f32 v16, v8;
	v16 =	vld [tilespmem:$0xB00];
	[tilespmem:$0x1110] =	vst v32  }
0x202: {  	v5 =	vadd.f32 v18, v17;
	v17 =	vld [tilespmem:$0xB80];
	[tilespmem:$0x1FF90] =	vst v58  }
0x203: {  	v18 =	vadd.f32 v25, v24;
	v25 =	vld [tilespmem:$0xB10];
	[tilespmem:$0x1030] =	vst v6  }
0x204: {  	v58 =	vld [tilespmem:$0x1160];
	v10 =	vadd.f32 v19, v5;
	[tilespmem:$0x1040] =	vst v8;
	v19 =	vadd.f32 v27, v26  }
0x205: {  	v5 =	vadd.f32 v30, v29;
	[tilespmem:$0x1070] =	vst v18;
	v26 =	vadd.f32 v34, v33;
	v34 =	vld [tilespmem:$0xB20]  }
0x206: {  	v27 =	vadd.f32 v39, v38;
	v30 =	vadd.f32 v37, v22;
	v38 =	vld [tilespmem:$0xBA0];
	[tilespmem:$0x1050] =	vst v10  }
0x207: {  	v29 =	vadd.f32 v42, v41;
	v41 =	vld [tilespmem:$0xB30];
	v39 =	vadd.f32 v46, v44;
	[tilespmem:$0x10A0] =	vst v26  }
0x208: {  	v42 =	vld [tilespmem:$0xBB0];
	v37 =	vadd.f32 v49, v45;
	[tilespmem:$0x10B0] =	vst v30  }
0x209: {  	v44 =	vld [tilespmem:$0xB40];
	v24 =	vadd.f32 v55, v51;
	[tilespmem:$0x10E0] =	vst v39  }
0x20a: {  	v45 =	vld [tilespmem:$0xBC0];
	v20 =	vadd.f32 v28, v19;
	[tilespmem:$0x10F0] =	vst v37  }
0x20b: {  	v49 =	vadd.f32 v57, v56;
	v57 =	vld [tilespmem:$0x1FF90];
	v23 =	vadd.f32 v31, v5;
	[tilespmem:$0x1140] =	vst v24  }
0x20c: {  	v46 =	vld [tilespmem:$0x11D0];
	v33 =	vadd.f32 v40, v27;
	[tilespmem:$0x1080] =	vst v20  }
0x20d: {  	v53 =	vadd.f32 v12, v15;
	v56 =	vld [tilespmem:$0xBD0];
	v36 =	vadd.f32 v43, v29;
	[tilespmem:$0x1090] =	vst v23  }
0x20e: {  	v31 =	vld [tilespmem:$0x11A0];
	v29 =	vadd.f32 v61, v49;
	v27 =	vadd.f32 v52, v50;
	[tilespmem:$0x10C0] =	vst v33  }
0x20f: {  	v28 =	vld [tilespmem:$0xB90];
	v60 =	vadd.f32 v16, v11;
	[tilespmem:$0x10D0] =	vst v36;
	v1 =	vadd.f32 v1, v58  }
0x210: {  	v40 =	vld [tilespmem:$0x11B0];
	[tilespmem:$0x1120] =	vst v29;
	v58 =	vadd.f32 v9, v7;
	v22 =	vadd.f32 v57, v53  }
0x211: {  	v43 =	vld [tilespmem:$0x11C0];
	v62 =	vadd.f32 v25, v21;
	[tilespmem:$0x1130] =	vst v27;
	v19 =	vadd.f32 v4, v1  }
0x212: {  	v61 =	vld [tilespmem:$0xB60];
	v12 =	vadd.f32 v54, v46;
	v16 =	vadd.f32 v13, v58;
	[tilespmem:$0x1150] =	vst v22  }
0x213: {  	v13 =	vadd.f32 v17, v60;
	v31 =	vadd.f32 v34, v31;
	v34 =	vld [tilespmem:$0xB70];
	[tilespmem:$0x1160] =	vst v19  }
0x214: {  	v49 =	vld [tilespmem:$0xBE0];
	v11 =	vadd.f32 v28, v62;
	[tilespmem:$0x1170] =	vst v16  }
0x215: {  	v51 =	vld [tilespmem:$0xBF0];
	v48 =	vadd.f32 v41, v40;
	v54 =	vadd.f32 v56, v12;
	[tilespmem:$0x1180] =	vst v13  }
0x216: {  	v50 =	vadd.f32 v44, v43;
	v9 =	vadd.f32 v38, v31;
	[tilespmem:$0x1190] =	vst v11  }
0x217: {  	v57 =	vadd.f32 v61, v59;
	v7 =	vadd.f32 v42, v48;
	[tilespmem:$0x11D0] =	vst v54  }
0x218: {  	v5 =	vadd.f32 v45, v50;
	[tilespmem:$0x11A0] =	vst v9;
	v58 =	vadd.f32 v34, v63  }
0x219: {  	v1 =	vadd.f32 v49, v57;
	[tilespmem:$0x11B0] =	vst v7  }
0x21a: {  	[tilespmem:$0x11C0] =	vst v5;
	v53 =	vadd.f32 v51, v58  }
0x21b: {  	[tilespmem:$0x11E0] =	vst v1  }
0x21c: {  	[tilespmem:$0x11F0] =	vst v53  }
0x21d: {  	_ =	swait.ge [sflag:s31], $0x80  }
0x21e: {  	[sflag:s31] =	ssyncset.done $0x0  }
0x21f: {  	[sflag:s31] =	ssyncadd.s32 $0xFFFFFF80  }
0x220: {  	_ =	swait.ge [sflag:s31], $0x80  }
0x221: {  	[sflag:s31] =	ssyncset.done $0x0  }
0x222: {  	[sflag:s31] =	ssyncadd.s32 $0xFFFFFF80  }
0x223: {  	_ =	swait.ge [sflag:s31], $0x80  }
0x224: {  	[sflag:s31] =	ssyncset.done $0x0  }
0x225: {  	[sflag:s31] =	ssyncadd.s32 $0xFFFFFF80  }
0x226: {  	_ =	swait.ge [sflag:s31], $0x80  }
0x227: {  	[sflag:s31] =	ssyncset.done $0x0  }
0x228: {  	[sflag:s31] =	ssyncadd.s32 $0xFFFFFF80  }
0x229: {  	_ =	swait.ge [sflag:s31], $0x80  }
0x22a: {  	[sflag:s31] =	ssyncset.done $0x0  }
0x22b: {  	[sflag:s31] =	ssyncadd.s32 $0xFFFFFF80  }
0x22c: {  	_ =	swait.ge [sflag:s31], $0x80  }
0x22d: {  	[sflag:s31] =	ssyncset.done $0x0  }
0x22e: {  	[sflag:s31] =	ssyncadd.s32 $0xFFFFFF80  }
0x22f: {  	_ =	swait.ge [sflag:s31], $0x80  }
0x230: {  	[sflag:s31] =	ssyncset.done $0x0  }
0x231: {  	[sflag:s31] =	ssyncadd.s32 $0xFFFFFF80  }
0x232: {  	_ =	swait.ge [sflag:s31], $0x80  }
0x233: {  	[sflag:s31] =	ssyncset.done $0x0  }
0x234: {  	[sflag:s31] =	ssyncadd.s32 $0xFFFFFF80  }
0x235: {  	v59 =	vld [tilespmem:$0xC00];
	_ =	sdelay $0x1  }
0x236: {  	v60 =	vld [tilespmem:$0xC80];
	_ =	sdelay $0x2  }
0x237: {  	v2 =	vadd.f32 v59, v2;
	_ =	sdelay $0x1  }
0x238: {  	v12 =	vadd.f32 v60, v2;
	_ =	sdelay $0x1  }
0x239: {  	v2 =	vmul.f32 $4.999999890e-03, v12;
	_ =	sdelay $0x1  }
0x23a: {  	v2 =	vsub.f32 $0.0e+00, v2;
	_ =	sdelay $0x1  }
0x23b: {  	v61 =	vld [tilespmem:$0xC10];
	v2 =	vmul.f32 $1.442695020e+00, v2;
	_ =	sdelay $0x1  }
0x23c: {  	v62 =	vld [tilespmem:$0xC90];
	(erf) = vpow2.f32 v2;
	_ =	sdelay $0x2  }
0x23d: {  	v0 =	vadd.f32 v61, v0;
	_ =	sdelay $0x1  }
0x23e: {  	v15 =	vadd.f32 v62, v0;
	_ =	sdelay $0x1  }
0x23f: {  	v0 =	vmul.f32 $4.999999890e-03, v15;
	_ =	sdelay $0x1  }
0x240: {  	v0 =	vsub.f32 $0.0e+00, v0;
	v2 =	vpop (erf)  }
0x241: {  	v2 =	vadd.f32 $1.000000000e+00, v2  }
0x242: {  	v63 =	vld [tilespmem:$0xC20];
	v0 =	vmul.f32 $1.442695020e+00, v0  }
0x243: {  	(erf) = vrcp.f32 v2  }
0x244: {  	v17 =	vld [tilespmem:$0xCA0];
	(erf) = vpow2.f32 v0;
	_ =	sdelay $0x2  }
0x245: {  	v21 =	vadd.f32 v63, v3;
	_ =	sdelay $0x1  }
0x246: {  	v17 =	vadd.f32 v17, v21;
	_ =	sdelay $0x1  }
0x247: {  	v0 =	vmul.f32 $4.999999890e-03, v17  }
0x248: {  	v4 =	vpop (erf)  }
0x249: {  	v0 =	vsub.f32 $0.0e+00, v0;
	v25 =	vpop (erf)  }
0x24a: {  	v2 =	vadd.f32 $1.000000000e+00, v25  }
0x24b: {  	v28 =	vld [tilespmem:$0xC30];
	v0 =	vmul.f32 $1.442695020e+00, v0  }
0x24c: {  	(erf) = vrcp.f32 v2  }
0x24d: {  	v31 =	vld [tilespmem:$0xCB0];
	(erf) = vpow2.f32 v0;
	_ =	sdelay $0x2  }
0x24e: {  	v34 =	vadd.f32 v28, v6;
	_ =	sdelay $0x1  }
0x24f: {  	v21 =	vadd.f32 v31, v34;
	_ =	sdelay $0x1  }
0x250: {  	v0 =	vmul.f32 $4.999999890e-03, v21  }
0x251: {  	v6 =	vpop (erf)  }
0x252: {  	v0 =	vsub.f32 $0.0e+00, v0;
	v38 =	vpop (erf)  }
0x253: {  	v2 =	vadd.f32 $1.000000000e+00, v38  }
0x254: {  	v40 =	vld [tilespmem:$0xC40];
	v0 =	vmul.f32 $1.442695020e+00, v0  }
0x255: {  	(erf) = vrcp.f32 v2  }
0x256: {  	v41 =	vld [tilespmem:$0xCC0];
	(erf) = vpow2.f32 v0;
	_ =	sdelay $0x2  }
0x257: {  	v42 =	vadd.f32 v40, v8;
	_ =	sdelay $0x1  }
0x258: {  	v25 =	vadd.f32 v41, v42;
	_ =	sdelay $0x1  }
0x259: {  	v0 =	vmul.f32 $4.999999890e-03, v25  }
0x25a: {  	v8 =	vpop (erf)  }
0x25b: {  	v0 =	vsub.f32 $0.0e+00, v0;
	v43 =	vpop (erf)  }
0x25c: {  	v2 =	vadd.f32 $1.000000000e+00, v43  }
0x25d: {  	v44 =	vld [tilespmem:$0xC50];
	v0 =	vmul.f32 $1.442695020e+00, v0  }
0x25e: {  	(erf) = vrcp.f32 v2  }
0x25f: {  	v45 =	vld [tilespmem:$0xCD0];
	(erf) = vpow2.f32 v0;
	_ =	sdelay $0x2  }
0x260: {  	v46 =	vadd.f32 v44, v10;
	_ =	sdelay $0x1  }
0x261: {  	v28 =	vadd.f32 v45, v46;
	_ =	sdelay $0x1  }
0x262: {  	v0 =	vmul.f32 $4.999999890e-03, v28  }
0x263: {  	v10 =	vpop (erf)  }
0x264: {  	v0 =	vsub.f32 $0.0e+00, v0;
	v47 =	vpop (erf)  }
0x265: {  	v2 =	vadd.f32 $1.000000000e+00, v47  }
0x266: {  	v48 =	vld [tilespmem:$0xC60];
	v0 =	vmul.f32 $1.442695020e+00, v0  }
0x267: {  	(erf) = vrcp.f32 v2  }
0x268: {  	v49 =	vld [tilespmem:$0xCE0];
	(erf) = vpow2.f32 v0;
	_ =	sdelay $0x2  }
0x269: {  	v50 =	vadd.f32 v48, v14;
	_ =	sdelay $0x1  }
0x26a: {  	v31 =	vadd.f32 v49, v50;
	_ =	sdelay $0x1  }
0x26b: {  	v0 =	vmul.f32 $4.999999890e-03, v31  }
0x26c: {  	v14 =	vpop (erf)  }
0x26d: {  	v0 =	vsub.f32 $0.0e+00, v0;
	v51 =	vpop (erf)  }
0x26e: {  	v2 =	vadd.f32 $1.000000000e+00, v51  }
0x26f: {  	v52 =	vld [tilespmem:$0xC70];
	v0 =	vmul.f32 $1.442695020e+00, v0  }
0x270: {  	(erf) = vrcp.f32 v2  }
0x271: {  	v55 =	vld [tilespmem:$0xCF0];
	(erf) = vpow2.f32 v0;
	_ =	sdelay $0x2  }
0x272: {  	v56 =	vadd.f32 v52, v18;
	_ =	sdelay $0x1  }
0x273: {  	v34 =	vadd.f32 v55, v56;
	_ =	sdelay $0x1  }
0x274: {  	v0 =	vmul.f32 $4.999999890e-03, v34  }
0x275: {  	v18 =	vpop (erf)  }
0x276: {  	v0 =	vsub.f32 $0.0e+00, v0;
	v57 =	vpop (erf)  }
0x277: {  	v2 =	vadd.f32 $1.000000000e+00, v57  }
0x278: {  	v58 =	vld [tilespmem:$0xD00];
	v0 =	vmul.f32 $1.442695020e+00, v0  }
0x279: {  	(erf) = vrcp.f32 v2  }
0x27a: {  	v59 =	vld [tilespmem:$0xD80];
	(erf) = vpow2.f32 v0;
	_ =	sdelay $0x2  }
0x27b: {  	v60 =	vadd.f32 v58, v20;
	_ =	sdelay $0x1  }
0x27c: {  	v38 =	vadd.f32 v59, v60;
	_ =	sdelay $0x1  }
0x27d: {  	v0 =	vmul.f32 $4.999999890e-03, v38  }
0x27e: {  	v20 =	vpop (erf)  }
0x27f: {  	v0 =	vsub.f32 $0.0e+00, v0;
	v61 =	vpop (erf)  }
0x280: {  	v2 =	vadd.f32 $1.000000000e+00, v61  }
0x281: {  	v62 =	vld [tilespmem:$0xD10];
	v0 =	vmul.f32 $1.442695020e+00, v0  }
0x282: {  	(erf) = vrcp.f32 v2  }
0x283: {  	v63 =	vld [tilespmem:$0xD90];
	(erf) = vpow2.f32 v0;
	_ =	sdelay $0x2  }
0x284: {  	v40 =	vadd.f32 v62, v23;
	_ =	sdelay $0x1  }
0x285: {  	v40 =	vadd.f32 v63, v40;
	_ =	sdelay $0x1  }
0x286: {  	v0 =	vmul.f32 $4.999999890e-03, v40  }
0x287: {  	v23 =	vpop (erf)  }
0x288: {  	v0 =	vsub.f32 $0.0e+00, v0;
	v41 =	vpop (erf)  }
0x289: {  	v2 =	vadd.f32 $1.000000000e+00, v41  }
0x28a: {  	v42 =	vld [tilespmem:$0xD20];
	v0 =	vmul.f32 $1.442695020e+00, v0  }
0x28b: {  	(erf) = vrcp.f32 v2  }
0x28c: {  	v43 =	vld [tilespmem:$0xDA0];
	(erf) = vpow2.f32 v0;
	_ =	sdelay $0x2  }
0x28d: {  	v44 =	vadd.f32 v42, v26;
	_ =	sdelay $0x1  }
0x28e: {  	v41 =	vadd.f32 v43, v44;
	_ =	sdelay $0x1  }
0x28f: {  	v0 =	vmul.f32 $4.999999890e-03, v41  }
0x290: {  	v26 =	vpop (erf)  }
0x291: {  	v0 =	vsub.f32 $0.0e+00, v0;
	v45 =	vpop (erf)  }
0x292: {  	v2 =	vadd.f32 $1.000000000e+00, v45  }
0x293: {  	v46 =	vld [tilespmem:$0xD30];
	v0 =	vmul.f32 $1.442695020e+00, v0  }
0x294: {  	(erf) = vrcp.f32 v2  }
0x295: {  	v47 =	vld [tilespmem:$0xDB0];
	(erf) = vpow2.f32 v0;
	_ =	sdelay $0x2  }
0x296: {  	v48 =	vadd.f32 v46, v30;
	_ =	sdelay $0x1  }
0x297: {  	v42 =	vadd.f32 v47, v48;
	_ =	sdelay $0x1  }
0x298: {  	v0 =	vmul.f32 $4.999999890e-03, v42  }
0x299: {  	v30 =	vpop (erf)  }
0x29a: {  	v0 =	vsub.f32 $0.0e+00, v0;
	v49 =	vpop (erf)  }
0x29b: {  	v2 =	vadd.f32 $1.000000000e+00, v49  }
0x29c: {  	v50 =	vld [tilespmem:$0xD40];
	v0 =	vmul.f32 $1.442695020e+00, v0  }
0x29d: {  	(erf) = vrcp.f32 v2  }
0x29e: {  	v51 =	vld [tilespmem:$0xDC0];
	(erf) = vpow2.f32 v0;
	_ =	sdelay $0x2  }
0x29f: {  	v52 =	vadd.f32 v50, v33;
	_ =	sdelay $0x1  }
0x2a0: {  	v43 =	vadd.f32 v51, v52;
	_ =	sdelay $0x1  }
0x2a1: {  	v0 =	vmul.f32 $4.999999890e-03, v43  }
0x2a2: {  	v33 =	vpop (erf)  }
0x2a3: {  	v0 =	vsub.f32 $0.0e+00, v0;
	v55 =	vpop (erf)  }
0x2a4: {  	v2 =	vadd.f32 $1.000000000e+00, v55  }
0x2a5: {  	v56 =	vld [tilespmem:$0xD50];
	v0 =	vmul.f32 $1.442695020e+00, v0  }
0x2a6: {  	(erf) = vrcp.f32 v2  }
0x2a7: {  	v57 =	vld [tilespmem:$0xDD0];
	(erf) = vpow2.f32 v0;
	_ =	sdelay $0x2  }
0x2a8: {  	v58 =	vadd.f32 v56, v36;
	_ =	sdelay $0x1  }
0x2a9: {  	v44 =	vadd.f32 v57, v58;
	_ =	sdelay $0x1  }
0x2aa: {  	v0 =	vmul.f32 $4.999999890e-03, v44  }
0x2ab: {  	v36 =	vpop (erf)  }
0x2ac: {  	v0 =	vsub.f32 $0.0e+00, v0;
	v59 =	vpop (erf)  }
0x2ad: {  	v2 =	vadd.f32 $1.000000000e+00, v59  }
0x2ae: {  	v60 =	vld [tilespmem:$0xD60];
	v0 =	vmul.f32 $1.442695020e+00, v0  }
0x2af: {  	(erf) = vrcp.f32 v2  }
0x2b0: {  	v61 =	vld [tilespmem:$0xDE0];
	(erf) = vpow2.f32 v0;
	_ =	sdelay $0x2  }
0x2b1: {  	v62 =	vadd.f32 v60, v39;
	_ =	sdelay $0x1  }
0x2b2: {  	v45 =	vadd.f32 v61, v62;
	_ =	sdelay $0x1  }
0x2b3: {  	v0 =	vmul.f32 $4.999999890e-03, v45  }
0x2b4: {  	v39 =	vpop (erf)  }
0x2b5: {  	v0 =	vsub.f32 $0.0e+00, v0;
	v63 =	vpop (erf)  }
0x2b6: {  	v2 =	vadd.f32 $1.000000000e+00, v63  }
0x2b7: {  	v46 =	vld [tilespmem:$0xD70];
	v0 =	vmul.f32 $1.442695020e+00, v0  }
0x2b8: {  	(erf) = vrcp.f32 v2  }
0x2b9: {  	v47 =	vld [tilespmem:$0xDF0];
	(erf) = vpow2.f32 v0;
	_ =	sdelay $0x2  }
0x2ba: {  	v48 =	vadd.f32 v46, v37;
	_ =	sdelay $0x1  }
0x2bb: {  	v46 =	vadd.f32 v47, v48;
	_ =	sdelay $0x1  }
0x2bc: {  	v0 =	vmul.f32 $4.999999890e-03, v46  }
0x2bd: {  	v37 =	vpop (erf)  }
0x2be: {  	v0 =	vsub.f32 $0.0e+00, v0;
	v49 =	vpop (erf)  }
0x2bf: {  	v2 =	vadd.f32 $1.000000000e+00, v49  }
0x2c0: {  	v50 =	vld [tilespmem:$0xE00];
	v0 =	vmul.f32 $1.442695020e+00, v0  }
0x2c1: {  	(erf) = vrcp.f32 v2  }
0x2c2: {  	v51 =	vld [tilespmem:$0xE80];
	(erf) = vpow2.f32 v0;
	_ =	sdelay $0x2  }
0x2c3: {  	v52 =	vadd.f32 v50, v35;
	_ =	sdelay $0x1  }
0x2c4: {  	v47 =	vadd.f32 v51, v52;
	_ =	sdelay $0x1  }
0x2c5: {  	v0 =	vmul.f32 $4.999999890e-03, v47  }
0x2c6: {  	v35 =	vpop (erf)  }
0x2c7: {  	v0 =	vsub.f32 $0.0e+00, v0;
	v55 =	vpop (erf)  }
0x2c8: {  	v2 =	vadd.f32 $1.000000000e+00, v55  }
0x2c9: {  	v56 =	vld [tilespmem:$0xE10];
	v0 =	vmul.f32 $1.442695020e+00, v0  }
0x2ca: {  	(erf) = vrcp.f32 v2  }
0x2cb: {  	v57 =	vld [tilespmem:$0xE90];
	(erf) = vpow2.f32 v0;
	_ =	sdelay $0x2  }
0x2cc: {  	v58 =	vadd.f32 v56, v32;
	_ =	sdelay $0x1  }
0x2cd: {  	v48 =	vadd.f32 v57, v58;
	_ =	sdelay $0x1  }
0x2ce: {  	v0 =	vmul.f32 $4.999999890e-03, v48  }
0x2cf: {  	v32 =	vpop (erf)  }
0x2d0: {  	v0 =	vsub.f32 $0.0e+00, v0;
	v59 =	vpop (erf)  }
0x2d1: {  	v2 =	vadd.f32 $1.000000000e+00, v59  }
0x2d2: {  	v60 =	vld [tilespmem:$0xE20];
	v0 =	vmul.f32 $1.442695020e+00, v0  }
0x2d3: {  	(erf) = vrcp.f32 v2  }
0x2d4: {  	v61 =	vld [tilespmem:$0xEA0];
	(erf) = vpow2.f32 v0;
	_ =	sdelay $0x2  }
0x2d5: {  	v62 =	vadd.f32 v60, v29;
	_ =	sdelay $0x1  }
0x2d6: {  	v49 =	vadd.f32 v61, v62;
	_ =	sdelay $0x1  }
0x2d7: {  	v0 =	vmul.f32 $4.999999890e-03, v49  }
0x2d8: {  	v29 =	vpop (erf)  }
0x2d9: {  	v0 =	vsub.f32 $0.0e+00, v0;
	v63 =	vpop (erf)  }
0x2da: {  	v2 =	vadd.f32 $1.000000000e+00, v63  }
0x2db: {  	v50 =	vld [tilespmem:$0xE30];
	v0 =	vmul.f32 $1.442695020e+00, v0  }
0x2dc: {  	(erf) = vrcp.f32 v2  }
0x2dd: {  	v51 =	vld [tilespmem:$0xEB0];
	(erf) = vpow2.f32 v0;
	_ =	sdelay $0x2  }
0x2de: {  	v52 =	vadd.f32 v50, v27;
	_ =	sdelay $0x1  }
0x2df: {  	v50 =	vadd.f32 v51, v52;
	_ =	sdelay $0x1  }
0x2e0: {  	v0 =	vmul.f32 $4.999999890e-03, v50  }
0x2e1: {  	v27 =	vpop (erf)  }
0x2e2: {  	v0 =	vsub.f32 $0.0e+00, v0;
	v55 =	vpop (erf)  }
0x2e3: {  	v2 =	vadd.f32 $1.000000000e+00, v55  }
0x2e4: {  	v56 =	vld [tilespmem:$0xE40];
	v0 =	vmul.f32 $1.442695020e+00, v0  }
0x2e5: {  	(erf) = vrcp.f32 v2  }
0x2e6: {  	v57 =	vld [tilespmem:$0xEC0];
	(erf) = vpow2.f32 v0;
	_ =	sdelay $0x2  }
0x2e7: {  	v58 =	vadd.f32 v56, v24;
	_ =	sdelay $0x1  }
0x2e8: {  	v51 =	vadd.f32 v57, v58;
	_ =	sdelay $0x1  }
0x2e9: {  	v0 =	vmul.f32 $4.999999890e-03, v51  }
0x2ea: {  	v24 =	vpop (erf)  }
0x2eb: {  	v0 =	vsub.f32 $0.0e+00, v0;
	v59 =	vpop (erf)  }
0x2ec: {  	v2 =	vadd.f32 $1.000000000e+00, v59  }
0x2ed: {  	v60 =	vld [tilespmem:$0xE50];
	v0 =	vmul.f32 $1.442695020e+00, v0  }
0x2ee: {  	(erf) = vrcp.f32 v2  }
0x2ef: {  	v61 =	vld [tilespmem:$0xED0];
	(erf) = vpow2.f32 v0;
	_ =	sdelay $0x2  }
0x2f0: {  	v62 =	vadd.f32 v60, v22;
	_ =	sdelay $0x1  }
0x2f1: {  	v52 =	vadd.f32 v61, v62;
	_ =	sdelay $0x1  }
0x2f2: {  	v0 =	vmul.f32 $4.999999890e-03, v52  }
0x2f3: {  	v22 =	vpop (erf)  }
0x2f4: {  	v0 =	vsub.f32 $0.0e+00, v0;
	v63 =	vpop (erf)  }
0x2f5: {  	v2 =	vadd.f32 $1.000000000e+00, v63  }
0x2f6: {  	v55 =	vld [tilespmem:$0xE60];
	v0 =	vmul.f32 $1.442695020e+00, v0  }
0x2f7: {  	(erf) = vrcp.f32 v2  }
0x2f8: {  	v56 =	vld [tilespmem:$0xEE0];
	(erf) = vpow2.f32 v0;
	_ =	sdelay $0x2  }
0x2f9: {  	v57 =	vadd.f32 v55, v19;
	_ =	sdelay $0x1  }
0x2fa: {  	v0 =	vadd.f32 v56, v57;
	_ =	sdelay $0x1  }
0x2fb: {  	v2 =	vmul.f32 $4.999999890e-03, v0  }
0x2fc: {  	v19 =	vpop (erf)  }
0x2fd: {  	v2 =	vsub.f32 $0.0e+00, v2;
	v58 =	vpop (erf)  }
0x2fe: {  	v3 =	vadd.f32 $1.000000000e+00, v58  }
0x2ff: {  	v59 =	vld [tilespmem:$0xE70];
	v2 =	vmul.f32 $1.442695020e+00, v2  }
0x300: {  	(erf) = vrcp.f32 v3  }
0x301: {  	v60 =	vld [tilespmem:$0xEF0];
	(erf) = vpow2.f32 v2;
	_ =	sdelay $0x2  }
0x302: {  	v61 =	vadd.f32 v59, v16;
	_ =	sdelay $0x1  }
0x303: {  	v2 =	vadd.f32 v60, v61;
	_ =	sdelay $0x1  }
0x304: {  	v3 =	vmul.f32 $4.999999890e-03, v2  }
0x305: {  	v16 =	vpop (erf)  }
0x306: {  	v3 =	vsub.f32 $0.0e+00, v3;
	v62 =	vpop (erf)  }
0x307: {  	v55 =	vadd.f32 $1.000000000e+00, v62  }
0x308: {  	v63 =	vld [tilespmem:$0xF00];
	v3 =	vmul.f32 $1.442695020e+00, v3  }
0x309: {  	(erf) = vrcp.f32 v55  }
0x30a: {  	v60 =	vld [tilespmem:$0xF80];
	(erf) = vpow2.f32 v3;
	_ =	sdelay $0x2  }
0x30b: {  	v61 =	vadd.f32 v63, v13;
	_ =	sdelay $0x1  }
0x30c: {  	v3 =	vadd.f32 v60, v61;
	_ =	sdelay $0x1  }
0x30d: {  	v55 =	vmul.f32 $4.999999890e-03, v3  }
0x30e: {  	v13 =	vpop (erf)  }
0x30f: {  	v55 =	vsub.f32 $0.0e+00, v55;
	v62 =	vpop (erf)  }
0x310: {  	v56 =	vadd.f32 $1.000000000e+00, v62  }
0x311: {  	v63 =	vld [tilespmem:$0xF10];
	v55 =	vmul.f32 $1.442695020e+00, v55  }
0x312: {  	(erf) = vrcp.f32 v56  }
0x313: {  	v60 =	vld [tilespmem:$0xF90];
	(erf) = vpow2.f32 v55;
	_ =	sdelay $0x2  }
0x314: {  	v11 =	vadd.f32 v63, v11;
	_ =	sdelay $0x1  }
0x315: {  	v55 =	vadd.f32 v60, v11;
	_ =	sdelay $0x1  }
0x316: {  	v56 =	vmul.f32 $4.999999890e-03, v55  }
0x317: {  	v11 =	vpop (erf)  }
0x318: {  	v56 =	vsub.f32 $0.0e+00, v56;
	v61 =	vpop (erf)  }
0x319: {  	v57 =	vadd.f32 $1.000000000e+00, v61  }
0x31a: {  	v62 =	vld [tilespmem:$0xF20];
	v56 =	vmul.f32 $1.442695020e+00, v56  }
0x31b: {  	(erf) = vrcp.f32 v57  }
0x31c: {  	v63 =	vld [tilespmem:$0xFA0];
	(erf) = vpow2.f32 v56;
	_ =	sdelay $0x2  }
0x31d: {  	v9 =	vadd.f32 v62, v9;
	_ =	sdelay $0x1  }
0x31e: {  	v9 =	vadd.f32 v63, v9;
	_ =	sdelay $0x1  }
0x31f: {  	v60 =	vmul.f32 $4.999999890e-03, v9  }
0x320: {  	v57 =	vpop (erf)  }
0x321: {  	v56 =	vsub.f32 $0.0e+00, v60;
	v61 =	vpop (erf)  }
0x322: {  	v58 =	vadd.f32 $1.000000000e+00, v61  }
0x323: {  	v62 =	vld [tilespmem:$0xF30];
	v56 =	vmul.f32 $1.442695020e+00, v56  }
0x324: {  	(erf) = vrcp.f32 v58  }
0x325: {  	v63 =	vld [tilespmem:$0xFB0];
	(erf) = vpow2.f32 v56;
	_ =	sdelay $0x2  }
0x326: {  	v7 =	vadd.f32 v62, v7;
	_ =	sdelay $0x1  }
0x327: {  	v7 =	vadd.f32 v63, v7;
	_ =	sdelay $0x1  }
0x328: {  	v60 =	vmul.f32 $4.999999890e-03, v7  }
0x329: {  	v58 =	vpop (erf)  }
0x32a: {  	v56 =	vsub.f32 $0.0e+00, v60;
	v61 =	vpop (erf)  }
0x32b: {  	v59 =	vadd.f32 $1.000000000e+00, v61  }
0x32c: {  	v60 =	vld [tilespmem:$0xF40];
	v56 =	vmul.f32 $1.442695020e+00, v56  }
0x32d: {  	(erf) = vrcp.f32 v59  }
0x32e: {  	v62 =	vld [tilespmem:$0xFC0];
	(erf) = vpow2.f32 v56;
	_ =	sdelay $0x2  }
0x32f: {  	v5 =	vadd.f32 v60, v5;
	_ =	sdelay $0x1  }
0x330: {  	v5 =	vadd.f32 v62, v5;
	_ =	sdelay $0x1  }
0x331: {  	v56 =	vmul.f32 $4.999999890e-03, v5  }
0x332: {  	v59 =	vpop (erf)  }
0x333: {  	v56 =	vsub.f32 $0.0e+00, v56;
	v60 =	vpop (erf)  }
0x334: {  	v60 =	vadd.f32 $1.000000000e+00, v60  }
0x335: {  	v61 =	vld [tilespmem:$0xF50];
	v56 =	vmul.f32 $1.442695020e+00, v56  }
0x336: {  	[tilespmem:$0x1000] =	vst v12;
	(erf) = vrcp.f32 v60  }
0x337: {  	[tilespmem:$0x1010] =	vst v15;
	v63 =	vld [tilespmem:$0xFD0];
	(erf) = vpow2.f32 v56  }
0x338: {  	[tilespmem:$0x1020] =	vst v17  }
0x339: {  	[tilespmem:$0x1030] =	vst v21  }
0x33a: {  	[tilespmem:$0x1040] =	vst v25;
	v25 =	vadd.f32 v61, v54  }
0x33b: {  	[tilespmem:$0x1050] =	vst v28  }
0x33c: {  	[tilespmem:$0x1060] =	vst v31;
	v12 =	vadd.f32 v63, v25  }
0x33d: {  	[tilespmem:$0x1070] =	vst v34  }
0x33e: {  	[tilespmem:$0x1090] =	vst v40;
	v15 =	vmul.f32 $4.999999890e-03, v12  }
0x33f: {  	[tilespmem:$0x1000] =	vst v4;
	v40 =	vpop (erf)  }
0x340: {  	[tilespmem:$0x10A0] =	vst v41;
	v15 =	vsub.f32 $0.0e+00, v15;
	v41 =	vpop (erf)  }
0x341: {  	[tilespmem:$0x1010] =	vst v6;
	v21 =	vadd.f32 $1.000000000e+00, v41  }
0x342: {  	[tilespmem:$0x10C0] =	vst v43;
	v43 =	vld [tilespmem:$0xF60];
	v15 =	vmul.f32 $1.442695020e+00, v15  }
0x343: {  	[tilespmem:$0x1080] =	vst v38;
	(erf) = vrcp.f32 v21  }
0x344: {  	[tilespmem:$0x10E0] =	vst v45;
	v45 =	vld [tilespmem:$0xFE0];
	(erf) = vpow2.f32 v15  }
0x345: {  	[tilespmem:$0x1020] =	vst v8  }
0x346: {  	[tilespmem:$0x1030] =	vst v10  }
0x347: {  	[tilespmem:$0x10B0] =	vst v42;
	v1 =	vadd.f32 v43, v1  }
0x348: {  	[tilespmem:$0x10F0] =	vst v46  }
0x349: {  	[tilespmem:$0x1040] =	vst v14;
	v1 =	vadd.f32 v45, v1  }
0x34a: {  	[tilespmem:$0x1050] =	vst v18  }
0x34b: {  	[tilespmem:$0x1060] =	vst v20;
	v15 =	vmul.f32 $4.999999890e-03, v1  }
0x34c: {  	[tilespmem:$0x1130] =	vst v50;
	v50 =	vpop (erf)  }
0x34d: {  	[tilespmem:$0x1140] =	vst v51;
	v15 =	vsub.f32 $0.0e+00, v15;
	v51 =	vpop (erf)  }
0x34e: {  	[tilespmem:$0x1170] =	vst v2;
	v2 =	vadd.f32 $1.000000000e+00, v51  }
0x34f: {  	[tilespmem:$0x1150] =	vst v52;
	v52 =	vld [tilespmem:$0xF70];
	v15 =	vmul.f32 $1.442695020e+00, v15  }
0x350: {  	[tilespmem:$0x1070] =	vst v23;
	(erf) = vrcp.f32 v2  }
0x351: {  	[tilespmem:$0x10D0] =	vst v44;
	v54 =	vld [tilespmem:$0xFF0];
	(erf) = vpow2.f32 v15  }
0x352: {  	[tilespmem:$0x1100] =	vst v47  }
0x353: {  	[tilespmem:$0x1110] =	vst v48  }
0x354: {  	[tilespmem:$0x1190] =	vst v55;
	v55 =	vadd.f32 v52, v53  }
0x355: {  	[tilespmem:$0x1080] =	vst v26  }
0x356: {  	[tilespmem:$0x11E0] =	vst v1;
	v1 =	vadd.f32 v54, v55  }
0x357: {  	[tilespmem:$0x1090] =	vst v30  }
0x358: {  	[tilespmem:$0x10A0] =	vst v33;
	v1 =	vmul.f32 $4.999999890e-03, v1  }
0x359: {  	[tilespmem:$0x10B0] =	vst v36;
	v56 =	vpop (erf)  }
0x35a: {  	[tilespmem:$0x10C0] =	vst v39;
	v1 =	vsub.f32 $0.0e+00, v1;
	v60 =	vpop (erf)  }
0x35b: {  	[tilespmem:$0x1180] =	vst v3;
	v3 =	vadd.f32 $1.000000000e+00, v60  }
0x35c: {  	[tilespmem:$0x10D0] =	vst v37;
	v1 =	vmul.f32 $1.442695020e+00, v1  }
0x35d: {  	[tilespmem:$0x1120] =	vst v49;
	(erf) = vrcp.f32 v3  }
0x35e: {  	[tilespmem:$0x10E0] =	vst v35;
	(erf) = vpow2.f32 v1  }
0x35f: {  	[tilespmem:$0x10F0] =	vst v32  }
0x360: {  	[tilespmem:$0x1100] =	vst v29  }
0x361: {  	[tilespmem:$0x1110] =	vst v27  }
0x362: {  	[tilespmem:$0x1120] =	vst v24  }
0x363: {  	[tilespmem:$0x1130] =	vst v22  }
0x364: {  	[tilespmem:$0x1160] =	vst v0  }
0x365: {  	[tilespmem:$0x1140] =	vst v19  }
0x366: {  	[tilespmem:$0x1150] =	vst v16;
	v61 =	vpop (erf)  }
0x367: {  	[tilespmem:$0x1160] =	vst v13;
	v62 =	vpop (erf)  }
0x368: {  	[tilespmem:$0x11A0] =	vst v9;
	v3 =	vadd.f32 $1.000000000e+00, v62  }
0x369: {  	[tilespmem:$0x1170] =	vst v11  }
0x36a: {  	[tilespmem:$0x11B0] =	vst v7;
	(erf) = vrcp.f32 v3  }
0x36b: {  	[tilespmem:$0x1180] =	vst v57  }
0x36c: {  	[tilespmem:$0x11C0] =	vst v5  }
0x36d: {  	[tilespmem:$0x1190] =	vst v58  }
0x36e: {  	[tilespmem:$0x11D0] =	vst v12  }
0x36f: {  	[tilespmem:$0x11A0] =	vst v59  }
0x370: {  	[tilespmem:$0x11B0] =	vst v40  }
0x371: {  	[tilespmem:$0x11C0] =	vst v50  }
0x372: {  	[tilespmem:$0x11D0] =	vst v56  }
0x373: {  	[tilespmem:$0x11E0] =	vst v61;
	v63 =	vpop (erf)  }
0x374: {  	s28 =	simm.s32 $0x3;
	s4 =	simm.s32 $0x1000;
	s24 =	rddreg [dreg:$0x8];
	[tilespmem:$0x11F0] =	vst v63  }
0x375: {  	[hbm4b:s24+s17] =	stream.strided.scatter [tilespmem:s4], [sflag:$0x3], $0x200, s13, s17, $0x38;
	[tilespmem:$0x10A00] =	vst v63  }
0x376: {  	_ =	swait.ge [sflag:s28], $0x200  }
0x377: {  	s25 =	rddreg [dreg:$0xb]  }
0x378: {  	s26 =	rddreg [dreg:$0x9];
	s0 =	sadd.s32 $0x1, s25  }
0x379: {  	p0 =	sne.s32 s0, s26  }
.Ltmp1:
0x37a: {  	_ = 	snop;
	(pc) =	sbr.rel @p0 .LBB2_1-.Ltmp1, $3  }
0x37b: {  	_ =	sdelay $0x1  }
0x37c: {  	[sflag:s28] =	ssyncset.done $0x0  }
0x37d: {  	s2 =	simm.s32 $0x300;
	s4 =	simm.s32 $0x0;
	[sflag:s28] =	ssyncadd.s32 $0xFFFFFE00  }
0x37e: {  	_ =	sfence.sel $0x180000  }
0x37f: {  	[bflag:$0x0] =	sbarrier.arrive $0xFFFF  }
0x380: {  	_ =	strace $0x90000047  }
0x381: {  	s0 =	stileid.u32;
	[bflag:$0x2] =	sbarrier.arrive $0xFFFF  }
0x382: {  	p0 =	sne.s32 s0, $0x0;
	s0 =	rddreg [dreg:$0x3]  }
0x383: {  	s0 =	sadd.s32 @!p0 $0x100000, s0  }
0x384: {  	[sflag:s0] =	ssyncadd.tile.s32 @!p0 $0x1;
	_ =	shalt  }
.Lfunc_end2:
_tile_overlayer_lowered:
.L_overlay_start_2:
0x385: {  	(tag) =	ssettag $0x2  }
0x386: {  	s0 =	rddreg [dreg:$0x0];
	s2 =	stileid.u32  }
0x387: {  	s1 =	rddreg [dreg:$0x1];
	p0 =	sne.s32 s2, $0x0  }
0x388: {  	s3 =	rddreg [dreg:$0x2];
	[bflag:$0x3] =	sbarrier.arrive $0xFFFF;
	s2 =	simm.s32 @!p0 $0x1C03  }
0x389: {  	[timem:s3], [sflag:s2] =	dma.local @!p0 [hbm:s0], s1  }
0x38a: {  	s0 =	simm.s32 @!p0 $0x3  }
0x38b: {  	_ =	swait.ge @!p0 [sflag:s0], s1  }
0x38c: {  	s1 =	ssub.s32 @!p0 $0x0, s1;
	[sflag:s0] =	ssyncset.done @!p0 $0x0  }
0x38d: {  	[sflag:s0] =	ssyncadd.s32 @!p0 s1  }
0x38e: {  	[bflag:$0x3] =	sbarrier.arrive $0xFFFF  }
0x38f: {  	_ =	shalt  }

</sc_bundles>
